<compile_context>
chip_gen: v7x
topology: tpu7x:2x2x1
jax: 0.10.2.dev20260603
libtpu: 0.0.44.dev20260713+nightly
codegen_flags: <defaults>
</compile_context>

<pallas_src>
import functools
import jax
import jax.numpy as jnp
from jax import lax
from jax.experimental import pallas as pl
from jax.experimental.pallas import tpu as pltpu
from jax.experimental.pallas import tpu_sc as plsc

N = 10000
NP = 10240
NROWS = NP // 128
E = 640000
NW = 32
CHUNK = 128
KCH = 160
EP = NW * KCH * CHUNK
C2 = 64
SBC = 40
SB0 = 15
SB1 = 1
TOT_CH = 16 * (SB0 + SB1) * SBC
NB = 4

_mesh = plsc.VectorSubcoreMesh(core_axis_name="c", subcore_axis_name="s")



def _deg_body(dst_hbm, out_hbm, dst16, ones_v, hist_sh):
    c = lax.axis_index("c")
    s = lax.axis_index("s")
    w = s * 2 + c

    zero16 = jnp.zeros((16,), jnp.float32)
    ones16 = jnp.ones((16,), jnp.float32)

    def zfill(t, carry):
        ones_v[t // 8, pl.ds((t % 8) * 16, 16)] = zero16
        return carry
    lax.fori_loop(0, CHUNK * 8, zfill, 0)
    for b in range(5):
        pltpu.sync_copy(ones_v, hist_sh.at[pl.ds(s * 640 + b * 128, 128)])

    def ofill(t, carry):
        ones_v[t // 8, pl.ds((t % 8) * 16, 16)] = ones16
        return carry
    lax.fori_loop(0, CHUNK * 8, ofill, 0)
    plsc.subcore_barrier()

    def superblk(t, carry):
        pltpu.sync_copy(dst_hbm.at[w, pl.ds(t * 16, 16)], dst16)

        def chunk(k, carry2):
            pltpu.sync_copy(ones_v, hist_sh.at[dst16.at[k]], add=True)
            return carry2
        lax.fori_loop(0, 16, chunk, 0)
        return carry
    lax.fori_loop(0, KCH // 16, superblk, 0)

    plsc.subcore_barrier()
    for b in range(5):
        pltpu.sync_copy(hist_sh.at[pl.ds(s * 640 + b * 128, 128)], ones_v)
        pltpu.sync_copy(ones_v, out_hbm.at[c, pl.ds(s * 640 + b * 128, 128)])


@functools.partial(
    pl.kernel,
    mesh=_mesh,
    out_type=jax.ShapeDtypeStruct((2, NP, 128), jnp.float32),
    scratch_types=[
        pltpu.VMEM((16, CHUNK), jnp.int32),
        pltpu.VMEM((CHUNK, 128), jnp.float32),
        pltpu.VMEM_SHARED((NP, 128), jnp.float32),
    ],
)
def _deg_kernel(dst_hbm, out_hbm, dst16, ones_v, hist_sh):
    _deg_body(dst_hbm, out_hbm, dst16, ones_v, hist_sh)


def _agg_body(h_hbm, src_hbm, dst_hbm, out_hbm, src_v, dst_v, b0, b1, b2, b3,
              s0, s1, s2, s3, acc_sh):
    c = lax.axis_index("c")
    s = lax.axis_index("s")
    w = s * 2 + c
    bufs = (b0, b1, b2, b3)
    sems = (s0, s1, s2, s3)

    zero16 = jnp.zeros((16,), jnp.float32)

    def zrow(t, carry):
        b0[t // 8, pl.ds((t % 8) * 16, 16)] = zero16
        return carry
    lax.fori_loop(0, C2 * 8, zrow, 0)
    for b in range(10):
        pltpu.sync_copy(b0, acc_sh.at[pl.ds(s * 640 + b * 64, 64)])
    plsc.subcore_barrier()

    nsb = SB0 + c * (SB1 - SB0)
    cbase = s * SBC * (SB0 + c * (SB1 - SB0)) + c * 16 * SB0 * SBC

    def superblk(t, carry):
        off = pl.multiple_of(cbase + t * SBC, 8)
        pltpu.sync_copy(src_hbm.at[pl.ds(off, SBC)], src_v)
        pltpu.sync_copy(dst_hbm.at[pl.ds(off, SBC)], dst_v)
        for u in range(NB - 1):
            pltpu.async_copy(h_hbm.at[src_v.at[u]], bufs[u], sems[u])

        def group(g, carry2):
            for u in range(NB):
                k = NB * g + u
                pltpu.make_async_copy(
                    h_hbm.at[src_v.at[k]], bufs[u], sems[u]).wait()

                un = (u + NB - 1) % NB

                @pl.when(k + NB - 1 < SBC)
                def _start(k=k, un=un):
                    pltpu.async_copy(
                        h_hbm.at[src_v.at[k + NB - 1]], bufs[un], sems[un])

                pltpu.sync_copy(bufs[u], acc_sh.at[dst_v.at[k]], add=True)
            return carry2
        lax.fori_loop(0, SBC // NB, group, 0)
        return carry
    lax.fori_loop(0, nsb, superblk, 0)

    plsc.subcore_barrier()
    for b in range(10):
        pltpu.sync_copy(acc_sh.at[pl.ds(s * 640 + b * 64, 64)], b0)
        pltpu.sync_copy(b0, out_hbm.at[c, pl.ds(s * 640 + b * 64, 64)])


@functools.partial(
    pl.kernel,
    mesh=_mesh,
    out_type=jax.ShapeDtypeStruct((2, NP, 128), jnp.float32),
    scratch_types=[
        pltpu.VMEM((SBC, C2), jnp.int32),
        pltpu.VMEM((SBC, C2), jnp.int32),
        pltpu.VMEM((C2, 128), jnp.float32),
        pltpu.VMEM((C2, 128), jnp.float32),
        pltpu.VMEM((C2, 128), jnp.float32),
        pltpu.VMEM((C2, 128), jnp.float32),
        pltpu.SemaphoreType.DMA,
        pltpu.SemaphoreType.DMA,
        pltpu.SemaphoreType.DMA,
        pltpu.SemaphoreType.DMA,
        pltpu.VMEM_SHARED((NP, 128), jnp.float32),
    ],
)
def _agg_kernel(h_hbm, src_hbm, dst_hbm, out_hbm, src_v, dst_v, b0, b1, b2, b3,
                s0, s1, s2, s3, acc_sh):
    _agg_body(h_hbm, src_hbm, dst_hbm, out_hbm, src_v, dst_v, b0, b1, b2, b3,
              s0, s1, s2, s3, acc_sh)



_RB = 512
_GRID = NP // _RB


def _lin1_tc(x_ref, w_ref, d0_ref, d1_ref, h_ref, dinv_ref):
    dinv = lax.rsqrt(d0_ref[...] + d1_ref[...] + 1.0)
    h = jnp.dot(x_ref[...], w_ref[...], preferred_element_type=jnp.float32)
    h_ref[...] = h * dinv
    dinv_ref[...] = dinv


def _mid_tc(a0_ref, a1_ref, hs_ref, dinv_ref, b_ref, w_ref, out_ref):
    dv = dinv_ref[...]
    o1 = (a0_ref[...] + a1_ref[...] + hs_ref[...]) * dv + b_ref[...]
    out_ref[...] = jnp.dot(o1, w_ref[...], preferred_element_type=jnp.float32) * dv


def _fin_tc(a0_ref, a1_ref, hs_ref, dinv_ref, b_ref, w_ref, bl_ref, out_ref):
    dv = dinv_ref[...]
    o1 = (a0_ref[...] + a1_ref[...] + hs_ref[...]) * dv + b_ref[...]
    out_ref[...] = (
        jnp.dot(o1, w_ref[...], preferred_element_type=jnp.float32) + bl_ref[...]
    )


def _rows_spec():
    return pl.BlockSpec((_RB, 128), lambda i: (i, 0))


def _col_spec():
    return pl.BlockSpec((_RB, 1), lambda i: (i, 0))


def _full_spec():
    return pl.BlockSpec((128, 128), lambda i: (0, 0))


def _bias_spec():
    return pl.BlockSpec((1, 128), lambda i: (0, 0))


_tc_lin1 = pl.pallas_call(
    _lin1_tc,
    grid=(_GRID,),
    in_specs=[_rows_spec(), _full_spec(), _col_spec(), _col_spec()],
    out_specs=[_rows_spec(), _col_spec()],
    out_shape=[
        jax.ShapeDtypeStruct((NP, 128), jnp.float32),
        jax.ShapeDtypeStruct((NP, 1), jnp.float32),
    ],
)

_tc_mid = pl.pallas_call(
    _mid_tc,
    grid=(_GRID,),
    in_specs=[_rows_spec(), _rows_spec(), _rows_spec(), _col_spec(),
              _bias_spec(), _full_spec()],
    out_specs=_rows_spec(),
    out_shape=jax.ShapeDtypeStruct((NP, 128), jnp.float32),
)

_tc_fin = pl.pallas_call(
    _fin_tc,
    grid=(_GRID,),
    in_specs=[_rows_spec(), _rows_spec(), _rows_spec(), _col_spec(),
              _bias_spec(), _full_spec(), _bias_spec()],
    out_specs=_rows_spec(),
    out_shape=jax.ShapeDtypeStruct((NP, 128), jnp.float32),
)



def kernel(x, edge_index, W1, b1, W2, b2, Wl, bl):
    xp = jnp.pad(x, ((0, NP - N), (0, 0)))
    pad = jnp.full((EP - E,), N, jnp.int32)
    src = jnp.concatenate([edge_index[0], pad])
    dst = jnp.concatenate([edge_index[1], pad])
    srcp = src.reshape(TOT_CH, C2)
    dstp = dst.reshape(TOT_CH, C2)
    dstp128 = dst.reshape(NW, KCH, CHUNK)

    degp = _deg_kernel(dstp128)
    d0 = degp[0, :, 0:1]
    d1 = degp[1, :, 0:1]

    h1s, dinv = _tc_lin1(xp, W1, d0, d1)
    a1 = _agg_kernel(h1s, srcp, dstp)
    h2s = _tc_mid(a1[0], a1[1], h1s, dinv, b1.reshape(1, 128), W2)
    a2 = _agg_kernel(h2s, srcp, dstp)
    out = _tc_fin(a2[0], a2[1], h2s, dinv, b2.reshape(1, 128), Wl,
                  bl.reshape(1, 128))
    return out[:N]

# --- scband reference (transcript-rebuilt; emitter-appended) ---
"""Pipeline reference for scband-gcn-34746285424663 (READ-ONLY COPY).

The authoritative reference and input builder live on the scoring server;
editing this copy changes nothing except your own understanding.
"""

import jax, jax.numpy as jnp
import numpy as np

N = 10000
E = 640000
D = 128   # num_features
H = 128   # hidden_channels
O = 128   # output_size


def gcn_conv(x, edge_index, W, b):
    # PyG GCNConv: add self-loops, symmetric D^{-1/2}(A+I)D^{-1/2} normalization,
    # linear transform first, then propagate (sum-aggregate), then bias.
    n = x.shape[0]
    loop = jnp.arange(n, dtype=edge_index.dtype)
    src = jnp.concatenate([edge_index[0], loop])
    dst = jnp.concatenate([edge_index[1], loop])
    deg = jnp.zeros((n,), x.dtype).at[dst].add(jnp.ones_like(dst, dtype=x.dtype))
    dinv = jax.lax.rsqrt(jnp.where(deg > 0, deg, 1.0))
    norm = dinv[src] * dinv[dst]
    h = x @ W
    msg = h[src] * norm[:, None]
    out = jnp.zeros((n, W.shape[1]), x.dtype).at[dst].add(msg)
    return out + b


def setup_inputs(seed: int = 0) -> dict:
    key = jax.random.key(seed)
    ks = jax.random.split(key, 8)
    x = jax.random.normal(ks[0], (N, D), dtype=jnp.float32)
    edge_index = jax.random.randint(ks[1], (2, E), 0, N, dtype=jnp.int32)
    s1 = 1.0 / np.sqrt(D)
    s2 = 1.0 / np.sqrt(H)
    W1 = jax.random.uniform(ks[2], (D, H), jnp.float32, -s1, s1)
    b1 = jnp.zeros((H,), jnp.float32)
    W2 = jax.random.uniform(ks[3], (H, H), jnp.float32, -s2, s2)
    b2 = jnp.zeros((H,), jnp.float32)
    Wl = jax.random.uniform(ks[4], (H, O), jnp.float32, -s2, s2)
    bl = jnp.zeros((O,), jnp.float32)
    return {"x": x, "edge_index": edge_index, "W1": W1, "b1": b1,
            "W2": W2, "b2": b2, "Wl": Wl, "bl": bl}


def reference(x, edge_index, W1, b1, W2, b2, Wl, bl):
    h = gcn_conv(x, edge_index, W1, b1)
    h = gcn_conv(h, edge_index, W2, b2)
    # F.dropout(p=0.2, training=False) -> identity in eval mode
    out = h @ Wl + bl  # final Linear (lin=True path); node-level task, no pooling
    return out

if __name__ == "__main__":
    import jax
    _d = setup_inputs()
    print(jax.jit(kernel)(*tuple(_d.values())))

</pallas_src>

<mosaic_0001>
#map = affine_map<(d0, d1) -> (0, 0, 0)>
module attributes {stable_mosaic.version = 14 : i64} {
  func.func @_deg_kernel(%arg0: i32, %arg1: i32, %arg2: memref<32x160x128xi32, #tpu.memory_space<hbm>>, %arg3: memref<2x10240x128xf32, #tpu.memory_space<hbm>>, %arg4: memref<16x128xi32, #tpu.memory_space<vmem>>, %arg5: memref<128x128xf32, #tpu.memory_space<vmem>>, %arg6: memref<10240x128xf32, #tpu.memory_space<vmem_shared>>) attributes {dimension_semantics = [#tpu.dimension_semantics<core_parallel>, #tpu.dimension_semantics<subcore_parallel>], iteration_bounds = array<i64: 2, 16>, scalar_prefetch = 0 : i64, scratch_operands = 3 : i64, tpu.core_type = #tpu.core_type<sc_vector_subcore>, window_params = [{transform_indices = #map}, {transform_indices = #map}]} {
    %mul3A = arith.constant 2 : i32
    %mul3A_0 = arith.muli %arg1, %mul3A : i32
    %add3A = arith.addi %mul3A_0, %arg0 : i32
    %broadcast_in_dim3A = arith.constant 0.000000e+00 : f32
    %broadcast_in_dim3A_1 = vector.broadcast %broadcast_in_dim3A : f32 to vector<16xf32>
    %broadcast_in_dim3A_2 = arith.constant 1.000000e+00 : f32
    %broadcast_in_dim3A_3 = vector.broadcast %broadcast_in_dim3A_2 : f32 to vector<16xf32>
    %scan3A = arith.constant 0 : i32
    %scan3A_4 = arith.constant 0 : i32
    %scan3A_5 = arith.constant 1024 : i32
    %scan3A_6 = arith.addi %scan3A_4, %scan3A_5 : i32
    %scan3A_7 = arith.constant 1 : i32
    scf.for %scan3A_82 = %scan3A_4 to %scan3A_6 step %scan3A_7  : i32 {
      %jit3A = arith.constant 8 : i32
      %div3A = arith.divsi %scan3A_82, %jit3A : i32
      %sign3A = arith.constant 0 : i32
      %sign3A_83 = arith.cmpi sgt, %scan3A_82, %sign3A : i32
      %sign3A_84 = arith.extui %sign3A_83 : i1 to i32
      %sign3A_85 = arith.constant 0 : i32
      %sign3A_86 = arith.cmpi slt, %scan3A_82, %sign3A_85 : i32
      %sign3A_87 = arith.extui %sign3A_86 : i1 to i32
      %sign3A_88 = arith.subi %sign3A_84, %sign3A_87 : i32
      %sign3A_89 = arith.constant 0 : i32
      %sign3A_90 = arith.cmpi sgt, %jit3A, %sign3A_89 : i32
      %sign3A_91 = arith.extui %sign3A_90 : i1 to i32
      %sign3A_92 = arith.constant 0 : i32
      %sign3A_93 = arith.cmpi slt, %jit3A, %sign3A_92 : i32
      %sign3A_94 = arith.extui %sign3A_93 : i1 to i32
      %sign3A_95 = arith.subi %sign3A_91, %sign3A_94 : i32
      %ne3A = arith.cmpi ne, %sign3A_88, %sign3A_95 : i32
      %rem3A = arith.remsi %scan3A_82, %jit3A : i32
      %ne3A_96 = arith.constant 0 : i32
      %ne3A_97 = arith.cmpi ne, %rem3A, %ne3A_96 : i32
      %and3A = arith.andi %ne3A, %ne3A_97 : i1
      %sub3A = arith.constant 1 : i32
      %sub3A_98 = arith.subi %div3A, %sub3A : i32
      %select_n3A = arith.select %and3A, %sub3A_98, %div3A : i32
      %jit3A_99 = arith.constant 8 : i32
      %eq3A = arith.constant 0 : i32
      %eq3A_100 = arith.cmpi eq, %jit3A_99, %eq3A : i32
      %jit3A_101 = arith.constant 1 : i32
      %select_n3A_102 = arith.select %eq3A_100, %jit3A_101, %jit3A_99 : i32
      %rem3A_103 = arith.remsi %scan3A_82, %select_n3A_102 : i32
      %ne3A_104 = arith.constant 0 : i32
      %ne3A_105 = arith.cmpi ne, %rem3A_103, %ne3A_104 : i32
      %lt3A = arith.constant 0 : i32
      %lt3A_106 = arith.cmpi slt, %rem3A_103, %lt3A : i32
      %lt3A_107 = arith.constant 0 : i32
      %lt3A_108 = arith.cmpi slt, %select_n3A_102, %lt3A_107 : i32
      %ne3A_109 = arith.xori %lt3A_106, %lt3A_108 : i1
      %and3A_110 = arith.andi %ne3A_109, %ne3A_105 : i1
      %add3A_111 = arith.addi %rem3A_103, %select_n3A_102 : i32
      %select_n3A_112 = arith.select %and3A_110, %add3A_111, %rem3A_103 : i32
      %mul3A_113 = arith.constant 16 : i32
      %mul3A_114 = arith.muli %select_n3A_112, %mul3A_113 : i32
      %swap3A = arith.index_cast %select_n3A : i32 to index
      %swap3A_115 = arith.index_cast %mul3A_114 : i32 to index
      %swap3A_116 = tpu.vector_load %arg5[%swap3A, %swap3A_115] {strides = array<i32>} : memref<128x128xf32, #tpu.memory_space<vmem>>, vector<1x16xf32>,
      %swap3A_117 = vector.shape_cast %swap3A_116 : vector<1x16xf32> to vector<16xf32>
      %swap3A_118 = vector.shape_cast %broadcast_in_dim3A_1 : vector<16xf32> to vector<1x16xf32>
      tpu.vector_store %arg5[%swap3A, %swap3A_115], %swap3A_118 {strides = array<i32>} : memref<128x128xf32, #tpu.memory_space<vmem>>, vector<1x16xf32>,
    }
    %scan3A_8 = arith.constant 1024 : i32
    %mul3A_9 = arith.constant 640 : i32
    %mul3A_10 = arith.muli %arg1, %mul3A_9 : i32
    %add3A_11 = arith.constant 0 : i32
    %add3A_12 = arith.addi %mul3A_10, %add3A_11 : i32
    "tpu.region"() ({
      %run_scoped3A = tpu.sem_alloc : memref<!tpu.dma_semaphore, #tpu.memory_space<semaphore_mem>>
      %dma_start3A = arith.constant 0 : i32
      %dma_start3A_82 = tpu.memref_slice %arg6[%add3A_12, %dma_start3A] : memref<10240x128xf32, #tpu.memory_space<vmem_shared>> -> memref<128x128xf32, #tpu.memory_space<vmem_shared>>
      %dma_start3A_83 = arith.constant 0 : i32
      %dma_start3A_84 = tpu.memref_slice %arg6[%add3A_12, %dma_start3A_83] : memref<10240x128xf32, #tpu.memory_space<vmem_shared>> -> memref<128x128xf32, #tpu.memory_space<vmem_shared>>
      tpu.enqueue_dma source(%arg5 : memref<128x128xf32, #tpu.memory_space<vmem>>) target(%dma_start3A_84 : memref<128x128xf32, #tpu.memory_space<vmem_shared>>) target_semaphore(%run_scoped3A : memref<!tpu.dma_semaphore, #tpu.memory_space<semaphore_mem>>)
      %dma_wait3A = arith.constant 0 : i32
      %dma_wait3A_85 = tpu.memref_slice %arg6[%add3A_12, %dma_wait3A] : memref<10240x128xf32, #tpu.memory_space<vmem_shared>> -> memref<128x128xf32, #tpu.memory_space<vmem_shared>>
      %dma_wait3A_86 = arith.constant 0 : i32
      %dma_wait3A_87 = tpu.memref_slice %arg6[%add3A_12, %dma_wait3A_86] : memref<10240x128xf32, #tpu.memory_space<vmem_shared>> -> memref<128x128xf32, #tpu.memory_space<vmem_shared>>
      tpu.wait_dma2 semaphore(%run_scoped3A : memref<!tpu.dma_semaphore, #tpu.memory_space<semaphore_mem>>) src(%arg5 : memref<128x128xf32, #tpu.memory_space<vmem>>) dst(%dma_wait3A_87 : memref<128x128xf32, #tpu.memory_space<vmem_shared>>)
      tpu.yield
    }) : () -> ()
    %mul3A_13 = arith.constant 640 : i32
    %mul3A_14 = arith.muli %arg1, %mul3A_13 : i32
    %add3A_15 = arith.constant 128 : i32
    %add3A_16 = arith.addi %mul3A_14, %add3A_15 : i32
    "tpu.region"() ({
      %run_scoped3A = tpu.sem_alloc : memref<!tpu.dma_semaphore, #tpu.memory_space<semaphore_mem>>
      %dma_start3A = arith.constant 0 : i32
      %dma_start3A_82 = tpu.memref_slice %arg6[%add3A_16, %dma_start3A] : memref<10240x128xf32, #tpu.memory_space<vmem_shared>> -> memref<128x128xf32, #tpu.memory_space<vmem_shared>>
      %dma_start3A_83 = arith.constant 0 : i32
      %dma_start3A_84 = tpu.memref_slice %arg6[%add3A_16, %dma_start3A_83] : memref<10240x128xf32, #tpu.memory_space<vmem_shared>> -> memref<128x128xf32, #tpu.memory_space<vmem_shared>>
      tpu.enqueue_dma source(%arg5 : memref<128x128xf32, #tpu.memory_space<vmem>>) target(%dma_start3A_84 : memref<128x128xf32, #tpu.memory_space<vmem_shared>>) target_semaphore(%run_scoped3A : memref<!tpu.dma_semaphore, #tpu.memory_space<semaphore_mem>>)
      %dma_wait3A = arith.constant 0 : i32
      %dma_wait3A_85 = tpu.memref_slice %arg6[%add3A_16, %dma_wait3A] : memref<10240x128xf32, #tpu.memory_space<vmem_shared>> -> memref<128x128xf32, #tpu.memory_space<vmem_shared>>
      %dma_wait3A_86 = arith.constant 0 : i32
      %dma_wait3A_87 = tpu.memref_slice %arg6[%add3A_16, %dma_wait3A_86] : memref<10240x128xf32, #tpu.memory_space<vmem_shared>> -> memref<128x128xf32, #tpu.memory_space<vmem_shared>>
      tpu.wait_dma2 semaphore(%run_scoped3A : memref<!tpu.dma_semaphore, #tpu.memory_space<semaphore_mem>>) src(%arg5 : memref<128x128xf32, #tpu.memory_space<vmem>>) dst(%dma_wait3A_87 : memref<128x128xf32, #tpu.memory_space<vmem_shared>>)
      tpu.yield
    }) : () -> ()
    %mul3A_17 = arith.constant 640 : i32
    %mul3A_18 = arith.muli %arg1, %mul3A_17 : i32
    %add3A_19 = arith.constant 256 : i32
    %add3A_20 = arith.addi %mul3A_18, %add3A_19 : i32
    "tpu.region"() ({
      %run_scoped3A = tpu.sem_alloc : memref<!tpu.dma_semaphore, #tpu.memory_space<semaphore_mem>>
      %dma_start3A = arith.constant 0 : i32
      %dma_start3A_82 = tpu.memref_slice %arg6[%add3A_20, %dma_start3A] : memref<10240x128xf32, #tpu.memory_space<vmem_shared>> -> memref<128x128xf32, #tpu.memory_space<vmem_shared>>
      %dma_start3A_83 = arith.constant 0 : i32
      %dma_start3A_84 = tpu.memref_slice %arg6[%add3A_20, %dma_start3A_83] : memref<10240x128xf32, #tpu.memory_space<vmem_shared>> -> memref<128x128xf32, #tpu.memory_space<vmem_shared>>
      tpu.enqueue_dma source(%arg5 : memref<128x128xf32, #tpu.memory_space<vmem>>) target(%dma_start3A_84 : memref<128x128xf32, #tpu.memory_space<vmem_shared>>) target_semaphore(%run_scoped3A : memref<!tpu.dma_semaphore, #tpu.memory_space<semaphore_mem>>)
      %dma_wait3A = arith.constant 0 : i32
      %dma_wait3A_85 = tpu.memref_slice %arg6[%add3A_20, %dma_wait3A] : memref<10240x128xf32, #tpu.memory_space<vmem_shared>> -> memref<128x128xf32, #tpu.memory_space<vmem_shared>>
      %dma_wait3A_86 = arith.constant 0 : i32
      %dma_wait3A_87 = tpu.memref_slice %arg6[%add3A_20, %dma_wait3A_86] : memref<10240x128xf32, #tpu.memory_space<vmem_shared>> -> memref<128x128xf32, #tpu.memory_space<vmem_shared>>
      tpu.wait_dma2 semaphore(%run_scoped3A : memref<!tpu.dma_semaphore, #tpu.memory_space<semaphore_mem>>) src(%arg5 : memref<128x128xf32, #tpu.memory_space<vmem>>) dst(%dma_wait3A_87 : memref<128x128xf32, #tpu.memory_space<vmem_shared>>)
      tpu.yield
    }) : () -> ()
    %mul3A_21 = arith.constant 640 : i32
    %mul3A_22 = arith.muli %arg1, %mul3A_21 : i32
    %add3A_23 = arith.constant 384 : i32
    %add3A_24 = arith.addi %mul3A_22, %add3A_23 : i32
    "tpu.region"() ({
      %run_scoped3A = tpu.sem_alloc : memref<!tpu.dma_semaphore, #tpu.memory_space<semaphore_mem>>
      %dma_start3A = arith.constant 0 : i32
      %dma_start3A_82 = tpu.memref_slice %arg6[%add3A_24, %dma_start3A] : memref<10240x128xf32, #tpu.memory_space<vmem_shared>> -> memref<128x128xf32, #tpu.memory_space<vmem_shared>>
      %dma_start3A_83 = arith.constant 0 : i32
      %dma_start3A_84 = tpu.memref_slice %arg6[%add3A_24, %dma_start3A_83] : memref<10240x128xf32, #tpu.memory_space<vmem_shared>> -> memref<128x128xf32, #tpu.memory_space<vmem_shared>>
      tpu.enqueue_dma source(%arg5 : memref<128x128xf32, #tpu.memory_space<vmem>>) target(%dma_start3A_84 : memref<128x128xf32, #tpu.memory_space<vmem_shared>>) target_semaphore(%run_scoped3A : memref<!tpu.dma_semaphore, #tpu.memory_space<semaphore_mem>>)
      %dma_wait3A = arith.constant 0 : i32
      %dma_wait3A_85 = tpu.memref_slice %arg6[%add3A_24, %dma_wait3A] : memref<10240x128xf32, #tpu.memory_space<vmem_shared>> -> memref<128x128xf32, #tpu.memory_space<vmem_shared>>
      %dma_wait3A_86 = arith.constant 0 : i32
      %dma_wait3A_87 = tpu.memref_slice %arg6[%add3A_24, %dma_wait3A_86] : memref<10240x128xf32, #tpu.memory_space<vmem_shared>> -> memref<128x128xf32, #tpu.memory_space<vmem_shared>>
      tpu.wait_dma2 semaphore(%run_scoped3A : memref<!tpu.dma_semaphore, #tpu.memory_space<semaphore_mem>>) src(%arg5 : memref<128x128xf32, #tpu.memory_space<vmem>>) dst(%dma_wait3A_87 : memref<128x128xf32, #tpu.memory_space<vmem_shared>>)
      tpu.yield
    }) : () -> ()
    %mul3A_25 = arith.constant 640 : i32
    %mul3A_26 = arith.muli %arg1, %mul3A_25 : i32
    %add3A_27 = arith.constant 512 : i32
    %add3A_28 = arith.addi %mul3A_26, %add3A_27 : i32
    "tpu.region"() ({
      %run_scoped3A = tpu.sem_alloc : memref<!tpu.dma_semaphore, #tpu.memory_space<semaphore_mem>>
      %dma_start3A = arith.constant 0 : i32
      %dma_start3A_82 = tpu.memref_slice %arg6[%add3A_28, %dma_start3A] : memref<10240x128xf32, #tpu.memory_space<vmem_shared>> -> memref<128x128xf32, #tpu.memory_space<vmem_shared>>
      %dma_start3A_83 = arith.constant 0 : i32
      %dma_start3A_84 = tpu.memref_slice %arg6[%add3A_28, %dma_start3A_83] : memref<10240x128xf32, #tpu.memory_space<vmem_shared>> -> memref<128x128xf32, #tpu.memory_space<vmem_shared>>
      tpu.enqueue_dma source(%arg5 : memref<128x128xf32, #tpu.memory_space<vmem>>) target(%dma_start3A_84 : memref<128x128xf32, #tpu.memory_space<vmem_shared>>) target_semaphore(%run_scoped3A : memref<!tpu.dma_semaphore, #tpu.memory_space<semaphore_mem>>)
      %dma_wait3A = arith.constant 0 : i32
      %dma_wait3A_85 = tpu.memref_slice %arg6[%add3A_28, %dma_wait3A] : memref<10240x128xf32, #tpu.memory_space<vmem_shared>> -> memref<128x128xf32, #tpu.memory_space<vmem_shared>>
      %dma_wait3A_86 = arith.constant 0 : i32
      %dma_wait3A_87 = tpu.memref_slice %arg6[%add3A_28, %dma_wait3A_86] : memref<10240x128xf32, #tpu.memory_space<vmem_shared>> -> memref<128x128xf32, #tpu.memory_space<vmem_shared>>
      tpu.wait_dma2 semaphore(%run_scoped3A : memref<!tpu.dma_semaphore, #tpu.memory_space<semaphore_mem>>) src(%arg5 : memref<128x128xf32, #tpu.memory_space<vmem>>) dst(%dma_wait3A_87 : memref<128x128xf32, #tpu.memory_space<vmem_shared>>)
      tpu.yield
    }) : () -> ()
    %scan3A_29 = arith.constant 0 : i32
    %scan3A_30 = arith.constant 0 : i32
    %scan3A_31 = arith.constant 1024 : i32
    %scan3A_32 = arith.addi %scan3A_30, %scan3A_31 : i32
    %scan3A_33 = arith.constant 1 : i32
    scf.for %scan3A_82 = %scan3A_30 to %scan3A_32 step %scan3A_33  : i32 {
      %jit3A = arith.constant 8 : i32
      %div3A = arith.divsi %scan3A_82, %jit3A : i32
      %sign3A = arith.constant 0 : i32
      %sign3A_83 = arith.cmpi sgt, %scan3A_82, %sign3A : i32
      %sign3A_84 = arith.extui %sign3A_83 : i1 to i32
      %sign3A_85 = arith.constant 0 : i32
      %sign3A_86 = arith.cmpi slt, %scan3A_82, %sign3A_85 : i32
      %sign3A_87 = arith.extui %sign3A_86 : i1 to i32
      %sign3A_88 = arith.subi %sign3A_84, %sign3A_87 : i32
      %sign3A_89 = arith.constant 0 : i32
      %sign3A_90 = arith.cmpi sgt, %jit3A, %sign3A_89 : i32
      %sign3A_91 = arith.extui %sign3A_90 : i1 to i32
      %sign3A_92 = arith.constant 0 : i32
      %sign3A_93 = arith.cmpi slt, %jit3A, %sign3A_92 : i32
      %sign3A_94 = arith.extui %sign3A_93 : i1 to i32
      %sign3A_95 = arith.subi %sign3A_91, %sign3A_94 : i32
      %ne3A = arith.cmpi ne, %sign3A_88, %sign3A_95 : i32
      %rem3A = arith.remsi %scan3A_82, %jit3A : i32
      %ne3A_96 = arith.constant 0 : i32
      %ne3A_97 = arith.cmpi ne, %rem3A, %ne3A_96 : i32
      %and3A = arith.andi %ne3A, %ne3A_97 : i1
      %sub3A = arith.constant 1 : i32
      %sub3A_98 = arith.subi %div3A, %sub3A : i32
      %select_n3A = arith.select %and3A, %sub3A_98, %div3A : i32
      %jit3A_99 = arith.constant 8 : i32
      %eq3A = arith.constant 0 : i32
      %eq3A_100 = arith.cmpi eq, %jit3A_99, %eq3A : i32
      %jit3A_101 = arith.constant 1 : i32
      %select_n3A_102 = arith.select %eq3A_100, %jit3A_101, %jit3A_99 : i32
      %rem3A_103 = arith.remsi %scan3A_82, %select_n3A_102 : i32
      %ne3A_104 = arith.constant 0 : i32
      %ne3A_105 = arith.cmpi ne, %rem3A_103, %ne3A_104 : i32
      %lt3A = arith.constant 0 : i32
      %lt3A_106 = arith.cmpi slt, %rem3A_103, %lt3A : i32
      %lt3A_107 = arith.constant 0 : i32
      %lt3A_108 = arith.cmpi slt, %select_n3A_102, %lt3A_107 : i32
      %ne3A_109 = arith.xori %lt3A_106, %lt3A_108 : i1
      %and3A_110 = arith.andi %ne3A_109, %ne3A_105 : i1
      %add3A_111 = arith.addi %rem3A_103, %select_n3A_102 : i32
      %select_n3A_112 = arith.select %and3A_110, %add3A_111, %rem3A_103 : i32
      %mul3A_113 = arith.constant 16 : i32
      %mul3A_114 = arith.muli %select_n3A_112, %mul3A_113 : i32
      %swap3A = arith.index_cast %select_n3A : i32 to index
      %swap3A_115 = arith.index_cast %mul3A_114 : i32 to index
      %swap3A_116 = tpu.vector_load %arg5[%swap3A, %swap3A_115] {strides = array<i32>} : memref<128x128xf32, #tpu.memory_space<vmem>>, vector<1x16xf32>,
      %swap3A_117 = vector.shape_cast %swap3A_116 : vector<1x16xf32> to vector<16xf32>
      %swap3A_118 = vector.shape_cast %broadcast_in_dim3A_3 : vector<16xf32> to vector<1x16xf32>
      tpu.vector_store %arg5[%swap3A, %swap3A_115], %swap3A_118 {strides = array<i32>} : memref<128x128xf32, #tpu.memory_space<vmem>>, vector<1x16xf32>,
    }
    %scan3A_34 = arith.constant 1024 : i32
    %barrier3A = arith.constant 0 : index
    tpu.barrier barrier_id(%barrier3A)
    %scan3A_35 = arith.constant 0 : i32
    %scan3A_36 = arith.constant 0 : i32
    %scan3A_37 = arith.constant 10 : i32
    %scan3A_38 = arith.addi %scan3A_36, %scan3A_37 : i32
    %scan3A_39 = arith.constant 1 : i32
    scf.for %scan3A_82 = %scan3A_36 to %scan3A_38 step %scan3A_39  : i32 {
      %mul3A_83 = arith.constant 16 : i32
      %mul3A_84 = arith.muli %scan3A_82, %mul3A_83 : i32
      "tpu.region"() ({
        %run_scoped3A = tpu.sem_alloc : memref<!tpu.dma_semaphore, #tpu.memory_space<semaphore_mem>>
        %dma_start3A = arith.constant 0 : i32
        %dma_start3A_91 = tpu.memref_slice %arg2[%add3A, %mul3A_84, %dma_start3A] : memref<32x160x128xi32, #tpu.memory_space<hbm>> -> memref<1x16x128xi32, #tpu.memory_space<hbm>>
        %dma_start3A_92 = tpu.memref_squeeze %dma_start3A_91 : memref<1x16x128xi32, #tpu.memory_space<hbm>> -> memref<16x128xi32, #tpu.memory_space<hbm>>
        %dma_start3A_93 = arith.constant 0 : i32
        %dma_start3A_94 = tpu.memref_slice %arg2[%add3A, %mul3A_84, %dma_start3A_93] : memref<32x160x128xi32, #tpu.memory_space<hbm>> -> memref<1x16x128xi32, #tpu.memory_space<hbm>>
        %dma_start3A_95 = tpu.memref_squeeze %dma_start3A_94 : memref<1x16x128xi32, #tpu.memory_space<hbm>> -> memref<16x128xi32, #tpu.memory_space<hbm>>
        tpu.enqueue_dma source(%dma_start3A_95 : memref<16x128xi32, #tpu.memory_space<hbm>>) target(%arg4 : memref<16x128xi32, #tpu.memory_space<vmem>>) target_semaphore(%run_scoped3A : memref<!tpu.dma_semaphore, #tpu.memory_space<semaphore_mem>>)
        %dma_wait3A = arith.constant 0 : i32
        %dma_wait3A_96 = tpu.memref_slice %arg2[%add3A, %mul3A_84, %dma_wait3A] : memref<32x160x128xi32, #tpu.memory_space<hbm>> -> memref<1x16x128xi32, #tpu.memory_space<hbm>>
        %dma_wait3A_97 = tpu.memref_squeeze %dma_wait3A_96 : memref<1x16x128xi32, #tpu.memory_space<hbm>> -> memref<16x128xi32, #tpu.memory_space<hbm>>
        %dma_wait3A_98 = arith.constant 0 : i32
        %dma_wait3A_99 = tpu.memref_slice %arg2[%add3A, %mul3A_84, %dma_wait3A_98] : memref<32x160x128xi32, #tpu.memory_space<hbm>> -> memref<1x16x128xi32, #tpu.memory_space<hbm>>
        %dma_wait3A_100 = tpu.memref_squeeze %dma_wait3A_99 : memref<1x16x128xi32, #tpu.memory_space<hbm>> -> memref<16x128xi32, #tpu.memory_space<hbm>>
        tpu.wait_dma2 semaphore(%run_scoped3A : memref<!tpu.dma_semaphore, #tpu.memory_space<semaphore_mem>>) src(%dma_wait3A_100 : memref<16x128xi32, #tpu.memory_space<hbm>>) dst(%arg4 : memref<16x128xi32, #tpu.memory_space<vmem>>)
        tpu.yield
      }) : () -> ()
      %scan3A_85 = arith.constant 0 : i32
      %scan3A_86 = arith.constant 0 : i32
      %scan3A_87 = arith.constant 16 : i32
      %scan3A_88 = arith.addi %scan3A_86, %scan3A_87 : i32
      %scan3A_89 = arith.constant 1 : i32
      scf.for %scan3A_91 = %scan3A_86 to %scan3A_88 step %scan3A_89  : i32 {
        "tpu.region"() ({
          %run_scoped3A = tpu.sem_alloc : memref<!tpu.dma_semaphore, #tpu.memory_space<semaphore_mem>>
          %dma_start3A = arith.constant 0 : i32
          %dma_start3A_92 = tpu.memref_slice %arg4[%scan3A_91, %dma_start3A] : memref<16x128xi32, #tpu.memory_space<vmem>> -> memref<1x128xi32, #tpu.memory_space<vmem>>
          %dma_start3A_93 = tpu.memref_squeeze %dma_start3A_92 : memref<1x128xi32, #tpu.memory_space<vmem>> -> memref<128xi32, #tpu.memory_space<vmem>>
          %dma_start3A_94 = arith.constant 0 : i32
          %dma_start3A_95 = arith.constant 0 : i32
          %dma_start3A_96 = tpu.memref_slice %arg6[%dma_start3A_94, %dma_start3A_95] : memref<10240x128xf32, #tpu.memory_space<vmem_shared>> -> memref<10240x128xf32, #tpu.memory_space<vmem_shared>>
          tpu.enqueue_indirect_dma source(%arg5 : memref<128x128xf32, #tpu.memory_space<vmem>>) target(%dma_start3A_96 : memref<10240x128xf32, #tpu.memory_space<vmem_shared>>) offsets(%dma_start3A_93 : memref<128xi32, #tpu.memory_space<vmem>>) semaphore(%run_scoped3A : memref<!tpu.dma_semaphore, #tpu.memory_space<semaphore_mem>>) {add = true}
          %dma_wait3A = arith.constant 0 : i32
          %dma_wait3A_97 = tpu.memref_slice %arg4[%scan3A_91, %dma_wait3A] : memref<16x128xi32, #tpu.memory_space<vmem>> -> memref<1x128xi32, #tpu.memory_space<vmem>>
          %dma_wait3A_98 = tpu.memref_squeeze %dma_wait3A_97 : memref<1x128xi32, #tpu.memory_space<vmem>> -> memref<128xi32, #tpu.memory_space<vmem>>
          %dma_wait3A_99 = arith.constant 0 : i32
          %dma_wait3A_100 = arith.constant 0 : i32
          %dma_wait3A_101 = tpu.memref_slice %arg6[%dma_wait3A_99, %dma_wait3A_100] : memref<10240x128xf32, #tpu.memory_space<vmem_shared>> -> memref<10240x128xf32, #tpu.memory_space<vmem_shared>>
          tpu.wait_indirect_dma semaphore(%run_scoped3A : memref<!tpu.dma_semaphore, #tpu.memory_space<semaphore_mem>>) src(%arg5 : memref<128x128xf32, #tpu.memory_space<vmem>>) dst(%dma_wait3A_101 : memref<10240x128xf32, #tpu.memory_space<vmem_shared>>)
          tpu.yield
        }) : () -> ()
      }
      %scan3A_90 = arith.constant 16 : i32
    }
    %scan3A_40 = arith.constant 10 : i32
    %barrier3A_41 = arith.constant 0 : index
    tpu.barrier barrier_id(%barrier3A_41)
    %mul3A_42 = arith.constant 640 : i32
    %mul3A_43 = arith.muli %arg1, %mul3A_42 : i32
    %add3A_44 = arith.constant 0 : i32
    %add3A_45 = arith.addi %mul3A_43, %add3A_44 : i32
    "tpu.region"() ({
      %run_scoped3A = tpu.sem_alloc : memref<!tpu.dma_semaphore, #tpu.memory_space<semaphore_mem>>
      %dma_start3A = arith.constant 0 : i32
      %dma_start3A_82 = tpu.memref_slice %arg6[%add3A_45, %dma_start3A] : memref<10240x128xf32, #tpu.memory_space<vmem_shared>> -> memref<128x128xf32, #tpu.memory_space<vmem_shared>>
      %dma_start3A_83 = arith.constant 0 : i32
      %dma_start3A_84 = tpu.memref_slice %arg6[%add3A_45, %dma_start3A_83] : memref<10240x128xf32, #tpu.memory_space<vmem_shared>> -> memref<128x128xf32, #tpu.memory_space<vmem_shared>>
      tpu.enqueue_dma source(%dma_start3A_84 : memref<128x128xf32, #tpu.memory_space<vmem_shared>>) target(%arg5 : memref<128x128xf32, #tpu.memory_space<vmem>>) target_semaphore(%run_scoped3A : memref<!tpu.dma_semaphore, #tpu.memory_space<semaphore_mem>>)
      %dma_wait3A = arith.constant 0 : i32
      %dma_wait3A_85 = tpu.memref_slice %arg6[%add3A_45, %dma_wait3A] : memref<10240x128xf32, #tpu.memory_space<vmem_shared>> -> memref<128x128xf32, #tpu.memory_space<vmem_shared>>
      %dma_wait3A_86 = arith.constant 0 : i32
      %dma_wait3A_87 = tpu.memref_slice %arg6[%add3A_45, %dma_wait3A_86] : memref<10240x128xf32, #tpu.memory_space<vmem_shared>> -> memref<128x128xf32, #tpu.memory_space<vmem_shared>>
      tpu.wait_dma2 semaphore(%run_scoped3A : memref<!tpu.dma_semaphore, #tpu.memory_space<semaphore_mem>>) src(%dma_wait3A_87 : memref<128x128xf32, #tpu.memory_space<vmem_shared>>) dst(%arg5 : memref<128x128xf32, #tpu.memory_space<vmem>>)
      tpu.yield
    }) : () -> ()
    %mul3A_46 = arith.constant 640 : i32
    %mul3A_47 = arith.muli %arg1, %mul3A_46 : i32
    %add3A_48 = arith.constant 0 : i32
    %add3A_49 = arith.addi %mul3A_47, %add3A_48 : i32
    "tpu.region"() ({
      %run_scoped3A = tpu.sem_alloc : memref<!tpu.dma_semaphore, #tpu.memory_space<semaphore_mem>>
      %dma_start3A = arith.constant 0 : i32
      %dma_start3A_82 = tpu.memref_slice %arg3[%arg0, %add3A_49, %dma_start3A] : memref<2x10240x128xf32, #tpu.memory_space<hbm>> -> memref<1x128x128xf32, #tpu.memory_space<hbm>>
      %dma_start3A_83 = tpu.memref_squeeze %dma_start3A_82 : memref<1x128x128xf32, #tpu.memory_space<hbm>> -> memref<128x128xf32, #tpu.memory_space<hbm>>
      %dma_start3A_84 = arith.constant 0 : i32
      %dma_start3A_85 = tpu.memref_slice %arg3[%arg0, %add3A_49, %dma_start3A_84] : memref<2x10240x128xf32, #tpu.memory_space<hbm>> -> memref<1x128x128xf32, #tpu.memory_space<hbm>>
      %dma_start3A_86 = tpu.memref_squeeze %dma_start3A_85 : memref<1x128x128xf32, #tpu.memory_space<hbm>> -> memref<128x128xf32, #tpu.memory_space<hbm>>
      tpu.enqueue_dma source(%arg5 : memref<128x128xf32, #tpu.memory_space<vmem>>) target(%dma_start3A_86 : memref<128x128xf32, #tpu.memory_space<hbm>>) target_semaphore(%run_scoped3A : memref<!tpu.dma_semaphore, #tpu.memory_space<semaphore_mem>>)
      %dma_wait3A = arith.constant 0 : i32
      %dma_wait3A_87 = tpu.memref_slice %arg3[%arg0, %add3A_49, %dma_wait3A] : memref<2x10240x128xf32, #tpu.memory_space<hbm>> -> memref<1x128x128xf32, #tpu.memory_space<hbm>>
      %dma_wait3A_88 = tpu.memref_squeeze %dma_wait3A_87 : memref<1x128x128xf32, #tpu.memory_space<hbm>> -> memref<128x128xf32, #tpu.memory_space<hbm>>
      %dma_wait3A_89 = arith.constant 0 : i32
      %dma_wait3A_90 = tpu.memref_slice %arg3[%arg0, %add3A_49, %dma_wait3A_89] : memref<2x10240x128xf32, #tpu.memory_space<hbm>> -> memref<1x128x128xf32, #tpu.memory_space<hbm>>
      %dma_wait3A_91 = tpu.memref_squeeze %dma_wait3A_90 : memref<1x128x128xf32, #tpu.memory_space<hbm>> -> memref<128x128xf32, #tpu.memory_space<hbm>>
      tpu.wait_dma2 semaphore(%run_scoped3A : memref<!tpu.dma_semaphore, #tpu.memory_space<semaphore_mem>>) src(%arg5 : memref<128x128xf32, #tpu.memory_space<vmem>>) dst(%dma_wait3A_91 : memref<128x128xf32, #tpu.memory_space<hbm>>)
      tpu.yield
    }) : () -> ()
    %mul3A_50 = arith.constant 640 : i32
    %mul3A_51 = arith.muli %arg1, %mul3A_50 : i32
    %add3A_52 = arith.constant 128 : i32
    %add3A_53 = arith.addi %mul3A_51, %add3A_52 : i32
    "tpu.region"() ({
      %run_scoped3A = tpu.sem_alloc : memref<!tpu.dma_semaphore, #tpu.memory_space<semaphore_mem>>
      %dma_start3A = arith.constant 0 : i32
      %dma_start3A_82 = tpu.memref_slice %arg6[%add3A_53, %dma_start3A] : memref<10240x128xf32, #tpu.memory_space<vmem_shared>> -> memref<128x128xf32, #tpu.memory_space<vmem_shared>>
      %dma_start3A_83 = arith.constant 0 : i32
      %dma_start3A_84 = tpu.memref_slice %arg6[%add3A_53, %dma_start3A_83] : memref<10240x128xf32, #tpu.memory_space<vmem_shared>> -> memref<128x128xf32, #tpu.memory_space<vmem_shared>>
      tpu.enqueue_dma source(%dma_start3A_84 : memref<128x128xf32, #tpu.memory_space<vmem_shared>>) target(%arg5 : memref<128x128xf32, #tpu.memory_space<vmem>>) target_semaphore(%run_scoped3A : memref<!tpu.dma_semaphore, #tpu.memory_space<semaphore_mem>>)
      %dma_wait3A = arith.constant 0 : i32
      %dma_wait3A_85 = tpu.memref_slice %arg6[%add3A_53, %dma_wait3A] : memref<10240x128xf32, #tpu.memory_space<vmem_shared>> -> memref<128x128xf32, #tpu.memory_space<vmem_shared>>
      %dma_wait3A_86 = arith.constant 0 : i32
      %dma_wait3A_87 = tpu.memref_slice %arg6[%add3A_53, %dma_wait3A_86] : memref<10240x128xf32, #tpu.memory_space<vmem_shared>> -> memref<128x128xf32, #tpu.memory_space<vmem_shared>>
      tpu.wait_dma2 semaphore(%run_scoped3A : memref<!tpu.dma_semaphore, #tpu.memory_space<semaphore_mem>>) src(%dma_wait3A_87 : memref<128x128xf32, #tpu.memory_space<vmem_shared>>) dst(%arg5 : memref<128x128xf32, #tpu.memory_space<vmem>>)
      tpu.yield
    }) : () -> ()
    %mul3A_54 = arith.constant 640 : i32
    %mul3A_55 = arith.muli %arg1, %mul3A_54 : i32
    %add3A_56 = arith.constant 128 : i32
    %add3A_57 = arith.addi %mul3A_55, %add3A_56 : i32
    "tpu.region"() ({
      %run_scoped3A = tpu.sem_alloc : memref<!tpu.dma_semaphore, #tpu.memory_space<semaphore_mem>>
      %dma_start3A = arith.constant 0 : i32
      %dma_start3A_82 = tpu.memref_slice %arg3[%arg0, %add3A_57, %dma_start3A] : memref<2x10240x128xf32, #tpu.memory_space<hbm>> -> memref<1x128x128xf32, #tpu.memory_space<hbm>>
      %dma_start3A_83 = tpu.memref_squeeze %dma_start3A_82 : memref<1x128x128xf32, #tpu.memory_space<hbm>> -> memref<128x128xf32, #tpu.memory_space<hbm>>
      %dma_start3A_84 = arith.constant 0 : i32
      %dma_start3A_85 = tpu.memref_slice %arg3[%arg0, %add3A_57, %dma_start3A_84] : memref<2x10240x128xf32, #tpu.memory_space<hbm>> -> memref<1x128x128xf32, #tpu.memory_space<hbm>>
      %dma_start3A_86 = tpu.memref_squeeze %dma_start3A_85 : memref<1x128x128xf32, #tpu.memory_space<hbm>> -> memref<128x128xf32, #tpu.memory_space<hbm>>
      tpu.enqueue_dma source(%arg5 : memref<128x128xf32, #tpu.memory_space<vmem>>) target(%dma_start3A_86 : memref<128x128xf32, #tpu.memory_space<hbm>>) target_semaphore(%run_scoped3A : memref<!tpu.dma_semaphore, #tpu.memory_space<semaphore_mem>>)
      %dma_wait3A = arith.constant 0 : i32
      %dma_wait3A_87 = tpu.memref_slice %arg3[%arg0, %add3A_57, %dma_wait3A] : memref<2x10240x128xf32, #tpu.memory_space<hbm>> -> memref<1x128x128xf32, #tpu.memory_space<hbm>>
      %dma_wait3A_88 = tpu.memref_squeeze %dma_wait3A_87 : memref<1x128x128xf32, #tpu.memory_space<hbm>> -> memref<128x128xf32, #tpu.memory_space<hbm>>
      %dma_wait3A_89 = arith.constant 0 : i32
      %dma_wait3A_90 = tpu.memref_slice %arg3[%arg0, %add3A_57, %dma_wait3A_89] : memref<2x10240x128xf32, #tpu.memory_space<hbm>> -> memref<1x128x128xf32, #tpu.memory_space<hbm>>
      %dma_wait3A_91 = tpu.memref_squeeze %dma_wait3A_90 : memref<1x128x128xf32, #tpu.memory_space<hbm>> -> memref<128x128xf32, #tpu.memory_space<hbm>>
      tpu.wait_dma2 semaphore(%run_scoped3A : memref<!tpu.dma_semaphore, #tpu.memory_space<semaphore_mem>>) src(%arg5 : memref<128x128xf32, #tpu.memory_space<vmem>>) dst(%dma_wait3A_91 : memref<128x128xf32, #tpu.memory_space<hbm>>)
      tpu.yield
    }) : () -> ()
    %mul3A_58 = arith.constant 640 : i32
    %mul3A_59 = arith.muli %arg1, %mul3A_58 : i32
    %add3A_60 = arith.constant 256 : i32
    %add3A_61 = arith.addi %mul3A_59, %add3A_60 : i32
    "tpu.region"() ({
      %run_scoped3A = tpu.sem_alloc : memref<!tpu.dma_semaphore, #tpu.memory_space<semaphore_mem>>
      %dma_start3A = arith.constant 0 : i32
      %dma_start3A_82 = tpu.memref_slice %arg6[%add3A_61, %dma_start3A] : memref<10240x128xf32, #tpu.memory_space<vmem_shared>> -> memref<128x128xf32, #tpu.memory_space<vmem_shared>>
      %dma_start3A_83 = arith.constant 0 : i32
      %dma_start3A_84 = tpu.memref_slice %arg6[%add3A_61, %dma_start3A_83] : memref<10240x128xf32, #tpu.memory_space<vmem_shared>> -> memref<128x128xf32, #tpu.memory_space<vmem_shared>>
      tpu.enqueue_dma source(%dma_start3A_84 : memref<128x128xf32, #tpu.memory_space<vmem_shared>>) target(%arg5 : memref<128x128xf32, #tpu.memory_space<vmem>>) target_semaphore(%run_scoped3A : memref<!tpu.dma_semaphore, #tpu.memory_space<semaphore_mem>>)
      %dma_wait3A = arith.constant 0 : i32
      %dma_wait3A_85 = tpu.memref_slice %arg6[%add3A_61, %dma_wait3A] : memref<10240x128xf32, #tpu.memory_space<vmem_shared>> -> memref<128x128xf32, #tpu.memory_space<vmem_shared>>
      %dma_wait3A_86 = arith.constant 0 : i32
      %dma_wait3A_87 = tpu.memref_slice %arg6[%add3A_61, %dma_wait3A_86] : memref<10240x128xf32, #tpu.memory_space<vmem_shared>> -> memref<128x128xf32, #tpu.memory_space<vmem_shared>>
      tpu.wait_dma2 semaphore(%run_scoped3A : memref<!tpu.dma_semaphore, #tpu.memory_space<semaphore_mem>>) src(%dma_wait3A_87 : memref<128x128xf32, #tpu.memory_space<vmem_shared>>) dst(%arg5 : memref<128x128xf32, #tpu.memory_space<vmem>>)
      tpu.yield
    }) : () -> ()
    %mul3A_62 = arith.constant 640 : i32
    %mul3A_63 = arith.muli %arg1, %mul3A_62 : i32
    %add3A_64 = arith.constant 256 : i32
    %add3A_65 = arith.addi %mul3A_63, %add3A_64 : i32
    "tpu.region"() ({
      %run_scoped3A = tpu.sem_alloc : memref<!tpu.dma_semaphore, #tpu.memory_space<semaphore_mem>>
      %dma_start3A = arith.constant 0 : i32
      %dma_start3A_82 = tpu.memref_slice %arg3[%arg0, %add3A_65, %dma_start3A] : memref<2x10240x128xf32, #tpu.memory_space<hbm>> -> memref<1x128x128xf32, #tpu.memory_space<hbm>>
      %dma_start3A_83 = tpu.memref_squeeze %dma_start3A_82 : memref<1x128x128xf32, #tpu.memory_space<hbm>> -> memref<128x128xf32, #tpu.memory_space<hbm>>
      %dma_start3A_84 = arith.constant 0 : i32
      %dma_start3A_85 = tpu.memref_slice %arg3[%arg0, %add3A_65, %dma_start3A_84] : memref<2x10240x128xf32, #tpu.memory_space<hbm>> -> memref<1x128x128xf32, #tpu.memory_space<hbm>>
      %dma_start3A_86 = tpu.memref_squeeze %dma_start3A_85 : memref<1x128x128xf32, #tpu.memory_space<hbm>> -> memref<128x128xf32, #tpu.memory_space<hbm>>
      tpu.enqueue_dma source(%arg5 : memref<128x128xf32, #tpu.memory_space<vmem>>) target(%dma_start3A_86 : memref<128x128xf32, #tpu.memory_space<hbm>>) target_semaphore(%run_scoped3A : memref<!tpu.dma_semaphore, #tpu.memory_space<semaphore_mem>>)
      %dma_wait3A = arith.constant 0 : i32
      %dma_wait3A_87 = tpu.memref_slice %arg3[%arg0, %add3A_65, %dma_wait3A] : memref<2x10240x128xf32, #tpu.memory_space<hbm>> -> memref<1x128x128xf32, #tpu.memory_space<hbm>>
      %dma_wait3A_88 = tpu.memref_squeeze %dma_wait3A_87 : memref<1x128x128xf32, #tpu.memory_space<hbm>> -> memref<128x128xf32, #tpu.memory_space<hbm>>
      %dma_wait3A_89 = arith.constant 0 : i32
      %dma_wait3A_90 = tpu.memref_slice %arg3[%arg0, %add3A_65, %dma_wait3A_89] : memref<2x10240x128xf32, #tpu.memory_space<hbm>> -> memref<1x128x128xf32, #tpu.memory_space<hbm>>
      %dma_wait3A_91 = tpu.memref_squeeze %dma_wait3A_90 : memref<1x128x128xf32, #tpu.memory_space<hbm>> -> memref<128x128xf32, #tpu.memory_space<hbm>>
      tpu.wait_dma2 semaphore(%run_scoped3A : memref<!tpu.dma_semaphore, #tpu.memory_space<semaphore_mem>>) src(%arg5 : memref<128x128xf32, #tpu.memory_space<vmem>>) dst(%dma_wait3A_91 : memref<128x128xf32, #tpu.memory_space<hbm>>)
      tpu.yield
    }) : () -> ()
    %mul3A_66 = arith.constant 640 : i32
    %mul3A_67 = arith.muli %arg1, %mul3A_66 : i32
    %add3A_68 = arith.constant 384 : i32
    %add3A_69 = arith.addi %mul3A_67, %add3A_68 : i32
    "tpu.region"() ({
      %run_scoped3A = tpu.sem_alloc : memref<!tpu.dma_semaphore, #tpu.memory_space<semaphore_mem>>
      %dma_start3A = arith.constant 0 : i32
      %dma_start3A_82 = tpu.memref_slice %arg6[%add3A_69, %dma_start3A] : memref<10240x128xf32, #tpu.memory_space<vmem_shared>> -> memref<128x128xf32, #tpu.memory_space<vmem_shared>>
      %dma_start3A_83 = arith.constant 0 : i32
      %dma_start3A_84 = tpu.memref_slice %arg6[%add3A_69, %dma_start3A_83] : memref<10240x128xf32, #tpu.memory_space<vmem_shared>> -> memref<128x128xf32, #tpu.memory_space<vmem_shared>>
      tpu.enqueue_dma source(%dma_start3A_84 : memref<128x128xf32, #tpu.memory_space<vmem_shared>>) target(%arg5 : memref<128x128xf32, #tpu.memory_space<vmem>>) target_semaphore(%run_scoped3A : memref<!tpu.dma_semaphore, #tpu.memory_space<semaphore_mem>>)
      %dma_wait3A = arith.constant 0 : i32
      %dma_wait3A_85 = tpu.memref_slice %arg6[%add3A_69, %dma_wait3A] : memref<10240x128xf32, #tpu.memory_space<vmem_shared>> -> memref<128x128xf32, #tpu.memory_space<vmem_shared>>
      %dma_wait3A_86 = arith.constant 0 : i32
      %dma_wait3A_87 = tpu.memref_slice %arg6[%add3A_69, %dma_wait3A_86] : memref<10240x128xf32, #tpu.memory_space<vmem_shared>> -> memref<128x128xf32, #tpu.memory_space<vmem_shared>>
      tpu.wait_dma2 semaphore(%run_scoped3A : memref<!tpu.dma_semaphore, #tpu.memory_space<semaphore_mem>>) src(%dma_wait3A_87 : memref<128x128xf32, #tpu.memory_space<vmem_shared>>) dst(%arg5 : memref<128x128xf32, #tpu.memory_space<vmem>>)
      tpu.yield
    }) : () -> ()
    %mul3A_70 = arith.constant 640 : i32
    %mul3A_71 = arith.muli %arg1, %mul3A_70 : i32
    %add3A_72 = arith.constant 384 : i32
    %add3A_73 = arith.addi %mul3A_71, %add3A_72 : i32
    "tpu.region"() ({
      %run_scoped3A = tpu.sem_alloc : memref<!tpu.dma_semaphore, #tpu.memory_space<semaphore_mem>>
      %dma_start3A = arith.constant 0 : i32
      %dma_start3A_82 = tpu.memref_slice %arg3[%arg0, %add3A_73, %dma_start3A] : memref<2x10240x128xf32, #tpu.memory_space<hbm>> -> memref<1x128x128xf32, #tpu.memory_space<hbm>>
      %dma_start3A_83 = tpu.memref_squeeze %dma_start3A_82 : memref<1x128x128xf32, #tpu.memory_space<hbm>> -> memref<128x128xf32, #tpu.memory_space<hbm>>
      %dma_start3A_84 = arith.constant 0 : i32
      %dma_start3A_85 = tpu.memref_slice %arg3[%arg0, %add3A_73, %dma_start3A_84] : memref<2x10240x128xf32, #tpu.memory_space<hbm>> -> memref<1x128x128xf32, #tpu.memory_space<hbm>>
      %dma_start3A_86 = tpu.memref_squeeze %dma_start3A_85 : memref<1x128x128xf32, #tpu.memory_space<hbm>> -> memref<128x128xf32, #tpu.memory_space<hbm>>
      tpu.enqueue_dma source(%arg5 : memref<128x128xf32, #tpu.memory_space<vmem>>) target(%dma_start3A_86 : memref<128x128xf32, #tpu.memory_space<hbm>>) target_semaphore(%run_scoped3A : memref<!tpu.dma_semaphore, #tpu.memory_space<semaphore_mem>>)
      %dma_wait3A = arith.constant 0 : i32
      %dma_wait3A_87 = tpu.memref_slice %arg3[%arg0, %add3A_73, %dma_wait3A] : memref<2x10240x128xf32, #tpu.memory_space<hbm>> -> memref<1x128x128xf32, #tpu.memory_space<hbm>>
      %dma_wait3A_88 = tpu.memref_squeeze %dma_wait3A_87 : memref<1x128x128xf32, #tpu.memory_space<hbm>> -> memref<128x128xf32, #tpu.memory_space<hbm>>
      %dma_wait3A_89 = arith.constant 0 : i32
      %dma_wait3A_90 = tpu.memref_slice %arg3[%arg0, %add3A_73, %dma_wait3A_89] : memref<2x10240x128xf32, #tpu.memory_space<hbm>> -> memref<1x128x128xf32, #tpu.memory_space<hbm>>
      %dma_wait3A_91 = tpu.memref_squeeze %dma_wait3A_90 : memref<1x128x128xf32, #tpu.memory_space<hbm>> -> memref<128x128xf32, #tpu.memory_space<hbm>>
      tpu.wait_dma2 semaphore(%run_scoped3A : memref<!tpu.dma_semaphore, #tpu.memory_space<semaphore_mem>>) src(%arg5 : memref<128x128xf32, #tpu.memory_space<vmem>>) dst(%dma_wait3A_91 : memref<128x128xf32, #tpu.memory_space<hbm>>)
      tpu.yield
    }) : () -> ()
    %mul3A_74 = arith.constant 640 : i32
    %mul3A_75 = arith.muli %arg1, %mul3A_74 : i32
    %add3A_76 = arith.constant 512 : i32
    %add3A_77 = arith.addi %mul3A_75, %add3A_76 : i32
    "tpu.region"() ({
      %run_scoped3A = tpu.sem_alloc : memref<!tpu.dma_semaphore, #tpu.memory_space<semaphore_mem>>
      %dma_start3A = arith.constant 0 : i32
      %dma_start3A_82 = tpu.memref_slice %arg6[%add3A_77, %dma_start3A] : memref<10240x128xf32, #tpu.memory_space<vmem_shared>> -> memref<128x128xf32, #tpu.memory_space<vmem_shared>>
      %dma_start3A_83 = arith.constant 0 : i32
      %dma_start3A_84 = tpu.memref_slice %arg6[%add3A_77, %dma_start3A_83] : memref<10240x128xf32, #tpu.memory_space<vmem_shared>> -> memref<128x128xf32, #tpu.memory_space<vmem_shared>>
      tpu.enqueue_dma source(%dma_start3A_84 : memref<128x128xf32, #tpu.memory_space<vmem_shared>>) target(%arg5 : memref<128x128xf32, #tpu.memory_space<vmem>>) target_semaphore(%run_scoped3A : memref<!tpu.dma_semaphore, #tpu.memory_space<semaphore_mem>>)
      %dma_wait3A = arith.constant 0 : i32
      %dma_wait3A_85 = tpu.memref_slice %arg6[%add3A_77, %dma_wait3A] : memref<10240x128xf32, #tpu.memory_space<vmem_shared>> -> memref<128x128xf32, #tpu.memory_space<vmem_shared>>
      %dma_wait3A_86 = arith.constant 0 : i32
      %dma_wait3A_87 = tpu.memref_slice %arg6[%add3A_77, %dma_wait3A_86] : memref<10240x128xf32, #tpu.memory_space<vmem_shared>> -> memref<128x128xf32, #tpu.memory_space<vmem_shared>>
      tpu.wait_dma2 semaphore(%run_scoped3A : memref<!tpu.dma_semaphore, #tpu.memory_space<semaphore_mem>>) src(%dma_wait3A_87 : memref<128x128xf32, #tpu.memory_space<vmem_shared>>) dst(%arg5 : memref<128x128xf32, #tpu.memory_space<vmem>>)
      tpu.yield
    }) : () -> ()
    %mul3A_78 = arith.constant 640 : i32
    %mul3A_79 = arith.muli %arg1, %mul3A_78 : i32
    %add3A_80 = arith.constant 512 : i32
    %add3A_81 = arith.addi %mul3A_79, %add3A_80 : i32
    "tpu.region"() ({
      %run_scoped3A = tpu.sem_alloc : memref<!tpu.dma_semaphore, #tpu.memory_space<semaphore_mem>>
      %dma_start3A = arith.constant 0 : i32
      %dma_start3A_82 = tpu.memref_slice %arg3[%arg0, %add3A_81, %dma_start3A] : memref<2x10240x128xf32, #tpu.memory_space<hbm>> -> memref<1x128x128xf32, #tpu.memory_space<hbm>>
      %dma_start3A_83 = tpu.memref_squeeze %dma_start3A_82 : memref<1x128x128xf32, #tpu.memory_space<hbm>> -> memref<128x128xf32, #tpu.memory_space<hbm>>
      %dma_start3A_84 = arith.constant 0 : i32
      %dma_start3A_85 = tpu.memref_slice %arg3[%arg0, %add3A_81, %dma_start3A_84] : memref<2x10240x128xf32, #tpu.memory_space<hbm>> -> memref<1x128x128xf32, #tpu.memory_space<hbm>>
      %dma_start3A_86 = tpu.memref_squeeze %dma_start3A_85 : memref<1x128x128xf32, #tpu.memory_space<hbm>> -> memref<128x128xf32, #tpu.memory_space<hbm>>
      tpu.enqueue_dma source(%arg5 : memref<128x128xf32, #tpu.memory_space<vmem>>) target(%dma_start3A_86 : memref<128x128xf32, #tpu.memory_space<hbm>>) target_semaphore(%run_scoped3A : memref<!tpu.dma_semaphore, #tpu.memory_space<semaphore_mem>>)
      %dma_wait3A = arith.constant 0 : i32
      %dma_wait3A_87 = tpu.memref_slice %arg3[%arg0, %add3A_81, %dma_wait3A] : memref<2x10240x128xf32, #tpu.memory_space<hbm>> -> memref<1x128x128xf32, #tpu.memory_space<hbm>>
      %dma_wait3A_88 = tpu.memref_squeeze %dma_wait3A_87 : memref<1x128x128xf32, #tpu.memory_space<hbm>> -> memref<128x128xf32, #tpu.memory_space<hbm>>
      %dma_wait3A_89 = arith.constant 0 : i32
      %dma_wait3A_90 = tpu.memref_slice %arg3[%arg0, %add3A_81, %dma_wait3A_89] : memref<2x10240x128xf32, #tpu.memory_space<hbm>> -> memref<1x128x128xf32, #tpu.memory_space<hbm>>
      %dma_wait3A_91 = tpu.memref_squeeze %dma_wait3A_90 : memref<1x128x128xf32, #tpu.memory_space<hbm>> -> memref<128x128xf32, #tpu.memory_space<hbm>>
      tpu.wait_dma2 semaphore(%run_scoped3A : memref<!tpu.dma_semaphore, #tpu.memory_space<semaphore_mem>>) src(%arg5 : memref<128x128xf32, #tpu.memory_space<vmem>>) dst(%dma_wait3A_91 : memref<128x128xf32, #tpu.memory_space<hbm>>)
      tpu.yield
    }) : () -> ()
    return
  }
}

#map = affine_map<(d0, d1) -> (0, 0)>
#map1 = affine_map<(d0, d1) -> (0, 0, 0)>
module attributes {stable_mosaic.version = 14 : i64} {
  func.func @_agg_kernel(%arg0: i32, %arg1: i32, %arg2: memref<10240x128xf32, #tpu.memory_space<hbm>>, %arg3: memref<10240x64xi32, #tpu.memory_space<hbm>>, %arg4: memref<10240x64xi32, #tpu.memory_space<hbm>>, %arg5: memref<2x10240x128xf32, #tpu.memory_space<hbm>>, %arg6: memref<40x64xi32, #tpu.memory_space<vmem>>, %arg7: memref<40x64xi32, #tpu.memory_space<vmem>>, %arg8: memref<64x128xf32, #tpu.memory_space<vmem>>, %arg9: memref<64x128xf32, #tpu.memory_space<vmem>>, %arg10: memref<64x128xf32, #tpu.memory_space<vmem>>, %arg11: memref<64x128xf32, #tpu.memory_space<vmem>>, %arg12: memref<!tpu.dma_semaphore, #tpu.memory_space<semaphore_mem>>, %arg13: memref<!tpu.dma_semaphore, #tpu.memory_space<semaphore_mem>>, %arg14: memref<!tpu.dma_semaphore, #tpu.memory_space<semaphore_mem>>, %arg15: memref<!tpu.dma_semaphore, #tpu.memory_space<semaphore_mem>>, %arg16: memref<10240x128xf32, #tpu.memory_space<vmem_shared>>) attributes {dimension_semantics = [#tpu.dimension_semantics<core_parallel>, #tpu.dimension_semantics<subcore_parallel>], iteration_bounds = array<i64: 2, 16>, scalar_prefetch = 0 : i64, scratch_operands = 11 : i64, tpu.core_type = #tpu.core_type<sc_vector_subcore>, window_params = [{transform_indices = #map}, {transform_indices = #map}, {transform_indices = #map}, {transform_indices = #map1}]} {
    %mul3A = arith.constant 2 : i32
    %mul3A_0 = arith.muli %arg1, %mul3A : i32
    %add3A = arith.addi %mul3A_0, %arg0 : i32
    %broadcast_in_dim3A = arith.constant 0.000000e+00 : f32
    %broadcast_in_dim3A_1 = vector.broadcast %broadcast_in_dim3A : f32 to vector<16xf32>
    %scan3A = arith.constant 0 : i32
    %scan3A_2 = arith.constant 0 : i32
    %scan3A_3 = arith.constant 512 : i32
    %scan3A_4 = arith.addi %scan3A_2, %scan3A_3 : i32
    %scan3A_5 = arith.constant 1 : i32
    scf.for %scan3A_155 = %scan3A_2 to %scan3A_4 step %scan3A_5  : i32 {
      %jit3A = arith.constant 8 : i32
      %div3A = arith.divsi %scan3A_155, %jit3A : i32
      %sign3A = arith.constant 0 : i32
      %sign3A_156 = arith.cmpi sgt, %scan3A_155, %sign3A : i32
      %sign3A_157 = arith.extui %sign3A_156 : i1 to i32
      %sign3A_158 = arith.constant 0 : i32
      %sign3A_159 = arith.cmpi slt, %scan3A_155, %sign3A_158 : i32
      %sign3A_160 = arith.extui %sign3A_159 : i1 to i32
      %sign3A_161 = arith.subi %sign3A_157, %sign3A_160 : i32
      %sign3A_162 = arith.constant 0 : i32
      %sign3A_163 = arith.cmpi sgt, %jit3A, %sign3A_162 : i32
      %sign3A_164 = arith.extui %sign3A_163 : i1 to i32
      %sign3A_165 = arith.constant 0 : i32
      %sign3A_166 = arith.cmpi slt, %jit3A, %sign3A_165 : i32
      %sign3A_167 = arith.extui %sign3A_166 : i1 to i32
      %sign3A_168 = arith.subi %sign3A_164, %sign3A_167 : i32
      %ne3A = arith.cmpi ne, %sign3A_161, %sign3A_168 : i32
      %rem3A = arith.remsi %scan3A_155, %jit3A : i32
      %ne3A_169 = arith.constant 0 : i32
      %ne3A_170 = arith.cmpi ne, %rem3A, %ne3A_169 : i32
      %and3A = arith.andi %ne3A, %ne3A_170 : i1
      %sub3A = arith.constant 1 : i32
      %sub3A_171 = arith.subi %div3A, %sub3A : i32
      %select_n3A = arith.select %and3A, %sub3A_171, %div3A : i32
      %jit3A_172 = arith.constant 8 : i32
      %eq3A = arith.constant 0 : i32
      %eq3A_173 = arith.cmpi eq, %jit3A_172, %eq3A : i32
      %jit3A_174 = arith.constant 1 : i32
      %select_n3A_175 = arith.select %eq3A_173, %jit3A_174, %jit3A_172 : i32
      %rem3A_176 = arith.remsi %scan3A_155, %select_n3A_175 : i32
      %ne3A_177 = arith.constant 0 : i32
      %ne3A_178 = arith.cmpi ne, %rem3A_176, %ne3A_177 : i32
      %lt3A = arith.constant 0 : i32
      %lt3A_179 = arith.cmpi slt, %rem3A_176, %lt3A : i32
      %lt3A_180 = arith.constant 0 : i32
      %lt3A_181 = arith.cmpi slt, %select_n3A_175, %lt3A_180 : i32
      %ne3A_182 = arith.xori %lt3A_179, %lt3A_181 : i1
      %and3A_183 = arith.andi %ne3A_182, %ne3A_178 : i1
      %add3A_184 = arith.addi %rem3A_176, %select_n3A_175 : i32
      %select_n3A_185 = arith.select %and3A_183, %add3A_184, %rem3A_176 : i32
      %mul3A_186 = arith.constant 16 : i32
      %mul3A_187 = arith.muli %select_n3A_185, %mul3A_186 : i32
      %swap3A = arith.index_cast %select_n3A : i32 to index
      %swap3A_188 = arith.index_cast %mul3A_187 : i32 to index
      %swap3A_189 = tpu.vector_load %arg8[%swap3A, %swap3A_188] {strides = array<i32>} : memref<64x128xf32, #tpu.memory_space<vmem>>, vector<1x16xf32>,
      %swap3A_190 = vector.shape_cast %swap3A_189 : vector<1x16xf32> to vector<16xf32>
      %swap3A_191 = vector.shape_cast %broadcast_in_dim3A_1 : vector<16xf32> to vector<1x16xf32>
      tpu.vector_store %arg8[%swap3A, %swap3A_188], %swap3A_191 {strides = array<i32>} : memref<64x128xf32, #tpu.memory_space<vmem>>, vector<1x16xf32>,
    }
    %scan3A_6 = arith.constant 512 : i32
    %mul3A_7 = arith.constant 640 : i32
    %mul3A_8 = arith.muli %arg1, %mul3A_7 : i32
    %add3A_9 = arith.constant 0 : i32
    %add3A_10 = arith.addi %mul3A_8, %add3A_9 : i32
    "tpu.region"() ({
      %run_scoped3A = tpu.sem_alloc : memref<!tpu.dma_semaphore, #tpu.memory_space<semaphore_mem>>
      %dma_start3A = arith.constant 0 : i32
      %dma_start3A_155 = tpu.memref_slice %arg16[%add3A_10, %dma_start3A] : memref<10240x128xf32, #tpu.memory_space<vmem_shared>> -> memref<64x128xf32, #tpu.memory_space<vmem_shared>>
      %dma_start3A_156 = arith.constant 0 : i32
      %dma_start3A_157 = tpu.memref_slice %arg16[%add3A_10, %dma_start3A_156] : memref<10240x128xf32, #tpu.memory_space<vmem_shared>> -> memref<64x128xf32, #tpu.memory_space<vmem_shared>>
      tpu.enqueue_dma source(%arg8 : memref<64x128xf32, #tpu.memory_space<vmem>>) target(%dma_start3A_157 : memref<64x128xf32, #tpu.memory_space<vmem_shared>>) target_semaphore(%run_scoped3A : memref<!tpu.dma_semaphore, #tpu.memory_space<semaphore_mem>>)
      %dma_wait3A = arith.constant 0 : i32
      %dma_wait3A_158 = tpu.memref_slice %arg16[%add3A_10, %dma_wait3A] : memref<10240x128xf32, #tpu.memory_space<vmem_shared>> -> memref<64x128xf32, #tpu.memory_space<vmem_shared>>
      %dma_wait3A_159 = arith.constant 0 : i32
      %dma_wait3A_160 = tpu.memref_slice %arg16[%add3A_10, %dma_wait3A_159] : memref<10240x128xf32, #tpu.memory_space<vmem_shared>> -> memref<64x128xf32, #tpu.memory_space<vmem_shared>>
      tpu.wait_dma2 semaphore(%run_scoped3A : memref<!tpu.dma_semaphore, #tpu.memory_space<semaphore_mem>>) src(%arg8 : memref<64x128xf32, #tpu.memory_space<vmem>>) dst(%dma_wait3A_160 : memref<64x128xf32, #tpu.memory_space<vmem_shared>>)
      tpu.yield
    }) : () -> ()
    %mul3A_11 = arith.constant 640 : i32
    %mul3A_12 = arith.muli %arg1, %mul3A_11 : i32
    %add3A_13 = arith.constant 64 : i32
    %add3A_14 = arith.addi %mul3A_12, %add3A_13 : i32
    "tpu.region"() ({
      %run_scoped3A = tpu.sem_alloc : memref<!tpu.dma_semaphore, #tpu.memory_space<semaphore_mem>>
      %dma_start3A = arith.constant 0 : i32
      %dma_start3A_155 = tpu.memref_slice %arg16[%add3A_14, %dma_start3A] : memref<10240x128xf32, #tpu.memory_space<vmem_shared>> -> memref<64x128xf32, #tpu.memory_space<vmem_shared>>
      %dma_start3A_156 = arith.constant 0 : i32
      %dma_start3A_157 = tpu.memref_slice %arg16[%add3A_14, %dma_start3A_156] : memref<10240x128xf32, #tpu.memory_space<vmem_shared>> -> memref<64x128xf32, #tpu.memory_space<vmem_shared>>
      tpu.enqueue_dma source(%arg8 : memref<64x128xf32, #tpu.memory_space<vmem>>) target(%dma_start3A_157 : memref<64x128xf32, #tpu.memory_space<vmem_shared>>) target_semaphore(%run_scoped3A : memref<!tpu.dma_semaphore, #tpu.memory_space<semaphore_mem>>)
      %dma_wait3A = arith.constant 0 : i32
      %dma_wait3A_158 = tpu.memref_slice %arg16[%add3A_14, %dma_wait3A] : memref<10240x128xf32, #tpu.memory_space<vmem_shared>> -> memref<64x128xf32, #tpu.memory_space<vmem_shared>>
      %dma_wait3A_159 = arith.constant 0 : i32
      %dma_wait3A_160 = tpu.memref_slice %arg16[%add3A_14, %dma_wait3A_159] : memref<10240x128xf32, #tpu.memory_space<vmem_shared>> -> memref<64x128xf32, #tpu.memory_space<vmem_shared>>
      tpu.wait_dma2 semaphore(%run_scoped3A : memref<!tpu.dma_semaphore, #tpu.memory_space<semaphore_mem>>) src(%arg8 : memref<64x128xf32, #tpu.memory_space<vmem>>) dst(%dma_wait3A_160 : memref<64x128xf32, #tpu.memory_space<vmem_shared>>)
      tpu.yield
    }) : () -> ()
    %mul3A_15 = arith.constant 640 : i32
    %mul3A_16 = arith.muli %arg1, %mul3A_15 : i32
    %add3A_17 = arith.constant 128 : i32
    %add3A_18 = arith.addi %mul3A_16, %add3A_17 : i32
    "tpu.region"() ({
      %run_scoped3A = tpu.sem_alloc : memref<!tpu.dma_semaphore, #tpu.memory_space<semaphore_mem>>
      %dma_start3A = arith.constant 0 : i32
      %dma_start3A_155 = tpu.memref_slice %arg16[%add3A_18, %dma_start3A] : memref<10240x128xf32, #tpu.memory_space<vmem_shared>> -> memref<64x128xf32, #tpu.memory_space<vmem_shared>>
      %dma_start3A_156 = arith.constant 0 : i32
      %dma_start3A_157 = tpu.memref_slice %arg16[%add3A_18, %dma_start3A_156] : memref<10240x128xf32, #tpu.memory_space<vmem_shared>> -> memref<64x128xf32, #tpu.memory_space<vmem_shared>>
      tpu.enqueue_dma source(%arg8 : memref<64x128xf32, #tpu.memory_space<vmem>>) target(%dma_start3A_157 : memref<64x128xf32, #tpu.memory_space<vmem_shared>>) target_semaphore(%run_scoped3A : memref<!tpu.dma_semaphore, #tpu.memory_space<semaphore_mem>>)
      %dma_wait3A = arith.constant 0 : i32
      %dma_wait3A_158 = tpu.memref_slice %arg16[%add3A_18, %dma_wait3A] : memref<10240x128xf32, #tpu.memory_space<vmem_shared>> -> memref<64x128xf32, #tpu.memory_space<vmem_shared>>
      %dma_wait3A_159 = arith.constant 0 : i32
      %dma_wait3A_160 = tpu.memref_slice %arg16[%add3A_18, %dma_wait3A_159] : memref<10240x128xf32, #tpu.memory_space<vmem_shared>> -> memref<64x128xf32, #tpu.memory_space<vmem_shared>>
      tpu.wait_dma2 semaphore(%run_scoped3A : memref<!tpu.dma_semaphore, #tpu.memory_space<semaphore_mem>>) src(%arg8 : memref<64x128xf32, #tpu.memory_space<vmem>>) dst(%dma_wait3A_160 : memref<64x128xf32, #tpu.memory_space<vmem_shared>>)
      tpu.yield
    }) : () -> ()
    %mul3A_19 = arith.constant 640 : i32
    %mul3A_20 = arith.muli %arg1, %mul3A_19 : i32
    %add3A_21 = arith.constant 192 : i32
    %add3A_22 = arith.addi %mul3A_20, %add3A_21 : i32
    "tpu.region"() ({
      %run_scoped3A = tpu.sem_alloc : memref<!tpu.dma_semaphore, #tpu.memory_space<semaphore_mem>>
      %dma_start3A = arith.constant 0 : i32
      %dma_start3A_155 = tpu.memref_slice %arg16[%add3A_22, %dma_start3A] : memref<10240x128xf32, #tpu.memory_space<vmem_shared>> -> memref<64x128xf32, #tpu.memory_space<vmem_shared>>
      %dma_start3A_156 = arith.constant 0 : i32
      %dma_start3A_157 = tpu.memref_slice %arg16[%add3A_22, %dma_start3A_156] : memref<10240x128xf32, #tpu.memory_space<vmem_shared>> -> memref<64x128xf32, #tpu.memory_space<vmem_shared>>
      tpu.enqueue_dma source(%arg8 : memref<64x128xf32, #tpu.memory_space<vmem>>) target(%dma_start3A_157 : memref<64x128xf32, #tpu.memory_space<vmem_shared>>) target_semaphore(%run_scoped3A : memref<!tpu.dma_semaphore, #tpu.memory_space<semaphore_mem>>)
      %dma_wait3A = arith.constant 0 : i32
      %dma_wait3A_158 = tpu.memref_slice %arg16[%add3A_22, %dma_wait3A] : memref<10240x128xf32, #tpu.memory_space<vmem_shared>> -> memref<64x128xf32, #tpu.memory_space<vmem_shared>>
      %dma_wait3A_159 = arith.constant 0 : i32
      %dma_wait3A_160 = tpu.memref_slice %arg16[%add3A_22, %dma_wait3A_159] : memref<10240x128xf32, #tpu.memory_space<vmem_shared>> -> memref<64x128xf32, #tpu.memory_space<vmem_shared>>
      tpu.wait_dma2 semaphore(%run_scoped3A : memref<!tpu.dma_semaphore, #tpu.memory_space<semaphore_mem>>) src(%arg8 : memref<64x128xf32, #tpu.memory_space<vmem>>) dst(%dma_wait3A_160 : memref<64x128xf32, #tpu.memory_space<vmem_shared>>)
      tpu.yield
    }) : () -> ()
    %mul3A_23 = arith.constant 640 : i32
    %mul3A_24 = arith.muli %arg1, %mul3A_23 : i32
    %add3A_25 = arith.constant 256 : i32
    %add3A_26 = arith.addi %mul3A_24, %add3A_25 : i32
    "tpu.region"() ({
      %run_scoped3A = tpu.sem_alloc : memref<!tpu.dma_semaphore, #tpu.memory_space<semaphore_mem>>
      %dma_start3A = arith.constant 0 : i32
      %dma_start3A_155 = tpu.memref_slice %arg16[%add3A_26, %dma_start3A] : memref<10240x128xf32, #tpu.memory_space<vmem_shared>> -> memref<64x128xf32, #tpu.memory_space<vmem_shared>>
      %dma_start3A_156 = arith.constant 0 : i32
      %dma_start3A_157 = tpu.memref_slice %arg16[%add3A_26, %dma_start3A_156] : memref<10240x128xf32, #tpu.memory_space<vmem_shared>> -> memref<64x128xf32, #tpu.memory_space<vmem_shared>>
      tpu.enqueue_dma source(%arg8 : memref<64x128xf32, #tpu.memory_space<vmem>>) target(%dma_start3A_157 : memref<64x128xf32, #tpu.memory_space<vmem_shared>>) target_semaphore(%run_scoped3A : memref<!tpu.dma_semaphore, #tpu.memory_space<semaphore_mem>>)
      %dma_wait3A = arith.constant 0 : i32
      %dma_wait3A_158 = tpu.memref_slice %arg16[%add3A_26, %dma_wait3A] : memref<10240x128xf32, #tpu.memory_space<vmem_shared>> -> memref<64x128xf32, #tpu.memory_space<vmem_shared>>
      %dma_wait3A_159 = arith.constant 0 : i32
      %dma_wait3A_160 = tpu.memref_slice %arg16[%add3A_26, %dma_wait3A_159] : memref<10240x128xf32, #tpu.memory_space<vmem_shared>> -> memref<64x128xf32, #tpu.memory_space<vmem_shared>>
      tpu.wait_dma2 semaphore(%run_scoped3A : memref<!tpu.dma_semaphore, #tpu.memory_space<semaphore_mem>>) src(%arg8 : memref<64x128xf32, #tpu.memory_space<vmem>>) dst(%dma_wait3A_160 : memref<64x128xf32, #tpu.memory_space<vmem_shared>>)
      tpu.yield
    }) : () -> ()
    %mul3A_27 = arith.constant 640 : i32
    %mul3A_28 = arith.muli %arg1, %mul3A_27 : i32
    %add3A_29 = arith.constant 320 : i32
    %add3A_30 = arith.addi %mul3A_28, %add3A_29 : i32
    "tpu.region"() ({
      %run_scoped3A = tpu.sem_alloc : memref<!tpu.dma_semaphore, #tpu.memory_space<semaphore_mem>>
      %dma_start3A = arith.constant 0 : i32
      %dma_start3A_155 = tpu.memref_slice %arg16[%add3A_30, %dma_start3A] : memref<10240x128xf32, #tpu.memory_space<vmem_shared>> -> memref<64x128xf32, #tpu.memory_space<vmem_shared>>
      %dma_start3A_156 = arith.constant 0 : i32
      %dma_start3A_157 = tpu.memref_slice %arg16[%add3A_30, %dma_start3A_156] : memref<10240x128xf32, #tpu.memory_space<vmem_shared>> -> memref<64x128xf32, #tpu.memory_space<vmem_shared>>
      tpu.enqueue_dma source(%arg8 : memref<64x128xf32, #tpu.memory_space<vmem>>) target(%dma_start3A_157 : memref<64x128xf32, #tpu.memory_space<vmem_shared>>) target_semaphore(%run_scoped3A : memref<!tpu.dma_semaphore, #tpu.memory_space<semaphore_mem>>)
      %dma_wait3A = arith.constant 0 : i32
      %dma_wait3A_158 = tpu.memref_slice %arg16[%add3A_30, %dma_wait3A] : memref<10240x128xf32, #tpu.memory_space<vmem_shared>> -> memref<64x128xf32, #tpu.memory_space<vmem_shared>>
      %dma_wait3A_159 = arith.constant 0 : i32
      %dma_wait3A_160 = tpu.memref_slice %arg16[%add3A_30, %dma_wait3A_159] : memref<10240x128xf32, #tpu.memory_space<vmem_shared>> -> memref<64x128xf32, #tpu.memory_space<vmem_shared>>
      tpu.wait_dma2 semaphore(%run_scoped3A : memref<!tpu.dma_semaphore, #tpu.memory_space<semaphore_mem>>) src(%arg8 : memref<64x128xf32, #tpu.memory_space<vmem>>) dst(%dma_wait3A_160 : memref<64x128xf32, #tpu.memory_space<vmem_shared>>)
      tpu.yield
    }) : () -> ()
    %mul3A_31 = arith.constant 640 : i32
    %mul3A_32 = arith.muli %arg1, %mul3A_31 : i32
    %add3A_33 = arith.constant 384 : i32
    %add3A_34 = arith.addi %mul3A_32, %add3A_33 : i32
    "tpu.region"() ({
      %run_scoped3A = tpu.sem_alloc : memref<!tpu.dma_semaphore, #tpu.memory_space<semaphore_mem>>
      %dma_start3A = arith.constant 0 : i32
      %dma_start3A_155 = tpu.memref_slice %arg16[%add3A_34, %dma_start3A] : memref<10240x128xf32, #tpu.memory_space<vmem_shared>> -> memref<64x128xf32, #tpu.memory_space<vmem_shared>>
      %dma_start3A_156 = arith.constant 0 : i32
      %dma_start3A_157 = tpu.memref_slice %arg16[%add3A_34, %dma_start3A_156] : memref<10240x128xf32, #tpu.memory_space<vmem_shared>> -> memref<64x128xf32, #tpu.memory_space<vmem_shared>>
      tpu.enqueue_dma source(%arg8 : memref<64x128xf32, #tpu.memory_space<vmem>>) target(%dma_start3A_157 : memref<64x128xf32, #tpu.memory_space<vmem_shared>>) target_semaphore(%run_scoped3A : memref<!tpu.dma_semaphore, #tpu.memory_space<semaphore_mem>>)
      %dma_wait3A = arith.constant 0 : i32
      %dma_wait3A_158 = tpu.memref_slice %arg16[%add3A_34, %dma_wait3A] : memref<10240x128xf32, #tpu.memory_space<vmem_shared>> -> memref<64x128xf32, #tpu.memory_space<vmem_shared>>
      %dma_wait3A_159 = arith.constant 0 : i32
      %dma_wait3A_160 = tpu.memref_slice %arg16[%add3A_34, %dma_wait3A_159] : memref<10240x128xf32, #tpu.memory_space<vmem_shared>> -> memref<64x128xf32, #tpu.memory_space<vmem_shared>>
      tpu.wait_dma2 semaphore(%run_scoped3A : memref<!tpu.dma_semaphore, #tpu.memory_space<semaphore_mem>>) src(%arg8 : memref<64x128xf32, #tpu.memory_space<vmem>>) dst(%dma_wait3A_160 : memref<64x128xf32, #tpu.memory_space<vmem_shared>>)
      tpu.yield
    }) : () -> ()
    %mul3A_35 = arith.constant 640 : i32
    %mul3A_36 = arith.muli %arg1, %mul3A_35 : i32
    %add3A_37 = arith.constant 448 : i32
    %add3A_38 = arith.addi %mul3A_36, %add3A_37 : i32
    "tpu.region"() ({
      %run_scoped3A = tpu.sem_alloc : memref<!tpu.dma_semaphore, #tpu.memory_space<semaphore_mem>>
      %dma_start3A = arith.constant 0 : i32
      %dma_start3A_155 = tpu.memref_slice %arg16[%add3A_38, %dma_start3A] : memref<10240x128xf32, #tpu.memory_space<vmem_shared>> -> memref<64x128xf32, #tpu.memory_space<vmem_shared>>
      %dma_start3A_156 = arith.constant 0 : i32
      %dma_start3A_157 = tpu.memref_slice %arg16[%add3A_38, %dma_start3A_156] : memref<10240x128xf32, #tpu.memory_space<vmem_shared>> -> memref<64x128xf32, #tpu.memory_space<vmem_shared>>
      tpu.enqueue_dma source(%arg8 : memref<64x128xf32, #tpu.memory_space<vmem>>) target(%dma_start3A_157 : memref<64x128xf32, #tpu.memory_space<vmem_shared>>) target_semaphore(%run_scoped3A : memref<!tpu.dma_semaphore, #tpu.memory_space<semaphore_mem>>)
      %dma_wait3A = arith.constant 0 : i32
      %dma_wait3A_158 = tpu.memref_slice %arg16[%add3A_38, %dma_wait3A] : memref<10240x128xf32, #tpu.memory_space<vmem_shared>> -> memref<64x128xf32, #tpu.memory_space<vmem_shared>>
      %dma_wait3A_159 = arith.constant 0 : i32
      %dma_wait3A_160 = tpu.memref_slice %arg16[%add3A_38, %dma_wait3A_159] : memref<10240x128xf32, #tpu.memory_space<vmem_shared>> -> memref<64x128xf32, #tpu.memory_space<vmem_shared>>
      tpu.wait_dma2 semaphore(%run_scoped3A : memref<!tpu.dma_semaphore, #tpu.memory_space<semaphore_mem>>) src(%arg8 : memref<64x128xf32, #tpu.memory_space<vmem>>) dst(%dma_wait3A_160 : memref<64x128xf32, #tpu.memory_space<vmem_shared>>)
      tpu.yield
    }) : () -> ()
    %mul3A_39 = arith.constant 640 : i32
    %mul3A_40 = arith.muli %arg1, %mul3A_39 : i32
    %add3A_41 = arith.constant 512 : i32
    %add3A_42 = arith.addi %mul3A_40, %add3A_41 : i32
    "tpu.region"() ({
      %run_scoped3A = tpu.sem_alloc : memref<!tpu.dma_semaphore, #tpu.memory_space<semaphore_mem>>
      %dma_start3A = arith.constant 0 : i32
      %dma_start3A_155 = tpu.memref_slice %arg16[%add3A_42, %dma_start3A] : memref<10240x128xf32, #tpu.memory_space<vmem_shared>> -> memref<64x128xf32, #tpu.memory_space<vmem_shared>>
      %dma_start3A_156 = arith.constant 0 : i32
      %dma_start3A_157 = tpu.memref_slice %arg16[%add3A_42, %dma_start3A_156] : memref<10240x128xf32, #tpu.memory_space<vmem_shared>> -> memref<64x128xf32, #tpu.memory_space<vmem_shared>>
      tpu.enqueue_dma source(%arg8 : memref<64x128xf32, #tpu.memory_space<vmem>>) target(%dma_start3A_157 : memref<64x128xf32, #tpu.memory_space<vmem_shared>>) target_semaphore(%run_scoped3A : memref<!tpu.dma_semaphore, #tpu.memory_space<semaphore_mem>>)
      %dma_wait3A = arith.constant 0 : i32
      %dma_wait3A_158 = tpu.memref_slice %arg16[%add3A_42, %dma_wait3A] : memref<10240x128xf32, #tpu.memory_space<vmem_shared>> -> memref<64x128xf32, #tpu.memory_space<vmem_shared>>
      %dma_wait3A_159 = arith.constant 0 : i32
      %dma_wait3A_160 = tpu.memref_slice %arg16[%add3A_42, %dma_wait3A_159] : memref<10240x128xf32, #tpu.memory_space<vmem_shared>> -> memref<64x128xf32, #tpu.memory_space<vmem_shared>>
      tpu.wait_dma2 semaphore(%run_scoped3A : memref<!tpu.dma_semaphore, #tpu.memory_space<semaphore_mem>>) src(%arg8 : memref<64x128xf32, #tpu.memory_space<vmem>>) dst(%dma_wait3A_160 : memref<64x128xf32, #tpu.memory_space<vmem_shared>>)
      tpu.yield
    }) : () -> ()
    %mul3A_43 = arith.constant 640 : i32
    %mul3A_44 = arith.muli %arg1, %mul3A_43 : i32
    %add3A_45 = arith.constant 576 : i32
    %add3A_46 = arith.addi %mul3A_44, %add3A_45 : i32
    "tpu.region"() ({
      %run_scoped3A = tpu.sem_alloc : memref<!tpu.dma_semaphore, #tpu.memory_space<semaphore_mem>>
      %dma_start3A = arith.constant 0 : i32
      %dma_start3A_155 = tpu.memref_slice %arg16[%add3A_46, %dma_start3A] : memref<10240x128xf32, #tpu.memory_space<vmem_shared>> -> memref<64x128xf32, #tpu.memory_space<vmem_shared>>
      %dma_start3A_156 = arith.constant 0 : i32
      %dma_start3A_157 = tpu.memref_slice %arg16[%add3A_46, %dma_start3A_156] : memref<10240x128xf32, #tpu.memory_space<vmem_shared>> -> memref<64x128xf32, #tpu.memory_space<vmem_shared>>
      tpu.enqueue_dma source(%arg8 : memref<64x128xf32, #tpu.memory_space<vmem>>) target(%dma_start3A_157 : memref<64x128xf32, #tpu.memory_space<vmem_shared>>) target_semaphore(%run_scoped3A : memref<!tpu.dma_semaphore, #tpu.memory_space<semaphore_mem>>)
      %dma_wait3A = arith.constant 0 : i32
      %dma_wait3A_158 = tpu.memref_slice %arg16[%add3A_46, %dma_wait3A] : memref<10240x128xf32, #tpu.memory_space<vmem_shared>> -> memref<64x128xf32, #tpu.memory_space<vmem_shared>>
      %dma_wait3A_159 = arith.constant 0 : i32
      %dma_wait3A_160 = tpu.memref_slice %arg16[%add3A_46, %dma_wait3A_159] : memref<10240x128xf32, #tpu.memory_space<vmem_shared>> -> memref<64x128xf32, #tpu.memory_space<vmem_shared>>
      tpu.wait_dma2 semaphore(%run_scoped3A : memref<!tpu.dma_semaphore, #tpu.memory_space<semaphore_mem>>) src(%arg8 : memref<64x128xf32, #tpu.memory_space<vmem>>) dst(%dma_wait3A_160 : memref<64x128xf32, #tpu.memory_space<vmem_shared>>)
      tpu.yield
    }) : () -> ()
    %barrier3A = arith.constant 0 : index
    tpu.barrier barrier_id(%barrier3A)
    %mul3A_47 = arith.constant -14 : i32
    %mul3A_48 = arith.muli %arg0, %mul3A_47 : i32
    %add3A_49 = arith.constant 15 : i32
    %add3A_50 = arith.addi %add3A_49, %mul3A_48 : i32
    %mul3A_51 = arith.constant 40 : i32
    %mul3A_52 = arith.muli %arg1, %mul3A_51 : i32
    %mul3A_53 = arith.constant -14 : i32
    %mul3A_54 = arith.muli %arg0, %mul3A_53 : i32
    %add3A_55 = arith.constant 15 : i32
    %add3A_56 = arith.addi %add3A_55, %mul3A_54 : i32
    %mul3A_57 = arith.muli %mul3A_52, %add3A_56 : i32
    %mul3A_58 = arith.constant 16 : i32
    %mul3A_59 = arith.muli %arg0, %mul3A_58 : i32
    %mul3A_60 = arith.constant 15 : i32
    %mul3A_61 = arith.muli %mul3A_59, %mul3A_60 : i32
    %mul3A_62 = arith.constant 40 : i32
    %mul3A_63 = arith.muli %mul3A_61, %mul3A_62 : i32
    %add3A_64 = arith.addi %mul3A_57, %mul3A_63 : i32
    %while3A = arith.constant 0 : i32
    %while3A_65 = arith.constant 0 : i32
    %while3A_66 = arith.subi %add3A_50, %while3A_65 : i32
    %while3A_67 = arith.addi %while3A_65, %while3A_66 : i32
    %while3A_68 = arith.constant 1 : i32
    %while3A_69 = arith.divsi %while3A_66, %while3A_68 : i32
    %while3A_70 = arith.muli %while3A_69, %while3A_68 : i32
    %while3A_71 = arith.addi %while3A_65, %while3A_70 : i32
    %while3A_72 = arith.constant 1 : i32
    scf.for %while3A_155 = %while3A_65 to %while3A_71 step %while3A_72  : i32 {
      %mul3A_156 = arith.constant 40 : i32
      %mul3A_157 = arith.muli %while3A_155, %mul3A_156 : i32
      %add3A_158 = arith.addi %add3A_64, %mul3A_157 : i32
      %multiple_of3A = tpu.assume_multiple %add3A_158, 8 : i32
      "tpu.region"() ({
        %run_scoped3A = tpu.sem_alloc : memref<!tpu.dma_semaphore, #tpu.memory_space<semaphore_mem>>
        %dma_start3A_185 = arith.constant 0 : i32
        %dma_start3A_186 = tpu.memref_slice %arg3[%multiple_of3A, %dma_start3A_185] : memref<10240x64xi32, #tpu.memory_space<hbm>> -> memref<40x64xi32, #tpu.memory_space<hbm>>
        %dma_start3A_187 = arith.constant 0 : i32
        %dma_start3A_188 = tpu.memref_slice %arg3[%multiple_of3A, %dma_start3A_187] : memref<10240x64xi32, #tpu.memory_space<hbm>> -> memref<40x64xi32, #tpu.memory_space<hbm>>
        tpu.enqueue_dma source(%dma_start3A_188 : memref<40x64xi32, #tpu.memory_space<hbm>>) target(%arg6 : memref<40x64xi32, #tpu.memory_space<vmem>>) target_semaphore(%run_scoped3A : memref<!tpu.dma_semaphore, #tpu.memory_space<semaphore_mem>>)
        %dma_wait3A = arith.constant 0 : i32
        %dma_wait3A_189 = tpu.memref_slice %arg3[%multiple_of3A, %dma_wait3A] : memref<10240x64xi32, #tpu.memory_space<hbm>> -> memref<40x64xi32, #tpu.memory_space<hbm>>
        %dma_wait3A_190 = arith.constant 0 : i32
        %dma_wait3A_191 = tpu.memref_slice %arg3[%multiple_of3A, %dma_wait3A_190] : memref<10240x64xi32, #tpu.memory_space<hbm>> -> memref<40x64xi32, #tpu.memory_space<hbm>>
        tpu.wait_dma2 semaphore(%run_scoped3A : memref<!tpu.dma_semaphore, #tpu.memory_space<semaphore_mem>>) src(%dma_wait3A_191 : memref<40x64xi32, #tpu.memory_space<hbm>>) dst(%arg6 : memref<40x64xi32, #tpu.memory_space<vmem>>)
        tpu.yield
      }) : () -> ()
      "tpu.region"() ({
        %run_scoped3A = tpu.sem_alloc : memref<!tpu.dma_semaphore, #tpu.memory_space<semaphore_mem>>
        %dma_start3A_185 = arith.constant 0 : i32
        %dma_start3A_186 = tpu.memref_slice %arg4[%multiple_of3A, %dma_start3A_185] : memref<10240x64xi32, #tpu.memory_space<hbm>> -> memref<40x64xi32, #tpu.memory_space<hbm>>
        %dma_start3A_187 = arith.constant 0 : i32
        %dma_start3A_188 = tpu.memref_slice %arg4[%multiple_of3A, %dma_start3A_187] : memref<10240x64xi32, #tpu.memory_space<hbm>> -> memref<40x64xi32, #tpu.memory_space<hbm>>
        tpu.enqueue_dma source(%dma_start3A_188 : memref<40x64xi32, #tpu.memory_space<hbm>>) target(%arg7 : memref<40x64xi32, #tpu.memory_space<vmem>>) target_semaphore(%run_scoped3A : memref<!tpu.dma_semaphore, #tpu.memory_space<semaphore_mem>>)
        %dma_wait3A = arith.constant 0 : i32
        %dma_wait3A_189 = tpu.memref_slice %arg4[%multiple_of3A, %dma_wait3A] : memref<10240x64xi32, #tpu.memory_space<hbm>> -> memref<40x64xi32, #tpu.memory_space<hbm>>
        %dma_wait3A_190 = arith.constant 0 : i32
        %dma_wait3A_191 = tpu.memref_slice %arg4[%multiple_of3A, %dma_wait3A_190] : memref<10240x64xi32, #tpu.memory_space<hbm>> -> memref<40x64xi32, #tpu.memory_space<hbm>>
        tpu.wait_dma2 semaphore(%run_scoped3A : memref<!tpu.dma_semaphore, #tpu.memory_space<semaphore_mem>>) src(%dma_wait3A_191 : memref<40x64xi32, #tpu.memory_space<hbm>>) dst(%arg7 : memref<40x64xi32, #tpu.memory_space<vmem>>)
        tpu.yield
      }) : () -> ()
      %dma_start3A = arith.constant 0 : i32
      %dma_start3A_159 = arith.constant 0 : i32
      %dma_start3A_160 = tpu.memref_slice %arg6[%dma_start3A, %dma_start3A_159] : memref<40x64xi32, #tpu.memory_space<vmem>> -> memref<1x64xi32, #tpu.memory_space<vmem>>
      %dma_start3A_161 = tpu.memref_squeeze %dma_start3A_160 : memref<1x64xi32, #tpu.memory_space<vmem>> -> memref<64xi32, #tpu.memory_space<vmem>>
      %dma_start3A_162 = arith.constant 0 : i32
      %dma_start3A_163 = arith.constant 0 : i32
      %dma_start3A_164 = tpu.memref_slice %arg2[%dma_start3A_162, %dma_start3A_163] : memref<10240x128xf32, #tpu.memory_space<hbm>> -> memref<10240x128xf32, #tpu.memory_space<hbm>>
      tpu.enqueue_indirect_dma source(%dma_start3A_164 : memref<10240x128xf32, #tpu.memory_space<hbm>>) target(%arg8 : memref<64x128xf32, #tpu.memory_space<vmem>>) offsets(%dma_start3A_161 : memref<64xi32, #tpu.memory_space<vmem>>) semaphore(%arg12 : memref<!tpu.dma_semaphore, #tpu.memory_space<semaphore_mem>>)
      %dma_start3A_165 = arith.constant 1 : i32
      %dma_start3A_166 = arith.constant 0 : i32
      %dma_start3A_167 = tpu.memref_slice %arg6[%dma_start3A_165, %dma_start3A_166] : memref<40x64xi32, #tpu.memory_space<vmem>> -> memref<1x64xi32, #tpu.memory_space<vmem>>
      %dma_start3A_168 = tpu.memref_squeeze %dma_start3A_167 : memref<1x64xi32, #tpu.memory_space<vmem>> -> memref<64xi32, #tpu.memory_space<vmem>>
      %dma_start3A_169 = arith.constant 0 : i32
      %dma_start3A_170 = arith.constant 0 : i32
      %dma_start3A_171 = tpu.memref_slice %arg2[%dma_start3A_169, %dma_start3A_170] : memref<10240x128xf32, #tpu.memory_space<hbm>> -> memref<10240x128xf32, #tpu.memory_space<hbm>>
      tpu.enqueue_indirect_dma source(%dma_start3A_171 : memref<10240x128xf32, #tpu.memory_space<hbm>>) target(%arg9 : memref<64x128xf32, #tpu.memory_space<vmem>>) offsets(%dma_start3A_168 : memref<64xi32, #tpu.memory_space<vmem>>) semaphore(%arg13 : memref<!tpu.dma_semaphore, #tpu.memory_space<semaphore_mem>>)
      %dma_start3A_172 = arith.constant 2 : i32
      %dma_start3A_173 = arith.constant 0 : i32
      %dma_start3A_174 = tpu.memref_slice %arg6[%dma_start3A_172, %dma_start3A_173] : memref<40x64xi32, #tpu.memory_space<vmem>> -> memref<1x64xi32, #tpu.memory_space<vmem>>
      %dma_start3A_175 = tpu.memref_squeeze %dma_start3A_174 : memref<1x64xi32, #tpu.memory_space<vmem>> -> memref<64xi32, #tpu.memory_space<vmem>>
      %dma_start3A_176 = arith.constant 0 : i32
      %dma_start3A_177 = arith.constant 0 : i32
      %dma_start3A_178 = tpu.memref_slice %arg2[%dma_start3A_176, %dma_start3A_177] : memref<10240x128xf32, #tpu.memory_space<hbm>> -> memref<10240x128xf32, #tpu.memory_space<hbm>>
      tpu.enqueue_indirect_dma source(%dma_start3A_178 : memref<10240x128xf32, #tpu.memory_space<hbm>>) target(%arg10 : memref<64x128xf32, #tpu.memory_space<vmem>>) offsets(%dma_start3A_175 : memref<64xi32, #tpu.memory_space<vmem>>) semaphore(%arg14 : memref<!tpu.dma_semaphore, #tpu.memory_space<semaphore_mem>>)
      %scan3A_179 = arith.constant 0 : i32
      %scan3A_180 = arith.constant 0 : i32
      %scan3A_181 = arith.constant 10 : i32
      %scan3A_182 = arith.addi %scan3A_180, %scan3A_181 : i32
      %scan3A_183 = arith.constant 1 : i32
      scf.for %scan3A_185 = %scan3A_180 to %scan3A_182 step %scan3A_183  : i32 {
        %mul3A_186 = arith.constant 4 : i32
        %mul3A_187 = arith.muli %mul3A_186, %scan3A_185 : i32
        %add3A_188 = arith.constant 0 : i32
        %add3A_189 = arith.addi %mul3A_187, %add3A_188 : i32
        %dma_wait3A = arith.constant 0 : i32
        %dma_wait3A_190 = tpu.memref_slice %arg6[%add3A_189, %dma_wait3A] : memref<40x64xi32, #tpu.memory_space<vmem>> -> memref<1x64xi32, #tpu.memory_space<vmem>>
        %dma_wait3A_191 = tpu.memref_squeeze %dma_wait3A_190 : memref<1x64xi32, #tpu.memory_space<vmem>> -> memref<64xi32, #tpu.memory_space<vmem>>
        %dma_wait3A_192 = arith.constant 0 : i32
        %dma_wait3A_193 = arith.constant 0 : i32
        %dma_wait3A_194 = tpu.memref_slice %arg2[%dma_wait3A_192, %dma_wait3A_193] : memref<10240x128xf32, #tpu.memory_space<hbm>> -> memref<10240x128xf32, #tpu.memory_space<hbm>>
        tpu.wait_indirect_dma semaphore(%arg12 : memref<!tpu.dma_semaphore, #tpu.memory_space<semaphore_mem>>) src(%dma_wait3A_194 : memref<10240x128xf32, #tpu.memory_space<hbm>>) dst(%arg8 : memref<64x128xf32, #tpu.memory_space<vmem>>)
        %add3A_195 = arith.constant 4 : i32
        %add3A_196 = arith.addi %add3A_189, %add3A_195 : i32
        %sub3A = arith.constant 1 : i32
        %sub3A_197 = arith.subi %add3A_196, %sub3A : i32
        %lt3A = arith.constant 40 : i32
        %lt3A_198 = arith.cmpi slt, %sub3A_197, %lt3A : i32
        %convert_element_type3A = arith.extui %lt3A_198 : i1 to i32
        %cond3A = arith.constant 0 : i32
        %cond3A_199 = arith.cmpi ne, %convert_element_type3A, %cond3A : i32
        scf.if %cond3A_199 {
          %add3A_257 = arith.constant 4 : i32
          %add3A_258 = arith.addi %add3A_189, %add3A_257 : i32
          %sub3A_259 = arith.constant 1 : i32
          %sub3A_260 = arith.subi %add3A_258, %sub3A_259 : i32
          %dma_start3A_261 = arith.constant 0 : i32
          %dma_start3A_262 = tpu.memref_slice %arg6[%sub3A_260, %dma_start3A_261] : memref<40x64xi32, #tpu.memory_space<vmem>> -> memref<1x64xi32, #tpu.memory_space<vmem>>
          %dma_start3A_263 = tpu.memref_squeeze %dma_start3A_262 : memref<1x64xi32, #tpu.memory_space<vmem>> -> memref<64xi32, #tpu.memory_space<vmem>>
          %dma_start3A_264 = arith.constant 0 : i32
          %dma_start3A_265 = arith.constant 0 : i32
          %dma_start3A_266 = tpu.memref_slice %arg2[%dma_start3A_264, %dma_start3A_265] : memref<10240x128xf32, #tpu.memory_space<hbm>> -> memref<10240x128xf32, #tpu.memory_space<hbm>>
          tpu.enqueue_indirect_dma source(%dma_start3A_266 : memref<10240x128xf32, #tpu.memory_space<hbm>>) target(%arg11 : memref<64x128xf32, #tpu.memory_space<vmem>>) offsets(%dma_start3A_263 : memref<64xi32, #tpu.memory_space<vmem>>) semaphore(%arg15 : memref<!tpu.dma_semaphore, #tpu.memory_space<semaphore_mem>>)
        } else {
        }
        "tpu.region"() ({
          %run_scoped3A = tpu.sem_alloc : memref<!tpu.dma_semaphore, #tpu.memory_space<semaphore_mem>>
          %dma_start3A_257 = arith.constant 0 : i32
          %dma_start3A_258 = tpu.memref_slice %arg7[%add3A_189, %dma_start3A_257] : memref<40x64xi32, #tpu.memory_space<vmem>> -> memref<1x64xi32, #tpu.memory_space<vmem>>
          %dma_start3A_259 = tpu.memref_squeeze %dma_start3A_258 : memref<1x64xi32, #tpu.memory_space<vmem>> -> memref<64xi32, #tpu.memory_space<vmem>>
          %dma_start3A_260 = arith.constant 0 : i32
          %dma_start3A_261 = arith.constant 0 : i32
          %dma_start3A_262 = tpu.memref_slice %arg16[%dma_start3A_260, %dma_start3A_261] : memref<10240x128xf32, #tpu.memory_space<vmem_shared>> -> memref<10240x128xf32, #tpu.memory_space<vmem_shared>>
          tpu.enqueue_indirect_dma source(%arg8 : memref<64x128xf32, #tpu.memory_space<vmem>>) target(%dma_start3A_262 : memref<10240x128xf32, #tpu.memory_space<vmem_shared>>) offsets(%dma_start3A_259 : memref<64xi32, #tpu.memory_space<vmem>>) semaphore(%run_scoped3A : memref<!tpu.dma_semaphore, #tpu.memory_space<semaphore_mem>>) {add = true}
          %dma_wait3A_263 = arith.constant 0 : i32
          %dma_wait3A_264 = tpu.memref_slice %arg7[%add3A_189, %dma_wait3A_263] : memref<40x64xi32, #tpu.memory_space<vmem>> -> memref<1x64xi32, #tpu.memory_space<vmem>>
          %dma_wait3A_265 = tpu.memref_squeeze %dma_wait3A_264 : memref<1x64xi32, #tpu.memory_space<vmem>> -> memref<64xi32, #tpu.memory_space<vmem>>
          %dma_wait3A_266 = arith.constant 0 : i32
          %dma_wait3A_267 = arith.constant 0 : i32
          %dma_wait3A_268 = tpu.memref_slice %arg16[%dma_wait3A_266, %dma_wait3A_267] : memref<10240x128xf32, #tpu.memory_space<vmem_shared>> -> memref<10240x128xf32, #tpu.memory_space<vmem_shared>>
          tpu.wait_indirect_dma semaphore(%run_scoped3A : memref<!tpu.dma_semaphore, #tpu.memory_space<semaphore_mem>>) src(%arg8 : memref<64x128xf32, #tpu.memory_space<vmem>>) dst(%dma_wait3A_268 : memref<10240x128xf32, #tpu.memory_space<vmem_shared>>)
          tpu.yield
        }) : () -> ()
        %mul3A_200 = arith.constant 4 : i32
        %mul3A_201 = arith.muli %mul3A_200, %scan3A_185 : i32
        %add3A_202 = arith.constant 1 : i32
        %add3A_203 = arith.addi %mul3A_201, %add3A_202 : i32
        %dma_wait3A_204 = arith.constant 0 : i32
        %dma_wait3A_205 = tpu.memref_slice %arg6[%add3A_203, %dma_wait3A_204] : memref<40x64xi32, #tpu.memory_space<vmem>> -> memref<1x64xi32, #tpu.memory_space<vmem>>
        %dma_wait3A_206 = tpu.memref_squeeze %dma_wait3A_205 : memref<1x64xi32, #tpu.memory_space<vmem>> -> memref<64xi32, #tpu.memory_space<vmem>>
        %dma_wait3A_207 = arith.constant 0 : i32
        %dma_wait3A_208 = arith.constant 0 : i32
        %dma_wait3A_209 = tpu.memref_slice %arg2[%dma_wait3A_207, %dma_wait3A_208] : memref<10240x128xf32, #tpu.memory_space<hbm>> -> memref<10240x128xf32, #tpu.memory_space<hbm>>
        tpu.wait_indirect_dma semaphore(%arg13 : memref<!tpu.dma_semaphore, #tpu.memory_space<semaphore_mem>>) src(%dma_wait3A_209 : memref<10240x128xf32, #tpu.memory_space<hbm>>) dst(%arg9 : memref<64x128xf32, #tpu.memory_space<vmem>>)
        %add3A_210 = arith.constant 4 : i32
        %add3A_211 = arith.addi %add3A_203, %add3A_210 : i32
        %sub3A_212 = arith.constant 1 : i32
        %sub3A_213 = arith.subi %add3A_211, %sub3A_212 : i32
        %lt3A_214 = arith.constant 40 : i32
        %lt3A_215 = arith.cmpi slt, %sub3A_213, %lt3A_214 : i32
        %convert_element_type3A_216 = arith.extui %lt3A_215 : i1 to i32
        %cond3A_217 = arith.constant 0 : i32
        %cond3A_218 = arith.cmpi ne, %convert_element_type3A_216, %cond3A_217 : i32
        scf.if %cond3A_218 {
          %add3A_257 = arith.constant 4 : i32
          %add3A_258 = arith.addi %add3A_203, %add3A_257 : i32
          %sub3A_259 = arith.constant 1 : i32
          %sub3A_260 = arith.subi %add3A_258, %sub3A_259 : i32
          %dma_start3A_261 = arith.constant 0 : i32
          %dma_start3A_262 = tpu.memref_slice %arg6[%sub3A_260, %dma_start3A_261] : memref<40x64xi32, #tpu.memory_space<vmem>> -> memref<1x64xi32, #tpu.memory_space<vmem>>
          %dma_start3A_263 = tpu.memref_squeeze %dma_start3A_262 : memref<1x64xi32, #tpu.memory_space<vmem>> -> memref<64xi32, #tpu.memory_space<vmem>>
          %dma_start3A_264 = arith.constant 0 : i32
          %dma_start3A_265 = arith.constant 0 : i32
          %dma_start3A_266 = tpu.memref_slice %arg2[%dma_start3A_264, %dma_start3A_265] : memref<10240x128xf32, #tpu.memory_space<hbm>> -> memref<10240x128xf32, #tpu.memory_space<hbm>>
          tpu.enqueue_indirect_dma source(%dma_start3A_266 : memref<10240x128xf32, #tpu.memory_space<hbm>>) target(%arg8 : memref<64x128xf32, #tpu.memory_space<vmem>>) offsets(%dma_start3A_263 : memref<64xi32, #tpu.memory_space<vmem>>) semaphore(%arg12 : memref<!tpu.dma_semaphore, #tpu.memory_space<semaphore_mem>>)
        } else {
        }
        "tpu.region"() ({
          %run_scoped3A = tpu.sem_alloc : memref<!tpu.dma_semaphore, #tpu.memory_space<semaphore_mem>>
          %dma_start3A_257 = arith.constant 0 : i32
          %dma_start3A_258 = tpu.memref_slice %arg7[%add3A_203, %dma_start3A_257] : memref<40x64xi32, #tpu.memory_space<vmem>> -> memref<1x64xi32, #tpu.memory_space<vmem>>
          %dma_start3A_259 = tpu.memref_squeeze %dma_start3A_258 : memref<1x64xi32, #tpu.memory_space<vmem>> -> memref<64xi32, #tpu.memory_space<vmem>>
          %dma_start3A_260 = arith.constant 0 : i32
          %dma_start3A_261 = arith.constant 0 : i32
          %dma_start3A_262 = tpu.memref_slice %arg16[%dma_start3A_260, %dma_start3A_261] : memref<10240x128xf32, #tpu.memory_space<vmem_shared>> -> memref<10240x128xf32, #tpu.memory_space<vmem_shared>>
          tpu.enqueue_indirect_dma source(%arg9 : memref<64x128xf32, #tpu.memory_space<vmem>>) target(%dma_start3A_262 : memref<10240x128xf32, #tpu.memory_space<vmem_shared>>) offsets(%dma_start3A_259 : memref<64xi32, #tpu.memory_space<vmem>>) semaphore(%run_scoped3A : memref<!tpu.dma_semaphore, #tpu.memory_space<semaphore_mem>>) {add = true}
          %dma_wait3A_263 = arith.constant 0 : i32
          %dma_wait3A_264 = tpu.memref_slice %arg7[%add3A_203, %dma_wait3A_263] : memref<40x64xi32, #tpu.memory_space<vmem>> -> memref<1x64xi32, #tpu.memory_space<vmem>>
          %dma_wait3A_265 = tpu.memref_squeeze %dma_wait3A_264 : memref<1x64xi32, #tpu.memory_space<vmem>> -> memref<64xi32, #tpu.memory_space<vmem>>
          %dma_wait3A_266 = arith.constant 0 : i32
          %dma_wait3A_267 = arith.constant 0 : i32
          %dma_wait3A_268 = tpu.memref_slice %arg16[%dma_wait3A_266, %dma_wait3A_267] : memref<10240x128xf32, #tpu.memory_space<vmem_shared>> -> memref<10240x128xf32, #tpu.memory_space<vmem_shared>>
          tpu.wait_indirect_dma semaphore(%run_scoped3A : memref<!tpu.dma_semaphore, #tpu.memory_space<semaphore_mem>>) src(%arg9 : memref<64x128xf32, #tpu.memory_space<vmem>>) dst(%dma_wait3A_268 : memref<10240x128xf32, #tpu.memory_space<vmem_shared>>)
          tpu.yield
        }) : () -> ()
        %mul3A_219 = arith.constant 4 : i32
        %mul3A_220 = arith.muli %mul3A_219, %scan3A_185 : i32
        %add3A_221 = arith.constant 2 : i32
        %add3A_222 = arith.addi %mul3A_220, %add3A_221 : i32
        %dma_wait3A_223 = arith.constant 0 : i32
        %dma_wait3A_224 = tpu.memref_slice %arg6[%add3A_222, %dma_wait3A_223] : memref<40x64xi32, #tpu.memory_space<vmem>> -> memref<1x64xi32, #tpu.memory_space<vmem>>
        %dma_wait3A_225 = tpu.memref_squeeze %dma_wait3A_224 : memref<1x64xi32, #tpu.memory_space<vmem>> -> memref<64xi32, #tpu.memory_space<vmem>>
        %dma_wait3A_226 = arith.constant 0 : i32
        %dma_wait3A_227 = arith.constant 0 : i32
        %dma_wait3A_228 = tpu.memref_slice %arg2[%dma_wait3A_226, %dma_wait3A_227] : memref<10240x128xf32, #tpu.memory_space<hbm>> -> memref<10240x128xf32, #tpu.memory_space<hbm>>
        tpu.wait_indirect_dma semaphore(%arg14 : memref<!tpu.dma_semaphore, #tpu.memory_space<semaphore_mem>>) src(%dma_wait3A_228 : memref<10240x128xf32, #tpu.memory_space<hbm>>) dst(%arg10 : memref<64x128xf32, #tpu.memory_space<vmem>>)
        %add3A_229 = arith.constant 4 : i32
        %add3A_230 = arith.addi %add3A_222, %add3A_229 : i32
        %sub3A_231 = arith.constant 1 : i32
        %sub3A_232 = arith.subi %add3A_230, %sub3A_231 : i32
        %lt3A_233 = arith.constant 40 : i32
        %lt3A_234 = arith.cmpi slt, %sub3A_232, %lt3A_233 : i32
        %convert_element_type3A_235 = arith.extui %lt3A_234 : i1 to i32
        %cond3A_236 = arith.constant 0 : i32
        %cond3A_237 = arith.cmpi ne, %convert_element_type3A_235, %cond3A_236 : i32
        scf.if %cond3A_237 {
          %add3A_257 = arith.constant 4 : i32
          %add3A_258 = arith.addi %add3A_222, %add3A_257 : i32
          %sub3A_259 = arith.constant 1 : i32
          %sub3A_260 = arith.subi %add3A_258, %sub3A_259 : i32
          %dma_start3A_261 = arith.constant 0 : i32
          %dma_start3A_262 = tpu.memref_slice %arg6[%sub3A_260, %dma_start3A_261] : memref<40x64xi32, #tpu.memory_space<vmem>> -> memref<1x64xi32, #tpu.memory_space<vmem>>
          %dma_start3A_263 = tpu.memref_squeeze %dma_start3A_262 : memref<1x64xi32, #tpu.memory_space<vmem>> -> memref<64xi32, #tpu.memory_space<vmem>>
          %dma_start3A_264 = arith.constant 0 : i32
          %dma_start3A_265 = arith.constant 0 : i32
          %dma_start3A_266 = tpu.memref_slice %arg2[%dma_start3A_264, %dma_start3A_265] : memref<10240x128xf32, #tpu.memory_space<hbm>> -> memref<10240x128xf32, #tpu.memory_space<hbm>>
          tpu.enqueue_indirect_dma source(%dma_start3A_266 : memref<10240x128xf32, #tpu.memory_space<hbm>>) target(%arg9 : memref<64x128xf32, #tpu.memory_space<vmem>>) offsets(%dma_start3A_263 : memref<64xi32, #tpu.memory_space<vmem>>) semaphore(%arg13 : memref<!tpu.dma_semaphore, #tpu.memory_space<semaphore_mem>>)
        } else {
        }
        "tpu.region"() ({
          %run_scoped3A = tpu.sem_alloc : memref<!tpu.dma_semaphore, #tpu.memory_space<semaphore_mem>>
          %dma_start3A_257 = arith.constant 0 : i32
          %dma_start3A_258 = tpu.memref_slice %arg7[%add3A_222, %dma_start3A_257] : memref<40x64xi32, #tpu.memory_space<vmem>> -> memref<1x64xi32, #tpu.memory_space<vmem>>
          %dma_start3A_259 = tpu.memref_squeeze %dma_start3A_258 : memref<1x64xi32, #tpu.memory_space<vmem>> -> memref<64xi32, #tpu.memory_space<vmem>>
          %dma_start3A_260 = arith.constant 0 : i32
          %dma_start3A_261 = arith.constant 0 : i32
          %dma_start3A_262 = tpu.memref_slice %arg16[%dma_start3A_260, %dma_start3A_261] : memref<10240x128xf32, #tpu.memory_space<vmem_shared>> -> memref<10240x128xf32, #tpu.memory_space<vmem_shared>>
          tpu.enqueue_indirect_dma source(%arg10 : memref<64x128xf32, #tpu.memory_space<vmem>>) target(%dma_start3A_262 : memref<10240x128xf32, #tpu.memory_space<vmem_shared>>) offsets(%dma_start3A_259 : memref<64xi32, #tpu.memory_space<vmem>>) semaphore(%run_scoped3A : memref<!tpu.dma_semaphore, #tpu.memory_space<semaphore_mem>>) {add = true}
          %dma_wait3A_263 = arith.constant 0 : i32
          %dma_wait3A_264 = tpu.memref_slice %arg7[%add3A_222, %dma_wait3A_263] : memref<40x64xi32, #tpu.memory_space<vmem>> -> memref<1x64xi32, #tpu.memory_space<vmem>>
          %dma_wait3A_265 = tpu.memref_squeeze %dma_wait3A_264 : memref<1x64xi32, #tpu.memory_space<vmem>> -> memref<64xi32, #tpu.memory_space<vmem>>
          %dma_wait3A_266 = arith.constant 0 : i32
          %dma_wait3A_267 = arith.constant 0 : i32
          %dma_wait3A_268 = tpu.memref_slice %arg16[%dma_wait3A_266, %dma_wait3A_267] : memref<10240x128xf32, #tpu.memory_space<vmem_shared>> -> memref<10240x128xf32, #tpu.memory_space<vmem_shared>>
          tpu.wait_indirect_dma semaphore(%run_scoped3A : memref<!tpu.dma_semaphore, #tpu.memory_space<semaphore_mem>>) src(%arg10 : memref<64x128xf32, #tpu.memory_space<vmem>>) dst(%dma_wait3A_268 : memref<10240x128xf32, #tpu.memory_space<vmem_shared>>)
          tpu.yield
        }) : () -> ()
        %mul3A_238 = arith.constant 4 : i32
        %mul3A_239 = arith.muli %mul3A_238, %scan3A_185 : i32
        %add3A_240 = arith.constant 3 : i32
        %add3A_241 = arith.addi %mul3A_239, %add3A_240 : i32
        %dma_wait3A_242 = arith.constant 0 : i32
        %dma_wait3A_243 = tpu.memref_slice %arg6[%add3A_241, %dma_wait3A_242] : memref<40x64xi32, #tpu.memory_space<vmem>> -> memref<1x64xi32, #tpu.memory_space<vmem>>
        %dma_wait3A_244 = tpu.memref_squeeze %dma_wait3A_243 : memref<1x64xi32, #tpu.memory_space<vmem>> -> memref<64xi32, #tpu.memory_space<vmem>>
        %dma_wait3A_245 = arith.constant 0 : i32
        %dma_wait3A_246 = arith.constant 0 : i32
        %dma_wait3A_247 = tpu.memref_slice %arg2[%dma_wait3A_245, %dma_wait3A_246] : memref<10240x128xf32, #tpu.memory_space<hbm>> -> memref<10240x128xf32, #tpu.memory_space<hbm>>
        tpu.wait_indirect_dma semaphore(%arg15 : memref<!tpu.dma_semaphore, #tpu.memory_space<semaphore_mem>>) src(%dma_wait3A_247 : memref<10240x128xf32, #tpu.memory_space<hbm>>) dst(%arg11 : memref<64x128xf32, #tpu.memory_space<vmem>>)
        %add3A_248 = arith.constant 4 : i32
        %add3A_249 = arith.addi %add3A_241, %add3A_248 : i32
        %sub3A_250 = arith.constant 1 : i32
        %sub3A_251 = arith.subi %add3A_249, %sub3A_250 : i32
        %lt3A_252 = arith.constant 40 : i32
        %lt3A_253 = arith.cmpi slt, %sub3A_251, %lt3A_252 : i32
        %convert_element_type3A_254 = arith.extui %lt3A_253 : i1 to i32
        %cond3A_255 = arith.constant 0 : i32
        %cond3A_256 = arith.cmpi ne, %convert_element_type3A_254, %cond3A_255 : i32
        scf.if %cond3A_256 {
          %add3A_257 = arith.constant 4 : i32
          %add3A_258 = arith.addi %add3A_241, %add3A_257 : i32
          %sub3A_259 = arith.constant 1 : i32
          %sub3A_260 = arith.subi %add3A_258, %sub3A_259 : i32
          %dma_start3A_261 = arith.constant 0 : i32
          %dma_start3A_262 = tpu.memref_slice %arg6[%sub3A_260, %dma_start3A_261] : memref<40x64xi32, #tpu.memory_space<vmem>> -> memref<1x64xi32, #tpu.memory_space<vmem>>
          %dma_start3A_263 = tpu.memref_squeeze %dma_start3A_262 : memref<1x64xi32, #tpu.memory_space<vmem>> -> memref<64xi32, #tpu.memory_space<vmem>>
          %dma_start3A_264 = arith.constant 0 : i32
          %dma_start3A_265 = arith.constant 0 : i32
          %dma_start3A_266 = tpu.memref_slice %arg2[%dma_start3A_264, %dma_start3A_265] : memref<10240x128xf32, #tpu.memory_space<hbm>> -> memref<10240x128xf32, #tpu.memory_space<hbm>>
          tpu.enqueue_indirect_dma source(%dma_start3A_266 : memref<10240x128xf32, #tpu.memory_space<hbm>>) target(%arg10 : memref<64x128xf32, #tpu.memory_space<vmem>>) offsets(%dma_start3A_263 : memref<64xi32, #tpu.memory_space<vmem>>) semaphore(%arg14 : memref<!tpu.dma_semaphore, #tpu.memory_space<semaphore_mem>>)
        } else {
        }
        "tpu.region"() ({
          %run_scoped3A = tpu.sem_alloc : memref<!tpu.dma_semaphore, #tpu.memory_space<semaphore_mem>>
          %dma_start3A_257 = arith.constant 0 : i32
          %dma_start3A_258 = tpu.memref_slice %arg7[%add3A_241, %dma_start3A_257] : memref<40x64xi32, #tpu.memory_space<vmem>> -> memref<1x64xi32, #tpu.memory_space<vmem>>
          %dma_start3A_259 = tpu.memref_squeeze %dma_start3A_258 : memref<1x64xi32, #tpu.memory_space<vmem>> -> memref<64xi32, #tpu.memory_space<vmem>>
          %dma_start3A_260 = arith.constant 0 : i32
          %dma_start3A_261 = arith.constant 0 : i32
          %dma_start3A_262 = tpu.memref_slice %arg16[%dma_start3A_260, %dma_start3A_261] : memref<10240x128xf32, #tpu.memory_space<vmem_shared>> -> memref<10240x128xf32, #tpu.memory_space<vmem_shared>>
          tpu.enqueue_indirect_dma source(%arg11 : memref<64x128xf32, #tpu.memory_space<vmem>>) target(%dma_start3A_262 : memref<10240x128xf32, #tpu.memory_space<vmem_shared>>) offsets(%dma_start3A_259 : memref<64xi32, #tpu.memory_space<vmem>>) semaphore(%run_scoped3A : memref<!tpu.dma_semaphore, #tpu.memory_space<semaphore_mem>>) {add = true}
          %dma_wait3A_263 = arith.constant 0 : i32
          %dma_wait3A_264 = tpu.memref_slice %arg7[%add3A_241, %dma_wait3A_263] : memref<40x64xi32, #tpu.memory_space<vmem>> -> memref<1x64xi32, #tpu.memory_space<vmem>>
          %dma_wait3A_265 = tpu.memref_squeeze %dma_wait3A_264 : memref<1x64xi32, #tpu.memory_space<vmem>> -> memref<64xi32, #tpu.memory_space<vmem>>
          %dma_wait3A_266 = arith.constant 0 : i32
          %dma_wait3A_267 = arith.constant 0 : i32
          %dma_wait3A_268 = tpu.memref_slice %arg16[%dma_wait3A_266, %dma_wait3A_267] : memref<10240x128xf32, #tpu.memory_space<vmem_shared>> -> memref<10240x128xf32, #tpu.memory_space<vmem_shared>>
          tpu.wait_indirect_dma semaphore(%run_scoped3A : memref<!tpu.dma_semaphore, #tpu.memory_space<semaphore_mem>>) src(%arg11 : memref<64x128xf32, #tpu.memory_space<vmem>>) dst(%dma_wait3A_268 : memref<10240x128xf32, #tpu.memory_space<vmem_shared>>)
          tpu.yield
        }) : () -> ()
      }
      %scan3A_184 = arith.constant 10 : i32
    }
    %while3A_73 = arith.constant 1 : i32
    scf.for %while3A_155 = %while3A_71 to %while3A_67 step %while3A_73  : i32 {
      %mul3A_156 = arith.constant 40 : i32
      %mul3A_157 = arith.muli %while3A_155, %mul3A_156 : i32
      %add3A_158 = arith.addi %add3A_64, %mul3A_157 : i32
      %multiple_of3A = tpu.assume_multiple %add3A_158, 8 : i32
      "tpu.region"() ({
        %run_scoped3A = tpu.sem_alloc : memref<!tpu.dma_semaphore, #tpu.memory_space<semaphore_mem>>
        %dma_start3A_185 = arith.constant 0 : i32
        %dma_start3A_186 = tpu.memref_slice %arg3[%multiple_of3A, %dma_start3A_185] : memref<10240x64xi32, #tpu.memory_space<hbm>> -> memref<40x64xi32, #tpu.memory_space<hbm>>
        %dma_start3A_187 = arith.constant 0 : i32
        %dma_start3A_188 = tpu.memref_slice %arg3[%multiple_of3A, %dma_start3A_187] : memref<10240x64xi32, #tpu.memory_space<hbm>> -> memref<40x64xi32, #tpu.memory_space<hbm>>
        tpu.enqueue_dma source(%dma_start3A_188 : memref<40x64xi32, #tpu.memory_space<hbm>>) target(%arg6 : memref<40x64xi32, #tpu.memory_space<vmem>>) target_semaphore(%run_scoped3A : memref<!tpu.dma_semaphore, #tpu.memory_space<semaphore_mem>>)
        %dma_wait3A = arith.constant 0 : i32
        %dma_wait3A_189 = tpu.memref_slice %arg3[%multiple_of3A, %dma_wait3A] : memref<10240x64xi32, #tpu.memory_space<hbm>> -> memref<40x64xi32, #tpu.memory_space<hbm>>
        %dma_wait3A_190 = arith.constant 0 : i32
        %dma_wait3A_191 = tpu.memref_slice %arg3[%multiple_of3A, %dma_wait3A_190] : memref<10240x64xi32, #tpu.memory_space<hbm>> -> memref<40x64xi32, #tpu.memory_space<hbm>>
        tpu.wait_dma2 semaphore(%run_scoped3A : memref<!tpu.dma_semaphore, #tpu.memory_space<semaphore_mem>>) src(%dma_wait3A_191 : memref<40x64xi32, #tpu.memory_space<hbm>>) dst(%arg6 : memref<40x64xi32, #tpu.memory_space<vmem>>)
        tpu.yield
      }) : () -> ()
      "tpu.region"() ({
        %run_scoped3A = tpu.sem_alloc : memref<!tpu.dma_semaphore, #tpu.memory_space<semaphore_mem>>
        %dma_start3A_185 = arith.constant 0 : i32
        %dma_start3A_186 = tpu.memref_slice %arg4[%multiple_of3A, %dma_start3A_185] : memref<10240x64xi32, #tpu.memory_space<hbm>> -> memref<40x64xi32, #tpu.memory_space<hbm>>
        %dma_start3A_187 = arith.constant 0 : i32
        %dma_start3A_188 = tpu.memref_slice %arg4[%multiple_of3A, %dma_start3A_187] : memref<10240x64xi32, #tpu.memory_space<hbm>> -> memref<40x64xi32, #tpu.memory_space<hbm>>
        tpu.enqueue_dma source(%dma_start3A_188 : memref<40x64xi32, #tpu.memory_space<hbm>>) target(%arg7 : memref<40x64xi32, #tpu.memory_space<vmem>>) target_semaphore(%run_scoped3A : memref<!tpu.dma_semaphore, #tpu.memory_space<semaphore_mem>>)
        %dma_wait3A = arith.constant 0 : i32
        %dma_wait3A_189 = tpu.memref_slice %arg4[%multiple_of3A, %dma_wait3A] : memref<10240x64xi32, #tpu.memory_space<hbm>> -> memref<40x64xi32, #tpu.memory_space<hbm>>
        %dma_wait3A_190 = arith.constant 0 : i32
        %dma_wait3A_191 = tpu.memref_slice %arg4[%multiple_of3A, %dma_wait3A_190] : memref<10240x64xi32, #tpu.memory_space<hbm>> -> memref<40x64xi32, #tpu.memory_space<hbm>>
        tpu.wait_dma2 semaphore(%run_scoped3A : memref<!tpu.dma_semaphore, #tpu.memory_space<semaphore_mem>>) src(%dma_wait3A_191 : memref<40x64xi32, #tpu.memory_space<hbm>>) dst(%arg7 : memref<40x64xi32, #tpu.memory_space<vmem>>)
        tpu.yield
      }) : () -> ()
      %dma_start3A = arith.constant 0 : i32
      %dma_start3A_159 = arith.constant 0 : i32
      %dma_start3A_160 = tpu.memref_slice %arg6[%dma_start3A, %dma_start3A_159] : memref<40x64xi32, #tpu.memory_space<vmem>> -> memref<1x64xi32, #tpu.memory_space<vmem>>
      %dma_start3A_161 = tpu.memref_squeeze %dma_start3A_160 : memref<1x64xi32, #tpu.memory_space<vmem>> -> memref<64xi32, #tpu.memory_space<vmem>>
      %dma_start3A_162 = arith.constant 0 : i32
      %dma_start3A_163 = arith.constant 0 : i32
      %dma_start3A_164 = tpu.memref_slice %arg2[%dma_start3A_162, %dma_start3A_163] : memref<10240x128xf32, #tpu.memory_space<hbm>> -> memref<10240x128xf32, #tpu.memory_space<hbm>>
      tpu.enqueue_indirect_dma source(%dma_start3A_164 : memref<10240x128xf32, #tpu.memory_space<hbm>>) target(%arg8 : memref<64x128xf32, #tpu.memory_space<vmem>>) offsets(%dma_start3A_161 : memref<64xi32, #tpu.memory_space<vmem>>) semaphore(%arg12 : memref<!tpu.dma_semaphore, #tpu.memory_space<semaphore_mem>>)
      %dma_start3A_165 = arith.constant 1 : i32
      %dma_start3A_166 = arith.constant 0 : i32
      %dma_start3A_167 = tpu.memref_slice %arg6[%dma_start3A_165, %dma_start3A_166] : memref<40x64xi32, #tpu.memory_space<vmem>> -> memref<1x64xi32, #tpu.memory_space<vmem>>
      %dma_start3A_168 = tpu.memref_squeeze %dma_start3A_167 : memref<1x64xi32, #tpu.memory_space<vmem>> -> memref<64xi32, #tpu.memory_space<vmem>>
      %dma_start3A_169 = arith.constant 0 : i32
      %dma_start3A_170 = arith.constant 0 : i32
      %dma_start3A_171 = tpu.memref_slice %arg2[%dma_start3A_169, %dma_start3A_170] : memref<10240x128xf32, #tpu.memory_space<hbm>> -> memref<10240x128xf32, #tpu.memory_space<hbm>>
      tpu.enqueue_indirect_dma source(%dma_start3A_171 : memref<10240x128xf32, #tpu.memory_space<hbm>>) target(%arg9 : memref<64x128xf32, #tpu.memory_space<vmem>>) offsets(%dma_start3A_168 : memref<64xi32, #tpu.memory_space<vmem>>) semaphore(%arg13 : memref<!tpu.dma_semaphore, #tpu.memory_space<semaphore_mem>>)
      %dma_start3A_172 = arith.constant 2 : i32
      %dma_start3A_173 = arith.constant 0 : i32
      %dma_start3A_174 = tpu.memref_slice %arg6[%dma_start3A_172, %dma_start3A_173] : memref<40x64xi32, #tpu.memory_space<vmem>> -> memref<1x64xi32, #tpu.memory_space<vmem>>
      %dma_start3A_175 = tpu.memref_squeeze %dma_start3A_174 : memref<1x64xi32, #tpu.memory_space<vmem>> -> memref<64xi32, #tpu.memory_space<vmem>>
      %dma_start3A_176 = arith.constant 0 : i32
      %dma_start3A_177 = arith.constant 0 : i32
      %dma_start3A_178 = tpu.memref_slice %arg2[%dma_start3A_176, %dma_start3A_177] : memref<10240x128xf32, #tpu.memory_space<hbm>> -> memref<10240x128xf32, #tpu.memory_space<hbm>>
      tpu.enqueue_indirect_dma source(%dma_start3A_178 : memref<10240x128xf32, #tpu.memory_space<hbm>>) target(%arg10 : memref<64x128xf32, #tpu.memory_space<vmem>>) offsets(%dma_start3A_175 : memref<64xi32, #tpu.memory_space<vmem>>) semaphore(%arg14 : memref<!tpu.dma_semaphore, #tpu.memory_space<semaphore_mem>>)
      %scan3A_179 = arith.constant 0 : i32
      %scan3A_180 = arith.constant 0 : i32
      %scan3A_181 = arith.constant 10 : i32
      %scan3A_182 = arith.addi %scan3A_180, %scan3A_181 : i32
      %scan3A_183 = arith.constant 1 : i32
      scf.for %scan3A_185 = %scan3A_180 to %scan3A_182 step %scan3A_183  : i32 {
        %mul3A_186 = arith.constant 4 : i32
        %mul3A_187 = arith.muli %mul3A_186, %scan3A_185 : i32
        %add3A_188 = arith.constant 0 : i32
        %add3A_189 = arith.addi %mul3A_187, %add3A_188 : i32
        %dma_wait3A = arith.constant 0 : i32
        %dma_wait3A_190 = tpu.memref_slice %arg6[%add3A_189, %dma_wait3A] : memref<40x64xi32, #tpu.memory_space<vmem>> -> memref<1x64xi32, #tpu.memory_space<vmem>>
        %dma_wait3A_191 = tpu.memref_squeeze %dma_wait3A_190 : memref<1x64xi32, #tpu.memory_space<vmem>> -> memref<64xi32, #tpu.memory_space<vmem>>
        %dma_wait3A_192 = arith.constant 0 : i32
        %dma_wait3A_193 = arith.constant 0 : i32
        %dma_wait3A_194 = tpu.memref_slice %arg2[%dma_wait3A_192, %dma_wait3A_193] : memref<10240x128xf32, #tpu.memory_space<hbm>> -> memref<10240x128xf32, #tpu.memory_space<hbm>>
        tpu.wait_indirect_dma semaphore(%arg12 : memref<!tpu.dma_semaphore, #tpu.memory_space<semaphore_mem>>) src(%dma_wait3A_194 : memref<10240x128xf32, #tpu.memory_space<hbm>>) dst(%arg8 : memref<64x128xf32, #tpu.memory_space<vmem>>)
        %add3A_195 = arith.constant 4 : i32
        %add3A_196 = arith.addi %add3A_189, %add3A_195 : i32
        %sub3A = arith.constant 1 : i32
        %sub3A_197 = arith.subi %add3A_196, %sub3A : i32
        %lt3A = arith.constant 40 : i32
        %lt3A_198 = arith.cmpi slt, %sub3A_197, %lt3A : i32
        %convert_element_type3A = arith.extui %lt3A_198 : i1 to i32
        %cond3A = arith.constant 0 : i32
        %cond3A_199 = arith.cmpi ne, %convert_element_type3A, %cond3A : i32
        scf.if %cond3A_199 {
          %add3A_257 = arith.constant 4 : i32
          %add3A_258 = arith.addi %add3A_189, %add3A_257 : i32
          %sub3A_259 = arith.constant 1 : i32
          %sub3A_260 = arith.subi %add3A_258, %sub3A_259 : i32
          %dma_start3A_261 = arith.constant 0 : i32
          %dma_start3A_262 = tpu.memref_slice %arg6[%sub3A_260, %dma_start3A_261] : memref<40x64xi32, #tpu.memory_space<vmem>> -> memref<1x64xi32, #tpu.memory_space<vmem>>
          %dma_start3A_263 = tpu.memref_squeeze %dma_start3A_262 : memref<1x64xi32, #tpu.memory_space<vmem>> -> memref<64xi32, #tpu.memory_space<vmem>>
          %dma_start3A_264 = arith.constant 0 : i32
          %dma_start3A_265 = arith.constant 0 : i32
          %dma_start3A_266 = tpu.memref_slice %arg2[%dma_start3A_264, %dma_start3A_265] : memref<10240x128xf32, #tpu.memory_space<hbm>> -> memref<10240x128xf32, #tpu.memory_space<hbm>>
          tpu.enqueue_indirect_dma source(%dma_start3A_266 : memref<10240x128xf32, #tpu.memory_space<hbm>>) target(%arg11 : memref<64x128xf32, #tpu.memory_space<vmem>>) offsets(%dma_start3A_263 : memref<64xi32, #tpu.memory_space<vmem>>) semaphore(%arg15 : memref<!tpu.dma_semaphore, #tpu.memory_space<semaphore_mem>>)
        } else {
        }
        "tpu.region"() ({
          %run_scoped3A = tpu.sem_alloc : memref<!tpu.dma_semaphore, #tpu.memory_space<semaphore_mem>>
          %dma_start3A_257 = arith.constant 0 : i32
          %dma_start3A_258 = tpu.memref_slice %arg7[%add3A_189, %dma_start3A_257] : memref<40x64xi32, #tpu.memory_space<vmem>> -> memref<1x64xi32, #tpu.memory_space<vmem>>
          %dma_start3A_259 = tpu.memref_squeeze %dma_start3A_258 : memref<1x64xi32, #tpu.memory_space<vmem>> -> memref<64xi32, #tpu.memory_space<vmem>>
          %dma_start3A_260 = arith.constant 0 : i32
          %dma_start3A_261 = arith.constant 0 : i32
          %dma_start3A_262 = tpu.memref_slice %arg16[%dma_start3A_260, %dma_start3A_261] : memref<10240x128xf32, #tpu.memory_space<vmem_shared>> -> memref<10240x128xf32, #tpu.memory_space<vmem_shared>>
          tpu.enqueue_indirect_dma source(%arg8 : memref<64x128xf32, #tpu.memory_space<vmem>>) target(%dma_start3A_262 : memref<10240x128xf32, #tpu.memory_space<vmem_shared>>) offsets(%dma_start3A_259 : memref<64xi32, #tpu.memory_space<vmem>>) semaphore(%run_scoped3A : memref<!tpu.dma_semaphore, #tpu.memory_space<semaphore_mem>>) {add = true}
          %dma_wait3A_263 = arith.constant 0 : i32
          %dma_wait3A_264 = tpu.memref_slice %arg7[%add3A_189, %dma_wait3A_263] : memref<40x64xi32, #tpu.memory_space<vmem>> -> memref<1x64xi32, #tpu.memory_space<vmem>>
          %dma_wait3A_265 = tpu.memref_squeeze %dma_wait3A_264 : memref<1x64xi32, #tpu.memory_space<vmem>> -> memref<64xi32, #tpu.memory_space<vmem>>
          %dma_wait3A_266 = arith.constant 0 : i32
          %dma_wait3A_267 = arith.constant 0 : i32
          %dma_wait3A_268 = tpu.memref_slice %arg16[%dma_wait3A_266, %dma_wait3A_267] : memref<10240x128xf32, #tpu.memory_space<vmem_shared>> -> memref<10240x128xf32, #tpu.memory_space<vmem_shared>>
          tpu.wait_indirect_dma semaphore(%run_scoped3A : memref<!tpu.dma_semaphore, #tpu.memory_space<semaphore_mem>>) src(%arg8 : memref<64x128xf32, #tpu.memory_space<vmem>>) dst(%dma_wait3A_268 : memref<10240x128xf32, #tpu.memory_space<vmem_shared>>)
          tpu.yield
        }) : () -> ()
        %mul3A_200 = arith.constant 4 : i32
        %mul3A_201 = arith.muli %mul3A_200, %scan3A_185 : i32
        %add3A_202 = arith.constant 1 : i32
        %add3A_203 = arith.addi %mul3A_201, %add3A_202 : i32
        %dma_wait3A_204 = arith.constant 0 : i32
        %dma_wait3A_205 = tpu.memref_slice %arg6[%add3A_203, %dma_wait3A_204] : memref<40x64xi32, #tpu.memory_space<vmem>> -> memref<1x64xi32, #tpu.memory_space<vmem>>
        %dma_wait3A_206 = tpu.memref_squeeze %dma_wait3A_205 : memref<1x64xi32, #tpu.memory_space<vmem>> -> memref<64xi32, #tpu.memory_space<vmem>>
        %dma_wait3A_207 = arith.constant 0 : i32
        %dma_wait3A_208 = arith.constant 0 : i32
        %dma_wait3A_209 = tpu.memref_slice %arg2[%dma_wait3A_207, %dma_wait3A_208] : memref<10240x128xf32, #tpu.memory_space<hbm>> -> memref<10240x128xf32, #tpu.memory_space<hbm>>
        tpu.wait_indirect_dma semaphore(%arg13 : memref<!tpu.dma_semaphore, #tpu.memory_space<semaphore_mem>>) src(%dma_wait3A_209 : memref<10240x128xf32, #tpu.memory_space<hbm>>) dst(%arg9 : memref<64x128xf32, #tpu.memory_space<vmem>>)
        %add3A_210 = arith.constant 4 : i32
        %add3A_211 = arith.addi %add3A_203, %add3A_210 : i32
        %sub3A_212 = arith.constant 1 : i32
        %sub3A_213 = arith.subi %add3A_211, %sub3A_212 : i32
        %lt3A_214 = arith.constant 40 : i32
        %lt3A_215 = arith.cmpi slt, %sub3A_213, %lt3A_214 : i32
        %convert_element_type3A_216 = arith.extui %lt3A_215 : i1 to i32
        %cond3A_217 = arith.constant 0 : i32
        %cond3A_218 = arith.cmpi ne, %convert_element_type3A_216, %cond3A_217 : i32
        scf.if %cond3A_218 {
          %add3A_257 = arith.constant 4 : i32
          %add3A_258 = arith.addi %add3A_203, %add3A_257 : i32
          %sub3A_259 = arith.constant 1 : i32
          %sub3A_260 = arith.subi %add3A_258, %sub3A_259 : i32
          %dma_start3A_261 = arith.constant 0 : i32
          %dma_start3A_262 = tpu.memref_slice %arg6[%sub3A_260, %dma_start3A_261] : memref<40x64xi32, #tpu.memory_space<vmem>> -> memref<1x64xi32, #tpu.memory_space<vmem>>
          %dma_start3A_263 = tpu.memref_squeeze %dma_start3A_262 : memref<1x64xi32, #tpu.memory_space<vmem>> -> memref<64xi32, #tpu.memory_space<vmem>>
          %dma_start3A_264 = arith.constant 0 : i32
          %dma_start3A_265 = arith.constant 0 : i32
          %dma_start3A_266 = tpu.memref_slice %arg2[%dma_start3A_264, %dma_start3A_265] : memref<10240x128xf32, #tpu.memory_space<hbm>> -> memref<10240x128xf32, #tpu.memory_space<hbm>>
          tpu.enqueue_indirect_dma source(%dma_start3A_266 : memref<10240x128xf32, #tpu.memory_space<hbm>>) target(%arg8 : memref<64x128xf32, #tpu.memory_space<vmem>>) offsets(%dma_start3A_263 : memref<64xi32, #tpu.memory_space<vmem>>) semaphore(%arg12 : memref<!tpu.dma_semaphore, #tpu.memory_space<semaphore_mem>>)
        } else {
        }
        "tpu.region"() ({
          %run_scoped3A = tpu.sem_alloc : memref<!tpu.dma_semaphore, #tpu.memory_space<semaphore_mem>>
          %dma_start3A_257 = arith.constant 0 : i32
          %dma_start3A_258 = tpu.memref_slice %arg7[%add3A_203, %dma_start3A_257] : memref<40x64xi32, #tpu.memory_space<vmem>> -> memref<1x64xi32, #tpu.memory_space<vmem>>
          %dma_start3A_259 = tpu.memref_squeeze %dma_start3A_258 : memref<1x64xi32, #tpu.memory_space<vmem>> -> memref<64xi32, #tpu.memory_space<vmem>>
          %dma_start3A_260 = arith.constant 0 : i32
          %dma_start3A_261 = arith.constant 0 : i32
          %dma_start3A_262 = tpu.memref_slice %arg16[%dma_start3A_260, %dma_start3A_261] : memref<10240x128xf32, #tpu.memory_space<vmem_shared>> -> memref<10240x128xf32, #tpu.memory_space<vmem_shared>>
          tpu.enqueue_indirect_dma source(%arg9 : memref<64x128xf32, #tpu.memory_space<vmem>>) target(%dma_start3A_262 : memref<10240x128xf32, #tpu.memory_space<vmem_shared>>) offsets(%dma_start3A_259 : memref<64xi32, #tpu.memory_space<vmem>>) semaphore(%run_scoped3A : memref<!tpu.dma_semaphore, #tpu.memory_space<semaphore_mem>>) {add = true}
          %dma_wait3A_263 = arith.constant 0 : i32
          %dma_wait3A_264 = tpu.memref_slice %arg7[%add3A_203, %dma_wait3A_263] : memref<40x64xi32, #tpu.memory_space<vmem>> -> memref<1x64xi32, #tpu.memory_space<vmem>>
          %dma_wait3A_265 = tpu.memref_squeeze %dma_wait3A_264 : memref<1x64xi32, #tpu.memory_space<vmem>> -> memref<64xi32, #tpu.memory_space<vmem>>
          %dma_wait3A_266 = arith.constant 0 : i32
          %dma_wait3A_267 = arith.constant 0 : i32
          %dma_wait3A_268 = tpu.memref_slice %arg16[%dma_wait3A_266, %dma_wait3A_267] : memref<10240x128xf32, #tpu.memory_space<vmem_shared>> -> memref<10240x128xf32, #tpu.memory_space<vmem_shared>>
          tpu.wait_indirect_dma semaphore(%run_scoped3A : memref<!tpu.dma_semaphore, #tpu.memory_space<semaphore_mem>>) src(%arg9 : memref<64x128xf32, #tpu.memory_space<vmem>>) dst(%dma_wait3A_268 : memref<10240x128xf32, #tpu.memory_space<vmem_shared>>)
          tpu.yield
        }) : () -> ()
        %mul3A_219 = arith.constant 4 : i32
        %mul3A_220 = arith.muli %mul3A_219, %scan3A_185 : i32
        %add3A_221 = arith.constant 2 : i32
        %add3A_222 = arith.addi %mul3A_220, %add3A_221 : i32
        %dma_wait3A_223 = arith.constant 0 : i32
        %dma_wait3A_224 = tpu.memref_slice %arg6[%add3A_222, %dma_wait3A_223] : memref<40x64xi32, #tpu.memory_space<vmem>> -> memref<1x64xi32, #tpu.memory_space<vmem>>
        %dma_wait3A_225 = tpu.memref_squeeze %dma_wait3A_224 : memref<1x64xi32, #tpu.memory_space<vmem>> -> memref<64xi32, #tpu.memory_space<vmem>>
        %dma_wait3A_226 = arith.constant 0 : i32
        %dma_wait3A_227 = arith.constant 0 : i32
        %dma_wait3A_228 = tpu.memref_slice %arg2[%dma_wait3A_226, %dma_wait3A_227] : memref<10240x128xf32, #tpu.memory_space<hbm>> -> memref<10240x128xf32, #tpu.memory_space<hbm>>
        tpu.wait_indirect_dma semaphore(%arg14 : memref<!tpu.dma_semaphore, #tpu.memory_space<semaphore_mem>>) src(%dma_wait3A_228 : memref<10240x128xf32, #tpu.memory_space<hbm>>) dst(%arg10 : memref<64x128xf32, #tpu.memory_space<vmem>>)
        %add3A_229 = arith.constant 4 : i32
        %add3A_230 = arith.addi %add3A_222, %add3A_229 : i32
        %sub3A_231 = arith.constant 1 : i32
        %sub3A_232 = arith.subi %add3A_230, %sub3A_231 : i32
        %lt3A_233 = arith.constant 40 : i32
        %lt3A_234 = arith.cmpi slt, %sub3A_232, %lt3A_233 : i32
        %convert_element_type3A_235 = arith.extui %lt3A_234 : i1 to i32
        %cond3A_236 = arith.constant 0 : i32
        %cond3A_237 = arith.cmpi ne, %convert_element_type3A_235, %cond3A_236 : i32
        scf.if %cond3A_237 {
          %add3A_257 = arith.constant 4 : i32
          %add3A_258 = arith.addi %add3A_222, %add3A_257 : i32
          %sub3A_259 = arith.constant 1 : i32
          %sub3A_260 = arith.subi %add3A_258, %sub3A_259 : i32
          %dma_start3A_261 = arith.constant 0 : i32
          %dma_start3A_262 = tpu.memref_slice %arg6[%sub3A_260, %dma_start3A_261] : memref<40x64xi32, #tpu.memory_space<vmem>> -> memref<1x64xi32, #tpu.memory_space<vmem>>
          %dma_start3A_263 = tpu.memref_squeeze %dma_start3A_262 : memref<1x64xi32, #tpu.memory_space<vmem>> -> memref<64xi32, #tpu.memory_space<vmem>>
          %dma_start3A_264 = arith.constant 0 : i32
          %dma_start3A_265 = arith.constant 0 : i32
          %dma_start3A_266 = tpu.memref_slice %arg2[%dma_start3A_264, %dma_start3A_265] : memref<10240x128xf32, #tpu.memory_space<hbm>> -> memref<10240x128xf32, #tpu.memory_space<hbm>>
          tpu.enqueue_indirect_dma source(%dma_start3A_266 : memref<10240x128xf32, #tpu.memory_space<hbm>>) target(%arg9 : memref<64x128xf32, #tpu.memory_space<vmem>>) offsets(%dma_start3A_263 : memref<64xi32, #tpu.memory_space<vmem>>) semaphore(%arg13 : memref<!tpu.dma_semaphore, #tpu.memory_space<semaphore_mem>>)
        } else {
        }
        "tpu.region"() ({
          %run_scoped3A = tpu.sem_alloc : memref<!tpu.dma_semaphore, #tpu.memory_space<semaphore_mem>>
          %dma_start3A_257 = arith.constant 0 : i32
          %dma_start3A_258 = tpu.memref_slice %arg7[%add3A_222, %dma_start3A_257] : memref<40x64xi32, #tpu.memory_space<vmem>> -> memref<1x64xi32, #tpu.memory_space<vmem>>
          %dma_start3A_259 = tpu.memref_squeeze %dma_start3A_258 : memref<1x64xi32, #tpu.memory_space<vmem>> -> memref<64xi32, #tpu.memory_space<vmem>>
          %dma_start3A_260 = arith.constant 0 : i32
          %dma_start3A_261 = arith.constant 0 : i32
          %dma_start3A_262 = tpu.memref_slice %arg16[%dma_start3A_260, %dma_start3A_261] : memref<10240x128xf32, #tpu.memory_space<vmem_shared>> -> memref<10240x128xf32, #tpu.memory_space<vmem_shared>>
          tpu.enqueue_indirect_dma source(%arg10 : memref<64x128xf32, #tpu.memory_space<vmem>>) target(%dma_start3A_262 : memref<10240x128xf32, #tpu.memory_space<vmem_shared>>) offsets(%dma_start3A_259 : memref<64xi32, #tpu.memory_space<vmem>>) semaphore(%run_scoped3A : memref<!tpu.dma_semaphore, #tpu.memory_space<semaphore_mem>>) {add = true}
          %dma_wait3A_263 = arith.constant 0 : i32
          %dma_wait3A_264 = tpu.memref_slice %arg7[%add3A_222, %dma_wait3A_263] : memref<40x64xi32, #tpu.memory_space<vmem>> -> memref<1x64xi32, #tpu.memory_space<vmem>>
          %dma_wait3A_265 = tpu.memref_squeeze %dma_wait3A_264 : memref<1x64xi32, #tpu.memory_space<vmem>> -> memref<64xi32, #tpu.memory_space<vmem>>
          %dma_wait3A_266 = arith.constant 0 : i32
          %dma_wait3A_267 = arith.constant 0 : i32
          %dma_wait3A_268 = tpu.memref_slice %arg16[%dma_wait3A_266, %dma_wait3A_267] : memref<10240x128xf32, #tpu.memory_space<vmem_shared>> -> memref<10240x128xf32, #tpu.memory_space<vmem_shared>>
          tpu.wait_indirect_dma semaphore(%run_scoped3A : memref<!tpu.dma_semaphore, #tpu.memory_space<semaphore_mem>>) src(%arg10 : memref<64x128xf32, #tpu.memory_space<vmem>>) dst(%dma_wait3A_268 : memref<10240x128xf32, #tpu.memory_space<vmem_shared>>)
          tpu.yield
        }) : () -> ()
        %mul3A_238 = arith.constant 4 : i32
        %mul3A_239 = arith.muli %mul3A_238, %scan3A_185 : i32
        %add3A_240 = arith.constant 3 : i32
        %add3A_241 = arith.addi %mul3A_239, %add3A_240 : i32
        %dma_wait3A_242 = arith.constant 0 : i32
        %dma_wait3A_243 = tpu.memref_slice %arg6[%add3A_241, %dma_wait3A_242] : memref<40x64xi32, #tpu.memory_space<vmem>> -> memref<1x64xi32, #tpu.memory_space<vmem>>
        %dma_wait3A_244 = tpu.memref_squeeze %dma_wait3A_243 : memref<1x64xi32, #tpu.memory_space<vmem>> -> memref<64xi32, #tpu.memory_space<vmem>>
        %dma_wait3A_245 = arith.constant 0 : i32
        %dma_wait3A_246 = arith.constant 0 : i32
        %dma_wait3A_247 = tpu.memref_slice %arg2[%dma_wait3A_245, %dma_wait3A_246] : memref<10240x128xf32, #tpu.memory_space<hbm>> -> memref<10240x128xf32, #tpu.memory_space<hbm>>
        tpu.wait_indirect_dma semaphore(%arg15 : memref<!tpu.dma_semaphore, #tpu.memory_space<semaphore_mem>>) src(%dma_wait3A_247 : memref<10240x128xf32, #tpu.memory_space<hbm>>) dst(%arg11 : memref<64x128xf32, #tpu.memory_space<vmem>>)
        %add3A_248 = arith.constant 4 : i32
        %add3A_249 = arith.addi %add3A_241, %add3A_248 : i32
        %sub3A_250 = arith.constant 1 : i32
        %sub3A_251 = arith.subi %add3A_249, %sub3A_250 : i32
        %lt3A_252 = arith.constant 40 : i32
        %lt3A_253 = arith.cmpi slt, %sub3A_251, %lt3A_252 : i32
        %convert_element_type3A_254 = arith.extui %lt3A_253 : i1 to i32
        %cond3A_255 = arith.constant 0 : i32
        %cond3A_256 = arith.cmpi ne, %convert_element_type3A_254, %cond3A_255 : i32
        scf.if %cond3A_256 {
          %add3A_257 = arith.constant 4 : i32
          %add3A_258 = arith.addi %add3A_241, %add3A_257 : i32
          %sub3A_259 = arith.constant 1 : i32
          %sub3A_260 = arith.subi %add3A_258, %sub3A_259 : i32
          %dma_start3A_261 = arith.constant 0 : i32
          %dma_start3A_262 = tpu.memref_slice %arg6[%sub3A_260, %dma_start3A_261] : memref<40x64xi32, #tpu.memory_space<vmem>> -> memref<1x64xi32, #tpu.memory_space<vmem>>
          %dma_start3A_263 = tpu.memref_squeeze %dma_start3A_262 : memref<1x64xi32, #tpu.memory_space<vmem>> -> memref<64xi32, #tpu.memory_space<vmem>>
          %dma_start3A_264 = arith.constant 0 : i32
          %dma_start3A_265 = arith.constant 0 : i32
          %dma_start3A_266 = tpu.memref_slice %arg2[%dma_start3A_264, %dma_start3A_265] : memref<10240x128xf32, #tpu.memory_space<hbm>> -> memref<10240x128xf32, #tpu.memory_space<hbm>>
          tpu.enqueue_indirect_dma source(%dma_start3A_266 : memref<10240x128xf32, #tpu.memory_space<hbm>>) target(%arg10 : memref<64x128xf32, #tpu.memory_space<vmem>>) offsets(%dma_start3A_263 : memref<64xi32, #tpu.memory_space<vmem>>) semaphore(%arg14 : memref<!tpu.dma_semaphore, #tpu.memory_space<semaphore_mem>>)
        } else {
        }
        "tpu.region"() ({
          %run_scoped3A = tpu.sem_alloc : memref<!tpu.dma_semaphore, #tpu.memory_space<semaphore_mem>>
          %dma_start3A_257 = arith.constant 0 : i32
          %dma_start3A_258 = tpu.memref_slice %arg7[%add3A_241, %dma_start3A_257] : memref<40x64xi32, #tpu.memory_space<vmem>> -> memref<1x64xi32, #tpu.memory_space<vmem>>
          %dma_start3A_259 = tpu.memref_squeeze %dma_start3A_258 : memref<1x64xi32, #tpu.memory_space<vmem>> -> memref<64xi32, #tpu.memory_space<vmem>>
          %dma_start3A_260 = arith.constant 0 : i32
          %dma_start3A_261 = arith.constant 0 : i32
          %dma_start3A_262 = tpu.memref_slice %arg16[%dma_start3A_260, %dma_start3A_261] : memref<10240x128xf32, #tpu.memory_space<vmem_shared>> -> memref<10240x128xf32, #tpu.memory_space<vmem_shared>>
          tpu.enqueue_indirect_dma source(%arg11 : memref<64x128xf32, #tpu.memory_space<vmem>>) target(%dma_start3A_262 : memref<10240x128xf32, #tpu.memory_space<vmem_shared>>) offsets(%dma_start3A_259 : memref<64xi32, #tpu.memory_space<vmem>>) semaphore(%run_scoped3A : memref<!tpu.dma_semaphore, #tpu.memory_space<semaphore_mem>>) {add = true}
          %dma_wait3A_263 = arith.constant 0 : i32
          %dma_wait3A_264 = tpu.memref_slice %arg7[%add3A_241, %dma_wait3A_263] : memref<40x64xi32, #tpu.memory_space<vmem>> -> memref<1x64xi32, #tpu.memory_space<vmem>>
          %dma_wait3A_265 = tpu.memref_squeeze %dma_wait3A_264 : memref<1x64xi32, #tpu.memory_space<vmem>> -> memref<64xi32, #tpu.memory_space<vmem>>
          %dma_wait3A_266 = arith.constant 0 : i32
          %dma_wait3A_267 = arith.constant 0 : i32
          %dma_wait3A_268 = tpu.memref_slice %arg16[%dma_wait3A_266, %dma_wait3A_267] : memref<10240x128xf32, #tpu.memory_space<vmem_shared>> -> memref<10240x128xf32, #tpu.memory_space<vmem_shared>>
          tpu.wait_indirect_dma semaphore(%run_scoped3A : memref<!tpu.dma_semaphore, #tpu.memory_space<semaphore_mem>>) src(%arg11 : memref<64x128xf32, #tpu.memory_space<vmem>>) dst(%dma_wait3A_268 : memref<10240x128xf32, #tpu.memory_space<vmem_shared>>)
          tpu.yield
        }) : () -> ()
      }
      %scan3A_184 = arith.constant 10 : i32
    }
    %barrier3A_74 = arith.constant 0 : index
    tpu.barrier barrier_id(%barrier3A_74)
    %mul3A_75 = arith.constant 640 : i32
    %mul3A_76 = arith.muli %arg1, %mul3A_75 : i32
    %add3A_77 = arith.constant 0 : i32
    %add3A_78 = arith.addi %mul3A_76, %add3A_77 : i32
    "tpu.region"() ({
      %run_scoped3A = tpu.sem_alloc : memref<!tpu.dma_semaphore, #tpu.memory_space<semaphore_mem>>
      %dma_start3A = arith.constant 0 : i32
      %dma_start3A_155 = tpu.memref_slice %arg16[%add3A_78, %dma_start3A] : memref<10240x128xf32, #tpu.memory_space<vmem_shared>> -> memref<64x128xf32, #tpu.memory_space<vmem_shared>>
      %dma_start3A_156 = arith.constant 0 : i32
      %dma_start3A_157 = tpu.memref_slice %arg16[%add3A_78, %dma_start3A_156] : memref<10240x128xf32, #tpu.memory_space<vmem_shared>> -> memref<64x128xf32, #tpu.memory_space<vmem_shared>>
      tpu.enqueue_dma source(%dma_start3A_157 : memref<64x128xf32, #tpu.memory_space<vmem_shared>>) target(%arg8 : memref<64x128xf32, #tpu.memory_space<vmem>>) target_semaphore(%run_scoped3A : memref<!tpu.dma_semaphore, #tpu.memory_space<semaphore_mem>>)
      %dma_wait3A = arith.constant 0 : i32
      %dma_wait3A_158 = tpu.memref_slice %arg16[%add3A_78, %dma_wait3A] : memref<10240x128xf32, #tpu.memory_space<vmem_shared>> -> memref<64x128xf32, #tpu.memory_space<vmem_shared>>
      %dma_wait3A_159 = arith.constant 0 : i32
      %dma_wait3A_160 = tpu.memref_slice %arg16[%add3A_78, %dma_wait3A_159] : memref<10240x128xf32, #tpu.memory_space<vmem_shared>> -> memref<64x128xf32, #tpu.memory_space<vmem_shared>>
      tpu.wait_dma2 semaphore(%run_scoped3A : memref<!tpu.dma_semaphore, #tpu.memory_space<semaphore_mem>>) src(%dma_wait3A_160 : memref<64x128xf32, #tpu.memory_space<vmem_shared>>) dst(%arg8 : memref<64x128xf32, #tpu.memory_space<vmem>>)
      tpu.yield
    }) : () -> ()
    %mul3A_79 = arith.constant 640 : i32
    %mul3A_80 = arith.muli %arg1, %mul3A_79 : i32
    %add3A_81 = arith.constant 0 : i32
    %add3A_82 = arith.addi %mul3A_80, %add3A_81 : i32
    "tpu.region"() ({
      %run_scoped3A = tpu.sem_alloc : memref<!tpu.dma_semaphore, #tpu.memory_space<semaphore_mem>>
      %dma_start3A = arith.constant 0 : i32
      %dma_start3A_155 = tpu.memref_slice %arg5[%arg0, %add3A_82, %dma_start3A] : memref<2x10240x128xf32, #tpu.memory_space<hbm>> -> memref<1x64x128xf32, #tpu.memory_space<hbm>>
      %dma_start3A_156 = tpu.memref_squeeze %dma_start3A_155 : memref<1x64x128xf32, #tpu.memory_space<hbm>> -> memref<64x128xf32, #tpu.memory_space<hbm>>
      %dma_start3A_157 = arith.constant 0 : i32
      %dma_start3A_158 = tpu.memref_slice %arg5[%arg0, %add3A_82, %dma_start3A_157] : memref<2x10240x128xf32, #tpu.memory_space<hbm>> -> memref<1x64x128xf32, #tpu.memory_space<hbm>>
      %dma_start3A_159 = tpu.memref_squeeze %dma_start3A_158 : memref<1x64x128xf32, #tpu.memory_space<hbm>> -> memref<64x128xf32, #tpu.memory_space<hbm>>
      tpu.enqueue_dma source(%arg8 : memref<64x128xf32, #tpu.memory_space<vmem>>) target(%dma_start3A_159 : memref<64x128xf32, #tpu.memory_space<hbm>>) target_semaphore(%run_scoped3A : memref<!tpu.dma_semaphore, #tpu.memory_space<semaphore_mem>>)
      %dma_wait3A = arith.constant 0 : i32
      %dma_wait3A_160 = tpu.memref_slice %arg5[%arg0, %add3A_82, %dma_wait3A] : memref<2x10240x128xf32, #tpu.memory_space<hbm>> -> memref<1x64x128xf32, #tpu.memory_space<hbm>>
      %dma_wait3A_161 = tpu.memref_squeeze %dma_wait3A_160 : memref<1x64x128xf32, #tpu.memory_space<hbm>> -> memref<64x128xf32, #tpu.memory_space<hbm>>
      %dma_wait3A_162 = arith.constant 0 : i32
      %dma_wait3A_163 = tpu.memref_slice %arg5[%arg0, %add3A_82, %dma_wait3A_162] : memref<2x10240x128xf32, #tpu.memory_space<hbm>> -> memref<1x64x128xf32, #tpu.memory_space<hbm>>
      %dma_wait3A_164 = tpu.memref_squeeze %dma_wait3A_163 : memref<1x64x128xf32, #tpu.memory_space<hbm>> -> memref<64x128xf32, #tpu.memory_space<hbm>>
      tpu.wait_dma2 semaphore(%run_scoped3A : memref<!tpu.dma_semaphore, #tpu.memory_space<semaphore_mem>>) src(%arg8 : memref<64x128xf32, #tpu.memory_space<vmem>>) dst(%dma_wait3A_164 : memref<64x128xf32, #tpu.memory_space<hbm>>)
      tpu.yield
    }) : () -> ()
    %mul3A_83 = arith.constant 640 : i32
    %mul3A_84 = arith.muli %arg1, %mul3A_83 : i32
    %add3A_85 = arith.constant 64 : i32
    %add3A_86 = arith.addi %mul3A_84, %add3A_85 : i32
    "tpu.region"() ({
      %run_scoped3A = tpu.sem_alloc : memref<!tpu.dma_semaphore, #tpu.memory_space<semaphore_mem>>
      %dma_start3A = arith.constant 0 : i32
      %dma_start3A_155 = tpu.memref_slice %arg16[%add3A_86, %dma_start3A] : memref<10240x128xf32, #tpu.memory_space<vmem_shared>> -> memref<64x128xf32, #tpu.memory_space<vmem_shared>>
      %dma_start3A_156 = arith.constant 0 : i32
      %dma_start3A_157 = tpu.memref_slice %arg16[%add3A_86, %dma_start3A_156] : memref<10240x128xf32, #tpu.memory_space<vmem_shared>> -> memref<64x128xf32, #tpu.memory_space<vmem_shared>>
      tpu.enqueue_dma source(%dma_start3A_157 : memref<64x128xf32, #tpu.memory_space<vmem_shared>>) target(%arg8 : memref<64x128xf32, #tpu.memory_space<vmem>>) target_semaphore(%run_scoped3A : memref<!tpu.dma_semaphore, #tpu.memory_space<semaphore_mem>>)
      %dma_wait3A = arith.constant 0 : i32
      %dma_wait3A_158 = tpu.memref_slice %arg16[%add3A_86, %dma_wait3A] : memref<10240x128xf32, #tpu.memory_space<vmem_shared>> -> memref<64x128xf32, #tpu.memory_space<vmem_shared>>
      %dma_wait3A_159 = arith.constant 0 : i32
      %dma_wait3A_160 = tpu.memref_slice %arg16[%add3A_86, %dma_wait3A_159] : memref<10240x128xf32, #tpu.memory_space<vmem_shared>> -> memref<64x128xf32, #tpu.memory_space<vmem_shared>>
      tpu.wait_dma2 semaphore(%run_scoped3A : memref<!tpu.dma_semaphore, #tpu.memory_space<semaphore_mem>>) src(%dma_wait3A_160 : memref<64x128xf32, #tpu.memory_space<vmem_shared>>) dst(%arg8 : memref<64x128xf32, #tpu.memory_space<vmem>>)
      tpu.yield
    }) : () -> ()
    %mul3A_87 = arith.constant 640 : i32
    %mul3A_88 = arith.muli %arg1, %mul3A_87 : i32
    %add3A_89 = arith.constant 64 : i32
    %add3A_90 = arith.addi %mul3A_88, %add3A_89 : i32
    "tpu.region"() ({
      %run_scoped3A = tpu.sem_alloc : memref<!tpu.dma_semaphore, #tpu.memory_space<semaphore_mem>>
      %dma_start3A = arith.constant 0 : i32
      %dma_start3A_155 = tpu.memref_slice %arg5[%arg0, %add3A_90, %dma_start3A] : memref<2x10240x128xf32, #tpu.memory_space<hbm>> -> memref<1x64x128xf32, #tpu.memory_space<hbm>>
      %dma_start3A_156 = tpu.memref_squeeze %dma_start3A_155 : memref<1x64x128xf32, #tpu.memory_space<hbm>> -> memref<64x128xf32, #tpu.memory_space<hbm>>
      %dma_start3A_157 = arith.constant 0 : i32
      %dma_start3A_158 = tpu.memref_slice %arg5[%arg0, %add3A_90, %dma_start3A_157] : memref<2x10240x128xf32, #tpu.memory_space<hbm>> -> memref<1x64x128xf32, #tpu.memory_space<hbm>>
      %dma_start3A_159 = tpu.memref_squeeze %dma_start3A_158 : memref<1x64x128xf32, #tpu.memory_space<hbm>> -> memref<64x128xf32, #tpu.memory_space<hbm>>
      tpu.enqueue_dma source(%arg8 : memref<64x128xf32, #tpu.memory_space<vmem>>) target(%dma_start3A_159 : memref<64x128xf32, #tpu.memory_space<hbm>>) target_semaphore(%run_scoped3A : memref<!tpu.dma_semaphore, #tpu.memory_space<semaphore_mem>>)
      %dma_wait3A = arith.constant 0 : i32
      %dma_wait3A_160 = tpu.memref_slice %arg5[%arg0, %add3A_90, %dma_wait3A] : memref<2x10240x128xf32, #tpu.memory_space<hbm>> -> memref<1x64x128xf32, #tpu.memory_space<hbm>>
      %dma_wait3A_161 = tpu.memref_squeeze %dma_wait3A_160 : memref<1x64x128xf32, #tpu.memory_space<hbm>> -> memref<64x128xf32, #tpu.memory_space<hbm>>
      %dma_wait3A_162 = arith.constant 0 : i32
      %dma_wait3A_163 = tpu.memref_slice %arg5[%arg0, %add3A_90, %dma_wait3A_162] : memref<2x10240x128xf32, #tpu.memory_space<hbm>> -> memref<1x64x128xf32, #tpu.memory_space<hbm>>
      %dma_wait3A_164 = tpu.memref_squeeze %dma_wait3A_163 : memref<1x64x128xf32, #tpu.memory_space<hbm>> -> memref<64x128xf32, #tpu.memory_space<hbm>>
      tpu.wait_dma2 semaphore(%run_scoped3A : memref<!tpu.dma_semaphore, #tpu.memory_space<semaphore_mem>>) src(%arg8 : memref<64x128xf32, #tpu.memory_space<vmem>>) dst(%dma_wait3A_164 : memref<64x128xf32, #tpu.memory_space<hbm>>)
      tpu.yield
    }) : () -> ()
    %mul3A_91 = arith.constant 640 : i32
    %mul3A_92 = arith.muli %arg1, %mul3A_91 : i32
    %add3A_93 = arith.constant 128 : i32
    %add3A_94 = arith.addi %mul3A_92, %add3A_93 : i32
    "tpu.region"() ({
      %run_scoped3A = tpu.sem_alloc : memref<!tpu.dma_semaphore, #tpu.memory_space<semaphore_mem>>
      %dma_start3A = arith.constant 0 : i32
      %dma_start3A_155 = tpu.memref_slice %arg16[%add3A_94, %dma_start3A] : memref<10240x128xf32, #tpu.memory_space<vmem_shared>> -> memref<64x128xf32, #tpu.memory_space<vmem_shared>>
      %dma_start3A_156 = arith.constant 0 : i32
      %dma_start3A_157 = tpu.memref_slice %arg16[%add3A_94, %dma_start3A_156] : memref<10240x128xf32, #tpu.memory_space<vmem_shared>> -> memref<64x128xf32, #tpu.memory_space<vmem_shared>>
      tpu.enqueue_dma source(%dma_start3A_157 : memref<64x128xf32, #tpu.memory_space<vmem_shared>>) target(%arg8 : memref<64x128xf32, #tpu.memory_space<vmem>>) target_semaphore(%run_scoped3A : memref<!tpu.dma_semaphore, #tpu.memory_space<semaphore_mem>>)
      %dma_wait3A = arith.constant 0 : i32
      %dma_wait3A_158 = tpu.memref_slice %arg16[%add3A_94, %dma_wait3A] : memref<10240x128xf32, #tpu.memory_space<vmem_shared>> -> memref<64x128xf32, #tpu.memory_space<vmem_shared>>
      %dma_wait3A_159 = arith.constant 0 : i32
      %dma_wait3A_160 = tpu.memref_slice %arg16[%add3A_94, %dma_wait3A_159] : memref<10240x128xf32, #tpu.memory_space<vmem_shared>> -> memref<64x128xf32, #tpu.memory_space<vmem_shared>>
      tpu.wait_dma2 semaphore(%run_scoped3A : memref<!tpu.dma_semaphore, #tpu.memory_space<semaphore_mem>>) src(%dma_wait3A_160 : memref<64x128xf32, #tpu.memory_space<vmem_shared>>) dst(%arg8 : memref<64x128xf32, #tpu.memory_space<vmem>>)
      tpu.yield
    }) : () -> ()
    %mul3A_95 = arith.constant 640 : i32
    %mul3A_96 = arith.muli %arg1, %mul3A_95 : i32
    %add3A_97 = arith.constant 128 : i32
    %add3A_98 = arith.addi %mul3A_96, %add3A_97 : i32
    "tpu.region"() ({
      %run_scoped3A = tpu.sem_alloc : memref<!tpu.dma_semaphore, #tpu.memory_space<semaphore_mem>>
      %dma_start3A = arith.constant 0 : i32
      %dma_start3A_155 = tpu.memref_slice %arg5[%arg0, %add3A_98, %dma_start3A] : memref<2x10240x128xf32, #tpu.memory_space<hbm>> -> memref<1x64x128xf32, #tpu.memory_space<hbm>>
      %dma_start3A_156 = tpu.memref_squeeze %dma_start3A_155 : memref<1x64x128xf32, #tpu.memory_space<hbm>> -> memref<64x128xf32, #tpu.memory_space<hbm>>
      %dma_start3A_157 = arith.constant 0 : i32
      %dma_start3A_158 = tpu.memref_slice %arg5[%arg0, %add3A_98, %dma_start3A_157] : memref<2x10240x128xf32, #tpu.memory_space<hbm>> -> memref<1x64x128xf32, #tpu.memory_space<hbm>>
      %dma_start3A_159 = tpu.memref_squeeze %dma_start3A_158 : memref<1x64x128xf32, #tpu.memory_space<hbm>> -> memref<64x128xf32, #tpu.memory_space<hbm>>
      tpu.enqueue_dma source(%arg8 : memref<64x128xf32, #tpu.memory_space<vmem>>) target(%dma_start3A_159 : memref<64x128xf32, #tpu.memory_space<hbm>>) target_semaphore(%run_scoped3A : memref<!tpu.dma_semaphore, #tpu.memory_space<semaphore_mem>>)
      %dma_wait3A = arith.constant 0 : i32
      %dma_wait3A_160 = tpu.memref_slice %arg5[%arg0, %add3A_98, %dma_wait3A] : memref<2x10240x128xf32, #tpu.memory_space<hbm>> -> memref<1x64x128xf32, #tpu.memory_space<hbm>>
      %dma_wait3A_161 = tpu.memref_squeeze %dma_wait3A_160 : memref<1x64x128xf32, #tpu.memory_space<hbm>> -> memref<64x128xf32, #tpu.memory_space<hbm>>
      %dma_wait3A_162 = arith.constant 0 : i32
      %dma_wait3A_163 = tpu.memref_slice %arg5[%arg0, %add3A_98, %dma_wait3A_162] : memref<2x10240x128xf32, #tpu.memory_space<hbm>> -> memref<1x64x128xf32, #tpu.memory_space<hbm>>
      %dma_wait3A_164 = tpu.memref_squeeze %dma_wait3A_163 : memref<1x64x128xf32, #tpu.memory_space<hbm>> -> memref<64x128xf32, #tpu.memory_space<hbm>>
      tpu.wait_dma2 semaphore(%run_scoped3A : memref<!tpu.dma_semaphore, #tpu.memory_space<semaphore_mem>>) src(%arg8 : memref<64x128xf32, #tpu.memory_space<vmem>>) dst(%dma_wait3A_164 : memref<64x128xf32, #tpu.memory_space<hbm>>)
      tpu.yield
    }) : () -> ()
    %mul3A_99 = arith.constant 640 : i32
    %mul3A_100 = arith.muli %arg1, %mul3A_99 : i32
    %add3A_101 = arith.constant 192 : i32
    %add3A_102 = arith.addi %mul3A_100, %add3A_101 : i32
    "tpu.region"() ({
      %run_scoped3A = tpu.sem_alloc : memref<!tpu.dma_semaphore, #tpu.memory_space<semaphore_mem>>
      %dma_start3A = arith.constant 0 : i32
      %dma_start3A_155 = tpu.memref_slice %arg16[%add3A_102, %dma_start3A] : memref<10240x128xf32, #tpu.memory_space<vmem_shared>> -> memref<64x128xf32, #tpu.memory_space<vmem_shared>>
      %dma_start3A_156 = arith.constant 0 : i32
      %dma_start3A_157 = tpu.memref_slice %arg16[%add3A_102, %dma_start3A_156] : memref<10240x128xf32, #tpu.memory_space<vmem_shared>> -> memref<64x128xf32, #tpu.memory_space<vmem_shared>>
      tpu.enqueue_dma source(%dma_start3A_157 : memref<64x128xf32, #tpu.memory_space<vmem_shared>>) target(%arg8 : memref<64x128xf32, #tpu.memory_space<vmem>>) target_semaphore(%run_scoped3A : memref<!tpu.dma_semaphore, #tpu.memory_space<semaphore_mem>>)
      %dma_wait3A = arith.constant 0 : i32
      %dma_wait3A_158 = tpu.memref_slice %arg16[%add3A_102, %dma_wait3A] : memref<10240x128xf32, #tpu.memory_space<vmem_shared>> -> memref<64x128xf32, #tpu.memory_space<vmem_shared>>
      %dma_wait3A_159 = arith.constant 0 : i32
      %dma_wait3A_160 = tpu.memref_slice %arg16[%add3A_102, %dma_wait3A_159] : memref<10240x128xf32, #tpu.memory_space<vmem_shared>> -> memref<64x128xf32, #tpu.memory_space<vmem_shared>>
      tpu.wait_dma2 semaphore(%run_scoped3A : memref<!tpu.dma_semaphore, #tpu.memory_space<semaphore_mem>>) src(%dma_wait3A_160 : memref<64x128xf32, #tpu.memory_space<vmem_shared>>) dst(%arg8 : memref<64x128xf32, #tpu.memory_space<vmem>>)
      tpu.yield
    }) : () -> ()
    %mul3A_103 = arith.constant 640 : i32
    %mul3A_104 = arith.muli %arg1, %mul3A_103 : i32
    %add3A_105 = arith.constant 192 : i32
    %add3A_106 = arith.addi %mul3A_104, %add3A_105 : i32
    "tpu.region"() ({
      %run_scoped3A = tpu.sem_alloc : memref<!tpu.dma_semaphore, #tpu.memory_space<semaphore_mem>>
      %dma_start3A = arith.constant 0 : i32
      %dma_start3A_155 = tpu.memref_slice %arg5[%arg0, %add3A_106, %dma_start3A] : memref<2x10240x128xf32, #tpu.memory_space<hbm>> -> memref<1x64x128xf32, #tpu.memory_space<hbm>>
      %dma_start3A_156 = tpu.memref_squeeze %dma_start3A_155 : memref<1x64x128xf32, #tpu.memory_space<hbm>> -> memref<64x128xf32, #tpu.memory_space<hbm>>
      %dma_start3A_157 = arith.constant 0 : i32
      %dma_start3A_158 = tpu.memref_slice %arg5[%arg0, %add3A_106, %dma_start3A_157] : memref<2x10240x128xf32, #tpu.memory_space<hbm>> -> memref<1x64x128xf32, #tpu.memory_space<hbm>>
      %dma_start3A_159 = tpu.memref_squeeze %dma_start3A_158 : memref<1x64x128xf32, #tpu.memory_space<hbm>> -> memref<64x128xf32, #tpu.memory_space<hbm>>
      tpu.enqueue_dma source(%arg8 : memref<64x128xf32, #tpu.memory_space<vmem>>) target(%dma_start3A_159 : memref<64x128xf32, #tpu.memory_space<hbm>>) target_semaphore(%run_scoped3A : memref<!tpu.dma_semaphore, #tpu.memory_space<semaphore_mem>>)
      %dma_wait3A = arith.constant 0 : i32
      %dma_wait3A_160 = tpu.memref_slice %arg5[%arg0, %add3A_106, %dma_wait3A] : memref<2x10240x128xf32, #tpu.memory_space<hbm>> -> memref<1x64x128xf32, #tpu.memory_space<hbm>>
      %dma_wait3A_161 = tpu.memref_squeeze %dma_wait3A_160 : memref<1x64x128xf32, #tpu.memory_space<hbm>> -> memref<64x128xf32, #tpu.memory_space<hbm>>
      %dma_wait3A_162 = arith.constant 0 : i32
      %dma_wait3A_163 = tpu.memref_slice %arg5[%arg0, %add3A_106, %dma_wait3A_162] : memref<2x10240x128xf32, #tpu.memory_space<hbm>> -> memref<1x64x128xf32, #tpu.memory_space<hbm>>
      %dma_wait3A_164 = tpu.memref_squeeze %dma_wait3A_163 : memref<1x64x128xf32, #tpu.memory_space<hbm>> -> memref<64x128xf32, #tpu.memory_space<hbm>>
      tpu.wait_dma2 semaphore(%run_scoped3A : memref<!tpu.dma_semaphore, #tpu.memory_space<semaphore_mem>>) src(%arg8 : memref<64x128xf32, #tpu.memory_space<vmem>>) dst(%dma_wait3A_164 : memref<64x128xf32, #tpu.memory_space<hbm>>)
      tpu.yield
    }) : () -> ()
    %mul3A_107 = arith.constant 640 : i32
    %mul3A_108 = arith.muli %arg1, %mul3A_107 : i32
    %add3A_109 = arith.constant 256 : i32
    %add3A_110 = arith.addi %mul3A_108, %add3A_109 : i32
    "tpu.region"() ({
      %run_scoped3A = tpu.sem_alloc : memref<!tpu.dma_semaphore, #tpu.memory_space<semaphore_mem>>
      %dma_start3A = arith.constant 0 : i32
      %dma_start3A_155 = tpu.memref_slice %arg16[%add3A_110, %dma_start3A] : memref<10240x128xf32, #tpu.memory_space<vmem_shared>> -> memref<64x128xf32, #tpu.memory_space<vmem_shared>>
      %dma_start3A_156 = arith.constant 0 : i32
      %dma_start3A_157 = tpu.memref_slice %arg16[%add3A_110, %dma_start3A_156] : memref<10240x128xf32, #tpu.memory_space<vmem_shared>> -> memref<64x128xf32, #tpu.memory_space<vmem_shared>>
      tpu.enqueue_dma source(%dma_start3A_157 : memref<64x128xf32, #tpu.memory_space<vmem_shared>>) target(%arg8 : memref<64x128xf32, #tpu.memory_space<vmem>>) target_semaphore(%run_scoped3A : memref<!tpu.dma_semaphore, #tpu.memory_space<semaphore_mem>>)
      %dma_wait3A = arith.constant 0 : i32
      %dma_wait3A_158 = tpu.memref_slice %arg16[%add3A_110, %dma_wait3A] : memref<10240x128xf32, #tpu.memory_space<vmem_shared>> -> memref<64x128xf32, #tpu.memory_space<vmem_shared>>
      %dma_wait3A_159 = arith.constant 0 : i32
      %dma_wait3A_160 = tpu.memref_slice %arg16[%add3A_110, %dma_wait3A_159] : memref<10240x128xf32, #tpu.memory_space<vmem_shared>> -> memref<64x128xf32, #tpu.memory_space<vmem_shared>>
      tpu.wait_dma2 semaphore(%run_scoped3A : memref<!tpu.dma_semaphore, #tpu.memory_space<semaphore_mem>>) src(%dma_wait3A_160 : memref<64x128xf32, #tpu.memory_space<vmem_shared>>) dst(%arg8 : memref<64x128xf32, #tpu.memory_space<vmem>>)
      tpu.yield
    }) : () -> ()
    %mul3A_111 = arith.constant 640 : i32
    %mul3A_112 = arith.muli %arg1, %mul3A_111 : i32
    %add3A_113 = arith.constant 256 : i32
    %add3A_114 = arith.addi %mul3A_112, %add3A_113 : i32
    "tpu.region"() ({
      %run_scoped3A = tpu.sem_alloc : memref<!tpu.dma_semaphore, #tpu.memory_space<semaphore_mem>>
      %dma_start3A = arith.constant 0 : i32
      %dma_start3A_155 = tpu.memref_slice %arg5[%arg0, %add3A_114, %dma_start3A] : memref<2x10240x128xf32, #tpu.memory_space<hbm>> -> memref<1x64x128xf32, #tpu.memory_space<hbm>>
      %dma_start3A_156 = tpu.memref_squeeze %dma_start3A_155 : memref<1x64x128xf32, #tpu.memory_space<hbm>> -> memref<64x128xf32, #tpu.memory_space<hbm>>
      %dma_start3A_157 = arith.constant 0 : i32
      %dma_start3A_158 = tpu.memref_slice %arg5[%arg0, %add3A_114, %dma_start3A_157] : memref<2x10240x128xf32, #tpu.memory_space<hbm>> -> memref<1x64x128xf32, #tpu.memory_space<hbm>>
      %dma_start3A_159 = tpu.memref_squeeze %dma_start3A_158 : memref<1x64x128xf32, #tpu.memory_space<hbm>> -> memref<64x128xf32, #tpu.memory_space<hbm>>
      tpu.enqueue_dma source(%arg8 : memref<64x128xf32, #tpu.memory_space<vmem>>) target(%dma_start3A_159 : memref<64x128xf32, #tpu.memory_space<hbm>>) target_semaphore(%run_scoped3A : memref<!tpu.dma_semaphore, #tpu.memory_space<semaphore_mem>>)
      %dma_wait3A = arith.constant 0 : i32
      %dma_wait3A_160 = tpu.memref_slice %arg5[%arg0, %add3A_114, %dma_wait3A] : memref<2x10240x128xf32, #tpu.memory_space<hbm>> -> memref<1x64x128xf32, #tpu.memory_space<hbm>>
      %dma_wait3A_161 = tpu.memref_squeeze %dma_wait3A_160 : memref<1x64x128xf32, #tpu.memory_space<hbm>> -> memref<64x128xf32, #tpu.memory_space<hbm>>
      %dma_wait3A_162 = arith.constant 0 : i32
      %dma_wait3A_163 = tpu.memref_slice %arg5[%arg0, %add3A_114, %dma_wait3A_162] : memref<2x10240x128xf32, #tpu.memory_space<hbm>> -> memref<1x64x128xf32, #tpu.memory_space<hbm>>
      %dma_wait3A_164 = tpu.memref_squeeze %dma_wait3A_163 : memref<1x64x128xf32, #tpu.memory_space<hbm>> -> memref<64x128xf32, #tpu.memory_space<hbm>>
      tpu.wait_dma2 semaphore(%run_scoped3A : memref<!tpu.dma_semaphore, #tpu.memory_space<semaphore_mem>>) src(%arg8 : memref<64x128xf32, #tpu.memory_space<vmem>>) dst(%dma_wait3A_164 : memref<64x128xf32, #tpu.memory_space<hbm>>)
      tpu.yield
    }) : () -> ()
    %mul3A_115 = arith.constant 640 : i32
    %mul3A_116 = arith.muli %arg1, %mul3A_115 : i32
    %add3A_117 = arith.constant 320 : i32
    %add3A_118 = arith.addi %mul3A_116, %add3A_117 : i32
    "tpu.region"() ({
      %run_scoped3A = tpu.sem_alloc : memref<!tpu.dma_semaphore, #tpu.memory_space<semaphore_mem>>
      %dma_start3A = arith.constant 0 : i32
      %dma_start3A_155 = tpu.memref_slice %arg16[%add3A_118, %dma_start3A] : memref<10240x128xf32, #tpu.memory_space<vmem_shared>> -> memref<64x128xf32, #tpu.memory_space<vmem_shared>>
      %dma_start3A_156 = arith.constant 0 : i32
      %dma_start3A_157 = tpu.memref_slice %arg16[%add3A_118, %dma_start3A_156] : memref<10240x128xf32, #tpu.memory_space<vmem_shared>> -> memref<64x128xf32, #tpu.memory_space<vmem_shared>>
      tpu.enqueue_dma source(%dma_start3A_157 : memref<64x128xf32, #tpu.memory_space<vmem_shared>>) target(%arg8 : memref<64x128xf32, #tpu.memory_space<vmem>>) target_semaphore(%run_scoped3A : memref<!tpu.dma_semaphore, #tpu.memory_space<semaphore_mem>>)
      %dma_wait3A = arith.constant 0 : i32
      %dma_wait3A_158 = tpu.memref_slice %arg16[%add3A_118, %dma_wait3A] : memref<10240x128xf32, #tpu.memory_space<vmem_shared>> -> memref<64x128xf32, #tpu.memory_space<vmem_shared>>
      %dma_wait3A_159 = arith.constant 0 : i32
      %dma_wait3A_160 = tpu.memref_slice %arg16[%add3A_118, %dma_wait3A_159] : memref<10240x128xf32, #tpu.memory_space<vmem_shared>> -> memref<64x128xf32, #tpu.memory_space<vmem_shared>>
      tpu.wait_dma2 semaphore(%run_scoped3A : memref<!tpu.dma_semaphore, #tpu.memory_space<semaphore_mem>>) src(%dma_wait3A_160 : memref<64x128xf32, #tpu.memory_space<vmem_shared>>) dst(%arg8 : memref<64x128xf32, #tpu.memory_space<vmem>>)
      tpu.yield
    }) : () -> ()
    %mul3A_119 = arith.constant 640 : i32
    %mul3A_120 = arith.muli %arg1, %mul3A_119 : i32
    %add3A_121 = arith.constant 320 : i32
    %add3A_122 = arith.addi %mul3A_120, %add3A_121 : i32
    "tpu.region"() ({
      %run_scoped3A = tpu.sem_alloc : memref<!tpu.dma_semaphore, #tpu.memory_space<semaphore_mem>>
      %dma_start3A = arith.constant 0 : i32
      %dma_start3A_155 = tpu.memref_slice %arg5[%arg0, %add3A_122, %dma_start3A] : memref<2x10240x128xf32, #tpu.memory_space<hbm>> -> memref<1x64x128xf32, #tpu.memory_space<hbm>>
      %dma_start3A_156 = tpu.memref_squeeze %dma_start3A_155 : memref<1x64x128xf32, #tpu.memory_space<hbm>> -> memref<64x128xf32, #tpu.memory_space<hbm>>
      %dma_start3A_157 = arith.constant 0 : i32
      %dma_start3A_158 = tpu.memref_slice %arg5[%arg0, %add3A_122, %dma_start3A_157] : memref<2x10240x128xf32, #tpu.memory_space<hbm>> -> memref<1x64x128xf32, #tpu.memory_space<hbm>>
      %dma_start3A_159 = tpu.memref_squeeze %dma_start3A_158 : memref<1x64x128xf32, #tpu.memory_space<hbm>> -> memref<64x128xf32, #tpu.memory_space<hbm>>
      tpu.enqueue_dma source(%arg8 : memref<64x128xf32, #tpu.memory_space<vmem>>) target(%dma_start3A_159 : memref<64x128xf32, #tpu.memory_space<hbm>>) target_semaphore(%run_scoped3A : memref<!tpu.dma_semaphore, #tpu.memory_space<semaphore_mem>>)
      %dma_wait3A = arith.constant 0 : i32
      %dma_wait3A_160 = tpu.memref_slice %arg5[%arg0, %add3A_122, %dma_wait3A] : memref<2x10240x128xf32, #tpu.memory_space<hbm>> -> memref<1x64x128xf32, #tpu.memory_space<hbm>>
      %dma_wait3A_161 = tpu.memref_squeeze %dma_wait3A_160 : memref<1x64x128xf32, #tpu.memory_space<hbm>> -> memref<64x128xf32, #tpu.memory_space<hbm>>
      %dma_wait3A_162 = arith.constant 0 : i32
      %dma_wait3A_163 = tpu.memref_slice %arg5[%arg0, %add3A_122, %dma_wait3A_162] : memref<2x10240x128xf32, #tpu.memory_space<hbm>> -> memref<1x64x128xf32, #tpu.memory_space<hbm>>
      %dma_wait3A_164 = tpu.memref_squeeze %dma_wait3A_163 : memref<1x64x128xf32, #tpu.memory_space<hbm>> -> memref<64x128xf32, #tpu.memory_space<hbm>>
      tpu.wait_dma2 semaphore(%run_scoped3A : memref<!tpu.dma_semaphore, #tpu.memory_space<semaphore_mem>>) src(%arg8 : memref<64x128xf32, #tpu.memory_space<vmem>>) dst(%dma_wait3A_164 : memref<64x128xf32, #tpu.memory_space<hbm>>)
      tpu.yield
    }) : () -> ()
    %mul3A_123 = arith.constant 640 : i32
    %mul3A_124 = arith.muli %arg1, %mul3A_123 : i32
    %add3A_125 = arith.constant 384 : i32
    %add3A_126 = arith.addi %mul3A_124, %add3A_125 : i32
    "tpu.region"() ({
      %run_scoped3A = tpu.sem_alloc : memref<!tpu.dma_semaphore, #tpu.memory_space<semaphore_mem>>
      %dma_start3A = arith.constant 0 : i32
      %dma_start3A_155 = tpu.memref_slice %arg16[%add3A_126, %dma_start3A] : memref<10240x128xf32, #tpu.memory_space<vmem_shared>> -> memref<64x128xf32, #tpu.memory_space<vmem_shared>>
      %dma_start3A_156 = arith.constant 0 : i32
      %dma_start3A_157 = tpu.memref_slice %arg16[%add3A_126, %dma_start3A_156] : memref<10240x128xf32, #tpu.memory_space<vmem_shared>> -> memref<64x128xf32, #tpu.memory_space<vmem_shared>>
      tpu.enqueue_dma source(%dma_start3A_157 : memref<64x128xf32, #tpu.memory_space<vmem_shared>>) target(%arg8 : memref<64x128xf32, #tpu.memory_space<vmem>>) target_semaphore(%run_scoped3A : memref<!tpu.dma_semaphore, #tpu.memory_space<semaphore_mem>>)
      %dma_wait3A = arith.constant 0 : i32
      %dma_wait3A_158 = tpu.memref_slice %arg16[%add3A_126, %dma_wait3A] : memref<10240x128xf32, #tpu.memory_space<vmem_shared>> -> memref<64x128xf32, #tpu.memory_space<vmem_shared>>
      %dma_wait3A_159 = arith.constant 0 : i32
      %dma_wait3A_160 = tpu.memref_slice %arg16[%add3A_126, %dma_wait3A_159] : memref<10240x128xf32, #tpu.memory_space<vmem_shared>> -> memref<64x128xf32, #tpu.memory_space<vmem_shared>>
      tpu.wait_dma2 semaphore(%run_scoped3A : memref<!tpu.dma_semaphore, #tpu.memory_space<semaphore_mem>>) src(%dma_wait3A_160 : memref<64x128xf32, #tpu.memory_space<vmem_shared>>) dst(%arg8 : memref<64x128xf32, #tpu.memory_space<vmem>>)
      tpu.yield
    }) : () -> ()
    %mul3A_127 = arith.constant 640 : i32
    %mul3A_128 = arith.muli %arg1, %mul3A_127 : i32
    %add3A_129 = arith.constant 384 : i32
    %add3A_130 = arith.addi %mul3A_128, %add3A_129 : i32
    "tpu.region"() ({
      %run_scoped3A = tpu.sem_alloc : memref<!tpu.dma_semaphore, #tpu.memory_space<semaphore_mem>>
      %dma_start3A = arith.constant 0 : i32
      %dma_start3A_155 = tpu.memref_slice %arg5[%arg0, %add3A_130, %dma_start3A] : memref<2x10240x128xf32, #tpu.memory_space<hbm>> -> memref<1x64x128xf32, #tpu.memory_space<hbm>>
      %dma_start3A_156 = tpu.memref_squeeze %dma_start3A_155 : memref<1x64x128xf32, #tpu.memory_space<hbm>> -> memref<64x128xf32, #tpu.memory_space<hbm>>
      %dma_start3A_157 = arith.constant 0 : i32
      %dma_start3A_158 = tpu.memref_slice %arg5[%arg0, %add3A_130, %dma_start3A_157] : memref<2x10240x128xf32, #tpu.memory_space<hbm>> -> memref<1x64x128xf32, #tpu.memory_space<hbm>>
      %dma_start3A_159 = tpu.memref_squeeze %dma_start3A_158 : memref<1x64x128xf32, #tpu.memory_space<hbm>> -> memref<64x128xf32, #tpu.memory_space<hbm>>
      tpu.enqueue_dma source(%arg8 : memref<64x128xf32, #tpu.memory_space<vmem>>) target(%dma_start3A_159 : memref<64x128xf32, #tpu.memory_space<hbm>>) target_semaphore(%run_scoped3A : memref<!tpu.dma_semaphore, #tpu.memory_space<semaphore_mem>>)
      %dma_wait3A = arith.constant 0 : i32
      %dma_wait3A_160 = tpu.memref_slice %arg5[%arg0, %add3A_130, %dma_wait3A] : memref<2x10240x128xf32, #tpu.memory_space<hbm>> -> memref<1x64x128xf32, #tpu.memory_space<hbm>>
      %dma_wait3A_161 = tpu.memref_squeeze %dma_wait3A_160 : memref<1x64x128xf32, #tpu.memory_space<hbm>> -> memref<64x128xf32, #tpu.memory_space<hbm>>
      %dma_wait3A_162 = arith.constant 0 : i32
      %dma_wait3A_163 = tpu.memref_slice %arg5[%arg0, %add3A_130, %dma_wait3A_162] : memref<2x10240x128xf32, #tpu.memory_space<hbm>> -> memref<1x64x128xf32, #tpu.memory_space<hbm>>
      %dma_wait3A_164 = tpu.memref_squeeze %dma_wait3A_163 : memref<1x64x128xf32, #tpu.memory_space<hbm>> -> memref<64x128xf32, #tpu.memory_space<hbm>>
      tpu.wait_dma2 semaphore(%run_scoped3A : memref<!tpu.dma_semaphore, #tpu.memory_space<semaphore_mem>>) src(%arg8 : memref<64x128xf32, #tpu.memory_space<vmem>>) dst(%dma_wait3A_164 : memref<64x128xf32, #tpu.memory_space<hbm>>)
      tpu.yield
    }) : () -> ()
    %mul3A_131 = arith.constant 640 : i32
    %mul3A_132 = arith.muli %arg1, %mul3A_131 : i32
    %add3A_133 = arith.constant 448 : i32
    %add3A_134 = arith.addi %mul3A_132, %add3A_133 : i32
    "tpu.region"() ({
      %run_scoped3A = tpu.sem_alloc : memref<!tpu.dma_semaphore, #tpu.memory_space<semaphore_mem>>
      %dma_start3A = arith.constant 0 : i32
      %dma_start3A_155 = tpu.memref_slice %arg16[%add3A_134, %dma_start3A] : memref<10240x128xf32, #tpu.memory_space<vmem_shared>> -> memref<64x128xf32, #tpu.memory_space<vmem_shared>>
      %dma_start3A_156 = arith.constant 0 : i32
      %dma_start3A_157 = tpu.memref_slice %arg16[%add3A_134, %dma_start3A_156] : memref<10240x128xf32, #tpu.memory_space<vmem_shared>> -> memref<64x128xf32, #tpu.memory_space<vmem_shared>>
      tpu.enqueue_dma source(%dma_start3A_157 : memref<64x128xf32, #tpu.memory_space<vmem_shared>>) target(%arg8 : memref<64x128xf32, #tpu.memory_space<vmem>>) target_semaphore(%run_scoped3A : memref<!tpu.dma_semaphore, #tpu.memory_space<semaphore_mem>>)
      %dma_wait3A = arith.constant 0 : i32
      %dma_wait3A_158 = tpu.memref_slice %arg16[%add3A_134, %dma_wait3A] : memref<10240x128xf32, #tpu.memory_space<vmem_shared>> -> memref<64x128xf32, #tpu.memory_space<vmem_shared>>
      %dma_wait3A_159 = arith.constant 0 : i32
      %dma_wait3A_160 = tpu.memref_slice %arg16[%add3A_134, %dma_wait3A_159] : memref<10240x128xf32, #tpu.memory_space<vmem_shared>> -> memref<64x128xf32, #tpu.memory_space<vmem_shared>>
      tpu.wait_dma2 semaphore(%run_scoped3A : memref<!tpu.dma_semaphore, #tpu.memory_space<semaphore_mem>>) src(%dma_wait3A_160 : memref<64x128xf32, #tpu.memory_space<vmem_shared>>) dst(%arg8 : memref<64x128xf32, #tpu.memory_space<vmem>>)
      tpu.yield
    }) : () -> ()
    %mul3A_135 = arith.constant 640 : i32
    %mul3A_136 = arith.muli %arg1, %mul3A_135 : i32
    %add3A_137 = arith.constant 448 : i32
    %add3A_138 = arith.addi %mul3A_136, %add3A_137 : i32
    "tpu.region"() ({
      %run_scoped3A = tpu.sem_alloc : memref<!tpu.dma_semaphore, #tpu.memory_space<semaphore_mem>>
      %dma_start3A = arith.constant 0 : i32
      %dma_start3A_155 = tpu.memref_slice %arg5[%arg0, %add3A_138, %dma_start3A] : memref<2x10240x128xf32, #tpu.memory_space<hbm>> -> memref<1x64x128xf32, #tpu.memory_space<hbm>>
      %dma_start3A_156 = tpu.memref_squeeze %dma_start3A_155 : memref<1x64x128xf32, #tpu.memory_space<hbm>> -> memref<64x128xf32, #tpu.memory_space<hbm>>
      %dma_start3A_157 = arith.constant 0 : i32
      %dma_start3A_158 = tpu.memref_slice %arg5[%arg0, %add3A_138, %dma_start3A_157] : memref<2x10240x128xf32, #tpu.memory_space<hbm>> -> memref<1x64x128xf32, #tpu.memory_space<hbm>>
      %dma_start3A_159 = tpu.memref_squeeze %dma_start3A_158 : memref<1x64x128xf32, #tpu.memory_space<hbm>> -> memref<64x128xf32, #tpu.memory_space<hbm>>
      tpu.enqueue_dma source(%arg8 : memref<64x128xf32, #tpu.memory_space<vmem>>) target(%dma_start3A_159 : memref<64x128xf32, #tpu.memory_space<hbm>>) target_semaphore(%run_scoped3A : memref<!tpu.dma_semaphore, #tpu.memory_space<semaphore_mem>>)
      %dma_wait3A = arith.constant 0 : i32
      %dma_wait3A_160 = tpu.memref_slice %arg5[%arg0, %add3A_138, %dma_wait3A] : memref<2x10240x128xf32, #tpu.memory_space<hbm>> -> memref<1x64x128xf32, #tpu.memory_space<hbm>>
      %dma_wait3A_161 = tpu.memref_squeeze %dma_wait3A_160 : memref<1x64x128xf32, #tpu.memory_space<hbm>> -> memref<64x128xf32, #tpu.memory_space<hbm>>
      %dma_wait3A_162 = arith.constant 0 : i32
      %dma_wait3A_163 = tpu.memref_slice %arg5[%arg0, %add3A_138, %dma_wait3A_162] : memref<2x10240x128xf32, #tpu.memory_space<hbm>> -> memref<1x64x128xf32, #tpu.memory_space<hbm>>
      %dma_wait3A_164 = tpu.memref_squeeze %dma_wait3A_163 : memref<1x64x128xf32, #tpu.memory_space<hbm>> -> memref<64x128xf32, #tpu.memory_space<hbm>>
      tpu.wait_dma2 semaphore(%run_scoped3A : memref<!tpu.dma_semaphore, #tpu.memory_space<semaphore_mem>>) src(%arg8 : memref<64x128xf32, #tpu.memory_space<vmem>>) dst(%dma_wait3A_164 : memref<64x128xf32, #tpu.memory_space<hbm>>)
      tpu.yield
    }) : () -> ()
    %mul3A_139 = arith.constant 640 : i32
    %mul3A_140 = arith.muli %arg1, %mul3A_139 : i32
    %add3A_141 = arith.constant 512 : i32
    %add3A_142 = arith.addi %mul3A_140, %add3A_141 : i32
    "tpu.region"() ({
      %run_scoped3A = tpu.sem_alloc : memref<!tpu.dma_semaphore, #tpu.memory_space<semaphore_mem>>
      %dma_start3A = arith.constant 0 : i32
      %dma_start3A_155 = tpu.memref_slice %arg16[%add3A_142, %dma_start3A] : memref<10240x128xf32, #tpu.memory_space<vmem_shared>> -> memref<64x128xf32, #tpu.memory_space<vmem_shared>>
      %dma_start3A_156 = arith.constant 0 : i32
      %dma_start3A_157 = tpu.memref_slice %arg16[%add3A_142, %dma_start3A_156] : memref<10240x128xf32, #tpu.memory_space<vmem_shared>> -> memref<64x128xf32, #tpu.memory_space<vmem_shared>>
      tpu.enqueue_dma source(%dma_start3A_157 : memref<64x128xf32, #tpu.memory_space<vmem_shared>>) target(%arg8 : memref<64x128xf32, #tpu.memory_space<vmem>>) target_semaphore(%run_scoped3A : memref<!tpu.dma_semaphore, #tpu.memory_space<semaphore_mem>>)
      %dma_wait3A = arith.constant 0 : i32
      %dma_wait3A_158 = tpu.memref_slice %arg16[%add3A_142, %dma_wait3A] : memref<10240x128xf32, #tpu.memory_space<vmem_shared>> -> memref<64x128xf32, #tpu.memory_space<vmem_shared>>
      %dma_wait3A_159 = arith.constant 0 : i32
      %dma_wait3A_160 = tpu.memref_slice %arg16[%add3A_142, %dma_wait3A_159] : memref<10240x128xf32, #tpu.memory_space<vmem_shared>> -> memref<64x128xf32, #tpu.memory_space<vmem_shared>>
      tpu.wait_dma2 semaphore(%run_scoped3A : memref<!tpu.dma_semaphore, #tpu.memory_space<semaphore_mem>>) src(%dma_wait3A_160 : memref<64x128xf32, #tpu.memory_space<vmem_shared>>) dst(%arg8 : memref<64x128xf32, #tpu.memory_space<vmem>>)
      tpu.yield
    }) : () -> ()
    %mul3A_143 = arith.constant 640 : i32
    %mul3A_144 = arith.muli %arg1, %mul3A_143 : i32
    %add3A_145 = arith.constant 512 : i32
    %add3A_146 = arith.addi %mul3A_144, %add3A_145 : i32
    "tpu.region"() ({
      %run_scoped3A = tpu.sem_alloc : memref<!tpu.dma_semaphore, #tpu.memory_space<semaphore_mem>>
      %dma_start3A = arith.constant 0 : i32
      %dma_start3A_155 = tpu.memref_slice %arg5[%arg0, %add3A_146, %dma_start3A] : memref<2x10240x128xf32, #tpu.memory_space<hbm>> -> memref<1x64x128xf32, #tpu.memory_space<hbm>>
      %dma_start3A_156 = tpu.memref_squeeze %dma_start3A_155 : memref<1x64x128xf32, #tpu.memory_space<hbm>> -> memref<64x128xf32, #tpu.memory_space<hbm>>
      %dma_start3A_157 = arith.constant 0 : i32
      %dma_start3A_158 = tpu.memref_slice %arg5[%arg0, %add3A_146, %dma_start3A_157] : memref<2x10240x128xf32, #tpu.memory_space<hbm>> -> memref<1x64x128xf32, #tpu.memory_space<hbm>>
      %dma_start3A_159 = tpu.memref_squeeze %dma_start3A_158 : memref<1x64x128xf32, #tpu.memory_space<hbm>> -> memref<64x128xf32, #tpu.memory_space<hbm>>
      tpu.enqueue_dma source(%arg8 : memref<64x128xf32, #tpu.memory_space<vmem>>) target(%dma_start3A_159 : memref<64x128xf32, #tpu.memory_space<hbm>>) target_semaphore(%run_scoped3A : memref<!tpu.dma_semaphore, #tpu.memory_space<semaphore_mem>>)
      %dma_wait3A = arith.constant 0 : i32
      %dma_wait3A_160 = tpu.memref_slice %arg5[%arg0, %add3A_146, %dma_wait3A] : memref<2x10240x128xf32, #tpu.memory_space<hbm>> -> memref<1x64x128xf32, #tpu.memory_space<hbm>>
      %dma_wait3A_161 = tpu.memref_squeeze %dma_wait3A_160 : memref<1x64x128xf32, #tpu.memory_space<hbm>> -> memref<64x128xf32, #tpu.memory_space<hbm>>
      %dma_wait3A_162 = arith.constant 0 : i32
      %dma_wait3A_163 = tpu.memref_slice %arg5[%arg0, %add3A_146, %dma_wait3A_162] : memref<2x10240x128xf32, #tpu.memory_space<hbm>> -> memref<1x64x128xf32, #tpu.memory_space<hbm>>
      %dma_wait3A_164 = tpu.memref_squeeze %dma_wait3A_163 : memref<1x64x128xf32, #tpu.memory_space<hbm>> -> memref<64x128xf32, #tpu.memory_space<hbm>>
      tpu.wait_dma2 semaphore(%run_scoped3A : memref<!tpu.dma_semaphore, #tpu.memory_space<semaphore_mem>>) src(%arg8 : memref<64x128xf32, #tpu.memory_space<vmem>>) dst(%dma_wait3A_164 : memref<64x128xf32, #tpu.memory_space<hbm>>)
      tpu.yield
    }) : () -> ()
    %mul3A_147 = arith.constant 640 : i32
    %mul3A_148 = arith.muli %arg1, %mul3A_147 : i32
    %add3A_149 = arith.constant 576 : i32
    %add3A_150 = arith.addi %mul3A_148, %add3A_149 : i32
    "tpu.region"() ({
      %run_scoped3A = tpu.sem_alloc : memref<!tpu.dma_semaphore, #tpu.memory_space<semaphore_mem>>
      %dma_start3A = arith.constant 0 : i32
      %dma_start3A_155 = tpu.memref_slice %arg16[%add3A_150, %dma_start3A] : memref<10240x128xf32, #tpu.memory_space<vmem_shared>> -> memref<64x128xf32, #tpu.memory_space<vmem_shared>>
      %dma_start3A_156 = arith.constant 0 : i32
      %dma_start3A_157 = tpu.memref_slice %arg16[%add3A_150, %dma_start3A_156] : memref<10240x128xf32, #tpu.memory_space<vmem_shared>> -> memref<64x128xf32, #tpu.memory_space<vmem_shared>>
      tpu.enqueue_dma source(%dma_start3A_157 : memref<64x128xf32, #tpu.memory_space<vmem_shared>>) target(%arg8 : memref<64x128xf32, #tpu.memory_space<vmem>>) target_semaphore(%run_scoped3A : memref<!tpu.dma_semaphore, #tpu.memory_space<semaphore_mem>>)
      %dma_wait3A = arith.constant 0 : i32
      %dma_wait3A_158 = tpu.memref_slice %arg16[%add3A_150, %dma_wait3A] : memref<10240x128xf32, #tpu.memory_space<vmem_shared>> -> memref<64x128xf32, #tpu.memory_space<vmem_shared>>
      %dma_wait3A_159 = arith.constant 0 : i32
      %dma_wait3A_160 = tpu.memref_slice %arg16[%add3A_150, %dma_wait3A_159] : memref<10240x128xf32, #tpu.memory_space<vmem_shared>> -> memref<64x128xf32, #tpu.memory_space<vmem_shared>>
      tpu.wait_dma2 semaphore(%run_scoped3A : memref<!tpu.dma_semaphore, #tpu.memory_space<semaphore_mem>>) src(%dma_wait3A_160 : memref<64x128xf32, #tpu.memory_space<vmem_shared>>) dst(%arg8 : memref<64x128xf32, #tpu.memory_space<vmem>>)
      tpu.yield
    }) : () -> ()
    %mul3A_151 = arith.constant 640 : i32
    %mul3A_152 = arith.muli %arg1, %mul3A_151 : i32
    %add3A_153 = arith.constant 576 : i32
    %add3A_154 = arith.addi %mul3A_152, %add3A_153 : i32
    "tpu.region"() ({
      %run_scoped3A = tpu.sem_alloc : memref<!tpu.dma_semaphore, #tpu.memory_space<semaphore_mem>>
      %dma_start3A = arith.constant 0 : i32
      %dma_start3A_155 = tpu.memref_slice %arg5[%arg0, %add3A_154, %dma_start3A] : memref<2x10240x128xf32, #tpu.memory_space<hbm>> -> memref<1x64x128xf32, #tpu.memory_space<hbm>>
      %dma_start3A_156 = tpu.memref_squeeze %dma_start3A_155 : memref<1x64x128xf32, #tpu.memory_space<hbm>> -> memref<64x128xf32, #tpu.memory_space<hbm>>
      %dma_start3A_157 = arith.constant 0 : i32
      %dma_start3A_158 = tpu.memref_slice %arg5[%arg0, %add3A_154, %dma_start3A_157] : memref<2x10240x128xf32, #tpu.memory_space<hbm>> -> memref<1x64x128xf32, #tpu.memory_space<hbm>>
      %dma_start3A_159 = tpu.memref_squeeze %dma_start3A_158 : memref<1x64x128xf32, #tpu.memory_space<hbm>> -> memref<64x128xf32, #tpu.memory_space<hbm>>
      tpu.enqueue_dma source(%arg8 : memref<64x128xf32, #tpu.memory_space<vmem>>) target(%dma_start3A_159 : memref<64x128xf32, #tpu.memory_space<hbm>>) target_semaphore(%run_scoped3A : memref<!tpu.dma_semaphore, #tpu.memory_space<semaphore_mem>>)
      %dma_wait3A = arith.constant 0 : i32
      %dma_wait3A_160 = tpu.memref_slice %arg5[%arg0, %add3A_154, %dma_wait3A] : memref<2x10240x128xf32, #tpu.memory_space<hbm>> -> memref<1x64x128xf32, #tpu.memory_space<hbm>>
      %dma_wait3A_161 = tpu.memref_squeeze %dma_wait3A_160 : memref<1x64x128xf32, #tpu.memory_space<hbm>> -> memref<64x128xf32, #tpu.memory_space<hbm>>
      %dma_wait3A_162 = arith.constant 0 : i32
      %dma_wait3A_163 = tpu.memref_slice %arg5[%arg0, %add3A_154, %dma_wait3A_162] : memref<2x10240x128xf32, #tpu.memory_space<hbm>> -> memref<1x64x128xf32, #tpu.memory_space<hbm>>
      %dma_wait3A_164 = tpu.memref_squeeze %dma_wait3A_163 : memref<1x64x128xf32, #tpu.memory_space<hbm>> -> memref<64x128xf32, #tpu.memory_space<hbm>>
      tpu.wait_dma2 semaphore(%run_scoped3A : memref<!tpu.dma_semaphore, #tpu.memory_space<semaphore_mem>>) src(%arg8 : memref<64x128xf32, #tpu.memory_space<vmem>>) dst(%dma_wait3A_164 : memref<64x128xf32, #tpu.memory_space<hbm>>)
      tpu.yield
    }) : () -> ()
    return
  }
}

#map = affine_map<(d0, d1) -> (0, 0)>
#map1 = affine_map<(d0, d1) -> (0, 0, 0)>
module attributes {stable_mosaic.version = 14 : i64} {
  func.func @_agg_kernel(%arg0: i32, %arg1: i32, %arg2: memref<10240x128xf32, #tpu.memory_space<hbm>>, %arg3: memref<10240x64xi32, #tpu.memory_space<hbm>>, %arg4: memref<10240x64xi32, #tpu.memory_space<hbm>>, %arg5: memref<2x10240x128xf32, #tpu.memory_space<hbm>>, %arg6: memref<40x64xi32, #tpu.memory_space<vmem>>, %arg7: memref<40x64xi32, #tpu.memory_space<vmem>>, %arg8: memref<64x128xf32, #tpu.memory_space<vmem>>, %arg9: memref<64x128xf32, #tpu.memory_space<vmem>>, %arg10: memref<64x128xf32, #tpu.memory_space<vmem>>, %arg11: memref<64x128xf32, #tpu.memory_space<vmem>>, %arg12: memref<!tpu.dma_semaphore, #tpu.memory_space<semaphore_mem>>, %arg13: memref<!tpu.dma_semaphore, #tpu.memory_space<semaphore_mem>>, %arg14: memref<!tpu.dma_semaphore, #tpu.memory_space<semaphore_mem>>, %arg15: memref<!tpu.dma_semaphore, #tpu.memory_space<semaphore_mem>>, %arg16: memref<10240x128xf32, #tpu.memory_space<vmem_shared>>) attributes {dimension_semantics = [#tpu.dimension_semantics<core_parallel>, #tpu.dimension_semantics<subcore_parallel>], iteration_bounds = array<i64: 2, 16>, scalar_prefetch = 0 : i64, scratch_operands = 11 : i64, tpu.core_type = #tpu.core_type<sc_vector_subcore>, window_params = [{transform_indices = #map}, {transform_indices = #map}, {transform_indices = #map}, {transform_indices = #map1}]} {
    %mul3A = arith.constant 2 : i32
    %mul3A_0 = arith.muli %arg1, %mul3A : i32
    %add3A = arith.addi %mul3A_0, %arg0 : i32
    %broadcast_in_dim3A = arith.constant 0.000000e+00 : f32
    %broadcast_in_dim3A_1 = vector.broadcast %broadcast_in_dim3A : f32 to vector<16xf32>
    %scan3A = arith.constant 0 : i32
    %scan3A_2 = arith.constant 0 : i32
    %scan3A_3 = arith.constant 512 : i32
    %scan3A_4 = arith.addi %scan3A_2, %scan3A_3 : i32
    %scan3A_5 = arith.constant 1 : i32
    scf.for %scan3A_155 = %scan3A_2 to %scan3A_4 step %scan3A_5  : i32 {
      %jit3A = arith.constant 8 : i32
      %div3A = arith.divsi %scan3A_155, %jit3A : i32
      %sign3A = arith.constant 0 : i32
      %sign3A_156 = arith.cmpi sgt, %scan3A_155, %sign3A : i32
      %sign3A_157 = arith.extui %sign3A_156 : i1 to i32
      %sign3A_158 = arith.constant 0 : i32
      %sign3A_159 = arith.cmpi slt, %scan3A_155, %sign3A_158 : i32
      %sign3A_160 = arith.extui %sign3A_159 : i1 to i32
      %sign3A_161 = arith.subi %sign3A_157, %sign3A_160 : i32
      %sign3A_162 = arith.constant 0 : i32
      %sign3A_163 = arith.cmpi sgt, %jit3A, %sign3A_162 : i32
      %sign3A_164 = arith.extui %sign3A_163 : i1 to i32
      %sign3A_165 = arith.constant 0 : i32
      %sign3A_166 = arith.cmpi slt, %jit3A, %sign3A_165 : i32
      %sign3A_167 = arith.extui %sign3A_166 : i1 to i32
      %sign3A_168 = arith.subi %sign3A_164, %sign3A_167 : i32
      %ne3A = arith.cmpi ne, %sign3A_161, %sign3A_168 : i32
      %rem3A = arith.remsi %scan3A_155, %jit3A : i32
      %ne3A_169 = arith.constant 0 : i32
      %ne3A_170 = arith.cmpi ne, %rem3A, %ne3A_169 : i32
      %and3A = arith.andi %ne3A, %ne3A_170 : i1
      %sub3A = arith.constant 1 : i32
      %sub3A_171 = arith.subi %div3A, %sub3A : i32
      %select_n3A = arith.select %and3A, %sub3A_171, %div3A : i32
      %jit3A_172 = arith.constant 8 : i32
      %eq3A = arith.constant 0 : i32
      %eq3A_173 = arith.cmpi eq, %jit3A_172, %eq3A : i32
      %jit3A_174 = arith.constant 1 : i32
      %select_n3A_175 = arith.select %eq3A_173, %jit3A_174, %jit3A_172 : i32
      %rem3A_176 = arith.remsi %scan3A_155, %select_n3A_175 : i32
      %ne3A_177 = arith.constant 0 : i32
      %ne3A_178 = arith.cmpi ne, %rem3A_176, %ne3A_177 : i32
      %lt3A = arith.constant 0 : i32
      %lt3A_179 = arith.cmpi slt, %rem3A_176, %lt3A : i32
      %lt3A_180 = arith.constant 0 : i32
      %lt3A_181 = arith.cmpi slt, %select_n3A_175, %lt3A_180 : i32
      %ne3A_182 = arith.xori %lt3A_179, %lt3A_181 : i1
      %and3A_183 = arith.andi %ne3A_182, %ne3A_178 : i1
      %add3A_184 = arith.addi %rem3A_176, %select_n3A_175 : i32
      %select_n3A_185 = arith.select %and3A_183, %add3A_184, %rem3A_176 : i32
      %mul3A_186 = arith.constant 16 : i32
      %mul3A_187 = arith.muli %select_n3A_185, %mul3A_186 : i32
      %swap3A = arith.index_cast %select_n3A : i32 to index
      %swap3A_188 = arith.index_cast %mul3A_187 : i32 to index
      %swap3A_189 = tpu.vector_load %arg8[%swap3A, %swap3A_188] {strides = array<i32>} : memref<64x128xf32, #tpu.memory_space<vmem>>, vector<1x16xf32>,
      %swap3A_190 = vector.shape_cast %swap3A_189 : vector<1x16xf32> to vector<16xf32>
      %swap3A_191 = vector.shape_cast %broadcast_in_dim3A_1 : vector<16xf32> to vector<1x16xf32>
      tpu.vector_store %arg8[%swap3A, %swap3A_188], %swap3A_191 {strides = array<i32>} : memref<64x128xf32, #tpu.memory_space<vmem>>, vector<1x16xf32>,
    }
    %scan3A_6 = arith.constant 512 : i32
    %mul3A_7 = arith.constant 640 : i32
    %mul3A_8 = arith.muli %arg1, %mul3A_7 : i32
    %add3A_9 = arith.constant 0 : i32
    %add3A_10 = arith.addi %mul3A_8, %add3A_9 : i32
    "tpu.region"() ({
      %run_scoped3A = tpu.sem_alloc : memref<!tpu.dma_semaphore, #tpu.memory_space<semaphore_mem>>
      %dma_start3A = arith.constant 0 : i32
      %dma_start3A_155 = tpu.memref_slice %arg16[%add3A_10, %dma_start3A] : memref<10240x128xf32, #tpu.memory_space<vmem_shared>> -> memref<64x128xf32, #tpu.memory_space<vmem_shared>>
      %dma_start3A_156 = arith.constant 0 : i32
      %dma_start3A_157 = tpu.memref_slice %arg16[%add3A_10, %dma_start3A_156] : memref<10240x128xf32, #tpu.memory_space<vmem_shared>> -> memref<64x128xf32, #tpu.memory_space<vmem_shared>>
      tpu.enqueue_dma source(%arg8 : memref<64x128xf32, #tpu.memory_space<vmem>>) target(%dma_start3A_157 : memref<64x128xf32, #tpu.memory_space<vmem_shared>>) target_semaphore(%run_scoped3A : memref<!tpu.dma_semaphore, #tpu.memory_space<semaphore_mem>>)
      %dma_wait3A = arith.constant 0 : i32
      %dma_wait3A_158 = tpu.memref_slice %arg16[%add3A_10, %dma_wait3A] : memref<10240x128xf32, #tpu.memory_space<vmem_shared>> -> memref<64x128xf32, #tpu.memory_space<vmem_shared>>
      %dma_wait3A_159 = arith.constant 0 : i32
      %dma_wait3A_160 = tpu.memref_slice %arg16[%add3A_10, %dma_wait3A_159] : memref<10240x128xf32, #tpu.memory_space<vmem_shared>> -> memref<64x128xf32, #tpu.memory_space<vmem_shared>>
      tpu.wait_dma2 semaphore(%run_scoped3A : memref<!tpu.dma_semaphore, #tpu.memory_space<semaphore_mem>>) src(%arg8 : memref<64x128xf32, #tpu.memory_space<vmem>>) dst(%dma_wait3A_160 : memref<64x128xf32, #tpu.memory_space<vmem_shared>>)
      tpu.yield
    }) : () -> ()
    %mul3A_11 = arith.constant 640 : i32
    %mul3A_12 = arith.muli %arg1, %mul3A_11 : i32
    %add3A_13 = arith.constant 64 : i32
    %add3A_14 = arith.addi %mul3A_12, %add3A_13 : i32
    "tpu.region"() ({
      %run_scoped3A = tpu.sem_alloc : memref<!tpu.dma_semaphore, #tpu.memory_space<semaphore_mem>>
      %dma_start3A = arith.constant 0 : i32
      %dma_start3A_155 = tpu.memref_slice %arg16[%add3A_14, %dma_start3A] : memref<10240x128xf32, #tpu.memory_space<vmem_shared>> -> memref<64x128xf32, #tpu.memory_space<vmem_shared>>
      %dma_start3A_156 = arith.constant 0 : i32
      %dma_start3A_157 = tpu.memref_slice %arg16[%add3A_14, %dma_start3A_156] : memref<10240x128xf32, #tpu.memory_space<vmem_shared>> -> memref<64x128xf32, #tpu.memory_space<vmem_shared>>
      tpu.enqueue_dma source(%arg8 : memref<64x128xf32, #tpu.memory_space<vmem>>) target(%dma_start3A_157 : memref<64x128xf32, #tpu.memory_space<vmem_shared>>) target_semaphore(%run_scoped3A : memref<!tpu.dma_semaphore, #tpu.memory_space<semaphore_mem>>)
      %dma_wait3A = arith.constant 0 : i32
      %dma_wait3A_158 = tpu.memref_slice %arg16[%add3A_14, %dma_wait3A] : memref<10240x128xf32, #tpu.memory_space<vmem_shared>> -> memref<64x128xf32, #tpu.memory_space<vmem_shared>>
      %dma_wait3A_159 = arith.constant 0 : i32
      %dma_wait3A_160 = tpu.memref_slice %arg16[%add3A_14, %dma_wait3A_159] : memref<10240x128xf32, #tpu.memory_space<vmem_shared>> -> memref<64x128xf32, #tpu.memory_space<vmem_shared>>
      tpu.wait_dma2 semaphore(%run_scoped3A : memref<!tpu.dma_semaphore, #tpu.memory_space<semaphore_mem>>) src(%arg8 : memref<64x128xf32, #tpu.memory_space<vmem>>) dst(%dma_wait3A_160 : memref<64x128xf32, #tpu.memory_space<vmem_shared>>)
      tpu.yield
    }) : () -> ()
    %mul3A_15 = arith.constant 640 : i32
    %mul3A_16 = arith.muli %arg1, %mul3A_15 : i32
    %add3A_17 = arith.constant 128 : i32
    %add3A_18 = arith.addi %mul3A_16, %add3A_17 : i32
    "tpu.region"() ({
      %run_scoped3A = tpu.sem_alloc : memref<!tpu.dma_semaphore, #tpu.memory_space<semaphore_mem>>
      %dma_start3A = arith.constant 0 : i32
      %dma_start3A_155 = tpu.memref_slice %arg16[%add3A_18, %dma_start3A] : memref<10240x128xf32, #tpu.memory_space<vmem_shared>> -> memref<64x128xf32, #tpu.memory_space<vmem_shared>>
      %dma_start3A_156 = arith.constant 0 : i32
      %dma_start3A_157 = tpu.memref_slice %arg16[%add3A_18, %dma_start3A_156] : memref<10240x128xf32, #tpu.memory_space<vmem_shared>> -> memref<64x128xf32, #tpu.memory_space<vmem_shared>>
      tpu.enqueue_dma source(%arg8 : memref<64x128xf32, #tpu.memory_space<vmem>>) target(%dma_start3A_157 : memref<64x128xf32, #tpu.memory_space<vmem_shared>>) target_semaphore(%run_scoped3A : memref<!tpu.dma_semaphore, #tpu.memory_space<semaphore_mem>>)
      %dma_wait3A = arith.constant 0 : i32
      %dma_wait3A_158 = tpu.memref_slice %arg16[%add3A_18, %dma_wait3A] : memref<10240x128xf32, #tpu.memory_space<vmem_shared>> -> memref<64x128xf32, #tpu.memory_space<vmem_shared>>
      %dma_wait3A_159 = arith.constant 0 : i32
      %dma_wait3A_160 = tpu.memref_slice %arg16[%add3A_18, %dma_wait3A_159] : memref<10240x128xf32, #tpu.memory_space<vmem_shared>> -> memref<64x128xf32, #tpu.memory_space<vmem_shared>>
      tpu.wait_dma2 semaphore(%run_scoped3A : memref<!tpu.dma_semaphore, #tpu.memory_space<semaphore_mem>>) src(%arg8 : memref<64x128xf32, #tpu.memory_space<vmem>>) dst(%dma_wait3A_160 : memref<64x128xf32, #tpu.memory_space<vmem_shared>>)
      tpu.yield
    }) : () -> ()
    %mul3A_19 = arith.constant 640 : i32
    %mul3A_20 = arith.muli %arg1, %mul3A_19 : i32
    %add3A_21 = arith.constant 192 : i32
    %add3A_22 = arith.addi %mul3A_20, %add3A_21 : i32
    "tpu.region"() ({
      %run_scoped3A = tpu.sem_alloc : memref<!tpu.dma_semaphore, #tpu.memory_space<semaphore_mem>>
      %dma_start3A = arith.constant 0 : i32
      %dma_start3A_155 = tpu.memref_slice %arg16[%add3A_22, %dma_start3A] : memref<10240x128xf32, #tpu.memory_space<vmem_shared>> -> memref<64x128xf32, #tpu.memory_space<vmem_shared>>
      %dma_start3A_156 = arith.constant 0 : i32
      %dma_start3A_157 = tpu.memref_slice %arg16[%add3A_22, %dma_start3A_156] : memref<10240x128xf32, #tpu.memory_space<vmem_shared>> -> memref<64x128xf32, #tpu.memory_space<vmem_shared>>
      tpu.enqueue_dma source(%arg8 : memref<64x128xf32, #tpu.memory_space<vmem>>) target(%dma_start3A_157 : memref<64x128xf32, #tpu.memory_space<vmem_shared>>) target_semaphore(%run_scoped3A : memref<!tpu.dma_semaphore, #tpu.memory_space<semaphore_mem>>)
      %dma_wait3A = arith.constant 0 : i32
      %dma_wait3A_158 = tpu.memref_slice %arg16[%add3A_22, %dma_wait3A] : memref<10240x128xf32, #tpu.memory_space<vmem_shared>> -> memref<64x128xf32, #tpu.memory_space<vmem_shared>>
      %dma_wait3A_159 = arith.constant 0 : i32
      %dma_wait3A_160 = tpu.memref_slice %arg16[%add3A_22, %dma_wait3A_159] : memref<10240x128xf32, #tpu.memory_space<vmem_shared>> -> memref<64x128xf32, #tpu.memory_space<vmem_shared>>
      tpu.wait_dma2 semaphore(%run_scoped3A : memref<!tpu.dma_semaphore, #tpu.memory_space<semaphore_mem>>) src(%arg8 : memref<64x128xf32, #tpu.memory_space<vmem>>) dst(%dma_wait3A_160 : memref<64x128xf32, #tpu.memory_space<vmem_shared>>)
      tpu.yield
    }) : () -> ()
    %mul3A_23 = arith.constant 640 : i32
    %mul3A_24 = arith.muli %arg1, %mul3A_23 : i32
    %add3A_25 = arith.constant 256 : i32
    %add3A_26 = arith.addi %mul3A_24, %add3A_25 : i32
    "tpu.region"() ({
      %run_scoped3A = tpu.sem_alloc : memref<!tpu.dma_semaphore, #tpu.memory_space<semaphore_mem>>
      %dma_start3A = arith.constant 0 : i32
      %dma_start3A_155 = tpu.memref_slice %arg16[%add3A_26, %dma_start3A] : memref<10240x128xf32, #tpu.memory_space<vmem_shared>> -> memref<64x128xf32, #tpu.memory_space<vmem_shared>>
      %dma_start3A_156 = arith.constant 0 : i32
      %dma_start3A_157 = tpu.memref_slice %arg16[%add3A_26, %dma_start3A_156] : memref<10240x128xf32, #tpu.memory_space<vmem_shared>> -> memref<64x128xf32, #tpu.memory_space<vmem_shared>>
      tpu.enqueue_dma source(%arg8 : memref<64x128xf32, #tpu.memory_space<vmem>>) target(%dma_start3A_157 : memref<64x128xf32, #tpu.memory_space<vmem_shared>>) target_semaphore(%run_scoped3A : memref<!tpu.dma_semaphore, #tpu.memory_space<semaphore_mem>>)
      %dma_wait3A = arith.constant 0 : i32
      %dma_wait3A_158 = tpu.memref_slice %arg16[%add3A_26, %dma_wait3A] : memref<10240x128xf32, #tpu.memory_space<vmem_shared>> -> memref<64x128xf32, #tpu.memory_space<vmem_shared>>
      %dma_wait3A_159 = arith.constant 0 : i32
      %dma_wait3A_160 = tpu.memref_slice %arg16[%add3A_26, %dma_wait3A_159] : memref<10240x128xf32, #tpu.memory_space<vmem_shared>> -> memref<64x128xf32, #tpu.memory_space<vmem_shared>>
      tpu.wait_dma2 semaphore(%run_scoped3A : memref<!tpu.dma_semaphore, #tpu.memory_space<semaphore_mem>>) src(%arg8 : memref<64x128xf32, #tpu.memory_space<vmem>>) dst(%dma_wait3A_160 : memref<64x128xf32, #tpu.memory_space<vmem_shared>>)
      tpu.yield
    }) : () -> ()
    %mul3A_27 = arith.constant 640 : i32
    %mul3A_28 = arith.muli %arg1, %mul3A_27 : i32
    %add3A_29 = arith.constant 320 : i32
    %add3A_30 = arith.addi %mul3A_28, %add3A_29 : i32
    "tpu.region"() ({
      %run_scoped3A = tpu.sem_alloc : memref<!tpu.dma_semaphore, #tpu.memory_space<semaphore_mem>>
      %dma_start3A = arith.constant 0 : i32
      %dma_start3A_155 = tpu.memref_slice %arg16[%add3A_30, %dma_start3A] : memref<10240x128xf32, #tpu.memory_space<vmem_shared>> -> memref<64x128xf32, #tpu.memory_space<vmem_shared>>
      %dma_start3A_156 = arith.constant 0 : i32
      %dma_start3A_157 = tpu.memref_slice %arg16[%add3A_30, %dma_start3A_156] : memref<10240x128xf32, #tpu.memory_space<vmem_shared>> -> memref<64x128xf32, #tpu.memory_space<vmem_shared>>
      tpu.enqueue_dma source(%arg8 : memref<64x128xf32, #tpu.memory_space<vmem>>) target(%dma_start3A_157 : memref<64x128xf32, #tpu.memory_space<vmem_shared>>) target_semaphore(%run_scoped3A : memref<!tpu.dma_semaphore, #tpu.memory_space<semaphore_mem>>)
      %dma_wait3A = arith.constant 0 : i32
      %dma_wait3A_158 = tpu.memref_slice %arg16[%add3A_30, %dma_wait3A] : memref<10240x128xf32, #tpu.memory_space<vmem_shared>> -> memref<64x128xf32, #tpu.memory_space<vmem_shared>>
      %dma_wait3A_159 = arith.constant 0 : i32
      %dma_wait3A_160 = tpu.memref_slice %arg16[%add3A_30, %dma_wait3A_159] : memref<10240x128xf32, #tpu.memory_space<vmem_shared>> -> memref<64x128xf32, #tpu.memory_space<vmem_shared>>
      tpu.wait_dma2 semaphore(%run_scoped3A : memref<!tpu.dma_semaphore, #tpu.memory_space<semaphore_mem>>) src(%arg8 : memref<64x128xf32, #tpu.memory_space<vmem>>) dst(%dma_wait3A_160 : memref<64x128xf32, #tpu.memory_space<vmem_shared>>)
      tpu.yield
    }) : () -> ()
    %mul3A_31 = arith.constant 640 : i32
    %mul3A_32 = arith.muli %arg1, %mul3A_31 : i32
    %add3A_33 = arith.constant 384 : i32
    %add3A_34 = arith.addi %mul3A_32, %add3A_33 : i32
    "tpu.region"() ({
      %run_scoped3A = tpu.sem_alloc : memref<!tpu.dma_semaphore, #tpu.memory_space<semaphore_mem>>
      %dma_start3A = arith.constant 0 : i32
      %dma_start3A_155 = tpu.memref_slice %arg16[%add3A_34, %dma_start3A] : memref<10240x128xf32, #tpu.memory_space<vmem_shared>> -> memref<64x128xf32, #tpu.memory_space<vmem_shared>>
      %dma_start3A_156 = arith.constant 0 : i32
      %dma_start3A_157 = tpu.memref_slice %arg16[%add3A_34, %dma_start3A_156] : memref<10240x128xf32, #tpu.memory_space<vmem_shared>> -> memref<64x128xf32, #tpu.memory_space<vmem_shared>>
      tpu.enqueue_dma source(%arg8 : memref<64x128xf32, #tpu.memory_space<vmem>>) target(%dma_start3A_157 : memref<64x128xf32, #tpu.memory_space<vmem_shared>>) target_semaphore(%run_scoped3A : memref<!tpu.dma_semaphore, #tpu.memory_space<semaphore_mem>>)
      %dma_wait3A = arith.constant 0 : i32
      %dma_wait3A_158 = tpu.memref_slice %arg16[%add3A_34, %dma_wait3A] : memref<10240x128xf32, #tpu.memory_space<vmem_shared>> -> memref<64x128xf32, #tpu.memory_space<vmem_shared>>
      %dma_wait3A_159 = arith.constant 0 : i32
      %dma_wait3A_160 = tpu.memref_slice %arg16[%add3A_34, %dma_wait3A_159] : memref<10240x128xf32, #tpu.memory_space<vmem_shared>> -> memref<64x128xf32, #tpu.memory_space<vmem_shared>>
      tpu.wait_dma2 semaphore(%run_scoped3A : memref<!tpu.dma_semaphore, #tpu.memory_space<semaphore_mem>>) src(%arg8 : memref<64x128xf32, #tpu.memory_space<vmem>>) dst(%dma_wait3A_160 : memref<64x128xf32, #tpu.memory_space<vmem_shared>>)
      tpu.yield
    }) : () -> ()
    %mul3A_35 = arith.constant 640 : i32
    %mul3A_36 = arith.muli %arg1, %mul3A_35 : i32
    %add3A_37 = arith.constant 448 : i32
    %add3A_38 = arith.addi %mul3A_36, %add3A_37 : i32
    "tpu.region"() ({
      %run_scoped3A = tpu.sem_alloc : memref<!tpu.dma_semaphore, #tpu.memory_space<semaphore_mem>>
      %dma_start3A = arith.constant 0 : i32
      %dma_start3A_155 = tpu.memref_slice %arg16[%add3A_38, %dma_start3A] : memref<10240x128xf32, #tpu.memory_space<vmem_shared>> -> memref<64x128xf32, #tpu.memory_space<vmem_shared>>
      %dma_start3A_156 = arith.constant 0 : i32
      %dma_start3A_157 = tpu.memref_slice %arg16[%add3A_38, %dma_start3A_156] : memref<10240x128xf32, #tpu.memory_space<vmem_shared>> -> memref<64x128xf32, #tpu.memory_space<vmem_shared>>
      tpu.enqueue_dma source(%arg8 : memref<64x128xf32, #tpu.memory_space<vmem>>) target(%dma_start3A_157 : memref<64x128xf32, #tpu.memory_space<vmem_shared>>) target_semaphore(%run_scoped3A : memref<!tpu.dma_semaphore, #tpu.memory_space<semaphore_mem>>)
      %dma_wait3A = arith.constant 0 : i32
      %dma_wait3A_158 = tpu.memref_slice %arg16[%add3A_38, %dma_wait3A] : memref<10240x128xf32, #tpu.memory_space<vmem_shared>> -> memref<64x128xf32, #tpu.memory_space<vmem_shared>>
      %dma_wait3A_159 = arith.constant 0 : i32
      %dma_wait3A_160 = tpu.memref_slice %arg16[%add3A_38, %dma_wait3A_159] : memref<10240x128xf32, #tpu.memory_space<vmem_shared>> -> memref<64x128xf32, #tpu.memory_space<vmem_shared>>
      tpu.wait_dma2 semaphore(%run_scoped3A : memref<!tpu.dma_semaphore, #tpu.memory_space<semaphore_mem>>) src(%arg8 : memref<64x128xf32, #tpu.memory_space<vmem>>) dst(%dma_wait3A_160 : memref<64x128xf32, #tpu.memory_space<vmem_shared>>)
      tpu.yield
    }) : () -> ()
    %mul3A_39 = arith.constant 640 : i32
    %mul3A_40 = arith.muli %arg1, %mul3A_39 : i32
    %add3A_41 = arith.constant 512 : i32
    %add3A_42 = arith.addi %mul3A_40, %add3A_41 : i32
    "tpu.region"() ({
      %run_scoped3A = tpu.sem_alloc : memref<!tpu.dma_semaphore, #tpu.memory_space<semaphore_mem>>
      %dma_start3A = arith.constant 0 : i32
      %dma_start3A_155 = tpu.memref_slice %arg16[%add3A_42, %dma_start3A] : memref<10240x128xf32, #tpu.memory_space<vmem_shared>> -> memref<64x128xf32, #tpu.memory_space<vmem_shared>>
      %dma_start3A_156 = arith.constant 0 : i32
      %dma_start3A_157 = tpu.memref_slice %arg16[%add3A_42, %dma_start3A_156] : memref<10240x128xf32, #tpu.memory_space<vmem_shared>> -> memref<64x128xf32, #tpu.memory_space<vmem_shared>>
      tpu.enqueue_dma source(%arg8 : memref<64x128xf32, #tpu.memory_space<vmem>>) target(%dma_start3A_157 : memref<64x128xf32, #tpu.memory_space<vmem_shared>>) target_semaphore(%run_scoped3A : memref<!tpu.dma_semaphore, #tpu.memory_space<semaphore_mem>>)
      %dma_wait3A = arith.constant 0 : i32
      %dma_wait3A_158 = tpu.memref_slice %arg16[%add3A_42, %dma_wait3A] : memref<10240x128xf32, #tpu.memory_space<vmem_shared>> -> memref<64x128xf32, #tpu.memory_space<vmem_shared>>
      %dma_wait3A_159 = arith.constant 0 : i32
      %dma_wait3A_160 = tpu.memref_slice %arg16[%add3A_42, %dma_wait3A_159] : memref<10240x128xf32, #tpu.memory_space<vmem_shared>> -> memref<64x128xf32, #tpu.memory_space<vmem_shared>>
      tpu.wait_dma2 semaphore(%run_scoped3A : memref<!tpu.dma_semaphore, #tpu.memory_space<semaphore_mem>>) src(%arg8 : memref<64x128xf32, #tpu.memory_space<vmem>>) dst(%dma_wait3A_160 : memref<64x128xf32, #tpu.memory_space<vmem_shared>>)
      tpu.yield
    }) : () -> ()
    %mul3A_43 = arith.constant 640 : i32
    %mul3A_44 = arith.muli %arg1, %mul3A_43 : i32
    %add3A_45 = arith.constant 576 : i32
    %add3A_46 = arith.addi %mul3A_44, %add3A_45 : i32
    "tpu.region"() ({
      %run_scoped3A = tpu.sem_alloc : memref<!tpu.dma_semaphore, #tpu.memory_space<semaphore_mem>>
      %dma_start3A = arith.constant 0 : i32
      %dma_start3A_155 = tpu.memref_slice %arg16[%add3A_46, %dma_start3A] : memref<10240x128xf32, #tpu.memory_space<vmem_shared>> -> memref<64x128xf32, #tpu.memory_space<vmem_shared>>
      %dma_start3A_156 = arith.constant 0 : i32
      %dma_start3A_157 = tpu.memref_slice %arg16[%add3A_46, %dma_start3A_156] : memref<10240x128xf32, #tpu.memory_space<vmem_shared>> -> memref<64x128xf32, #tpu.memory_space<vmem_shared>>
      tpu.enqueue_dma source(%arg8 : memref<64x128xf32, #tpu.memory_space<vmem>>) target(%dma_start3A_157 : memref<64x128xf32, #tpu.memory_space<vmem_shared>>) target_semaphore(%run_scoped3A : memref<!tpu.dma_semaphore, #tpu.memory_space<semaphore_mem>>)
      %dma_wait3A = arith.constant 0 : i32
      %dma_wait3A_158 = tpu.memref_slice %arg16[%add3A_46, %dma_wait3A] : memref<10240x128xf32, #tpu.memory_space<vmem_shared>> -> memref<64x128xf32, #tpu.memory_space<vmem_shared>>
      %dma_wait3A_159 = arith.constant 0 : i32
      %dma_wait3A_160 = tpu.memref_slice %arg16[%add3A_46, %dma_wait3A_159] : memref<10240x128xf32, #tpu.memory_space<vmem_shared>> -> memref<64x128xf32, #tpu.memory_space<vmem_shared>>
      tpu.wait_dma2 semaphore(%run_scoped3A : memref<!tpu.dma_semaphore, #tpu.memory_space<semaphore_mem>>) src(%arg8 : memref<64x128xf32, #tpu.memory_space<vmem>>) dst(%dma_wait3A_160 : memref<64x128xf32, #tpu.memory_space<vmem_shared>>)
      tpu.yield
    }) : () -> ()
    %barrier3A = arith.constant 0 : index
    tpu.barrier barrier_id(%barrier3A)
    %mul3A_47 = arith.constant -14 : i32
    %mul3A_48 = arith.muli %arg0, %mul3A_47 : i32
    %add3A_49 = arith.constant 15 : i32
    %add3A_50 = arith.addi %add3A_49, %mul3A_48 : i32
    %mul3A_51 = arith.constant 40 : i32
    %mul3A_52 = arith.muli %arg1, %mul3A_51 : i32
    %mul3A_53 = arith.constant -14 : i32
    %mul3A_54 = arith.muli %arg0, %mul3A_53 : i32
    %add3A_55 = arith.constant 15 : i32
    %add3A_56 = arith.addi %add3A_55, %mul3A_54 : i32
    %mul3A_57 = arith.muli %mul3A_52, %add3A_56 : i32
    %mul3A_58 = arith.constant 16 : i32
    %mul3A_59 = arith.muli %arg0, %mul3A_58 : i32
    %mul3A_60 = arith.constant 15 : i32
    %mul3A_61 = arith.muli %mul3A_59, %mul3A_60 : i32
    %mul3A_62 = arith.constant 40 : i32
    %mul3A_63 = arith.muli %mul3A_61, %mul3A_62 : i32
    %add3A_64 = arith.addi %mul3A_57, %mul3A_63 : i32
    %while3A = arith.constant 0 : i32
    %while3A_65 = arith.constant 0 : i32
    %while3A_66 = arith.subi %add3A_50, %while3A_65 : i32
    %while3A_67 = arith.addi %while3A_65, %while3A_66 : i32
    %while3A_68 = arith.constant 1 : i32
    %while3A_69 = arith.divsi %while3A_66, %while3A_68 : i32
    %while3A_70 = arith.muli %while3A_69, %while3A_68 : i32
    %while3A_71 = arith.addi %while3A_65, %while3A_70 : i32
    %while3A_72 = arith.constant 1 : i32
    scf.for %while3A_155 = %while3A_65 to %while3A_71 step %while3A_72  : i32 {
      %mul3A_156 = arith.constant 40 : i32
      %mul3A_157 = arith.muli %while3A_155, %mul3A_156 : i32
      %add3A_158 = arith.addi %add3A_64, %mul3A_157 : i32
      %multiple_of3A = tpu.assume_multiple %add3A_158, 8 : i32
      "tpu.region"() ({
        %run_scoped3A = tpu.sem_alloc : memref<!tpu.dma_semaphore, #tpu.memory_space<semaphore_mem>>
        %dma_start3A_185 = arith.constant 0 : i32
        %dma_start3A_186 = tpu.memref_slice %arg3[%multiple_of3A, %dma_start3A_185] : memref<10240x64xi32, #tpu.memory_space<hbm>> -> memref<40x64xi32, #tpu.memory_space<hbm>>
        %dma_start3A_187 = arith.constant 0 : i32
        %dma_start3A_188 = tpu.memref_slice %arg3[%multiple_of3A, %dma_start3A_187] : memref<10240x64xi32, #tpu.memory_space<hbm>> -> memref<40x64xi32, #tpu.memory_space<hbm>>
        tpu.enqueue_dma source(%dma_start3A_188 : memref<40x64xi32, #tpu.memory_space<hbm>>) target(%arg6 : memref<40x64xi32, #tpu.memory_space<vmem>>) target_semaphore(%run_scoped3A : memref<!tpu.dma_semaphore, #tpu.memory_space<semaphore_mem>>)
        %dma_wait3A = arith.constant 0 : i32
        %dma_wait3A_189 = tpu.memref_slice %arg3[%multiple_of3A, %dma_wait3A] : memref<10240x64xi32, #tpu.memory_space<hbm>> -> memref<40x64xi32, #tpu.memory_space<hbm>>
        %dma_wait3A_190 = arith.constant 0 : i32
        %dma_wait3A_191 = tpu.memref_slice %arg3[%multiple_of3A, %dma_wait3A_190] : memref<10240x64xi32, #tpu.memory_space<hbm>> -> memref<40x64xi32, #tpu.memory_space<hbm>>
        tpu.wait_dma2 semaphore(%run_scoped3A : memref<!tpu.dma_semaphore, #tpu.memory_space<semaphore_mem>>) src(%dma_wait3A_191 : memref<40x64xi32, #tpu.memory_space<hbm>>) dst(%arg6 : memref<40x64xi32, #tpu.memory_space<vmem>>)
        tpu.yield
      }) : () -> ()
      "tpu.region"() ({
        %run_scoped3A = tpu.sem_alloc : memref<!tpu.dma_semaphore, #tpu.memory_space<semaphore_mem>>
        %dma_start3A_185 = arith.constant 0 : i32
        %dma_start3A_186 = tpu.memref_slice %arg4[%multiple_of3A, %dma_start3A_185] : memref<10240x64xi32, #tpu.memory_space<hbm>> -> memref<40x64xi32, #tpu.memory_space<hbm>>
        %dma_start3A_187 = arith.constant 0 : i32
        %dma_start3A_188 = tpu.memref_slice %arg4[%multiple_of3A, %dma_start3A_187] : memref<10240x64xi32, #tpu.memory_space<hbm>> -> memref<40x64xi32, #tpu.memory_space<hbm>>
        tpu.enqueue_dma source(%dma_start3A_188 : memref<40x64xi32, #tpu.memory_space<hbm>>) target(%arg7 : memref<40x64xi32, #tpu.memory_space<vmem>>) target_semaphore(%run_scoped3A : memref<!tpu.dma_semaphore, #tpu.memory_space<semaphore_mem>>)
        %dma_wait3A = arith.constant 0 : i32
        %dma_wait3A_189 = tpu.memref_slice %arg4[%multiple_of3A, %dma_wait3A] : memref<10240x64xi32, #tpu.memory_space<hbm>> -> memref<40x64xi32, #tpu.memory_space<hbm>>
        %dma_wait3A_190 = arith.constant 0 : i32
        %dma_wait3A_191 = tpu.memref_slice %arg4[%multiple_of3A, %dma_wait3A_190] : memref<10240x64xi32, #tpu.memory_space<hbm>> -> memref<40x64xi32, #tpu.memory_space<hbm>>
        tpu.wait_dma2 semaphore(%run_scoped3A : memref<!tpu.dma_semaphore, #tpu.memory_space<semaphore_mem>>) src(%dma_wait3A_191 : memref<40x64xi32, #tpu.memory_space<hbm>>) dst(%arg7 : memref<40x64xi32, #tpu.memory_space<vmem>>)
        tpu.yield
      }) : () -> ()
      %dma_start3A = arith.constant 0 : i32
      %dma_start3A_159 = arith.constant 0 : i32
      %dma_start3A_160 = tpu.memref_slice %arg6[%dma_start3A, %dma_start3A_159] : memref<40x64xi32, #tpu.memory_space<vmem>> -> memref<1x64xi32, #tpu.memory_space<vmem>>
      %dma_start3A_161 = tpu.memref_squeeze %dma_start3A_160 : memref<1x64xi32, #tpu.memory_space<vmem>> -> memref<64xi32, #tpu.memory_space<vmem>>
      %dma_start3A_162 = arith.constant 0 : i32
      %dma_start3A_163 = arith.constant 0 : i32
      %dma_start3A_164 = tpu.memref_slice %arg2[%dma_start3A_162, %dma_start3A_163] : memref<10240x128xf32, #tpu.memory_space<hbm>> -> memref<10240x128xf32, #tpu.memory_space<hbm>>
      tpu.enqueue_indirect_dma source(%dma_start3A_164 : memref<10240x128xf32, #tpu.memory_space<hbm>>) target(%arg8 : memref<64x128xf32, #tpu.memory_space<vmem>>) offsets(%dma_start3A_161 : memref<64xi32, #tpu.memory_space<vmem>>) semaphore(%arg12 : memref<!tpu.dma_semaphore, #tpu.memory_space<semaphore_mem>>)
      %dma_start3A_165 = arith.constant 1 : i32
      %dma_start3A_166 = arith.constant 0 : i32
      %dma_start3A_167 = tpu.memref_slice %arg6[%dma_start3A_165, %dma_start3A_166] : memref<40x64xi32, #tpu.memory_space<vmem>> -> memref<1x64xi32, #tpu.memory_space<vmem>>
      %dma_start3A_168 = tpu.memref_squeeze %dma_start3A_167 : memref<1x64xi32, #tpu.memory_space<vmem>> -> memref<64xi32, #tpu.memory_space<vmem>>
      %dma_start3A_169 = arith.constant 0 : i32
      %dma_start3A_170 = arith.constant 0 : i32
      %dma_start3A_171 = tpu.memref_slice %arg2[%dma_start3A_169, %dma_start3A_170] : memref<10240x128xf32, #tpu.memory_space<hbm>> -> memref<10240x128xf32, #tpu.memory_space<hbm>>
      tpu.enqueue_indirect_dma source(%dma_start3A_171 : memref<10240x128xf32, #tpu.memory_space<hbm>>) target(%arg9 : memref<64x128xf32, #tpu.memory_space<vmem>>) offsets(%dma_start3A_168 : memref<64xi32, #tpu.memory_space<vmem>>) semaphore(%arg13 : memref<!tpu.dma_semaphore, #tpu.memory_space<semaphore_mem>>)
      %dma_start3A_172 = arith.constant 2 : i32
      %dma_start3A_173 = arith.constant 0 : i32
      %dma_start3A_174 = tpu.memref_slice %arg6[%dma_start3A_172, %dma_start3A_173] : memref<40x64xi32, #tpu.memory_space<vmem>> -> memref<1x64xi32, #tpu.memory_space<vmem>>
      %dma_start3A_175 = tpu.memref_squeeze %dma_start3A_174 : memref<1x64xi32, #tpu.memory_space<vmem>> -> memref<64xi32, #tpu.memory_space<vmem>>
      %dma_start3A_176 = arith.constant 0 : i32
      %dma_start3A_177 = arith.constant 0 : i32
      %dma_start3A_178 = tpu.memref_slice %arg2[%dma_start3A_176, %dma_start3A_177] : memref<10240x128xf32, #tpu.memory_space<hbm>> -> memref<10240x128xf32, #tpu.memory_space<hbm>>
      tpu.enqueue_indirect_dma source(%dma_start3A_178 : memref<10240x128xf32, #tpu.memory_space<hbm>>) target(%arg10 : memref<64x128xf32, #tpu.memory_space<vmem>>) offsets(%dma_start3A_175 : memref<64xi32, #tpu.memory_space<vmem>>) semaphore(%arg14 : memref<!tpu.dma_semaphore, #tpu.memory_space<semaphore_mem>>)
      %scan3A_179 = arith.constant 0 : i32
      %scan3A_180 = arith.constant 0 : i32
      %scan3A_181 = arith.constant 10 : i32
      %scan3A_182 = arith.addi %scan3A_180, %scan3A_181 : i32
      %scan3A_183 = arith.constant 1 : i32
      scf.for %scan3A_185 = %scan3A_180 to %scan3A_182 step %scan3A_183  : i32 {
        %mul3A_186 = arith.constant 4 : i32
        %mul3A_187 = arith.muli %mul3A_186, %scan3A_185 : i32
        %add3A_188 = arith.constant 0 : i32
        %add3A_189 = arith.addi %mul3A_187, %add3A_188 : i32
        %dma_wait3A = arith.constant 0 : i32
        %dma_wait3A_190 = tpu.memref_slice %arg6[%add3A_189, %dma_wait3A] : memref<40x64xi32, #tpu.memory_space<vmem>> -> memref<1x64xi32, #tpu.memory_space<vmem>>
        %dma_wait3A_191 = tpu.memref_squeeze %dma_wait3A_190 : memref<1x64xi32, #tpu.memory_space<vmem>> -> memref<64xi32, #tpu.memory_space<vmem>>
        %dma_wait3A_192 = arith.constant 0 : i32
        %dma_wait3A_193 = arith.constant 0 : i32
        %dma_wait3A_194 = tpu.memref_slice %arg2[%dma_wait3A_192, %dma_wait3A_193] : memref<10240x128xf32, #tpu.memory_space<hbm>> -> memref<10240x128xf32, #tpu.memory_space<hbm>>
        tpu.wait_indirect_dma semaphore(%arg12 : memref<!tpu.dma_semaphore, #tpu.memory_space<semaphore_mem>>) src(%dma_wait3A_194 : memref<10240x128xf32, #tpu.memory_space<hbm>>) dst(%arg8 : memref<64x128xf32, #tpu.memory_space<vmem>>)
        %add3A_195 = arith.constant 4 : i32
        %add3A_196 = arith.addi %add3A_189, %add3A_195 : i32
        %sub3A = arith.constant 1 : i32
        %sub3A_197 = arith.subi %add3A_196, %sub3A : i32
        %lt3A = arith.constant 40 : i32
        %lt3A_198 = arith.cmpi slt, %sub3A_197, %lt3A : i32
        %convert_element_type3A = arith.extui %lt3A_198 : i1 to i32
        %cond3A = arith.constant 0 : i32
        %cond3A_199 = arith.cmpi ne, %convert_element_type3A, %cond3A : i32
        scf.if %cond3A_199 {
          %add3A_257 = arith.constant 4 : i32
          %add3A_258 = arith.addi %add3A_189, %add3A_257 : i32
          %sub3A_259 = arith.constant 1 : i32
          %sub3A_260 = arith.subi %add3A_258, %sub3A_259 : i32
          %dma_start3A_261 = arith.constant 0 : i32
          %dma_start3A_262 = tpu.memref_slice %arg6[%sub3A_260, %dma_start3A_261] : memref<40x64xi32, #tpu.memory_space<vmem>> -> memref<1x64xi32, #tpu.memory_space<vmem>>
          %dma_start3A_263 = tpu.memref_squeeze %dma_start3A_262 : memref<1x64xi32, #tpu.memory_space<vmem>> -> memref<64xi32, #tpu.memory_space<vmem>>
          %dma_start3A_264 = arith.constant 0 : i32
          %dma_start3A_265 = arith.constant 0 : i32
          %dma_start3A_266 = tpu.memref_slice %arg2[%dma_start3A_264, %dma_start3A_265] : memref<10240x128xf32, #tpu.memory_space<hbm>> -> memref<10240x128xf32, #tpu.memory_space<hbm>>
          tpu.enqueue_indirect_dma source(%dma_start3A_266 : memref<10240x128xf32, #tpu.memory_space<hbm>>) target(%arg11 : memref<64x128xf32, #tpu.memory_space<vmem>>) offsets(%dma_start3A_263 : memref<64xi32, #tpu.memory_space<vmem>>) semaphore(%arg15 : memref<!tpu.dma_semaphore, #tpu.memory_space<semaphore_mem>>)
        } else {
        }
        "tpu.region"() ({
          %run_scoped3A = tpu.sem_alloc : memref<!tpu.dma_semaphore, #tpu.memory_space<semaphore_mem>>
          %dma_start3A_257 = arith.constant 0 : i32
          %dma_start3A_258 = tpu.memref_slice %arg7[%add3A_189, %dma_start3A_257] : memref<40x64xi32, #tpu.memory_space<vmem>> -> memref<1x64xi32, #tpu.memory_space<vmem>>
          %dma_start3A_259 = tpu.memref_squeeze %dma_start3A_258 : memref<1x64xi32, #tpu.memory_space<vmem>> -> memref<64xi32, #tpu.memory_space<vmem>>
          %dma_start3A_260 = arith.constant 0 : i32
          %dma_start3A_261 = arith.constant 0 : i32
          %dma_start3A_262 = tpu.memref_slice %arg16[%dma_start3A_260, %dma_start3A_261] : memref<10240x128xf32, #tpu.memory_space<vmem_shared>> -> memref<10240x128xf32, #tpu.memory_space<vmem_shared>>
          tpu.enqueue_indirect_dma source(%arg8 : memref<64x128xf32, #tpu.memory_space<vmem>>) target(%dma_start3A_262 : memref<10240x128xf32, #tpu.memory_space<vmem_shared>>) offsets(%dma_start3A_259 : memref<64xi32, #tpu.memory_space<vmem>>) semaphore(%run_scoped3A : memref<!tpu.dma_semaphore, #tpu.memory_space<semaphore_mem>>) {add = true}
          %dma_wait3A_263 = arith.constant 0 : i32
          %dma_wait3A_264 = tpu.memref_slice %arg7[%add3A_189, %dma_wait3A_263] : memref<40x64xi32, #tpu.memory_space<vmem>> -> memref<1x64xi32, #tpu.memory_space<vmem>>
          %dma_wait3A_265 = tpu.memref_squeeze %dma_wait3A_264 : memref<1x64xi32, #tpu.memory_space<vmem>> -> memref<64xi32, #tpu.memory_space<vmem>>
          %dma_wait3A_266 = arith.constant 0 : i32
          %dma_wait3A_267 = arith.constant 0 : i32
          %dma_wait3A_268 = tpu.memref_slice %arg16[%dma_wait3A_266, %dma_wait3A_267] : memref<10240x128xf32, #tpu.memory_space<vmem_shared>> -> memref<10240x128xf32, #tpu.memory_space<vmem_shared>>
          tpu.wait_indirect_dma semaphore(%run_scoped3A : memref<!tpu.dma_semaphore, #tpu.memory_space<semaphore_mem>>) src(%arg8 : memref<64x128xf32, #tpu.memory_space<vmem>>) dst(%dma_wait3A_268 : memref<10240x128xf32, #tpu.memory_space<vmem_shared>>)
          tpu.yield
        }) : () -> ()
        %mul3A_200 = arith.constant 4 : i32
        %mul3A_201 = arith.muli %mul3A_200, %scan3A_185 : i32
        %add3A_202 = arith.constant 1 : i32
        %add3A_203 = arith.addi %mul3A_201, %add3A_202 : i32
        %dma_wait3A_204 = arith.constant 0 : i32
        %dma_wait3A_205 = tpu.memref_slice %arg6[%add3A_203, %dma_wait3A_204] : memref<40x64xi32, #tpu.memory_space<vmem>> -> memref<1x64xi32, #tpu.memory_space<vmem>>
        %dma_wait3A_206 = tpu.memref_squeeze %dma_wait3A_205 : memref<1x64xi32, #tpu.memory_space<vmem>> -> memref<64xi32, #tpu.memory_space<vmem>>
        %dma_wait3A_207 = arith.constant 0 : i32
        %dma_wait3A_208 = arith.constant 0 : i32
        %dma_wait3A_209 = tpu.memref_slice %arg2[%dma_wait3A_207, %dma_wait3A_208] : memref<10240x128xf32, #tpu.memory_space<hbm>> -> memref<10240x128xf32, #tpu.memory_space<hbm>>
        tpu.wait_indirect_dma semaphore(%arg13 : memref<!tpu.dma_semaphore, #tpu.memory_space<semaphore_mem>>) src(%dma_wait3A_209 : memref<10240x128xf32, #tpu.memory_space<hbm>>) dst(%arg9 : memref<64x128xf32, #tpu.memory_space<vmem>>)
        %add3A_210 = arith.constant 4 : i32
        %add3A_211 = arith.addi %add3A_203, %add3A_210 : i32
        %sub3A_212 = arith.constant 1 : i32
        %sub3A_213 = arith.subi %add3A_211, %sub3A_212 : i32
        %lt3A_214 = arith.constant 40 : i32
        %lt3A_215 = arith.cmpi slt, %sub3A_213, %lt3A_214 : i32
        %convert_element_type3A_216 = arith.extui %lt3A_215 : i1 to i32
        %cond3A_217 = arith.constant 0 : i32
        %cond3A_218 = arith.cmpi ne, %convert_element_type3A_216, %cond3A_217 : i32
        scf.if %cond3A_218 {
          %add3A_257 = arith.constant 4 : i32
          %add3A_258 = arith.addi %add3A_203, %add3A_257 : i32
          %sub3A_259 = arith.constant 1 : i32
          %sub3A_260 = arith.subi %add3A_258, %sub3A_259 : i32
          %dma_start3A_261 = arith.constant 0 : i32
          %dma_start3A_262 = tpu.memref_slice %arg6[%sub3A_260, %dma_start3A_261] : memref<40x64xi32, #tpu.memory_space<vmem>> -> memref<1x64xi32, #tpu.memory_space<vmem>>
          %dma_start3A_263 = tpu.memref_squeeze %dma_start3A_262 : memref<1x64xi32, #tpu.memory_space<vmem>> -> memref<64xi32, #tpu.memory_space<vmem>>
          %dma_start3A_264 = arith.constant 0 : i32
          %dma_start3A_265 = arith.constant 0 : i32
          %dma_start3A_266 = tpu.memref_slice %arg2[%dma_start3A_264, %dma_start3A_265] : memref<10240x128xf32, #tpu.memory_space<hbm>> -> memref<10240x128xf32, #tpu.memory_space<hbm>>
          tpu.enqueue_indirect_dma source(%dma_start3A_266 : memref<10240x128xf32, #tpu.memory_space<hbm>>) target(%arg8 : memref<64x128xf32, #tpu.memory_space<vmem>>) offsets(%dma_start3A_263 : memref<64xi32, #tpu.memory_space<vmem>>) semaphore(%arg12 : memref<!tpu.dma_semaphore, #tpu.memory_space<semaphore_mem>>)
        } else {
        }
        "tpu.region"() ({
          %run_scoped3A = tpu.sem_alloc : memref<!tpu.dma_semaphore, #tpu.memory_space<semaphore_mem>>
          %dma_start3A_257 = arith.constant 0 : i32
          %dma_start3A_258 = tpu.memref_slice %arg7[%add3A_203, %dma_start3A_257] : memref<40x64xi32, #tpu.memory_space<vmem>> -> memref<1x64xi32, #tpu.memory_space<vmem>>
          %dma_start3A_259 = tpu.memref_squeeze %dma_start3A_258 : memref<1x64xi32, #tpu.memory_space<vmem>> -> memref<64xi32, #tpu.memory_space<vmem>>
          %dma_start3A_260 = arith.constant 0 : i32
          %dma_start3A_261 = arith.constant 0 : i32
          %dma_start3A_262 = tpu.memref_slice %arg16[%dma_start3A_260, %dma_start3A_261] : memref<10240x128xf32, #tpu.memory_space<vmem_shared>> -> memref<10240x128xf32, #tpu.memory_space<vmem_shared>>
          tpu.enqueue_indirect_dma source(%arg9 : memref<64x128xf32, #tpu.memory_space<vmem>>) target(%dma_start3A_262 : memref<10240x128xf32, #tpu.memory_space<vmem_shared>>) offsets(%dma_start3A_259 : memref<64xi32, #tpu.memory_space<vmem>>) semaphore(%run_scoped3A : memref<!tpu.dma_semaphore, #tpu.memory_space<semaphore_mem>>) {add = true}
          %dma_wait3A_263 = arith.constant 0 : i32
          %dma_wait3A_264 = tpu.memref_slice %arg7[%add3A_203, %dma_wait3A_263] : memref<40x64xi32, #tpu.memory_space<vmem>> -> memref<1x64xi32, #tpu.memory_space<vmem>>
          %dma_wait3A_265 = tpu.memref_squeeze %dma_wait3A_264 : memref<1x64xi32, #tpu.memory_space<vmem>> -> memref<64xi32, #tpu.memory_space<vmem>>
          %dma_wait3A_266 = arith.constant 0 : i32
          %dma_wait3A_267 = arith.constant 0 : i32
          %dma_wait3A_268 = tpu.memref_slice %arg16[%dma_wait3A_266, %dma_wait3A_267] : memref<10240x128xf32, #tpu.memory_space<vmem_shared>> -> memref<10240x128xf32, #tpu.memory_space<vmem_shared>>
          tpu.wait_indirect_dma semaphore(%run_scoped3A : memref<!tpu.dma_semaphore, #tpu.memory_space<semaphore_mem>>) src(%arg9 : memref<64x128xf32, #tpu.memory_space<vmem>>) dst(%dma_wait3A_268 : memref<10240x128xf32, #tpu.memory_space<vmem_shared>>)
          tpu.yield
        }) : () -> ()
        %mul3A_219 = arith.constant 4 : i32
        %mul3A_220 = arith.muli %mul3A_219, %scan3A_185 : i32
        %add3A_221 = arith.constant 2 : i32
        %add3A_222 = arith.addi %mul3A_220, %add3A_221 : i32
        %dma_wait3A_223 = arith.constant 0 : i32
        %dma_wait3A_224 = tpu.memref_slice %arg6[%add3A_222, %dma_wait3A_223] : memref<40x64xi32, #tpu.memory_space<vmem>> -> memref<1x64xi32, #tpu.memory_space<vmem>>
        %dma_wait3A_225 = tpu.memref_squeeze %dma_wait3A_224 : memref<1x64xi32, #tpu.memory_space<vmem>> -> memref<64xi32, #tpu.memory_space<vmem>>
        %dma_wait3A_226 = arith.constant 0 : i32
        %dma_wait3A_227 = arith.constant 0 : i32
        %dma_wait3A_228 = tpu.memref_slice %arg2[%dma_wait3A_226, %dma_wait3A_227] : memref<10240x128xf32, #tpu.memory_space<hbm>> -> memref<10240x128xf32, #tpu.memory_space<hbm>>
        tpu.wait_indirect_dma semaphore(%arg14 : memref<!tpu.dma_semaphore, #tpu.memory_space<semaphore_mem>>) src(%dma_wait3A_228 : memref<10240x128xf32, #tpu.memory_space<hbm>>) dst(%arg10 : memref<64x128xf32, #tpu.memory_space<vmem>>)
        %add3A_229 = arith.constant 4 : i32
        %add3A_230 = arith.addi %add3A_222, %add3A_229 : i32
        %sub3A_231 = arith.constant 1 : i32
        %sub3A_232 = arith.subi %add3A_230, %sub3A_231 : i32
        %lt3A_233 = arith.constant 40 : i32
        %lt3A_234 = arith.cmpi slt, %sub3A_232, %lt3A_233 : i32
        %convert_element_type3A_235 = arith.extui %lt3A_234 : i1 to i32
        %cond3A_236 = arith.constant 0 : i32
        %cond3A_237 = arith.cmpi ne, %convert_element_type3A_235, %cond3A_236 : i32
        scf.if %cond3A_237 {
          %add3A_257 = arith.constant 4 : i32
          %add3A_258 = arith.addi %add3A_222, %add3A_257 : i32
          %sub3A_259 = arith.constant 1 : i32
          %sub3A_260 = arith.subi %add3A_258, %sub3A_259 : i32
          %dma_start3A_261 = arith.constant 0 : i32
          %dma_start3A_262 = tpu.memref_slice %arg6[%sub3A_260, %dma_start3A_261] : memref<40x64xi32, #tpu.memory_space<vmem>> -> memref<1x64xi32, #tpu.memory_space<vmem>>
          %dma_start3A_263 = tpu.memref_squeeze %dma_start3A_262 : memref<1x64xi32, #tpu.memory_space<vmem>> -> memref<64xi32, #tpu.memory_space<vmem>>
          %dma_start3A_264 = arith.constant 0 : i32
          %dma_start3A_265 = arith.constant 0 : i32
          %dma_start3A_266 = tpu.memref_slice %arg2[%dma_start3A_264, %dma_start3A_265] : memref<10240x128xf32, #tpu.memory_space<hbm>> -> memref<10240x128xf32, #tpu.memory_space<hbm>>
          tpu.enqueue_indirect_dma source(%dma_start3A_266 : memref<10240x128xf32, #tpu.memory_space<hbm>>) target(%arg9 : memref<64x128xf32, #tpu.memory_space<vmem>>) offsets(%dma_start3A_263 : memref<64xi32, #tpu.memory_space<vmem>>) semaphore(%arg13 : memref<!tpu.dma_semaphore, #tpu.memory_space<semaphore_mem>>)
        } else {
        }
        "tpu.region"() ({
          %run_scoped3A = tpu.sem_alloc : memref<!tpu.dma_semaphore, #tpu.memory_space<semaphore_mem>>
          %dma_start3A_257 = arith.constant 0 : i32
          %dma_start3A_258 = tpu.memref_slice %arg7[%add3A_222, %dma_start3A_257] : memref<40x64xi32, #tpu.memory_space<vmem>> -> memref<1x64xi32, #tpu.memory_space<vmem>>
          %dma_start3A_259 = tpu.memref_squeeze %dma_start3A_258 : memref<1x64xi32, #tpu.memory_space<vmem>> -> memref<64xi32, #tpu.memory_space<vmem>>
          %dma_start3A_260 = arith.constant 0 : i32
          %dma_start3A_261 = arith.constant 0 : i32
          %dma_start3A_262 = tpu.memref_slice %arg16[%dma_start3A_260, %dma_start3A_261] : memref<10240x128xf32, #tpu.memory_space<vmem_shared>> -> memref<10240x128xf32, #tpu.memory_space<vmem_shared>>
          tpu.enqueue_indirect_dma source(%arg10 : memref<64x128xf32, #tpu.memory_space<vmem>>) target(%dma_start3A_262 : memref<10240x128xf32, #tpu.memory_space<vmem_shared>>) offsets(%dma_start3A_259 : memref<64xi32, #tpu.memory_space<vmem>>) semaphore(%run_scoped3A : memref<!tpu.dma_semaphore, #tpu.memory_space<semaphore_mem>>) {add = true}
          %dma_wait3A_263 = arith.constant 0 : i32
          %dma_wait3A_264 = tpu.memref_slice %arg7[%add3A_222, %dma_wait3A_263] : memref<40x64xi32, #tpu.memory_space<vmem>> -> memref<1x64xi32, #tpu.memory_space<vmem>>
          %dma_wait3A_265 = tpu.memref_squeeze %dma_wait3A_264 : memref<1x64xi32, #tpu.memory_space<vmem>> -> memref<64xi32, #tpu.memory_space<vmem>>
          %dma_wait3A_266 = arith.constant 0 : i32
          %dma_wait3A_267 = arith.constant 0 : i32
          %dma_wait3A_268 = tpu.memref_slice %arg16[%dma_wait3A_266, %dma_wait3A_267] : memref<10240x128xf32, #tpu.memory_space<vmem_shared>> -> memref<10240x128xf32, #tpu.memory_space<vmem_shared>>
          tpu.wait_indirect_dma semaphore(%run_scoped3A : memref<!tpu.dma_semaphore, #tpu.memory_space<semaphore_mem>>) src(%arg10 : memref<64x128xf32, #tpu.memory_space<vmem>>) dst(%dma_wait3A_268 : memref<10240x128xf32, #tpu.memory_space<vmem_shared>>)
          tpu.yield
        }) : () -> ()
        %mul3A_238 = arith.constant 4 : i32
        %mul3A_239 = arith.muli %mul3A_238, %scan3A_185 : i32
        %add3A_240 = arith.constant 3 : i32
        %add3A_241 = arith.addi %mul3A_239, %add3A_240 : i32
        %dma_wait3A_242 = arith.constant 0 : i32
        %dma_wait3A_243 = tpu.memref_slice %arg6[%add3A_241, %dma_wait3A_242] : memref<40x64xi32, #tpu.memory_space<vmem>> -> memref<1x64xi32, #tpu.memory_space<vmem>>
        %dma_wait3A_244 = tpu.memref_squeeze %dma_wait3A_243 : memref<1x64xi32, #tpu.memory_space<vmem>> -> memref<64xi32, #tpu.memory_space<vmem>>
        %dma_wait3A_245 = arith.constant 0 : i32
        %dma_wait3A_246 = arith.constant 0 : i32
        %dma_wait3A_247 = tpu.memref_slice %arg2[%dma_wait3A_245, %dma_wait3A_246] : memref<10240x128xf32, #tpu.memory_space<hbm>> -> memref<10240x128xf32, #tpu.memory_space<hbm>>
        tpu.wait_indirect_dma semaphore(%arg15 : memref<!tpu.dma_semaphore, #tpu.memory_space<semaphore_mem>>) src(%dma_wait3A_247 : memref<10240x128xf32, #tpu.memory_space<hbm>>) dst(%arg11 : memref<64x128xf32, #tpu.memory_space<vmem>>)
        %add3A_248 = arith.constant 4 : i32
        %add3A_249 = arith.addi %add3A_241, %add3A_248 : i32
        %sub3A_250 = arith.constant 1 : i32
        %sub3A_251 = arith.subi %add3A_249, %sub3A_250 : i32
        %lt3A_252 = arith.constant 40 : i32
        %lt3A_253 = arith.cmpi slt, %sub3A_251, %lt3A_252 : i32
        %convert_element_type3A_254 = arith.extui %lt3A_253 : i1 to i32
        %cond3A_255 = arith.constant 0 : i32
        %cond3A_256 = arith.cmpi ne, %convert_element_type3A_254, %cond3A_255 : i32
        scf.if %cond3A_256 {
          %add3A_257 = arith.constant 4 : i32
          %add3A_258 = arith.addi %add3A_241, %add3A_257 : i32
          %sub3A_259 = arith.constant 1 : i32
          %sub3A_260 = arith.subi %add3A_258, %sub3A_259 : i32
          %dma_start3A_261 = arith.constant 0 : i32
          %dma_start3A_262 = tpu.memref_slice %arg6[%sub3A_260, %dma_start3A_261] : memref<40x64xi32, #tpu.memory_space<vmem>> -> memref<1x64xi32, #tpu.memory_space<vmem>>
          %dma_start3A_263 = tpu.memref_squeeze %dma_start3A_262 : memref<1x64xi32, #tpu.memory_space<vmem>> -> memref<64xi32, #tpu.memory_space<vmem>>
          %dma_start3A_264 = arith.constant 0 : i32
          %dma_start3A_265 = arith.constant 0 : i32
          %dma_start3A_266 = tpu.memref_slice %arg2[%dma_start3A_264, %dma_start3A_265] : memref<10240x128xf32, #tpu.memory_space<hbm>> -> memref<10240x128xf32, #tpu.memory_space<hbm>>
          tpu.enqueue_indirect_dma source(%dma_start3A_266 : memref<10240x128xf32, #tpu.memory_space<hbm>>) target(%arg10 : memref<64x128xf32, #tpu.memory_space<vmem>>) offsets(%dma_start3A_263 : memref<64xi32, #tpu.memory_space<vmem>>) semaphore(%arg14 : memref<!tpu.dma_semaphore, #tpu.memory_space<semaphore_mem>>)
        } else {
        }
        "tpu.region"() ({
          %run_scoped3A = tpu.sem_alloc : memref<!tpu.dma_semaphore, #tpu.memory_space<semaphore_mem>>
          %dma_start3A_257 = arith.constant 0 : i32
          %dma_start3A_258 = tpu.memref_slice %arg7[%add3A_241, %dma_start3A_257] : memref<40x64xi32, #tpu.memory_space<vmem>> -> memref<1x64xi32, #tpu.memory_space<vmem>>
          %dma_start3A_259 = tpu.memref_squeeze %dma_start3A_258 : memref<1x64xi32, #tpu.memory_space<vmem>> -> memref<64xi32, #tpu.memory_space<vmem>>
          %dma_start3A_260 = arith.constant 0 : i32
          %dma_start3A_261 = arith.constant 0 : i32
          %dma_start3A_262 = tpu.memref_slice %arg16[%dma_start3A_260, %dma_start3A_261] : memref<10240x128xf32, #tpu.memory_space<vmem_shared>> -> memref<10240x128xf32, #tpu.memory_space<vmem_shared>>
          tpu.enqueue_indirect_dma source(%arg11 : memref<64x128xf32, #tpu.memory_space<vmem>>) target(%dma_start3A_262 : memref<10240x128xf32, #tpu.memory_space<vmem_shared>>) offsets(%dma_start3A_259 : memref<64xi32, #tpu.memory_space<vmem>>) semaphore(%run_scoped3A : memref<!tpu.dma_semaphore, #tpu.memory_space<semaphore_mem>>) {add = true}
          %dma_wait3A_263 = arith.constant 0 : i32
          %dma_wait3A_264 = tpu.memref_slice %arg7[%add3A_241, %dma_wait3A_263] : memref<40x64xi32, #tpu.memory_space<vmem>> -> memref<1x64xi32, #tpu.memory_space<vmem>>
          %dma_wait3A_265 = tpu.memref_squeeze %dma_wait3A_264 : memref<1x64xi32, #tpu.memory_space<vmem>> -> memref<64xi32, #tpu.memory_space<vmem>>
          %dma_wait3A_266 = arith.constant 0 : i32
          %dma_wait3A_267 = arith.constant 0 : i32
          %dma_wait3A_268 = tpu.memref_slice %arg16[%dma_wait3A_266, %dma_wait3A_267] : memref<10240x128xf32, #tpu.memory_space<vmem_shared>> -> memref<10240x128xf32, #tpu.memory_space<vmem_shared>>
          tpu.wait_indirect_dma semaphore(%run_scoped3A : memref<!tpu.dma_semaphore, #tpu.memory_space<semaphore_mem>>) src(%arg11 : memref<64x128xf32, #tpu.memory_space<vmem>>) dst(%dma_wait3A_268 : memref<10240x128xf32, #tpu.memory_space<vmem_shared>>)
          tpu.yield
        }) : () -> ()
      }
      %scan3A_184 = arith.constant 10 : i32
    }
    %while3A_73 = arith.constant 1 : i32
    scf.for %while3A_155 = %while3A_71 to %while3A_67 step %while3A_73  : i32 {
      %mul3A_156 = arith.constant 40 : i32
      %mul3A_157 = arith.muli %while3A_155, %mul3A_156 : i32
      %add3A_158 = arith.addi %add3A_64, %mul3A_157 : i32
      %multiple_of3A = tpu.assume_multiple %add3A_158, 8 : i32
      "tpu.region"() ({
        %run_scoped3A = tpu.sem_alloc : memref<!tpu.dma_semaphore, #tpu.memory_space<semaphore_mem>>
        %dma_start3A_185 = arith.constant 0 : i32
        %dma_start3A_186 = tpu.memref_slice %arg3[%multiple_of3A, %dma_start3A_185] : memref<10240x64xi32, #tpu.memory_space<hbm>> -> memref<40x64xi32, #tpu.memory_space<hbm>>
        %dma_start3A_187 = arith.constant 0 : i32
        %dma_start3A_188 = tpu.memref_slice %arg3[%multiple_of3A, %dma_start3A_187] : memref<10240x64xi32, #tpu.memory_space<hbm>> -> memref<40x64xi32, #tpu.memory_space<hbm>>
        tpu.enqueue_dma source(%dma_start3A_188 : memref<40x64xi32, #tpu.memory_space<hbm>>) target(%arg6 : memref<40x64xi32, #tpu.memory_space<vmem>>) target_semaphore(%run_scoped3A : memref<!tpu.dma_semaphore, #tpu.memory_space<semaphore_mem>>)
        %dma_wait3A = arith.constant 0 : i32
        %dma_wait3A_189 = tpu.memref_slice %arg3[%multiple_of3A, %dma_wait3A] : memref<10240x64xi32, #tpu.memory_space<hbm>> -> memref<40x64xi32, #tpu.memory_space<hbm>>
        %dma_wait3A_190 = arith.constant 0 : i32
        %dma_wait3A_191 = tpu.memref_slice %arg3[%multiple_of3A, %dma_wait3A_190] : memref<10240x64xi32, #tpu.memory_space<hbm>> -> memref<40x64xi32, #tpu.memory_space<hbm>>
        tpu.wait_dma2 semaphore(%run_scoped3A : memref<!tpu.dma_semaphore, #tpu.memory_space<semaphore_mem>>) src(%dma_wait3A_191 : memref<40x64xi32, #tpu.memory_space<hbm>>) dst(%arg6 : memref<40x64xi32, #tpu.memory_space<vmem>>)
        tpu.yield
      }) : () -> ()
      "tpu.region"() ({
        %run_scoped3A = tpu.sem_alloc : memref<!tpu.dma_semaphore, #tpu.memory_space<semaphore_mem>>
        %dma_start3A_185 = arith.constant 0 : i32
        %dma_start3A_186 = tpu.memref_slice %arg4[%multiple_of3A, %dma_start3A_185] : memref<10240x64xi32, #tpu.memory_space<hbm>> -> memref<40x64xi32, #tpu.memory_space<hbm>>
        %dma_start3A_187 = arith.constant 0 : i32
        %dma_start3A_188 = tpu.memref_slice %arg4[%multiple_of3A, %dma_start3A_187] : memref<10240x64xi32, #tpu.memory_space<hbm>> -> memref<40x64xi32, #tpu.memory_space<hbm>>
        tpu.enqueue_dma source(%dma_start3A_188 : memref<40x64xi32, #tpu.memory_space<hbm>>) target(%arg7 : memref<40x64xi32, #tpu.memory_space<vmem>>) target_semaphore(%run_scoped3A : memref<!tpu.dma_semaphore, #tpu.memory_space<semaphore_mem>>)
        %dma_wait3A = arith.constant 0 : i32
        %dma_wait3A_189 = tpu.memref_slice %arg4[%multiple_of3A, %dma_wait3A] : memref<10240x64xi32, #tpu.memory_space<hbm>> -> memref<40x64xi32, #tpu.memory_space<hbm>>
        %dma_wait3A_190 = arith.constant 0 : i32
        %dma_wait3A_191 = tpu.memref_slice %arg4[%multiple_of3A, %dma_wait3A_190] : memref<10240x64xi32, #tpu.memory_space<hbm>> -> memref<40x64xi32, #tpu.memory_space<hbm>>
        tpu.wait_dma2 semaphore(%run_scoped3A : memref<!tpu.dma_semaphore, #tpu.memory_space<semaphore_mem>>) src(%dma_wait3A_191 : memref<40x64xi32, #tpu.memory_space<hbm>>) dst(%arg7 : memref<40x64xi32, #tpu.memory_space<vmem>>)
        tpu.yield
      }) : () -> ()
      %dma_start3A = arith.constant 0 : i32
      %dma_start3A_159 = arith.constant 0 : i32
      %dma_start3A_160 = tpu.memref_slice %arg6[%dma_start3A, %dma_start3A_159] : memref<40x64xi32, #tpu.memory_space<vmem>> -> memref<1x64xi32, #tpu.memory_space<vmem>>
      %dma_start3A_161 = tpu.memref_squeeze %dma_start3A_160 : memref<1x64xi32, #tpu.memory_space<vmem>> -> memref<64xi32, #tpu.memory_space<vmem>>
      %dma_start3A_162 = arith.constant 0 : i32
      %dma_start3A_163 = arith.constant 0 : i32
      %dma_start3A_164 = tpu.memref_slice %arg2[%dma_start3A_162, %dma_start3A_163] : memref<10240x128xf32, #tpu.memory_space<hbm>> -> memref<10240x128xf32, #tpu.memory_space<hbm>>
      tpu.enqueue_indirect_dma source(%dma_start3A_164 : memref<10240x128xf32, #tpu.memory_space<hbm>>) target(%arg8 : memref<64x128xf32, #tpu.memory_space<vmem>>) offsets(%dma_start3A_161 : memref<64xi32, #tpu.memory_space<vmem>>) semaphore(%arg12 : memref<!tpu.dma_semaphore, #tpu.memory_space<semaphore_mem>>)
      %dma_start3A_165 = arith.constant 1 : i32
      %dma_start3A_166 = arith.constant 0 : i32
      %dma_start3A_167 = tpu.memref_slice %arg6[%dma_start3A_165, %dma_start3A_166] : memref<40x64xi32, #tpu.memory_space<vmem>> -> memref<1x64xi32, #tpu.memory_space<vmem>>
      %dma_start3A_168 = tpu.memref_squeeze %dma_start3A_167 : memref<1x64xi32, #tpu.memory_space<vmem>> -> memref<64xi32, #tpu.memory_space<vmem>>
      %dma_start3A_169 = arith.constant 0 : i32
      %dma_start3A_170 = arith.constant 0 : i32
      %dma_start3A_171 = tpu.memref_slice %arg2[%dma_start3A_169, %dma_start3A_170] : memref<10240x128xf32, #tpu.memory_space<hbm>> -> memref<10240x128xf32, #tpu.memory_space<hbm>>
      tpu.enqueue_indirect_dma source(%dma_start3A_171 : memref<10240x128xf32, #tpu.memory_space<hbm>>) target(%arg9 : memref<64x128xf32, #tpu.memory_space<vmem>>) offsets(%dma_start3A_168 : memref<64xi32, #tpu.memory_space<vmem>>) semaphore(%arg13 : memref<!tpu.dma_semaphore, #tpu.memory_space<semaphore_mem>>)
      %dma_start3A_172 = arith.constant 2 : i32
      %dma_start3A_173 = arith.constant 0 : i32
      %dma_start3A_174 = tpu.memref_slice %arg6[%dma_start3A_172, %dma_start3A_173] : memref<40x64xi32, #tpu.memory_space<vmem>> -> memref<1x64xi32, #tpu.memory_space<vmem>>
      %dma_start3A_175 = tpu.memref_squeeze %dma_start3A_174 : memref<1x64xi32, #tpu.memory_space<vmem>> -> memref<64xi32, #tpu.memory_space<vmem>>
      %dma_start3A_176 = arith.constant 0 : i32
      %dma_start3A_177 = arith.constant 0 : i32
      %dma_start3A_178 = tpu.memref_slice %arg2[%dma_start3A_176, %dma_start3A_177] : memref<10240x128xf32, #tpu.memory_space<hbm>> -> memref<10240x128xf32, #tpu.memory_space<hbm>>
      tpu.enqueue_indirect_dma source(%dma_start3A_178 : memref<10240x128xf32, #tpu.memory_space<hbm>>) target(%arg10 : memref<64x128xf32, #tpu.memory_space<vmem>>) offsets(%dma_start3A_175 : memref<64xi32, #tpu.memory_space<vmem>>) semaphore(%arg14 : memref<!tpu.dma_semaphore, #tpu.memory_space<semaphore_mem>>)
      %scan3A_179 = arith.constant 0 : i32
      %scan3A_180 = arith.constant 0 : i32
      %scan3A_181 = arith.constant 10 : i32
      %scan3A_182 = arith.addi %scan3A_180, %scan3A_181 : i32
      %scan3A_183 = arith.constant 1 : i32
      scf.for %scan3A_185 = %scan3A_180 to %scan3A_182 step %scan3A_183  : i32 {
        %mul3A_186 = arith.constant 4 : i32
        %mul3A_187 = arith.muli %mul3A_186, %scan3A_185 : i32
        %add3A_188 = arith.constant 0 : i32
        %add3A_189 = arith.addi %mul3A_187, %add3A_188 : i32
        %dma_wait3A = arith.constant 0 : i32
        %dma_wait3A_190 = tpu.memref_slice %arg6[%add3A_189, %dma_wait3A] : memref<40x64xi32, #tpu.memory_space<vmem>> -> memref<1x64xi32, #tpu.memory_space<vmem>>
        %dma_wait3A_191 = tpu.memref_squeeze %dma_wait3A_190 : memref<1x64xi32, #tpu.memory_space<vmem>> -> memref<64xi32, #tpu.memory_space<vmem>>
        %dma_wait3A_192 = arith.constant 0 : i32
        %dma_wait3A_193 = arith.constant 0 : i32
        %dma_wait3A_194 = tpu.memref_slice %arg2[%dma_wait3A_192, %dma_wait3A_193] : memref<10240x128xf32, #tpu.memory_space<hbm>> -> memref<10240x128xf32, #tpu.memory_space<hbm>>
        tpu.wait_indirect_dma semaphore(%arg12 : memref<!tpu.dma_semaphore, #tpu.memory_space<semaphore_mem>>) src(%dma_wait3A_194 : memref<10240x128xf32, #tpu.memory_space<hbm>>) dst(%arg8 : memref<64x128xf32, #tpu.memory_space<vmem>>)
        %add3A_195 = arith.constant 4 : i32
        %add3A_196 = arith.addi %add3A_189, %add3A_195 : i32
        %sub3A = arith.constant 1 : i32
        %sub3A_197 = arith.subi %add3A_196, %sub3A : i32
        %lt3A = arith.constant 40 : i32
        %lt3A_198 = arith.cmpi slt, %sub3A_197, %lt3A : i32
        %convert_element_type3A = arith.extui %lt3A_198 : i1 to i32
        %cond3A = arith.constant 0 : i32
        %cond3A_199 = arith.cmpi ne, %convert_element_type3A, %cond3A : i32
        scf.if %cond3A_199 {
          %add3A_257 = arith.constant 4 : i32
          %add3A_258 = arith.addi %add3A_189, %add3A_257 : i32
          %sub3A_259 = arith.constant 1 : i32
          %sub3A_260 = arith.subi %add3A_258, %sub3A_259 : i32
          %dma_start3A_261 = arith.constant 0 : i32
          %dma_start3A_262 = tpu.memref_slice %arg6[%sub3A_260, %dma_start3A_261] : memref<40x64xi32, #tpu.memory_space<vmem>> -> memref<1x64xi32, #tpu.memory_space<vmem>>
          %dma_start3A_263 = tpu.memref_squeeze %dma_start3A_262 : memref<1x64xi32, #tpu.memory_space<vmem>> -> memref<64xi32, #tpu.memory_space<vmem>>
          %dma_start3A_264 = arith.constant 0 : i32
          %dma_start3A_265 = arith.constant 0 : i32
          %dma_start3A_266 = tpu.memref_slice %arg2[%dma_start3A_264, %dma_start3A_265] : memref<10240x128xf32, #tpu.memory_space<hbm>> -> memref<10240x128xf32, #tpu.memory_space<hbm>>
          tpu.enqueue_indirect_dma source(%dma_start3A_266 : memref<10240x128xf32, #tpu.memory_space<hbm>>) target(%arg11 : memref<64x128xf32, #tpu.memory_space<vmem>>) offsets(%dma_start3A_263 : memref<64xi32, #tpu.memory_space<vmem>>) semaphore(%arg15 : memref<!tpu.dma_semaphore, #tpu.memory_space<semaphore_mem>>)
        } else {
        }
        "tpu.region"() ({
          %run_scoped3A = tpu.sem_alloc : memref<!tpu.dma_semaphore, #tpu.memory_space<semaphore_mem>>
          %dma_start3A_257 = arith.constant 0 : i32
          %dma_start3A_258 = tpu.memref_slice %arg7[%add3A_189, %dma_start3A_257] : memref<40x64xi32, #tpu.memory_space<vmem>> -> memref<1x64xi32, #tpu.memory_space<vmem>>
          %dma_start3A_259 = tpu.memref_squeeze %dma_start3A_258 : memref<1x64xi32, #tpu.memory_space<vmem>> -> memref<64xi32, #tpu.memory_space<vmem>>
          %dma_start3A_260 = arith.constant 0 : i32
          %dma_start3A_261 = arith.constant 0 : i32
          %dma_start3A_262 = tpu.memref_slice %arg16[%dma_start3A_260, %dma_start3A_261] : memref<10240x128xf32, #tpu.memory_space<vmem_shared>> -> memref<10240x128xf32, #tpu.memory_space<vmem_shared>>
          tpu.enqueue_indirect_dma source(%arg8 : memref<64x128xf32, #tpu.memory_space<vmem>>) target(%dma_start3A_262 : memref<10240x128xf32, #tpu.memory_space<vmem_shared>>) offsets(%dma_start3A_259 : memref<64xi32, #tpu.memory_space<vmem>>) semaphore(%run_scoped3A : memref<!tpu.dma_semaphore, #tpu.memory_space<semaphore_mem>>) {add = true}
          %dma_wait3A_263 = arith.constant 0 : i32
          %dma_wait3A_264 = tpu.memref_slice %arg7[%add3A_189, %dma_wait3A_263] : memref<40x64xi32, #tpu.memory_space<vmem>> -> memref<1x64xi32, #tpu.memory_space<vmem>>
          %dma_wait3A_265 = tpu.memref_squeeze %dma_wait3A_264 : memref<1x64xi32, #tpu.memory_space<vmem>> -> memref<64xi32, #tpu.memory_space<vmem>>
          %dma_wait3A_266 = arith.constant 0 : i32
          %dma_wait3A_267 = arith.constant 0 : i32
          %dma_wait3A_268 = tpu.memref_slice %arg16[%dma_wait3A_266, %dma_wait3A_267] : memref<10240x128xf32, #tpu.memory_space<vmem_shared>> -> memref<10240x128xf32, #tpu.memory_space<vmem_shared>>
          tpu.wait_indirect_dma semaphore(%run_scoped3A : memref<!tpu.dma_semaphore, #tpu.memory_space<semaphore_mem>>) src(%arg8 : memref<64x128xf32, #tpu.memory_space<vmem>>) dst(%dma_wait3A_268 : memref<10240x128xf32, #tpu.memory_space<vmem_shared>>)
          tpu.yield
        }) : () -> ()
        %mul3A_200 = arith.constant 4 : i32
        %mul3A_201 = arith.muli %mul3A_200, %scan3A_185 : i32
        %add3A_202 = arith.constant 1 : i32
        %add3A_203 = arith.addi %mul3A_201, %add3A_202 : i32
        %dma_wait3A_204 = arith.constant 0 : i32
        %dma_wait3A_205 = tpu.memref_slice %arg6[%add3A_203, %dma_wait3A_204] : memref<40x64xi32, #tpu.memory_space<vmem>> -> memref<1x64xi32, #tpu.memory_space<vmem>>
        %dma_wait3A_206 = tpu.memref_squeeze %dma_wait3A_205 : memref<1x64xi32, #tpu.memory_space<vmem>> -> memref<64xi32, #tpu.memory_space<vmem>>
        %dma_wait3A_207 = arith.constant 0 : i32
        %dma_wait3A_208 = arith.constant 0 : i32
        %dma_wait3A_209 = tpu.memref_slice %arg2[%dma_wait3A_207, %dma_wait3A_208] : memref<10240x128xf32, #tpu.memory_space<hbm>> -> memref<10240x128xf32, #tpu.memory_space<hbm>>
        tpu.wait_indirect_dma semaphore(%arg13 : memref<!tpu.dma_semaphore, #tpu.memory_space<semaphore_mem>>) src(%dma_wait3A_209 : memref<10240x128xf32, #tpu.memory_space<hbm>>) dst(%arg9 : memref<64x128xf32, #tpu.memory_space<vmem>>)
        %add3A_210 = arith.constant 4 : i32
        %add3A_211 = arith.addi %add3A_203, %add3A_210 : i32
        %sub3A_212 = arith.constant 1 : i32
        %sub3A_213 = arith.subi %add3A_211, %sub3A_212 : i32
        %lt3A_214 = arith.constant 40 : i32
        %lt3A_215 = arith.cmpi slt, %sub3A_213, %lt3A_214 : i32
        %convert_element_type3A_216 = arith.extui %lt3A_215 : i1 to i32
        %cond3A_217 = arith.constant 0 : i32
        %cond3A_218 = arith.cmpi ne, %convert_element_type3A_216, %cond3A_217 : i32
        scf.if %cond3A_218 {
          %add3A_257 = arith.constant 4 : i32
          %add3A_258 = arith.addi %add3A_203, %add3A_257 : i32
          %sub3A_259 = arith.constant 1 : i32
          %sub3A_260 = arith.subi %add3A_258, %sub3A_259 : i32
          %dma_start3A_261 = arith.constant 0 : i32
          %dma_start3A_262 = tpu.memref_slice %arg6[%sub3A_260, %dma_start3A_261] : memref<40x64xi32, #tpu.memory_space<vmem>> -> memref<1x64xi32, #tpu.memory_space<vmem>>
          %dma_start3A_263 = tpu.memref_squeeze %dma_start3A_262 : memref<1x64xi32, #tpu.memory_space<vmem>> -> memref<64xi32, #tpu.memory_space<vmem>>
          %dma_start3A_264 = arith.constant 0 : i32
          %dma_start3A_265 = arith.constant 0 : i32
          %dma_start3A_266 = tpu.memref_slice %arg2[%dma_start3A_264, %dma_start3A_265] : memref<10240x128xf32, #tpu.memory_space<hbm>> -> memref<10240x128xf32, #tpu.memory_space<hbm>>
          tpu.enqueue_indirect_dma source(%dma_start3A_266 : memref<10240x128xf32, #tpu.memory_space<hbm>>) target(%arg8 : memref<64x128xf32, #tpu.memory_space<vmem>>) offsets(%dma_start3A_263 : memref<64xi32, #tpu.memory_space<vmem>>) semaphore(%arg12 : memref<!tpu.dma_semaphore, #tpu.memory_space<semaphore_mem>>)
        } else {
        }
        "tpu.region"() ({
          %run_scoped3A = tpu.sem_alloc : memref<!tpu.dma_semaphore, #tpu.memory_space<semaphore_mem>>
          %dma_start3A_257 = arith.constant 0 : i32
          %dma_start3A_258 = tpu.memref_slice %arg7[%add3A_203, %dma_start3A_257] : memref<40x64xi32, #tpu.memory_space<vmem>> -> memref<1x64xi32, #tpu.memory_space<vmem>>
          %dma_start3A_259 = tpu.memref_squeeze %dma_start3A_258 : memref<1x64xi32, #tpu.memory_space<vmem>> -> memref<64xi32, #tpu.memory_space<vmem>>
          %dma_start3A_260 = arith.constant 0 : i32
          %dma_start3A_261 = arith.constant 0 : i32
          %dma_start3A_262 = tpu.memref_slice %arg16[%dma_start3A_260, %dma_start3A_261] : memref<10240x128xf32, #tpu.memory_space<vmem_shared>> -> memref<10240x128xf32, #tpu.memory_space<vmem_shared>>
          tpu.enqueue_indirect_dma source(%arg9 : memref<64x128xf32, #tpu.memory_space<vmem>>) target(%dma_start3A_262 : memref<10240x128xf32, #tpu.memory_space<vmem_shared>>) offsets(%dma_start3A_259 : memref<64xi32, #tpu.memory_space<vmem>>) semaphore(%run_scoped3A : memref<!tpu.dma_semaphore, #tpu.memory_space<semaphore_mem>>) {add = true}
          %dma_wait3A_263 = arith.constant 0 : i32
          %dma_wait3A_264 = tpu.memref_slice %arg7[%add3A_203, %dma_wait3A_263] : memref<40x64xi32, #tpu.memory_space<vmem>> -> memref<1x64xi32, #tpu.memory_space<vmem>>
          %dma_wait3A_265 = tpu.memref_squeeze %dma_wait3A_264 : memref<1x64xi32, #tpu.memory_space<vmem>> -> memref<64xi32, #tpu.memory_space<vmem>>
          %dma_wait3A_266 = arith.constant 0 : i32
          %dma_wait3A_267 = arith.constant 0 : i32
          %dma_wait3A_268 = tpu.memref_slice %arg16[%dma_wait3A_266, %dma_wait3A_267] : memref<10240x128xf32, #tpu.memory_space<vmem_shared>> -> memref<10240x128xf32, #tpu.memory_space<vmem_shared>>
          tpu.wait_indirect_dma semaphore(%run_scoped3A : memref<!tpu.dma_semaphore, #tpu.memory_space<semaphore_mem>>) src(%arg9 : memref<64x128xf32, #tpu.memory_space<vmem>>) dst(%dma_wait3A_268 : memref<10240x128xf32, #tpu.memory_space<vmem_shared>>)
          tpu.yield
        }) : () -> ()
        %mul3A_219 = arith.constant 4 : i32
        %mul3A_220 = arith.muli %mul3A_219, %scan3A_185 : i32
        %add3A_221 = arith.constant 2 : i32
        %add3A_222 = arith.addi %mul3A_220, %add3A_221 : i32
        %dma_wait3A_223 = arith.constant 0 : i32
        %dma_wait3A_224 = tpu.memref_slice %arg6[%add3A_222, %dma_wait3A_223] : memref<40x64xi32, #tpu.memory_space<vmem>> -> memref<1x64xi32, #tpu.memory_space<vmem>>
        %dma_wait3A_225 = tpu.memref_squeeze %dma_wait3A_224 : memref<1x64xi32, #tpu.memory_space<vmem>> -> memref<64xi32, #tpu.memory_space<vmem>>
        %dma_wait3A_226 = arith.constant 0 : i32
        %dma_wait3A_227 = arith.constant 0 : i32
        %dma_wait3A_228 = tpu.memref_slice %arg2[%dma_wait3A_226, %dma_wait3A_227] : memref<10240x128xf32, #tpu.memory_space<hbm>> -> memref<10240x128xf32, #tpu.memory_space<hbm>>
        tpu.wait_indirect_dma semaphore(%arg14 : memref<!tpu.dma_semaphore, #tpu.memory_space<semaphore_mem>>) src(%dma_wait3A_228 : memref<10240x128xf32, #tpu.memory_space<hbm>>) dst(%arg10 : memref<64x128xf32, #tpu.memory_space<vmem>>)
        %add3A_229 = arith.constant 4 : i32
        %add3A_230 = arith.addi %add3A_222, %add3A_229 : i32
        %sub3A_231 = arith.constant 1 : i32
        %sub3A_232 = arith.subi %add3A_230, %sub3A_231 : i32
        %lt3A_233 = arith.constant 40 : i32
        %lt3A_234 = arith.cmpi slt, %sub3A_232, %lt3A_233 : i32
        %convert_element_type3A_235 = arith.extui %lt3A_234 : i1 to i32
        %cond3A_236 = arith.constant 0 : i32
        %cond3A_237 = arith.cmpi ne, %convert_element_type3A_235, %cond3A_236 : i32
        scf.if %cond3A_237 {
          %add3A_257 = arith.constant 4 : i32
          %add3A_258 = arith.addi %add3A_222, %add3A_257 : i32
          %sub3A_259 = arith.constant 1 : i32
          %sub3A_260 = arith.subi %add3A_258, %sub3A_259 : i32
          %dma_start3A_261 = arith.constant 0 : i32
          %dma_start3A_262 = tpu.memref_slice %arg6[%sub3A_260, %dma_start3A_261] : memref<40x64xi32, #tpu.memory_space<vmem>> -> memref<1x64xi32, #tpu.memory_space<vmem>>
          %dma_start3A_263 = tpu.memref_squeeze %dma_start3A_262 : memref<1x64xi32, #tpu.memory_space<vmem>> -> memref<64xi32, #tpu.memory_space<vmem>>
          %dma_start3A_264 = arith.constant 0 : i32
          %dma_start3A_265 = arith.constant 0 : i32
          %dma_start3A_266 = tpu.memref_slice %arg2[%dma_start3A_264, %dma_start3A_265] : memref<10240x128xf32, #tpu.memory_space<hbm>> -> memref<10240x128xf32, #tpu.memory_space<hbm>>
          tpu.enqueue_indirect_dma source(%dma_start3A_266 : memref<10240x128xf32, #tpu.memory_space<hbm>>) target(%arg9 : memref<64x128xf32, #tpu.memory_space<vmem>>) offsets(%dma_start3A_263 : memref<64xi32, #tpu.memory_space<vmem>>) semaphore(%arg13 : memref<!tpu.dma_semaphore, #tpu.memory_space<semaphore_mem>>)
        } else {
        }
        "tpu.region"() ({
          %run_scoped3A = tpu.sem_alloc : memref<!tpu.dma_semaphore, #tpu.memory_space<semaphore_mem>>
          %dma_start3A_257 = arith.constant 0 : i32
          %dma_start3A_258 = tpu.memref_slice %arg7[%add3A_222, %dma_start3A_257] : memref<40x64xi32, #tpu.memory_space<vmem>> -> memref<1x64xi32, #tpu.memory_space<vmem>>
          %dma_start3A_259 = tpu.memref_squeeze %dma_start3A_258 : memref<1x64xi32, #tpu.memory_space<vmem>> -> memref<64xi32, #tpu.memory_space<vmem>>
          %dma_start3A_260 = arith.constant 0 : i32
          %dma_start3A_261 = arith.constant 0 : i32
          %dma_start3A_262 = tpu.memref_slice %arg16[%dma_start3A_260, %dma_start3A_261] : memref<10240x128xf32, #tpu.memory_space<vmem_shared>> -> memref<10240x128xf32, #tpu.memory_space<vmem_shared>>
          tpu.enqueue_indirect_dma source(%arg10 : memref<64x128xf32, #tpu.memory_space<vmem>>) target(%dma_start3A_262 : memref<10240x128xf32, #tpu.memory_space<vmem_shared>>) offsets(%dma_start3A_259 : memref<64xi32, #tpu.memory_space<vmem>>) semaphore(%run_scoped3A : memref<!tpu.dma_semaphore, #tpu.memory_space<semaphore_mem>>) {add = true}
          %dma_wait3A_263 = arith.constant 0 : i32
          %dma_wait3A_264 = tpu.memref_slice %arg7[%add3A_222, %dma_wait3A_263] : memref<40x64xi32, #tpu.memory_space<vmem>> -> memref<1x64xi32, #tpu.memory_space<vmem>>
          %dma_wait3A_265 = tpu.memref_squeeze %dma_wait3A_264 : memref<1x64xi32, #tpu.memory_space<vmem>> -> memref<64xi32, #tpu.memory_space<vmem>>
          %dma_wait3A_266 = arith.constant 0 : i32
          %dma_wait3A_267 = arith.constant 0 : i32
          %dma_wait3A_268 = tpu.memref_slice %arg16[%dma_wait3A_266, %dma_wait3A_267] : memref<10240x128xf32, #tpu.memory_space<vmem_shared>> -> memref<10240x128xf32, #tpu.memory_space<vmem_shared>>
          tpu.wait_indirect_dma semaphore(%run_scoped3A : memref<!tpu.dma_semaphore, #tpu.memory_space<semaphore_mem>>) src(%arg10 : memref<64x128xf32, #tpu.memory_space<vmem>>) dst(%dma_wait3A_268 : memref<10240x128xf32, #tpu.memory_space<vmem_shared>>)
          tpu.yield
        }) : () -> ()
        %mul3A_238 = arith.constant 4 : i32
        %mul3A_239 = arith.muli %mul3A_238, %scan3A_185 : i32
        %add3A_240 = arith.constant 3 : i32
        %add3A_241 = arith.addi %mul3A_239, %add3A_240 : i32
        %dma_wait3A_242 = arith.constant 0 : i32
        %dma_wait3A_243 = tpu.memref_slice %arg6[%add3A_241, %dma_wait3A_242] : memref<40x64xi32, #tpu.memory_space<vmem>> -> memref<1x64xi32, #tpu.memory_space<vmem>>
        %dma_wait3A_244 = tpu.memref_squeeze %dma_wait3A_243 : memref<1x64xi32, #tpu.memory_space<vmem>> -> memref<64xi32, #tpu.memory_space<vmem>>
        %dma_wait3A_245 = arith.constant 0 : i32
        %dma_wait3A_246 = arith.constant 0 : i32
        %dma_wait3A_247 = tpu.memref_slice %arg2[%dma_wait3A_245, %dma_wait3A_246] : memref<10240x128xf32, #tpu.memory_space<hbm>> -> memref<10240x128xf32, #tpu.memory_space<hbm>>
        tpu.wait_indirect_dma semaphore(%arg15 : memref<!tpu.dma_semaphore, #tpu.memory_space<semaphore_mem>>) src(%dma_wait3A_247 : memref<10240x128xf32, #tpu.memory_space<hbm>>) dst(%arg11 : memref<64x128xf32, #tpu.memory_space<vmem>>)
        %add3A_248 = arith.constant 4 : i32
        %add3A_249 = arith.addi %add3A_241, %add3A_248 : i32
        %sub3A_250 = arith.constant 1 : i32
        %sub3A_251 = arith.subi %add3A_249, %sub3A_250 : i32
        %lt3A_252 = arith.constant 40 : i32
        %lt3A_253 = arith.cmpi slt, %sub3A_251, %lt3A_252 : i32
        %convert_element_type3A_254 = arith.extui %lt3A_253 : i1 to i32
        %cond3A_255 = arith.constant 0 : i32
        %cond3A_256 = arith.cmpi ne, %convert_element_type3A_254, %cond3A_255 : i32
        scf.if %cond3A_256 {
          %add3A_257 = arith.constant 4 : i32
          %add3A_258 = arith.addi %add3A_241, %add3A_257 : i32
          %sub3A_259 = arith.constant 1 : i32
          %sub3A_260 = arith.subi %add3A_258, %sub3A_259 : i32
          %dma_start3A_261 = arith.constant 0 : i32
          %dma_start3A_262 = tpu.memref_slice %arg6[%sub3A_260, %dma_start3A_261] : memref<40x64xi32, #tpu.memory_space<vmem>> -> memref<1x64xi32, #tpu.memory_space<vmem>>
          %dma_start3A_263 = tpu.memref_squeeze %dma_start3A_262 : memref<1x64xi32, #tpu.memory_space<vmem>> -> memref<64xi32, #tpu.memory_space<vmem>>
          %dma_start3A_264 = arith.constant 0 : i32
          %dma_start3A_265 = arith.constant 0 : i32
          %dma_start3A_266 = tpu.memref_slice %arg2[%dma_start3A_264, %dma_start3A_265] : memref<10240x128xf32, #tpu.memory_space<hbm>> -> memref<10240x128xf32, #tpu.memory_space<hbm>>
          tpu.enqueue_indirect_dma source(%dma_start3A_266 : memref<10240x128xf32, #tpu.memory_space<hbm>>) target(%arg10 : memref<64x128xf32, #tpu.memory_space<vmem>>) offsets(%dma_start3A_263 : memref<64xi32, #tpu.memory_space<vmem>>) semaphore(%arg14 : memref<!tpu.dma_semaphore, #tpu.memory_space<semaphore_mem>>)
        } else {
        }
        "tpu.region"() ({
          %run_scoped3A = tpu.sem_alloc : memref<!tpu.dma_semaphore, #tpu.memory_space<semaphore_mem>>
          %dma_start3A_257 = arith.constant 0 : i32
          %dma_start3A_258 = tpu.memref_slice %arg7[%add3A_241, %dma_start3A_257] : memref<40x64xi32, #tpu.memory_space<vmem>> -> memref<1x64xi32, #tpu.memory_space<vmem>>
          %dma_start3A_259 = tpu.memref_squeeze %dma_start3A_258 : memref<1x64xi32, #tpu.memory_space<vmem>> -> memref<64xi32, #tpu.memory_space<vmem>>
          %dma_start3A_260 = arith.constant 0 : i32
          %dma_start3A_261 = arith.constant 0 : i32
          %dma_start3A_262 = tpu.memref_slice %arg16[%dma_start3A_260, %dma_start3A_261] : memref<10240x128xf32, #tpu.memory_space<vmem_shared>> -> memref<10240x128xf32, #tpu.memory_space<vmem_shared>>
          tpu.enqueue_indirect_dma source(%arg11 : memref<64x128xf32, #tpu.memory_space<vmem>>) target(%dma_start3A_262 : memref<10240x128xf32, #tpu.memory_space<vmem_shared>>) offsets(%dma_start3A_259 : memref<64xi32, #tpu.memory_space<vmem>>) semaphore(%run_scoped3A : memref<!tpu.dma_semaphore, #tpu.memory_space<semaphore_mem>>) {add = true}
          %dma_wait3A_263 = arith.constant 0 : i32
          %dma_wait3A_264 = tpu.memref_slice %arg7[%add3A_241, %dma_wait3A_263] : memref<40x64xi32, #tpu.memory_space<vmem>> -> memref<1x64xi32, #tpu.memory_space<vmem>>
          %dma_wait3A_265 = tpu.memref_squeeze %dma_wait3A_264 : memref<1x64xi32, #tpu.memory_space<vmem>> -> memref<64xi32, #tpu.memory_space<vmem>>
          %dma_wait3A_266 = arith.constant 0 : i32
          %dma_wait3A_267 = arith.constant 0 : i32
          %dma_wait3A_268 = tpu.memref_slice %arg16[%dma_wait3A_266, %dma_wait3A_267] : memref<10240x128xf32, #tpu.memory_space<vmem_shared>> -> memref<10240x128xf32, #tpu.memory_space<vmem_shared>>
          tpu.wait_indirect_dma semaphore(%run_scoped3A : memref<!tpu.dma_semaphore, #tpu.memory_space<semaphore_mem>>) src(%arg11 : memref<64x128xf32, #tpu.memory_space<vmem>>) dst(%dma_wait3A_268 : memref<10240x128xf32, #tpu.memory_space<vmem_shared>>)
          tpu.yield
        }) : () -> ()
      }
      %scan3A_184 = arith.constant 10 : i32
    }
    %barrier3A_74 = arith.constant 0 : index
    tpu.barrier barrier_id(%barrier3A_74)
    %mul3A_75 = arith.constant 640 : i32
    %mul3A_76 = arith.muli %arg1, %mul3A_75 : i32
    %add3A_77 = arith.constant 0 : i32
    %add3A_78 = arith.addi %mul3A_76, %add3A_77 : i32
    "tpu.region"() ({
      %run_scoped3A = tpu.sem_alloc : memref<!tpu.dma_semaphore, #tpu.memory_space<semaphore_mem>>
      %dma_start3A = arith.constant 0 : i32
      %dma_start3A_155 = tpu.memref_slice %arg16[%add3A_78, %dma_start3A] : memref<10240x128xf32, #tpu.memory_space<vmem_shared>> -> memref<64x128xf32, #tpu.memory_space<vmem_shared>>
      %dma_start3A_156 = arith.constant 0 : i32
      %dma_start3A_157 = tpu.memref_slice %arg16[%add3A_78, %dma_start3A_156] : memref<10240x128xf32, #tpu.memory_space<vmem_shared>> -> memref<64x128xf32, #tpu.memory_space<vmem_shared>>
      tpu.enqueue_dma source(%dma_start3A_157 : memref<64x128xf32, #tpu.memory_space<vmem_shared>>) target(%arg8 : memref<64x128xf32, #tpu.memory_space<vmem>>) target_semaphore(%run_scoped3A : memref<!tpu.dma_semaphore, #tpu.memory_space<semaphore_mem>>)
      %dma_wait3A = arith.constant 0 : i32
      %dma_wait3A_158 = tpu.memref_slice %arg16[%add3A_78, %dma_wait3A] : memref<10240x128xf32, #tpu.memory_space<vmem_shared>> -> memref<64x128xf32, #tpu.memory_space<vmem_shared>>
      %dma_wait3A_159 = arith.constant 0 : i32
      %dma_wait3A_160 = tpu.memref_slice %arg16[%add3A_78, %dma_wait3A_159] : memref<10240x128xf32, #tpu.memory_space<vmem_shared>> -> memref<64x128xf32, #tpu.memory_space<vmem_shared>>
      tpu.wait_dma2 semaphore(%run_scoped3A : memref<!tpu.dma_semaphore, #tpu.memory_space<semaphore_mem>>) src(%dma_wait3A_160 : memref<64x128xf32, #tpu.memory_space<vmem_shared>>) dst(%arg8 : memref<64x128xf32, #tpu.memory_space<vmem>>)
      tpu.yield
    }) : () -> ()
    %mul3A_79 = arith.constant 640 : i32
    %mul3A_80 = arith.muli %arg1, %mul3A_79 : i32
    %add3A_81 = arith.constant 0 : i32
    %add3A_82 = arith.addi %mul3A_80, %add3A_81 : i32
    "tpu.region"() ({
      %run_scoped3A = tpu.sem_alloc : memref<!tpu.dma_semaphore, #tpu.memory_space<semaphore_mem>>
      %dma_start3A = arith.constant 0 : i32
      %dma_start3A_155 = tpu.memref_slice %arg5[%arg0, %add3A_82, %dma_start3A] : memref<2x10240x128xf32, #tpu.memory_space<hbm>> -> memref<1x64x128xf32, #tpu.memory_space<hbm>>
      %dma_start3A_156 = tpu.memref_squeeze %dma_start3A_155 : memref<1x64x128xf32, #tpu.memory_space<hbm>> -> memref<64x128xf32, #tpu.memory_space<hbm>>
      %dma_start3A_157 = arith.constant 0 : i32
      %dma_start3A_158 = tpu.memref_slice %arg5[%arg0, %add3A_82, %dma_start3A_157] : memref<2x10240x128xf32, #tpu.memory_space<hbm>> -> memref<1x64x128xf32, #tpu.memory_space<hbm>>
      %dma_start3A_159 = tpu.memref_squeeze %dma_start3A_158 : memref<1x64x128xf32, #tpu.memory_space<hbm>> -> memref<64x128xf32, #tpu.memory_space<hbm>>
      tpu.enqueue_dma source(%arg8 : memref<64x128xf32, #tpu.memory_space<vmem>>) target(%dma_start3A_159 : memref<64x128xf32, #tpu.memory_space<hbm>>) target_semaphore(%run_scoped3A : memref<!tpu.dma_semaphore, #tpu.memory_space<semaphore_mem>>)
      %dma_wait3A = arith.constant 0 : i32
      %dma_wait3A_160 = tpu.memref_slice %arg5[%arg0, %add3A_82, %dma_wait3A] : memref<2x10240x128xf32, #tpu.memory_space<hbm>> -> memref<1x64x128xf32, #tpu.memory_space<hbm>>
      %dma_wait3A_161 = tpu.memref_squeeze %dma_wait3A_160 : memref<1x64x128xf32, #tpu.memory_space<hbm>> -> memref<64x128xf32, #tpu.memory_space<hbm>>
      %dma_wait3A_162 = arith.constant 0 : i32
      %dma_wait3A_163 = tpu.memref_slice %arg5[%arg0, %add3A_82, %dma_wait3A_162] : memref<2x10240x128xf32, #tpu.memory_space<hbm>> -> memref<1x64x128xf32, #tpu.memory_space<hbm>>
      %dma_wait3A_164 = tpu.memref_squeeze %dma_wait3A_163 : memref<1x64x128xf32, #tpu.memory_space<hbm>> -> memref<64x128xf32, #tpu.memory_space<hbm>>
      tpu.wait_dma2 semaphore(%run_scoped3A : memref<!tpu.dma_semaphore, #tpu.memory_space<semaphore_mem>>) src(%arg8 : memref<64x128xf32, #tpu.memory_space<vmem>>) dst(%dma_wait3A_164 : memref<64x128xf32, #tpu.memory_space<hbm>>)
      tpu.yield
    }) : () -> ()
    %mul3A_83 = arith.constant 640 : i32
    %mul3A_84 = arith.muli %arg1, %mul3A_83 : i32
    %add3A_85 = arith.constant 64 : i32
    %add3A_86 = arith.addi %mul3A_84, %add3A_85 : i32
    "tpu.region"() ({
      %run_scoped3A = tpu.sem_alloc : memref<!tpu.dma_semaphore, #tpu.memory_space<semaphore_mem>>
      %dma_start3A = arith.constant 0 : i32
      %dma_start3A_155 = tpu.memref_slice %arg16[%add3A_86, %dma_start3A] : memref<10240x128xf32, #tpu.memory_space<vmem_shared>> -> memref<64x128xf32, #tpu.memory_space<vmem_shared>>
      %dma_start3A_156 = arith.constant 0 : i32
      %dma_start3A_157 = tpu.memref_slice %arg16[%add3A_86, %dma_start3A_156] : memref<10240x128xf32, #tpu.memory_space<vmem_shared>> -> memref<64x128xf32, #tpu.memory_space<vmem_shared>>
      tpu.enqueue_dma source(%dma_start3A_157 : memref<64x128xf32, #tpu.memory_space<vmem_shared>>) target(%arg8 : memref<64x128xf32, #tpu.memory_space<vmem>>) target_semaphore(%run_scoped3A : memref<!tpu.dma_semaphore, #tpu.memory_space<semaphore_mem>>)
      %dma_wait3A = arith.constant 0 : i32
      %dma_wait3A_158 = tpu.memref_slice %arg16[%add3A_86, %dma_wait3A] : memref<10240x128xf32, #tpu.memory_space<vmem_shared>> -> memref<64x128xf32, #tpu.memory_space<vmem_shared>>
      %dma_wait3A_159 = arith.constant 0 : i32
      %dma_wait3A_160 = tpu.memref_slice %arg16[%add3A_86, %dma_wait3A_159] : memref<10240x128xf32, #tpu.memory_space<vmem_shared>> -> memref<64x128xf32, #tpu.memory_space<vmem_shared>>
      tpu.wait_dma2 semaphore(%run_scoped3A : memref<!tpu.dma_semaphore, #tpu.memory_space<semaphore_mem>>) src(%dma_wait3A_160 : memref<64x128xf32, #tpu.memory_space<vmem_shared>>) dst(%arg8 : memref<64x128xf32, #tpu.memory_space<vmem>>)
      tpu.yield
    }) : () -> ()
    %mul3A_87 = arith.constant 640 : i32
    %mul3A_88 = arith.muli %arg1, %mul3A_87 : i32
    %add3A_89 = arith.constant 64 : i32
    %add3A_90 = arith.addi %mul3A_88, %add3A_89 : i32
    "tpu.region"() ({
      %run_scoped3A = tpu.sem_alloc : memref<!tpu.dma_semaphore, #tpu.memory_space<semaphore_mem>>
      %dma_start3A = arith.constant 0 : i32
      %dma_start3A_155 = tpu.memref_slice %arg5[%arg0, %add3A_90, %dma_start3A] : memref<2x10240x128xf32, #tpu.memory_space<hbm>> -> memref<1x64x128xf32, #tpu.memory_space<hbm>>
      %dma_start3A_156 = tpu.memref_squeeze %dma_start3A_155 : memref<1x64x128xf32, #tpu.memory_space<hbm>> -> memref<64x128xf32, #tpu.memory_space<hbm>>
      %dma_start3A_157 = arith.constant 0 : i32
      %dma_start3A_158 = tpu.memref_slice %arg5[%arg0, %add3A_90, %dma_start3A_157] : memref<2x10240x128xf32, #tpu.memory_space<hbm>> -> memref<1x64x128xf32, #tpu.memory_space<hbm>>
      %dma_start3A_159 = tpu.memref_squeeze %dma_start3A_158 : memref<1x64x128xf32, #tpu.memory_space<hbm>> -> memref<64x128xf32, #tpu.memory_space<hbm>>
      tpu.enqueue_dma source(%arg8 : memref<64x128xf32, #tpu.memory_space<vmem>>) target(%dma_start3A_159 : memref<64x128xf32, #tpu.memory_space<hbm>>) target_semaphore(%run_scoped3A : memref<!tpu.dma_semaphore, #tpu.memory_space<semaphore_mem>>)
      %dma_wait3A = arith.constant 0 : i32
      %dma_wait3A_160 = tpu.memref_slice %arg5[%arg0, %add3A_90, %dma_wait3A] : memref<2x10240x128xf32, #tpu.memory_space<hbm>> -> memref<1x64x128xf32, #tpu.memory_space<hbm>>
      %dma_wait3A_161 = tpu.memref_squeeze %dma_wait3A_160 : memref<1x64x128xf32, #tpu.memory_space<hbm>> -> memref<64x128xf32, #tpu.memory_space<hbm>>
      %dma_wait3A_162 = arith.constant 0 : i32
      %dma_wait3A_163 = tpu.memref_slice %arg5[%arg0, %add3A_90, %dma_wait3A_162] : memref<2x10240x128xf32, #tpu.memory_space<hbm>> -> memref<1x64x128xf32, #tpu.memory_space<hbm>>
      %dma_wait3A_164 = tpu.memref_squeeze %dma_wait3A_163 : memref<1x64x128xf32, #tpu.memory_space<hbm>> -> memref<64x128xf32, #tpu.memory_space<hbm>>
      tpu.wait_dma2 semaphore(%run_scoped3A : memref<!tpu.dma_semaphore, #tpu.memory_space<semaphore_mem>>) src(%arg8 : memref<64x128xf32, #tpu.memory_space<vmem>>) dst(%dma_wait3A_164 : memref<64x128xf32, #tpu.memory_space<hbm>>)
      tpu.yield
    }) : () -> ()
    %mul3A_91 = arith.constant 640 : i32
    %mul3A_92 = arith.muli %arg1, %mul3A_91 : i32
    %add3A_93 = arith.constant 128 : i32
    %add3A_94 = arith.addi %mul3A_92, %add3A_93 : i32
    "tpu.region"() ({
      %run_scoped3A = tpu.sem_alloc : memref<!tpu.dma_semaphore, #tpu.memory_space<semaphore_mem>>
      %dma_start3A = arith.constant 0 : i32
      %dma_start3A_155 = tpu.memref_slice %arg16[%add3A_94, %dma_start3A] : memref<10240x128xf32, #tpu.memory_space<vmem_shared>> -> memref<64x128xf32, #tpu.memory_space<vmem_shared>>
      %dma_start3A_156 = arith.constant 0 : i32
      %dma_start3A_157 = tpu.memref_slice %arg16[%add3A_94, %dma_start3A_156] : memref<10240x128xf32, #tpu.memory_space<vmem_shared>> -> memref<64x128xf32, #tpu.memory_space<vmem_shared>>
      tpu.enqueue_dma source(%dma_start3A_157 : memref<64x128xf32, #tpu.memory_space<vmem_shared>>) target(%arg8 : memref<64x128xf32, #tpu.memory_space<vmem>>) target_semaphore(%run_scoped3A : memref<!tpu.dma_semaphore, #tpu.memory_space<semaphore_mem>>)
      %dma_wait3A = arith.constant 0 : i32
      %dma_wait3A_158 = tpu.memref_slice %arg16[%add3A_94, %dma_wait3A] : memref<10240x128xf32, #tpu.memory_space<vmem_shared>> -> memref<64x128xf32, #tpu.memory_space<vmem_shared>>
      %dma_wait3A_159 = arith.constant 0 : i32
      %dma_wait3A_160 = tpu.memref_slice %arg16[%add3A_94, %dma_wait3A_159] : memref<10240x128xf32, #tpu.memory_space<vmem_shared>> -> memref<64x128xf32, #tpu.memory_space<vmem_shared>>
      tpu.wait_dma2 semaphore(%run_scoped3A : memref<!tpu.dma_semaphore, #tpu.memory_space<semaphore_mem>>) src(%dma_wait3A_160 : memref<64x128xf32, #tpu.memory_space<vmem_shared>>) dst(%arg8 : memref<64x128xf32, #tpu.memory_space<vmem>>)
      tpu.yield
    }) : () -> ()
    %mul3A_95 = arith.constant 640 : i32
    %mul3A_96 = arith.muli %arg1, %mul3A_95 : i32
    %add3A_97 = arith.constant 128 : i32
    %add3A_98 = arith.addi %mul3A_96, %add3A_97 : i32
    "tpu.region"() ({
      %run_scoped3A = tpu.sem_alloc : memref<!tpu.dma_semaphore, #tpu.memory_space<semaphore_mem>>
      %dma_start3A = arith.constant 0 : i32
      %dma_start3A_155 = tpu.memref_slice %arg5[%arg0, %add3A_98, %dma_start3A] : memref<2x10240x128xf32, #tpu.memory_space<hbm>> -> memref<1x64x128xf32, #tpu.memory_space<hbm>>
      %dma_start3A_156 = tpu.memref_squeeze %dma_start3A_155 : memref<1x64x128xf32, #tpu.memory_space<hbm>> -> memref<64x128xf32, #tpu.memory_space<hbm>>
      %dma_start3A_157 = arith.constant 0 : i32
      %dma_start3A_158 = tpu.memref_slice %arg5[%arg0, %add3A_98, %dma_start3A_157] : memref<2x10240x128xf32, #tpu.memory_space<hbm>> -> memref<1x64x128xf32, #tpu.memory_space<hbm>>
      %dma_start3A_159 = tpu.memref_squeeze %dma_start3A_158 : memref<1x64x128xf32, #tpu.memory_space<hbm>> -> memref<64x128xf32, #tpu.memory_space<hbm>>
      tpu.enqueue_dma source(%arg8 : memref<64x128xf32, #tpu.memory_space<vmem>>) target(%dma_start3A_159 : memref<64x128xf32, #tpu.memory_space<hbm>>) target_semaphore(%run_scoped3A : memref<!tpu.dma_semaphore, #tpu.memory_space<semaphore_mem>>)
      %dma_wait3A = arith.constant 0 : i32
      %dma_wait3A_160 = tpu.memref_slice %arg5[%arg0, %add3A_98, %dma_wait3A] : memref<2x10240x128xf32, #tpu.memory_space<hbm>> -> memref<1x64x128xf32, #tpu.memory_space<hbm>>
      %dma_wait3A_161 = tpu.memref_squeeze %dma_wait3A_160 : memref<1x64x128xf32, #tpu.memory_space<hbm>> -> memref<64x128xf32, #tpu.memory_space<hbm>>
      %dma_wait3A_162 = arith.constant 0 : i32
      %dma_wait3A_163 = tpu.memref_slice %arg5[%arg0, %add3A_98, %dma_wait3A_162] : memref<2x10240x128xf32, #tpu.memory_space<hbm>> -> memref<1x64x128xf32, #tpu.memory_space<hbm>>
      %dma_wait3A_164 = tpu.memref_squeeze %dma_wait3A_163 : memref<1x64x128xf32, #tpu.memory_space<hbm>> -> memref<64x128xf32, #tpu.memory_space<hbm>>
      tpu.wait_dma2 semaphore(%run_scoped3A : memref<!tpu.dma_semaphore, #tpu.memory_space<semaphore_mem>>) src(%arg8 : memref<64x128xf32, #tpu.memory_space<vmem>>) dst(%dma_wait3A_164 : memref<64x128xf32, #tpu.memory_space<hbm>>)
      tpu.yield
    }) : () -> ()
    %mul3A_99 = arith.constant 640 : i32
    %mul3A_100 = arith.muli %arg1, %mul3A_99 : i32
    %add3A_101 = arith.constant 192 : i32
    %add3A_102 = arith.addi %mul3A_100, %add3A_101 : i32
    "tpu.region"() ({
      %run_scoped3A = tpu.sem_alloc : memref<!tpu.dma_semaphore, #tpu.memory_space<semaphore_mem>>
      %dma_start3A = arith.constant 0 : i32
      %dma_start3A_155 = tpu.memref_slice %arg16[%add3A_102, %dma_start3A] : memref<10240x128xf32, #tpu.memory_space<vmem_shared>> -> memref<64x128xf32, #tpu.memory_space<vmem_shared>>
      %dma_start3A_156 = arith.constant 0 : i32
      %dma_start3A_157 = tpu.memref_slice %arg16[%add3A_102, %dma_start3A_156] : memref<10240x128xf32, #tpu.memory_space<vmem_shared>> -> memref<64x128xf32, #tpu.memory_space<vmem_shared>>
      tpu.enqueue_dma source(%dma_start3A_157 : memref<64x128xf32, #tpu.memory_space<vmem_shared>>) target(%arg8 : memref<64x128xf32, #tpu.memory_space<vmem>>) target_semaphore(%run_scoped3A : memref<!tpu.dma_semaphore, #tpu.memory_space<semaphore_mem>>)
      %dma_wait3A = arith.constant 0 : i32
      %dma_wait3A_158 = tpu.memref_slice %arg16[%add3A_102, %dma_wait3A] : memref<10240x128xf32, #tpu.memory_space<vmem_shared>> -> memref<64x128xf32, #tpu.memory_space<vmem_shared>>
      %dma_wait3A_159 = arith.constant 0 : i32
      %dma_wait3A_160 = tpu.memref_slice %arg16[%add3A_102, %dma_wait3A_159] : memref<10240x128xf32, #tpu.memory_space<vmem_shared>> -> memref<64x128xf32, #tpu.memory_space<vmem_shared>>
      tpu.wait_dma2 semaphore(%run_scoped3A : memref<!tpu.dma_semaphore, #tpu.memory_space<semaphore_mem>>) src(%dma_wait3A_160 : memref<64x128xf32, #tpu.memory_space<vmem_shared>>) dst(%arg8 : memref<64x128xf32, #tpu.memory_space<vmem>>)
      tpu.yield
    }) : () -> ()
    %mul3A_103 = arith.constant 640 : i32
    %mul3A_104 = arith.muli %arg1, %mul3A_103 : i32
    %add3A_105 = arith.constant 192 : i32
    %add3A_106 = arith.addi %mul3A_104, %add3A_105 : i32
    "tpu.region"() ({
      %run_scoped3A = tpu.sem_alloc : memref<!tpu.dma_semaphore, #tpu.memory_space<semaphore_mem>>
      %dma_start3A = arith.constant 0 : i32
      %dma_start3A_155 = tpu.memref_slice %arg5[%arg0, %add3A_106, %dma_start3A] : memref<2x10240x128xf32, #tpu.memory_space<hbm>> -> memref<1x64x128xf32, #tpu.memory_space<hbm>>
      %dma_start3A_156 = tpu.memref_squeeze %dma_start3A_155 : memref<1x64x128xf32, #tpu.memory_space<hbm>> -> memref<64x128xf32, #tpu.memory_space<hbm>>
      %dma_start3A_157 = arith.constant 0 : i32
      %dma_start3A_158 = tpu.memref_slice %arg5[%arg0, %add3A_106, %dma_start3A_157] : memref<2x10240x128xf32, #tpu.memory_space<hbm>> -> memref<1x64x128xf32, #tpu.memory_space<hbm>>
      %dma_start3A_159 = tpu.memref_squeeze %dma_start3A_158 : memref<1x64x128xf32, #tpu.memory_space<hbm>> -> memref<64x128xf32, #tpu.memory_space<hbm>>
      tpu.enqueue_dma source(%arg8 : memref<64x128xf32, #tpu.memory_space<vmem>>) target(%dma_start3A_159 : memref<64x128xf32, #tpu.memory_space<hbm>>) target_semaphore(%run_scoped3A : memref<!tpu.dma_semaphore, #tpu.memory_space<semaphore_mem>>)
      %dma_wait3A = arith.constant 0 : i32
      %dma_wait3A_160 = tpu.memref_slice %arg5[%arg0, %add3A_106, %dma_wait3A] : memref<2x10240x128xf32, #tpu.memory_space<hbm>> -> memref<1x64x128xf32, #tpu.memory_space<hbm>>
      %dma_wait3A_161 = tpu.memref_squeeze %dma_wait3A_160 : memref<1x64x128xf32, #tpu.memory_space<hbm>> -> memref<64x128xf32, #tpu.memory_space<hbm>>
      %dma_wait3A_162 = arith.constant 0 : i32
      %dma_wait3A_163 = tpu.memref_slice %arg5[%arg0, %add3A_106, %dma_wait3A_162] : memref<2x10240x128xf32, #tpu.memory_space<hbm>> -> memref<1x64x128xf32, #tpu.memory_space<hbm>>
      %dma_wait3A_164 = tpu.memref_squeeze %dma_wait3A_163 : memref<1x64x128xf32, #tpu.memory_space<hbm>> -> memref<64x128xf32, #tpu.memory_space<hbm>>
      tpu.wait_dma2 semaphore(%run_scoped3A : memref<!tpu.dma_semaphore, #tpu.memory_space<semaphore_mem>>) src(%arg8 : memref<64x128xf32, #tpu.memory_space<vmem>>) dst(%dma_wait3A_164 : memref<64x128xf32, #tpu.memory_space<hbm>>)
      tpu.yield
    }) : () -> ()
    %mul3A_107 = arith.constant 640 : i32
    %mul3A_108 = arith.muli %arg1, %mul3A_107 : i32
    %add3A_109 = arith.constant 256 : i32
    %add3A_110 = arith.addi %mul3A_108, %add3A_109 : i32
    "tpu.region"() ({
      %run_scoped3A = tpu.sem_alloc : memref<!tpu.dma_semaphore, #tpu.memory_space<semaphore_mem>>
      %dma_start3A = arith.constant 0 : i32
      %dma_start3A_155 = tpu.memref_slice %arg16[%add3A_110, %dma_start3A] : memref<10240x128xf32, #tpu.memory_space<vmem_shared>> -> memref<64x128xf32, #tpu.memory_space<vmem_shared>>
      %dma_start3A_156 = arith.constant 0 : i32
      %dma_start3A_157 = tpu.memref_slice %arg16[%add3A_110, %dma_start3A_156] : memref<10240x128xf32, #tpu.memory_space<vmem_shared>> -> memref<64x128xf32, #tpu.memory_space<vmem_shared>>
      tpu.enqueue_dma source(%dma_start3A_157 : memref<64x128xf32, #tpu.memory_space<vmem_shared>>) target(%arg8 : memref<64x128xf32, #tpu.memory_space<vmem>>) target_semaphore(%run_scoped3A : memref<!tpu.dma_semaphore, #tpu.memory_space<semaphore_mem>>)
      %dma_wait3A = arith.constant 0 : i32
      %dma_wait3A_158 = tpu.memref_slice %arg16[%add3A_110, %dma_wait3A] : memref<10240x128xf32, #tpu.memory_space<vmem_shared>> -> memref<64x128xf32, #tpu.memory_space<vmem_shared>>
      %dma_wait3A_159 = arith.constant 0 : i32
      %dma_wait3A_160 = tpu.memref_slice %arg16[%add3A_110, %dma_wait3A_159] : memref<10240x128xf32, #tpu.memory_space<vmem_shared>> -> memref<64x128xf32, #tpu.memory_space<vmem_shared>>
      tpu.wait_dma2 semaphore(%run_scoped3A : memref<!tpu.dma_semaphore, #tpu.memory_space<semaphore_mem>>) src(%dma_wait3A_160 : memref<64x128xf32, #tpu.memory_space<vmem_shared>>) dst(%arg8 : memref<64x128xf32, #tpu.memory_space<vmem>>)
      tpu.yield
    }) : () -> ()
    %mul3A_111 = arith.constant 640 : i32
    %mul3A_112 = arith.muli %arg1, %mul3A_111 : i32
    %add3A_113 = arith.constant 256 : i32
    %add3A_114 = arith.addi %mul3A_112, %add3A_113 : i32
    "tpu.region"() ({
      %run_scoped3A = tpu.sem_alloc : memref<!tpu.dma_semaphore, #tpu.memory_space<semaphore_mem>>
      %dma_start3A = arith.constant 0 : i32
      %dma_start3A_155 = tpu.memref_slice %arg5[%arg0, %add3A_114, %dma_start3A] : memref<2x10240x128xf32, #tpu.memory_space<hbm>> -> memref<1x64x128xf32, #tpu.memory_space<hbm>>
      %dma_start3A_156 = tpu.memref_squeeze %dma_start3A_155 : memref<1x64x128xf32, #tpu.memory_space<hbm>> -> memref<64x128xf32, #tpu.memory_space<hbm>>
      %dma_start3A_157 = arith.constant 0 : i32
      %dma_start3A_158 = tpu.memref_slice %arg5[%arg0, %add3A_114, %dma_start3A_157] : memref<2x10240x128xf32, #tpu.memory_space<hbm>> -> memref<1x64x128xf32, #tpu.memory_space<hbm>>
      %dma_start3A_159 = tpu.memref_squeeze %dma_start3A_158 : memref<1x64x128xf32, #tpu.memory_space<hbm>> -> memref<64x128xf32, #tpu.memory_space<hbm>>
      tpu.enqueue_dma source(%arg8 : memref<64x128xf32, #tpu.memory_space<vmem>>) target(%dma_start3A_159 : memref<64x128xf32, #tpu.memory_space<hbm>>) target_semaphore(%run_scoped3A : memref<!tpu.dma_semaphore, #tpu.memory_space<semaphore_mem>>)
      %dma_wait3A = arith.constant 0 : i32
      %dma_wait3A_160 = tpu.memref_slice %arg5[%arg0, %add3A_114, %dma_wait3A] : memref<2x10240x128xf32, #tpu.memory_space<hbm>> -> memref<1x64x128xf32, #tpu.memory_space<hbm>>
      %dma_wait3A_161 = tpu.memref_squeeze %dma_wait3A_160 : memref<1x64x128xf32, #tpu.memory_space<hbm>> -> memref<64x128xf32, #tpu.memory_space<hbm>>
      %dma_wait3A_162 = arith.constant 0 : i32
      %dma_wait3A_163 = tpu.memref_slice %arg5[%arg0, %add3A_114, %dma_wait3A_162] : memref<2x10240x128xf32, #tpu.memory_space<hbm>> -> memref<1x64x128xf32, #tpu.memory_space<hbm>>
      %dma_wait3A_164 = tpu.memref_squeeze %dma_wait3A_163 : memref<1x64x128xf32, #tpu.memory_space<hbm>> -> memref<64x128xf32, #tpu.memory_space<hbm>>
      tpu.wait_dma2 semaphore(%run_scoped3A : memref<!tpu.dma_semaphore, #tpu.memory_space<semaphore_mem>>) src(%arg8 : memref<64x128xf32, #tpu.memory_space<vmem>>) dst(%dma_wait3A_164 : memref<64x128xf32, #tpu.memory_space<hbm>>)
      tpu.yield
    }) : () -> ()
    %mul3A_115 = arith.constant 640 : i32
    %mul3A_116 = arith.muli %arg1, %mul3A_115 : i32
    %add3A_117 = arith.constant 320 : i32
    %add3A_118 = arith.addi %mul3A_116, %add3A_117 : i32
    "tpu.region"() ({
      %run_scoped3A = tpu.sem_alloc : memref<!tpu.dma_semaphore, #tpu.memory_space<semaphore_mem>>
      %dma_start3A = arith.constant 0 : i32
      %dma_start3A_155 = tpu.memref_slice %arg16[%add3A_118, %dma_start3A] : memref<10240x128xf32, #tpu.memory_space<vmem_shared>> -> memref<64x128xf32, #tpu.memory_space<vmem_shared>>
      %dma_start3A_156 = arith.constant 0 : i32
      %dma_start3A_157 = tpu.memref_slice %arg16[%add3A_118, %dma_start3A_156] : memref<10240x128xf32, #tpu.memory_space<vmem_shared>> -> memref<64x128xf32, #tpu.memory_space<vmem_shared>>
      tpu.enqueue_dma source(%dma_start3A_157 : memref<64x128xf32, #tpu.memory_space<vmem_shared>>) target(%arg8 : memref<64x128xf32, #tpu.memory_space<vmem>>) target_semaphore(%run_scoped3A : memref<!tpu.dma_semaphore, #tpu.memory_space<semaphore_mem>>)
      %dma_wait3A = arith.constant 0 : i32
      %dma_wait3A_158 = tpu.memref_slice %arg16[%add3A_118, %dma_wait3A] : memref<10240x128xf32, #tpu.memory_space<vmem_shared>> -> memref<64x128xf32, #tpu.memory_space<vmem_shared>>
      %dma_wait3A_159 = arith.constant 0 : i32
      %dma_wait3A_160 = tpu.memref_slice %arg16[%add3A_118, %dma_wait3A_159] : memref<10240x128xf32, #tpu.memory_space<vmem_shared>> -> memref<64x128xf32, #tpu.memory_space<vmem_shared>>
      tpu.wait_dma2 semaphore(%run_scoped3A : memref<!tpu.dma_semaphore, #tpu.memory_space<semaphore_mem>>) src(%dma_wait3A_160 : memref<64x128xf32, #tpu.memory_space<vmem_shared>>) dst(%arg8 : memref<64x128xf32, #tpu.memory_space<vmem>>)
      tpu.yield
    }) : () -> ()
    %mul3A_119 = arith.constant 640 : i32
    %mul3A_120 = arith.muli %arg1, %mul3A_119 : i32
    %add3A_121 = arith.constant 320 : i32
    %add3A_122 = arith.addi %mul3A_120, %add3A_121 : i32
    "tpu.region"() ({
      %run_scoped3A = tpu.sem_alloc : memref<!tpu.dma_semaphore, #tpu.memory_space<semaphore_mem>>
      %dma_start3A = arith.constant 0 : i32
      %dma_start3A_155 = tpu.memref_slice %arg5[%arg0, %add3A_122, %dma_start3A] : memref<2x10240x128xf32, #tpu.memory_space<hbm>> -> memref<1x64x128xf32, #tpu.memory_space<hbm>>
      %dma_start3A_156 = tpu.memref_squeeze %dma_start3A_155 : memref<1x64x128xf32, #tpu.memory_space<hbm>> -> memref<64x128xf32, #tpu.memory_space<hbm>>
      %dma_start3A_157 = arith.constant 0 : i32
      %dma_start3A_158 = tpu.memref_slice %arg5[%arg0, %add3A_122, %dma_start3A_157] : memref<2x10240x128xf32, #tpu.memory_space<hbm>> -> memref<1x64x128xf32, #tpu.memory_space<hbm>>
      %dma_start3A_159 = tpu.memref_squeeze %dma_start3A_158 : memref<1x64x128xf32, #tpu.memory_space<hbm>> -> memref<64x128xf32, #tpu.memory_space<hbm>>
      tpu.enqueue_dma source(%arg8 : memref<64x128xf32, #tpu.memory_space<vmem>>) target(%dma_start3A_159 : memref<64x128xf32, #tpu.memory_space<hbm>>) target_semaphore(%run_scoped3A : memref<!tpu.dma_semaphore, #tpu.memory_space<semaphore_mem>>)
      %dma_wait3A = arith.constant 0 : i32
      %dma_wait3A_160 = tpu.memref_slice %arg5[%arg0, %add3A_122, %dma_wait3A] : memref<2x10240x128xf32, #tpu.memory_space<hbm>> -> memref<1x64x128xf32, #tpu.memory_space<hbm>>
      %dma_wait3A_161 = tpu.memref_squeeze %dma_wait3A_160 : memref<1x64x128xf32, #tpu.memory_space<hbm>> -> memref<64x128xf32, #tpu.memory_space<hbm>>
      %dma_wait3A_162 = arith.constant 0 : i32
      %dma_wait3A_163 = tpu.memref_slice %arg5[%arg0, %add3A_122, %dma_wait3A_162] : memref<2x10240x128xf32, #tpu.memory_space<hbm>> -> memref<1x64x128xf32, #tpu.memory_space<hbm>>
      %dma_wait3A_164 = tpu.memref_squeeze %dma_wait3A_163 : memref<1x64x128xf32, #tpu.memory_space<hbm>> -> memref<64x128xf32, #tpu.memory_space<hbm>>
      tpu.wait_dma2 semaphore(%run_scoped3A : memref<!tpu.dma_semaphore, #tpu.memory_space<semaphore_mem>>) src(%arg8 : memref<64x128xf32, #tpu.memory_space<vmem>>) dst(%dma_wait3A_164 : memref<64x128xf32, #tpu.memory_space<hbm>>)
      tpu.yield
    }) : () -> ()
    %mul3A_123 = arith.constant 640 : i32
    %mul3A_124 = arith.muli %arg1, %mul3A_123 : i32
    %add3A_125 = arith.constant 384 : i32
    %add3A_126 = arith.addi %mul3A_124, %add3A_125 : i32
    "tpu.region"() ({
      %run_scoped3A = tpu.sem_alloc : memref<!tpu.dma_semaphore, #tpu.memory_space<semaphore_mem>>
      %dma_start3A = arith.constant 0 : i32
      %dma_start3A_155 = tpu.memref_slice %arg16[%add3A_126, %dma_start3A] : memref<10240x128xf32, #tpu.memory_space<vmem_shared>> -> memref<64x128xf32, #tpu.memory_space<vmem_shared>>
      %dma_start3A_156 = arith.constant 0 : i32
      %dma_start3A_157 = tpu.memref_slice %arg16[%add3A_126, %dma_start3A_156] : memref<10240x128xf32, #tpu.memory_space<vmem_shared>> -> memref<64x128xf32, #tpu.memory_space<vmem_shared>>
      tpu.enqueue_dma source(%dma_start3A_157 : memref<64x128xf32, #tpu.memory_space<vmem_shared>>) target(%arg8 : memref<64x128xf32, #tpu.memory_space<vmem>>) target_semaphore(%run_scoped3A : memref<!tpu.dma_semaphore, #tpu.memory_space<semaphore_mem>>)
      %dma_wait3A = arith.constant 0 : i32
      %dma_wait3A_158 = tpu.memref_slice %arg16[%add3A_126, %dma_wait3A] : memref<10240x128xf32, #tpu.memory_space<vmem_shared>> -> memref<64x128xf32, #tpu.memory_space<vmem_shared>>
      %dma_wait3A_159 = arith.constant 0 : i32
      %dma_wait3A_160 = tpu.memref_slice %arg16[%add3A_126, %dma_wait3A_159] : memref<10240x128xf32, #tpu.memory_space<vmem_shared>> -> memref<64x128xf32, #tpu.memory_space<vmem_shared>>
      tpu.wait_dma2 semaphore(%run_scoped3A : memref<!tpu.dma_semaphore, #tpu.memory_space<semaphore_mem>>) src(%dma_wait3A_160 : memref<64x128xf32, #tpu.memory_space<vmem_shared>>) dst(%arg8 : memref<64x128xf32, #tpu.memory_space<vmem>>)
      tpu.yield
    }) : () -> ()
    %mul3A_127 = arith.constant 640 : i32
    %mul3A_128 = arith.muli %arg1, %mul3A_127 : i32
    %add3A_129 = arith.constant 384 : i32
    %add3A_130 = arith.addi %mul3A_128, %add3A_129 : i32
    "tpu.region"() ({
      %run_scoped3A = tpu.sem_alloc : memref<!tpu.dma_semaphore, #tpu.memory_space<semaphore_mem>>
      %dma_start3A = arith.constant 0 : i32
      %dma_start3A_155 = tpu.memref_slice %arg5[%arg0, %add3A_130, %dma_start3A] : memref<2x10240x128xf32, #tpu.memory_space<hbm>> -> memref<1x64x128xf32, #tpu.memory_space<hbm>>
      %dma_start3A_156 = tpu.memref_squeeze %dma_start3A_155 : memref<1x64x128xf32, #tpu.memory_space<hbm>> -> memref<64x128xf32, #tpu.memory_space<hbm>>
      %dma_start3A_157 = arith.constant 0 : i32
      %dma_start3A_158 = tpu.memref_slice %arg5[%arg0, %add3A_130, %dma_start3A_157] : memref<2x10240x128xf32, #tpu.memory_space<hbm>> -> memref<1x64x128xf32, #tpu.memory_space<hbm>>
      %dma_start3A_159 = tpu.memref_squeeze %dma_start3A_158 : memref<1x64x128xf32, #tpu.memory_space<hbm>> -> memref<64x128xf32, #tpu.memory_space<hbm>>
      tpu.enqueue_dma source(%arg8 : memref<64x128xf32, #tpu.memory_space<vmem>>) target(%dma_start3A_159 : memref<64x128xf32, #tpu.memory_space<hbm>>) target_semaphore(%run_scoped3A : memref<!tpu.dma_semaphore, #tpu.memory_space<semaphore_mem>>)
      %dma_wait3A = arith.constant 0 : i32
      %dma_wait3A_160 = tpu.memref_slice %arg5[%arg0, %add3A_130, %dma_wait3A] : memref<2x10240x128xf32, #tpu.memory_space<hbm>> -> memref<1x64x128xf32, #tpu.memory_space<hbm>>
      %dma_wait3A_161 = tpu.memref_squeeze %dma_wait3A_160 : memref<1x64x128xf32, #tpu.memory_space<hbm>> -> memref<64x128xf32, #tpu.memory_space<hbm>>
      %dma_wait3A_162 = arith.constant 0 : i32
      %dma_wait3A_163 = tpu.memref_slice %arg5[%arg0, %add3A_130, %dma_wait3A_162] : memref<2x10240x128xf32, #tpu.memory_space<hbm>> -> memref<1x64x128xf32, #tpu.memory_space<hbm>>
      %dma_wait3A_164 = tpu.memref_squeeze %dma_wait3A_163 : memref<1x64x128xf32, #tpu.memory_space<hbm>> -> memref<64x128xf32, #tpu.memory_space<hbm>>
      tpu.wait_dma2 semaphore(%run_scoped3A : memref<!tpu.dma_semaphore, #tpu.memory_space<semaphore_mem>>) src(%arg8 : memref<64x128xf32, #tpu.memory_space<vmem>>) dst(%dma_wait3A_164 : memref<64x128xf32, #tpu.memory_space<hbm>>)
      tpu.yield
    }) : () -> ()
    %mul3A_131 = arith.constant 640 : i32
    %mul3A_132 = arith.muli %arg1, %mul3A_131 : i32
    %add3A_133 = arith.constant 448 : i32
    %add3A_134 = arith.addi %mul3A_132, %add3A_133 : i32
    "tpu.region"() ({
      %run_scoped3A = tpu.sem_alloc : memref<!tpu.dma_semaphore, #tpu.memory_space<semaphore_mem>>
      %dma_start3A = arith.constant 0 : i32
      %dma_start3A_155 = tpu.memref_slice %arg16[%add3A_134, %dma_start3A] : memref<10240x128xf32, #tpu.memory_space<vmem_shared>> -> memref<64x128xf32, #tpu.memory_space<vmem_shared>>
      %dma_start3A_156 = arith.constant 0 : i32
      %dma_start3A_157 = tpu.memref_slice %arg16[%add3A_134, %dma_start3A_156] : memref<10240x128xf32, #tpu.memory_space<vmem_shared>> -> memref<64x128xf32, #tpu.memory_space<vmem_shared>>
      tpu.enqueue_dma source(%dma_start3A_157 : memref<64x128xf32, #tpu.memory_space<vmem_shared>>) target(%arg8 : memref<64x128xf32, #tpu.memory_space<vmem>>) target_semaphore(%run_scoped3A : memref<!tpu.dma_semaphore, #tpu.memory_space<semaphore_mem>>)
      %dma_wait3A = arith.constant 0 : i32
      %dma_wait3A_158 = tpu.memref_slice %arg16[%add3A_134, %dma_wait3A] : memref<10240x128xf32, #tpu.memory_space<vmem_shared>> -> memref<64x128xf32, #tpu.memory_space<vmem_shared>>
      %dma_wait3A_159 = arith.constant 0 : i32
      %dma_wait3A_160 = tpu.memref_slice %arg16[%add3A_134, %dma_wait3A_159] : memref<10240x128xf32, #tpu.memory_space<vmem_shared>> -> memref<64x128xf32, #tpu.memory_space<vmem_shared>>
      tpu.wait_dma2 semaphore(%run_scoped3A : memref<!tpu.dma_semaphore, #tpu.memory_space<semaphore_mem>>) src(%dma_wait3A_160 : memref<64x128xf32, #tpu.memory_space<vmem_shared>>) dst(%arg8 : memref<64x128xf32, #tpu.memory_space<vmem>>)
      tpu.yield
    }) : () -> ()
    %mul3A_135 = arith.constant 640 : i32
    %mul3A_136 = arith.muli %arg1, %mul3A_135 : i32
    %add3A_137 = arith.constant 448 : i32
    %add3A_138 = arith.addi %mul3A_136, %add3A_137 : i32
    "tpu.region"() ({
      %run_scoped3A = tpu.sem_alloc : memref<!tpu.dma_semaphore, #tpu.memory_space<semaphore_mem>>
      %dma_start3A = arith.constant 0 : i32
      %dma_start3A_155 = tpu.memref_slice %arg5[%arg0, %add3A_138, %dma_start3A] : memref<2x10240x128xf32, #tpu.memory_space<hbm>> -> memref<1x64x128xf32, #tpu.memory_space<hbm>>
      %dma_start3A_156 = tpu.memref_squeeze %dma_start3A_155 : memref<1x64x128xf32, #tpu.memory_space<hbm>> -> memref<64x128xf32, #tpu.memory_space<hbm>>
      %dma_start3A_157 = arith.constant 0 : i32
      %dma_start3A_158 = tpu.memref_slice %arg5[%arg0, %add3A_138, %dma_start3A_157] : memref<2x10240x128xf32, #tpu.memory_space<hbm>> -> memref<1x64x128xf32, #tpu.memory_space<hbm>>
      %dma_start3A_159 = tpu.memref_squeeze %dma_start3A_158 : memref<1x64x128xf32, #tpu.memory_space<hbm>> -> memref<64x128xf32, #tpu.memory_space<hbm>>
      tpu.enqueue_dma source(%arg8 : memref<64x128xf32, #tpu.memory_space<vmem>>) target(%dma_start3A_159 : memref<64x128xf32, #tpu.memory_space<hbm>>) target_semaphore(%run_scoped3A : memref<!tpu.dma_semaphore, #tpu.memory_space<semaphore_mem>>)
      %dma_wait3A = arith.constant 0 : i32
      %dma_wait3A_160 = tpu.memref_slice %arg5[%arg0, %add3A_138, %dma_wait3A] : memref<2x10240x128xf32, #tpu.memory_space<hbm>> -> memref<1x64x128xf32, #tpu.memory_space<hbm>>
      %dma_wait3A_161 = tpu.memref_squeeze %dma_wait3A_160 : memref<1x64x128xf32, #tpu.memory_space<hbm>> -> memref<64x128xf32, #tpu.memory_space<hbm>>
      %dma_wait3A_162 = arith.constant 0 : i32
      %dma_wait3A_163 = tpu.memref_slice %arg5[%arg0, %add3A_138, %dma_wait3A_162] : memref<2x10240x128xf32, #tpu.memory_space<hbm>> -> memref<1x64x128xf32, #tpu.memory_space<hbm>>
      %dma_wait3A_164 = tpu.memref_squeeze %dma_wait3A_163 : memref<1x64x128xf32, #tpu.memory_space<hbm>> -> memref<64x128xf32, #tpu.memory_space<hbm>>
      tpu.wait_dma2 semaphore(%run_scoped3A : memref<!tpu.dma_semaphore, #tpu.memory_space<semaphore_mem>>) src(%arg8 : memref<64x128xf32, #tpu.memory_space<vmem>>) dst(%dma_wait3A_164 : memref<64x128xf32, #tpu.memory_space<hbm>>)
      tpu.yield
    }) : () -> ()
    %mul3A_139 = arith.constant 640 : i32
    %mul3A_140 = arith.muli %arg1, %mul3A_139 : i32
    %add3A_141 = arith.constant 512 : i32
    %add3A_142 = arith.addi %mul3A_140, %add3A_141 : i32
    "tpu.region"() ({
      %run_scoped3A = tpu.sem_alloc : memref<!tpu.dma_semaphore, #tpu.memory_space<semaphore_mem>>
      %dma_start3A = arith.constant 0 : i32
      %dma_start3A_155 = tpu.memref_slice %arg16[%add3A_142, %dma_start3A] : memref<10240x128xf32, #tpu.memory_space<vmem_shared>> -> memref<64x128xf32, #tpu.memory_space<vmem_shared>>
      %dma_start3A_156 = arith.constant 0 : i32
      %dma_start3A_157 = tpu.memref_slice %arg16[%add3A_142, %dma_start3A_156] : memref<10240x128xf32, #tpu.memory_space<vmem_shared>> -> memref<64x128xf32, #tpu.memory_space<vmem_shared>>
      tpu.enqueue_dma source(%dma_start3A_157 : memref<64x128xf32, #tpu.memory_space<vmem_shared>>) target(%arg8 : memref<64x128xf32, #tpu.memory_space<vmem>>) target_semaphore(%run_scoped3A : memref<!tpu.dma_semaphore, #tpu.memory_space<semaphore_mem>>)
      %dma_wait3A = arith.constant 0 : i32
      %dma_wait3A_158 = tpu.memref_slice %arg16[%add3A_142, %dma_wait3A] : memref<10240x128xf32, #tpu.memory_space<vmem_shared>> -> memref<64x128xf32, #tpu.memory_space<vmem_shared>>
      %dma_wait3A_159 = arith.constant 0 : i32
      %dma_wait3A_160 = tpu.memref_slice %arg16[%add3A_142, %dma_wait3A_159] : memref<10240x128xf32, #tpu.memory_space<vmem_shared>> -> memref<64x128xf32, #tpu.memory_space<vmem_shared>>
      tpu.wait_dma2 semaphore(%run_scoped3A : memref<!tpu.dma_semaphore, #tpu.memory_space<semaphore_mem>>) src(%dma_wait3A_160 : memref<64x128xf32, #tpu.memory_space<vmem_shared>>) dst(%arg8 : memref<64x128xf32, #tpu.memory_space<vmem>>)
      tpu.yield
    }) : () -> ()
    %mul3A_143 = arith.constant 640 : i32
    %mul3A_144 = arith.muli %arg1, %mul3A_143 : i32
    %add3A_145 = arith.constant 512 : i32
    %add3A_146 = arith.addi %mul3A_144, %add3A_145 : i32
    "tpu.region"() ({
      %run_scoped3A = tpu.sem_alloc : memref<!tpu.dma_semaphore, #tpu.memory_space<semaphore_mem>>
      %dma_start3A = arith.constant 0 : i32
      %dma_start3A_155 = tpu.memref_slice %arg5[%arg0, %add3A_146, %dma_start3A] : memref<2x10240x128xf32, #tpu.memory_space<hbm>> -> memref<1x64x128xf32, #tpu.memory_space<hbm>>
      %dma_start3A_156 = tpu.memref_squeeze %dma_start3A_155 : memref<1x64x128xf32, #tpu.memory_space<hbm>> -> memref<64x128xf32, #tpu.memory_space<hbm>>
      %dma_start3A_157 = arith.constant 0 : i32
      %dma_start3A_158 = tpu.memref_slice %arg5[%arg0, %add3A_146, %dma_start3A_157] : memref<2x10240x128xf32, #tpu.memory_space<hbm>> -> memref<1x64x128xf32, #tpu.memory_space<hbm>>
      %dma_start3A_159 = tpu.memref_squeeze %dma_start3A_158 : memref<1x64x128xf32, #tpu.memory_space<hbm>> -> memref<64x128xf32, #tpu.memory_space<hbm>>
      tpu.enqueue_dma source(%arg8 : memref<64x128xf32, #tpu.memory_space<vmem>>) target(%dma_start3A_159 : memref<64x128xf32, #tpu.memory_space<hbm>>) target_semaphore(%run_scoped3A : memref<!tpu.dma_semaphore, #tpu.memory_space<semaphore_mem>>)
      %dma_wait3A = arith.constant 0 : i32
      %dma_wait3A_160 = tpu.memref_slice %arg5[%arg0, %add3A_146, %dma_wait3A] : memref<2x10240x128xf32, #tpu.memory_space<hbm>> -> memref<1x64x128xf32, #tpu.memory_space<hbm>>
      %dma_wait3A_161 = tpu.memref_squeeze %dma_wait3A_160 : memref<1x64x128xf32, #tpu.memory_space<hbm>> -> memref<64x128xf32, #tpu.memory_space<hbm>>
      %dma_wait3A_162 = arith.constant 0 : i32
      %dma_wait3A_163 = tpu.memref_slice %arg5[%arg0, %add3A_146, %dma_wait3A_162] : memref<2x10240x128xf32, #tpu.memory_space<hbm>> -> memref<1x64x128xf32, #tpu.memory_space<hbm>>
      %dma_wait3A_164 = tpu.memref_squeeze %dma_wait3A_163 : memref<1x64x128xf32, #tpu.memory_space<hbm>> -> memref<64x128xf32, #tpu.memory_space<hbm>>
      tpu.wait_dma2 semaphore(%run_scoped3A : memref<!tpu.dma_semaphore, #tpu.memory_space<semaphore_mem>>) src(%arg8 : memref<64x128xf32, #tpu.memory_space<vmem>>) dst(%dma_wait3A_164 : memref<64x128xf32, #tpu.memory_space<hbm>>)
      tpu.yield
    }) : () -> ()
    %mul3A_147 = arith.constant 640 : i32
    %mul3A_148 = arith.muli %arg1, %mul3A_147 : i32
    %add3A_149 = arith.constant 576 : i32
    %add3A_150 = arith.addi %mul3A_148, %add3A_149 : i32
    "tpu.region"() ({
      %run_scoped3A = tpu.sem_alloc : memref<!tpu.dma_semaphore, #tpu.memory_space<semaphore_mem>>
      %dma_start3A = arith.constant 0 : i32
      %dma_start3A_155 = tpu.memref_slice %arg16[%add3A_150, %dma_start3A] : memref<10240x128xf32, #tpu.memory_space<vmem_shared>> -> memref<64x128xf32, #tpu.memory_space<vmem_shared>>
      %dma_start3A_156 = arith.constant 0 : i32
      %dma_start3A_157 = tpu.memref_slice %arg16[%add3A_150, %dma_start3A_156] : memref<10240x128xf32, #tpu.memory_space<vmem_shared>> -> memref<64x128xf32, #tpu.memory_space<vmem_shared>>
      tpu.enqueue_dma source(%dma_start3A_157 : memref<64x128xf32, #tpu.memory_space<vmem_shared>>) target(%arg8 : memref<64x128xf32, #tpu.memory_space<vmem>>) target_semaphore(%run_scoped3A : memref<!tpu.dma_semaphore, #tpu.memory_space<semaphore_mem>>)
      %dma_wait3A = arith.constant 0 : i32
      %dma_wait3A_158 = tpu.memref_slice %arg16[%add3A_150, %dma_wait3A] : memref<10240x128xf32, #tpu.memory_space<vmem_shared>> -> memref<64x128xf32, #tpu.memory_space<vmem_shared>>
      %dma_wait3A_159 = arith.constant 0 : i32
      %dma_wait3A_160 = tpu.memref_slice %arg16[%add3A_150, %dma_wait3A_159] : memref<10240x128xf32, #tpu.memory_space<vmem_shared>> -> memref<64x128xf32, #tpu.memory_space<vmem_shared>>
      tpu.wait_dma2 semaphore(%run_scoped3A : memref<!tpu.dma_semaphore, #tpu.memory_space<semaphore_mem>>) src(%dma_wait3A_160 : memref<64x128xf32, #tpu.memory_space<vmem_shared>>) dst(%arg8 : memref<64x128xf32, #tpu.memory_space<vmem>>)
      tpu.yield
    }) : () -> ()
    %mul3A_151 = arith.constant 640 : i32
    %mul3A_152 = arith.muli %arg1, %mul3A_151 : i32
    %add3A_153 = arith.constant 576 : i32
    %add3A_154 = arith.addi %mul3A_152, %add3A_153 : i32
    "tpu.region"() ({
      %run_scoped3A = tpu.sem_alloc : memref<!tpu.dma_semaphore, #tpu.memory_space<semaphore_mem>>
      %dma_start3A = arith.constant 0 : i32
      %dma_start3A_155 = tpu.memref_slice %arg5[%arg0, %add3A_154, %dma_start3A] : memref<2x10240x128xf32, #tpu.memory_space<hbm>> -> memref<1x64x128xf32, #tpu.memory_space<hbm>>
      %dma_start3A_156 = tpu.memref_squeeze %dma_start3A_155 : memref<1x64x128xf32, #tpu.memory_space<hbm>> -> memref<64x128xf32, #tpu.memory_space<hbm>>
      %dma_start3A_157 = arith.constant 0 : i32
      %dma_start3A_158 = tpu.memref_slice %arg5[%arg0, %add3A_154, %dma_start3A_157] : memref<2x10240x128xf32, #tpu.memory_space<hbm>> -> memref<1x64x128xf32, #tpu.memory_space<hbm>>
      %dma_start3A_159 = tpu.memref_squeeze %dma_start3A_158 : memref<1x64x128xf32, #tpu.memory_space<hbm>> -> memref<64x128xf32, #tpu.memory_space<hbm>>
      tpu.enqueue_dma source(%arg8 : memref<64x128xf32, #tpu.memory_space<vmem>>) target(%dma_start3A_159 : memref<64x128xf32, #tpu.memory_space<hbm>>) target_semaphore(%run_scoped3A : memref<!tpu.dma_semaphore, #tpu.memory_space<semaphore_mem>>)
      %dma_wait3A = arith.constant 0 : i32
      %dma_wait3A_160 = tpu.memref_slice %arg5[%arg0, %add3A_154, %dma_wait3A] : memref<2x10240x128xf32, #tpu.memory_space<hbm>> -> memref<1x64x128xf32, #tpu.memory_space<hbm>>
      %dma_wait3A_161 = tpu.memref_squeeze %dma_wait3A_160 : memref<1x64x128xf32, #tpu.memory_space<hbm>> -> memref<64x128xf32, #tpu.memory_space<hbm>>
      %dma_wait3A_162 = arith.constant 0 : i32
      %dma_wait3A_163 = tpu.memref_slice %arg5[%arg0, %add3A_154, %dma_wait3A_162] : memref<2x10240x128xf32, #tpu.memory_space<hbm>> -> memref<1x64x128xf32, #tpu.memory_space<hbm>>
      %dma_wait3A_164 = tpu.memref_squeeze %dma_wait3A_163 : memref<1x64x128xf32, #tpu.memory_space<hbm>> -> memref<64x128xf32, #tpu.memory_space<hbm>>
      tpu.wait_dma2 semaphore(%run_scoped3A : memref<!tpu.dma_semaphore, #tpu.memory_space<semaphore_mem>>) src(%arg8 : memref<64x128xf32, #tpu.memory_space<vmem>>) dst(%dma_wait3A_164 : memref<64x128xf32, #tpu.memory_space<hbm>>)
      tpu.yield
    }) : () -> ()
    return
  }
}

module attributes {stable_mosaic.version = 14 : i64} {
  func.func @_mid_tc(%arg0: i32, %arg1: memref<512x128xf32, #tpu.memory_space<vmem>>, %arg2: memref<512x128xf32, #tpu.memory_space<vmem>>, %arg3: memref<512x128xf32, #tpu.memory_space<vmem>>, %arg4: memref<512x1xf32, #tpu.memory_space<vmem>>, %arg5: memref<1x128xf32, #tpu.memory_space<vmem>>, %arg6: memref<128x128xf32, #tpu.memory_space<vmem>>, %arg7: memref<512x128xf32, #tpu.memory_space<vmem>>) attributes {dimension_semantics = [#tpu.dimension_semantics<arbitrary>], iteration_bounds = array<i64: 20>, scalar_prefetch = 0 : i64, scratch_operands = 0 : i64, tpu.core_type = #tpu.core_type<tc>, window_params = [{transform_indices = @transform_0, window_bounds = array<i64: 512, 128>}, {transform_indices = @transform_1, window_bounds = array<i64: 512, 128>}, {transform_indices = @transform_2, window_bounds = array<i64: 512, 128>}, {transform_indices = @transform_3, window_bounds = array<i64: 512, 1>}, {pipeline_mode = #tpu.pipeline_mode<synchronous>, transform_indices = @transform_4, window_bounds = array<i64: 1, 128>}, {pipeline_mode = #tpu.pipeline_mode<synchronous>, transform_indices = @transform_5, window_bounds = array<i64: 128, 128>}, {transform_indices = @transform_6, window_bounds = array<i64: 512, 128>}]} {
    %get3A = arith.constant 0 : index
    %get3A_0 = arith.constant 0 : index
    %get3A_1 = vector.load %arg4[%get3A, %get3A_0] : memref<512x1xf32, #tpu.memory_space<vmem>>, vector<512x1xf32>
    %get3A_2 = arith.constant 0 : index
    %get3A_3 = arith.constant 0 : index
    %get3A_4 = vector.load %arg1[%get3A_2, %get3A_3] : memref<512x128xf32, #tpu.memory_space<vmem>>, vector<512x128xf32>
    %get3A_5 = arith.constant 0 : index
    %get3A_6 = arith.constant 0 : index
    %get3A_7 = vector.load %arg2[%get3A_5, %get3A_6] : memref<512x128xf32, #tpu.memory_space<vmem>>, vector<512x128xf32>
    %add3A = arith.addf %get3A_4, %get3A_7 : vector<512x128xf32>
    %get3A_8 = arith.constant 0 : index
    %get3A_9 = arith.constant 0 : index
    %get3A_10 = vector.load %arg3[%get3A_8, %get3A_9] : memref<512x128xf32, #tpu.memory_space<vmem>>, vector<512x128xf32>
    %add3A_11 = arith.addf %add3A, %get3A_10 : vector<512x128xf32>
    %mul3A = vector.broadcast %get3A_1 : vector<512x1xf32> to vector<512x128xf32>
    %mul3A_12 = arith.mulf %add3A_11, %mul3A : vector<512x128xf32>
    %get3A_13 = arith.constant 0 : index
    %get3A_14 = arith.constant 0 : index
    %get3A_15 = vector.load %arg5[%get3A_13, %get3A_14] : memref<1x128xf32, #tpu.memory_space<vmem>>, vector<1x128xf32>
    %add3A_16 = vector.broadcast %get3A_15 : vector<1x128xf32> to vector<512x128xf32>
    %add3A_17 = arith.addf %mul3A_12, %add3A_16 : vector<512x128xf32>
    %get3A_18 = arith.constant 0 : index
    %get3A_19 = arith.constant 0 : index
    %get3A_20 = vector.load %arg6[%get3A_18, %get3A_19] : memref<128x128xf32, #tpu.memory_space<vmem>>, vector<128x128xf32>
    %dot_general3A = arith.constant dense<0.000000e+00> : vector<512x128xf32>
    %dot_general3A_21 = tpu.matmul %add3A_17, %get3A_20, %dot_general3A {dimension_numbers = #tpu.dot_dimension_numbers<[1], [0], [0], [1], [0, 0, 1, 1], [], []>, transpose_lhs_hint = false} : vector<512x128xf32>, vector<128x128xf32>, vector<512x128xf32> -> vector<512x128xf32>
    %mul3A_22 = vector.broadcast %get3A_1 : vector<512x1xf32> to vector<512x128xf32>
    %mul3A_23 = arith.mulf %dot_general3A_21, %mul3A_22 : vector<512x128xf32>
    %swap3A = arith.constant 0 : index
    %swap3A_24 = arith.constant 0 : index
    %swap3A_25 = vector.load %arg7[%swap3A, %swap3A_24] : memref<512x128xf32, #tpu.memory_space<vmem>>, vector<512x128xf32>
    tpu.vector_store %arg7[%swap3A, %swap3A_24], %mul3A_23 {strides = array<i32>} : memref<512x128xf32, #tpu.memory_space<vmem>>, vector<512x128xf32>,
    return
  }
  func.func @transform_0(%arg0: i32) -> (i32, i32) {
    %c0_i32 = arith.constant 0 : i32
    %c0_i32_0 = arith.constant 0 : i32
    return %arg0, %c0_i32 : i32, i32
  }
  func.func @transform_1(%arg0: i32) -> (i32, i32) {
    %c0_i32 = arith.constant 0 : i32
    %c0_i32_0 = arith.constant 0 : i32
    return %arg0, %c0_i32 : i32, i32
  }
  func.func @transform_2(%arg0: i32) -> (i32, i32) {
    %c0_i32 = arith.constant 0 : i32
    %c0_i32_0 = arith.constant 0 : i32
    return %arg0, %c0_i32 : i32, i32
  }
  func.func @transform_3(%arg0: i32) -> (i32, i32) {
    %c0_i32 = arith.constant 0 : i32
    %c0_i32_0 = arith.constant 0 : i32
    return %arg0, %c0_i32 : i32, i32
  }
  func.func @transform_4(%arg0: i32) -> (i32, i32) {
    %c0_i32 = arith.constant 0 : i32
    %c0_i32_0 = arith.constant 0 : i32
    %c0_i32_1 = arith.constant 0 : i32
    return %c0_i32, %c0_i32_0 : i32, i32
  }
  func.func @transform_5(%arg0: i32) -> (i32, i32) {
    %c0_i32 = arith.constant 0 : i32
    %c0_i32_0 = arith.constant 0 : i32
    %c0_i32_1 = arith.constant 0 : i32
    return %c0_i32, %c0_i32_0 : i32, i32
  }
  func.func @transform_6(%arg0: i32) -> (i32, i32) {
    %c0_i32 = arith.constant 0 : i32
    %c0_i32_0 = arith.constant 0 : i32
    return %arg0, %c0_i32 : i32, i32
  }
}

module attributes {stable_mosaic.version = 14 : i64} {
  func.func @_lin1_tc(%arg0: i32, %arg1: memref<512x128xf32, #tpu.memory_space<vmem>>, %arg2: memref<128x128xf32, #tpu.memory_space<vmem>>, %arg3: memref<512x1xf32, #tpu.memory_space<vmem>>, %arg4: memref<512x1xf32, #tpu.memory_space<vmem>>, %arg5: memref<512x128xf32, #tpu.memory_space<vmem>>, %arg6: memref<512x1xf32, #tpu.memory_space<vmem>>) attributes {dimension_semantics = [#tpu.dimension_semantics<arbitrary>], iteration_bounds = array<i64: 20>, scalar_prefetch = 0 : i64, scratch_operands = 0 : i64, tpu.core_type = #tpu.core_type<tc>, window_params = [{transform_indices = @transform_0, window_bounds = array<i64: 512, 128>}, {pipeline_mode = #tpu.pipeline_mode<synchronous>, transform_indices = @transform_1, window_bounds = array<i64: 128, 128>}, {transform_indices = @transform_2, window_bounds = array<i64: 512, 1>}, {transform_indices = @transform_3, window_bounds = array<i64: 512, 1>}, {transform_indices = @transform_4, window_bounds = array<i64: 512, 128>}, {transform_indices = @transform_5, window_bounds = array<i64: 512, 1>}]} {
    %get3A = arith.constant 0 : index
    %get3A_0 = arith.constant 0 : index
    %get3A_1 = vector.load %arg3[%get3A, %get3A_0] : memref<512x1xf32, #tpu.memory_space<vmem>>, vector<512x1xf32>
    %get3A_2 = arith.constant 0 : index
    %get3A_3 = arith.constant 0 : index
    %get3A_4 = vector.load %arg4[%get3A_2, %get3A_3] : memref<512x1xf32, #tpu.memory_space<vmem>>, vector<512x1xf32>
    %add3A = arith.addf %get3A_1, %get3A_4 : vector<512x1xf32>
    %add3A_5 = arith.constant 1.000000e+00 : f32
    %add3A_6 = vector.broadcast %add3A_5 : f32 to vector<512x1xf32>
    %add3A_7 = arith.addf %add3A, %add3A_6 : vector<512x1xf32>
    %rsqrt3A = math.rsqrt %add3A_7 : vector<512x1xf32>
    %get3A_8 = arith.constant 0 : index
    %get3A_9 = arith.constant 0 : index
    %get3A_10 = vector.load %arg1[%get3A_8, %get3A_9] : memref<512x128xf32, #tpu.memory_space<vmem>>, vector<512x128xf32>
    %get3A_11 = arith.constant 0 : index
    %get3A_12 = arith.constant 0 : index
    %get3A_13 = vector.load %arg2[%get3A_11, %get3A_12] : memref<128x128xf32, #tpu.memory_space<vmem>>, vector<128x128xf32>
    %dot_general3A = arith.constant dense<0.000000e+00> : vector<512x128xf32>
    %dot_general3A_14 = tpu.matmul %get3A_10, %get3A_13, %dot_general3A {dimension_numbers = #tpu.dot_dimension_numbers<[1], [0], [0], [1], [0, 0, 1, 1], [], []>, transpose_lhs_hint = false} : vector<512x128xf32>, vector<128x128xf32>, vector<512x128xf32> -> vector<512x128xf32>
    %mul3A = vector.broadcast %rsqrt3A : vector<512x1xf32> to vector<512x128xf32>
    %mul3A_15 = arith.mulf %dot_general3A_14, %mul3A : vector<512x128xf32>
    %swap3A = arith.constant 0 : index
    %swap3A_16 = arith.constant 0 : index
    %swap3A_17 = vector.load %arg5[%swap3A, %swap3A_16] : memref<512x128xf32, #tpu.memory_space<vmem>>, vector<512x128xf32>
    tpu.vector_store %arg5[%swap3A, %swap3A_16], %mul3A_15 {strides = array<i32>} : memref<512x128xf32, #tpu.memory_space<vmem>>, vector<512x128xf32>,
    %swap3A_18 = arith.constant 0 : index
    %swap3A_19 = arith.constant 0 : index
    %swap3A_20 = vector.load %arg6[%swap3A_18, %swap3A_19] : memref<512x1xf32, #tpu.memory_space<vmem>>, vector<512x1xf32>
    tpu.vector_store %arg6[%swap3A_18, %swap3A_19], %rsqrt3A {strides = array<i32>} : memref<512x1xf32, #tpu.memory_space<vmem>>, vector<512x1xf32>,
    return
  }
  func.func @transform_0(%arg0: i32) -> (i32, i32) {
    %c0_i32 = arith.constant 0 : i32
    %c0_i32_0 = arith.constant 0 : i32
    return %arg0, %c0_i32 : i32, i32
  }
  func.func @transform_1(%arg0: i32) -> (i32, i32) {
    %c0_i32 = arith.constant 0 : i32
    %c0_i32_0 = arith.constant 0 : i32
    %c0_i32_1 = arith.constant 0 : i32
    return %c0_i32, %c0_i32_0 : i32, i32
  }
  func.func @transform_2(%arg0: i32) -> (i32, i32) {
    %c0_i32 = arith.constant 0 : i32
    %c0_i32_0 = arith.constant 0 : i32
    return %arg0, %c0_i32 : i32, i32
  }
  func.func @transform_3(%arg0: i32) -> (i32, i32) {
    %c0_i32 = arith.constant 0 : i32
    %c0_i32_0 = arith.constant 0 : i32
    return %arg0, %c0_i32 : i32, i32
  }
  func.func @transform_4(%arg0: i32) -> (i32, i32) {
    %c0_i32 = arith.constant 0 : i32
    %c0_i32_0 = arith.constant 0 : i32
    return %arg0, %c0_i32 : i32, i32
  }
  func.func @transform_5(%arg0: i32) -> (i32, i32) {
    %c0_i32 = arith.constant 0 : i32
    %c0_i32_0 = arith.constant 0 : i32
    return %arg0, %c0_i32 : i32, i32
  }
}

module attributes {stable_mosaic.version = 14 : i64} {
  func.func @_fin_tc(%arg0: i32, %arg1: memref<512x128xf32, #tpu.memory_space<vmem>>, %arg2: memref<512x128xf32, #tpu.memory_space<vmem>>, %arg3: memref<512x128xf32, #tpu.memory_space<vmem>>, %arg4: memref<512x1xf32, #tpu.memory_space<vmem>>, %arg5: memref<1x128xf32, #tpu.memory_space<vmem>>, %arg6: memref<128x128xf32, #tpu.memory_space<vmem>>, %arg7: memref<1x128xf32, #tpu.memory_space<vmem>>, %arg8: memref<512x128xf32, #tpu.memory_space<vmem>>) attributes {dimension_semantics = [#tpu.dimension_semantics<arbitrary>], iteration_bounds = array<i64: 20>, scalar_prefetch = 0 : i64, scratch_operands = 0 : i64, tpu.core_type = #tpu.core_type<tc>, window_params = [{transform_indices = @transform_0, window_bounds = array<i64: 512, 128>}, {transform_indices = @transform_1, window_bounds = array<i64: 512, 128>}, {transform_indices = @transform_2, window_bounds = array<i64: 512, 128>}, {transform_indices = @transform_3, window_bounds = array<i64: 512, 1>}, {pipeline_mode = #tpu.pipeline_mode<synchronous>, transform_indices = @transform_4, window_bounds = array<i64: 1, 128>}, {pipeline_mode = #tpu.pipeline_mode<synchronous>, transform_indices = @transform_5, window_bounds = array<i64: 128, 128>}, {pipeline_mode = #tpu.pipeline_mode<synchronous>, transform_indices = @transform_6, window_bounds = array<i64: 1, 128>}, {transform_indices = @transform_7, window_bounds = array<i64: 512, 128>}]} {
    %get3A = arith.constant 0 : index
    %get3A_0 = arith.constant 0 : index
    %get3A_1 = vector.load %arg4[%get3A, %get3A_0] : memref<512x1xf32, #tpu.memory_space<vmem>>, vector<512x1xf32>
    %get3A_2 = arith.constant 0 : index
    %get3A_3 = arith.constant 0 : index
    %get3A_4 = vector.load %arg1[%get3A_2, %get3A_3] : memref<512x128xf32, #tpu.memory_space<vmem>>, vector<512x128xf32>
    %get3A_5 = arith.constant 0 : index
    %get3A_6 = arith.constant 0 : index
    %get3A_7 = vector.load %arg2[%get3A_5, %get3A_6] : memref<512x128xf32, #tpu.memory_space<vmem>>, vector<512x128xf32>
    %add3A = arith.addf %get3A_4, %get3A_7 : vector<512x128xf32>
    %get3A_8 = arith.constant 0 : index
    %get3A_9 = arith.constant 0 : index
    %get3A_10 = vector.load %arg3[%get3A_8, %get3A_9] : memref<512x128xf32, #tpu.memory_space<vmem>>, vector<512x128xf32>
    %add3A_11 = arith.addf %add3A, %get3A_10 : vector<512x128xf32>
    %mul3A = vector.broadcast %get3A_1 : vector<512x1xf32> to vector<512x128xf32>
    %mul3A_12 = arith.mulf %add3A_11, %mul3A : vector<512x128xf32>
    %get3A_13 = arith.constant 0 : index
    %get3A_14 = arith.constant 0 : index
    %get3A_15 = vector.load %arg5[%get3A_13, %get3A_14] : memref<1x128xf32, #tpu.memory_space<vmem>>, vector<1x128xf32>
    %add3A_16 = vector.broadcast %get3A_15 : vector<1x128xf32> to vector<512x128xf32>
    %add3A_17 = arith.addf %mul3A_12, %add3A_16 : vector<512x128xf32>
    %get3A_18 = arith.constant 0 : index
    %get3A_19 = arith.constant 0 : index
    %get3A_20 = vector.load %arg6[%get3A_18, %get3A_19] : memref<128x128xf32, #tpu.memory_space<vmem>>, vector<128x128xf32>
    %dot_general3A = arith.constant dense<0.000000e+00> : vector<512x128xf32>
    %dot_general3A_21 = tpu.matmul %add3A_17, %get3A_20, %dot_general3A {dimension_numbers = #tpu.dot_dimension_numbers<[1], [0], [0], [1], [0, 0, 1, 1], [], []>, transpose_lhs_hint = false} : vector<512x128xf32>, vector<128x128xf32>, vector<512x128xf32> -> vector<512x128xf32>
    %get3A_22 = arith.constant 0 : index
    %get3A_23 = arith.constant 0 : index
    %get3A_24 = vector.load %arg7[%get3A_22, %get3A_23] : memref<1x128xf32, #tpu.memory_space<vmem>>, vector<1x128xf32>
    %add3A_25 = vector.broadcast %get3A_24 : vector<1x128xf32> to vector<512x128xf32>
    %add3A_26 = arith.addf %dot_general3A_21, %add3A_25 : vector<512x128xf32>
    %swap3A = arith.constant 0 : index
    %swap3A_27 = arith.constant 0 : index
    %swap3A_28 = vector.load %arg8[%swap3A, %swap3A_27] : memref<512x128xf32, #tpu.memory_space<vmem>>, vector<512x128xf32>
    tpu.vector_store %arg8[%swap3A, %swap3A_27], %add3A_26 {strides = array<i32>} : memref<512x128xf32, #tpu.memory_space<vmem>>, vector<512x128xf32>,
    return
  }
  func.func @transform_0(%arg0: i32) -> (i32, i32) {
    %c0_i32 = arith.constant 0 : i32
    %c0_i32_0 = arith.constant 0 : i32
    return %arg0, %c0_i32 : i32, i32
  }
  func.func @transform_1(%arg0: i32) -> (i32, i32) {
    %c0_i32 = arith.constant 0 : i32
    %c0_i32_0 = arith.constant 0 : i32
    return %arg0, %c0_i32 : i32, i32
  }
  func.func @transform_2(%arg0: i32) -> (i32, i32) {
    %c0_i32 = arith.constant 0 : i32
    %c0_i32_0 = arith.constant 0 : i32
    return %arg0, %c0_i32 : i32, i32
  }
  func.func @transform_3(%arg0: i32) -> (i32, i32) {
    %c0_i32 = arith.constant 0 : i32
    %c0_i32_0 = arith.constant 0 : i32
    return %arg0, %c0_i32 : i32, i32
  }
  func.func @transform_4(%arg0: i32) -> (i32, i32) {
    %c0_i32 = arith.constant 0 : i32
    %c0_i32_0 = arith.constant 0 : i32
    %c0_i32_1 = arith.constant 0 : i32
    return %c0_i32, %c0_i32_0 : i32, i32
  }
  func.func @transform_5(%arg0: i32) -> (i32, i32) {
    %c0_i32 = arith.constant 0 : i32
    %c0_i32_0 = arith.constant 0 : i32
    %c0_i32_1 = arith.constant 0 : i32
    return %c0_i32, %c0_i32_0 : i32, i32
  }
  func.func @transform_6(%arg0: i32) -> (i32, i32) {
    %c0_i32 = arith.constant 0 : i32
    %c0_i32_0 = arith.constant 0 : i32
    %c0_i32_1 = arith.constant 0 : i32
    return %c0_i32, %c0_i32_0 : i32, i32
  }
  func.func @transform_7(%arg0: i32) -> (i32, i32) {
    %c0_i32 = arith.constant 0 : i32
    %c0_i32_0 = arith.constant 0 : i32
    return %arg0, %c0_i32 : i32, i32
  }
}

</mosaic_0001>

<sc_bundles>
// kernel: kernel.11.cloned.1.call-start
scs
__scs_entry_jumppad:
0x0: {  	(pc) =	sbr.rel $0x88, $3  }
0x1: {  	(tag) =	ssettag $0x0;
	lr =	simm.s32 $0x1  }
0x2: {  	[smem:$0x3F99] =	sst lr;
	_ =	strace $0xD0000000  }
0x3: {  	_ = 	snop  }
0x4: {  	_ = 	snop  }
0x5: {  	_ = 	snop  }
0x6: {  	_ = 	snop  }
0x7: {  	_ = 	snop  }
__scs_overlays_trampoline_lowered:
0x8: {  	[smem:$0x3FA8] =	sst s0  }
0x9: {  	[smem:$0x3FA9] =	sst s1  }
0xa: {  	[smem:$0x3FAA] =	sst s2  }
0xb: {  	[smem:$0x3FAB] =	sst s3  }
0xc: {  	[smem:$0x3FAC] =	sst s4  }
0xd: {  	[smem:$0x3FAD] =	sst s5  }
0xe: {  	[smem:$0x3FAE] =	sst s6  }
0xf: {  	[smem:$0x3FAF] =	sst s7  }
0x10: {  	[smem:$0x3FB0] =	sst s8  }
0x11: {  	[smem:$0x3FB1] =	sst s9;
	s0 =	simm.s32 @!p0 $0x0  }
0x12: {  	s1 =	sld [smem:$0x3F97];
	s0 =	simm.s32 @p0 $0x1  }
0x13: {  	[smem:$0x3FB2] =	sst s0;
	s0 =	simm.s32 @!p1 $0x0  }
0x14: {  	s2 =	sld [smem:$0x3F96];
	s0 =	simm.s32 @p1 $0x1  }
0x15: {  	[smem:$0x3FB3] =	sst s0;
	s0 =	simm.s32 @!p2 $0x0  }
0x16: {  	s3 =	sld [smem:$0x3FDB];
	s0 =	simm.s32 @p2 $0x1  }
0x17: {  	s4 =	simm.s32 $0x1BF5;
	[smem:$0x3FB5] =	sst s0  }
0x18: {  	s0 =	sld [smem:$0x3F98];
	_ =	swait.ge [sflag:s4], $0x0  }
0x19: {  	s7 =	sld [smem:$0x3F99]  }
0x1a: {  	s8 =	sadd.s32 $0xFFFFE003, lr  }
0x1b: {  	s9 =	sadd.s32 $0xFFFFFEF7, lr;
	s5 =	simm.s32 $0xFFFFFFFF;
	p2 =	slt.u32 s8, $0xFFFFF086  }
0x1c: {  	p1 =	slt.u32 s9, $0xF7A;
	s5 =	simm.s32 @!p2 $0x0  }
0x1d: {  	s5 =	simm.s32 @p1 $0x1;
	p0 =	seq.s32 s7, s2  }
0x1e: {  	s7 =	smul.u32 @!p0 $0xF7A, s2;
	p2 =	seq.s32 @!p0 s5, $0x0  }
0x1f: {  	s9 =	smul.u32 $0xF7A, s1;
	s8 =	simm.s32 @!p0 $0x1BF5;
	p2 =	por !p2, p0  }
0x20: {  	[sflag:s8] =	ssyncset.s32 @!p0 $0xFFFFF086;
	s6 =	sadd.s32 @!p0 s3, s7;
	s7 =	simm.s32 @!p0 $0x108  }
0x21: {  	s3 =	sadd.s32 s3, s9;
	s6 =	sadd.s32 @!p0 $0x88, s6;
	s7 =	simm.s32 @p2 $0x1082  }
0x22: {  	[simem:s7], [sflag:s8] =	dma.local @!p0 [hbm:s6], $0xF7A  }
0x23: {  	s9 =	sor.u32 $0xD0000000, s2;
	s6 =	simm.s32 $0x108;
	_ =	swait.ge @!p0 [sflag:s8], $0x0  }
0x24: {  	s3 =	sadd.s32 $0x88, s3;
	s6 =	simm.s32 @!p1 $0x1082;
	[sflag:s4] =	ssyncset.s32 $0xFFFFF086  }
0x25: {  	[simem:s6], [sflag:s4] =	dma.local [hbm:s3], $0xF7A  }
0x26: {  	[smem:$0x3F99] =	sst s1;
	(tag) =	ssettag s2;
	_ =	strace s9  }
0x27: {  	s1 =	sld [smem:$0x3FA9]  }
0x28: {  	s2 =	sld [smem:$0x3FAA]  }
0x29: {  	s4 =	sld [smem:$0x3FAC]  }
0x2a: {  	p0 =	seq.s32 s5, $0x0;
	s5 =	sld [smem:$0x3FAD]  }
0x2b: {  	s6 =	sld [smem:$0x3FAE]  }
0x2c: {  	s7 =	sld [smem:$0x3FAF]  }
0x2d: {  	s3 =	simm.s32 $0x108;
	s8 =	sld [smem:$0x3FB0]  }
0x2e: {  	s3 =	simm.s32 @!p0 $0x1082;
	s9 =	sld [smem:$0x3FB1]  }
0x2f: {  	lr =	sadd.s32 s0, s3;
	s0 =	sld [smem:$0x3FA8]  }
0x30: {  	s3 =	sld [smem:$0x3FAB]  }
0x31: {  	[smem:$0x3FB4] =	sst s10  }
0x32: {  	s10 =	sld [smem:$0x3FB2];
	_ =	sdelay $0x3  }
0x33: {  	p0 =	seq.s32 s10, $0x1;
	s10 =	sld [smem:$0x3FB4];
	_ =	sdelay $0x3  }
0x34: {  	[smem:$0x3FB4] =	sst s10  }
0x35: {  	s10 =	sld [smem:$0x3FB3];
	_ =	sdelay $0x3  }
0x36: {  	p1 =	seq.s32 s10, $0x1;
	s10 =	sld [smem:$0x3FB4];
	_ =	sdelay $0x3  }
0x37: {  	[smem:$0x3FB4] =	sst s10  }
0x38: {  	s10 =	sld [smem:$0x3FB5]  }
0x39: {  	_ = 	snop;
	(pc) =	sbr.ind lr, $3  }
0x3a: {  	_ = 	snop  }
0x3b: {  	_ = 	snop  }
0x3c: {  	p2 =	seq.s32 s10, $0x1;
	s10 =	sld [smem:$0x3FB4]  }
0x3d: {  	_ =	shalt  }
0x3e: {  	_ =	shalt  }
0x3f: {  	_ =	shalt  }
0x40: {  	_ =	shalt  }
0x41: {  	_ =	shalt  }
0x42: {  	_ =	shalt  }
0x43: {  	_ =	shalt  }
0x44: {  	_ =	shalt  }
0x45: {  	_ =	shalt  }
0x46: {  	_ =	shalt  }
0x47: {  	_ =	shalt  }
0x48: {  	_ =	shalt  }
0x49: {  	_ =	shalt  }
0x4a: {  	_ =	shalt  }
0x4b: {  	_ =	shalt  }
0x4c: {  	_ =	shalt  }
0x4d: {  	_ =	shalt  }
0x4e: {  	_ =	shalt  }
0x4f: {  	_ =	shalt  }
0x50: {  	_ =	shalt  }
0x51: {  	_ =	shalt  }
0x52: {  	_ =	shalt  }
0x53: {  	_ =	shalt  }
0x54: {  	_ =	shalt  }
0x55: {  	_ =	shalt  }
0x56: {  	_ =	shalt  }
0x57: {  	_ =	shalt  }
0x58: {  	_ =	shalt  }
0x59: {  	_ =	shalt  }
0x5a: {  	_ =	shalt  }
0x5b: {  	_ =	shalt  }
0x5c: {  	_ =	shalt  }
0x5d: {  	_ =	shalt  }
0x5e: {  	_ =	shalt  }
0x5f: {  	_ =	shalt  }
0x60: {  	_ =	shalt  }
0x61: {  	_ =	shalt  }
0x62: {  	_ =	shalt  }
0x63: {  	_ =	shalt  }
0x64: {  	_ =	shalt  }
0x65: {  	_ =	shalt  }
0x66: {  	_ =	shalt  }
0x67: {  	_ =	shalt  }
0x68: {  	_ =	shalt  }
0x69: {  	_ =	shalt  }
0x6a: {  	_ =	shalt  }
0x6b: {  	_ =	shalt  }
0x6c: {  	_ =	shalt  }
0x6d: {  	_ =	shalt  }
0x6e: {  	_ =	shalt  }
0x6f: {  	_ =	shalt  }
0x70: {  	_ =	shalt  }
0x71: {  	_ =	shalt  }
0x72: {  	_ =	shalt  }
0x73: {  	_ =	shalt  }
0x74: {  	_ =	shalt  }
0x75: {  	_ =	shalt  }
0x76: {  	_ =	shalt  }
0x77: {  	_ =	shalt  }
0x78: {  	_ =	shalt  }
0x79: {  	_ =	shalt  }
0x7a: {  	_ =	shalt  }
0x7b: {  	_ =	shalt  }
0x7c: {  	_ =	shalt  }
0x7d: {  	_ =	shalt  }
0x7e: {  	_ =	shalt  }
0x7f: {  	_ =	shalt  }
0x80: {  	_ =	shalt  }
0x81: {  	_ =	shalt  }
0x82: {  	_ =	shalt  }
0x83: {  	_ =	shalt  }
0x84: {  	_ =	shalt  }
0x85: {  	_ =	shalt  }
0x86: {  	_ =	shalt  }
0x87: {  	_ =	shalt  }
.Lfunc_end0:
.L_simem_size_0:
called_computation.1_lowered:
.L_overlay_start_0:
0x88: {  	s2 =	sld [smem:$0x3FD9]  }
0x89: {  	s3 =	sld [smem:$0x3FFE];
	_ =	sdelay $0x1  }
0x8a: {  	s1 =	srdreg.scid  }
0x8b: {  	s0 =	sand.u32 $0x1, s1  }
0x8c: {  	s16 =	sshll.u32 s0, $0xA;
	s2 =	sadd.s32 s3, s2  }
0x8d: {  	s2 =	sadd.s32 s2, s16  }
0x8e: {  	[smem:$0x3FC0] =	sst s2  }
0x8f: {  	_ = 	snop  }
0x90: {  	(tm) =	ssettm $0x1  }
0x91: {  	s17 =	sld [smem:$0x3FFB];
	_ =	sdelay $0x3  }
0x92: {  	_ =	strace s17  }
0x93: {  	s2 =	sld [smem:$0x3FFC];
	_ =	sdelay $0x3  }
0x94: {  	_ =	strace s2  }
0x95: {  	s2 =	sld [smem:$0x3FFD];
	_ =	sdelay $0x3  }
0x96: {  	_ =	strace s2  }
0x97: {  	_ =	strace $0x8FFFFFFF  }
0x98: {  	s18 =	sld [smem:$0x3FDB];
	_ =	sdelay $0x1  }
0x99: {  	s19 =	simm.s32 $_scs_section_size  }
0x9a: {  	s4 =	simm.s32 $_size__tile_overlayer_lowered;
	s5 =	simm.s32 $_tile_overlayer_lowered  }
0x9b: {  	s22 =	simm.s32 $0x1BFF;
	s21 =	sshll.u32 s5, $0x1;
	s2 =	sadd.s32 s19, s18  }
0x9c: {  	s6 =	simm.s32 $0x0;
	s20 =	sshll.u32 s4, $0x1;
	s4 =	sadd.s32 s21, s2  }
0x9d: {  	[timem:s6], [sflag:s22] =	dma.local [hbm:s4], s20  }
0x9e: {  	_ =	swait.ge [sflag:s22], s20  }
0x9f: {  	s3 =	ssub.s32 $0x0, s20;
	[sflag:s22] =	ssyncset.done $0x0  }
0xa0: {  	[sflag:s22] =	ssyncadd.s32 s3;
	_ =	sdelay $0x1  }
0xa1: {  	s23 =	simm.s32 $0x1B8B  }
0xa2: {  	_ =	swait.ge [sflag:s23], $0x1  }
0xa3: {  	[sflag:s23] =	ssyncset.done $0x0  }
0xa4: {  	s25 =	simm.s32 $0x1B8E;
	s24 =	sld [smem:$0x3FFE];
	[sflag:s23] =	ssyncadd.s32 $0xFFFFFFFF  }
0xa5: {  	s26 =	simm.s32 $execute0_lowered;
	[smem:$0x3FD2] =	sst s25  }
0xa6: {  	s4 =	sshll.u32 s26, $0x1;
	_ =	strace $0x80000049;
	[dreg:$0x1] =	wrdreg $0xFFFFFFFF  }
0xa7: {  	s28 =	simm.s32 $_size_execute0_lowered;
	s2 =	sadd.s32 s2, s4;
	[dreg:$0x0] =	wrdreg $0x0  }
0xa8: {  	s4 =	sshll.u32 s28, $0x1;
	[dreg:$0x2] =	wrdreg s2  }
0xa9: {  	[dreg:$0x3] =	wrdreg s4  }
0xaa: {  	[dreg:$0x4] =	wrdreg $0xC0  }
0xab: {  	_ =	task [dreg:s6], $0x5FFFF  }
0xac: {  	[dreg:$0x1] =	wrdreg $0xFFFFFFFF  }
0xad: {  	[dreg:$0x0] =	wrdreg $0x60  }
0xae: {  	[dreg:$0x2] =	wrdreg s24  }
0xaf: {  	[dreg:$0x3] =	wrdreg $0xA8000  }
0xb0: {  	[dreg:$0x4] =	wrdreg $0x9  }
0xb1: {  	_ =	task.clear_ibuf [dreg:s6], $0x5FFFF;
	_ =	strace $0x90000049  }
0xb2: {  	s29 =	simm.s32 $0x9;
	_ =	strace $0x8000004B  }
0xb3: {  	_ =	swait.ge [sflag:s29], $0x1  }
0xb4: {  	[sflag:s29] =	ssyncadd.s32 $0xFFFFFFFF  }
0xb5: {  	_ =	strace $0x9000004B  }
0xb6: {  	_ =	sfence  }
0xb7: {  	s30 =	sld [smem:$0x0];
	_ =	sdelay $0x2  }
0xb8: {  	s31 =	sshll.u32 s1, $0xD;
	s1 =	sshrl.u32 s1, $0x2  }
0xb9: {  	s3 =	sand.u32 $0x4000, s31;
	s1 =	sadd.s32 s1, s30  }
0xba: {  	s0 =	sor.u32 s3, s0;
	s1 =	sshll.u32 s1, $0x11  }
0xbb: {  	s0 =	sor.u32 s1, s0  }
0xbc: {  	s0 =	sadd.s32 $0x8F2B, s0  }
0xbd: {  	[sflag:s0] =	ssyncadd.remote.s32 $0x1  }
0xbe: {  	_ =	sfence.sel $0xFFFF  }
0xbf: {  	[dreg:$0x0] =	wrdreg $0xFFFFFFFF;
	(pc) =	sbr.abs _section_cstart, $3  }
0xc0: {  	[dreg:$0x1] =	wrdreg $0xFFFFFFFF  }
0xc1: {  	_ =	task.clear_ibuf [dreg:s6], $0x2FFFF;
	_ =	strace $0x9FFFFFFF  }
0xc2: {  	(tm) =	ssettm $0x7FFFFFFF  }
0xc3: {  	_ =	shalt  }
tec
execute0_lowered:
.L_overlay_start_1:
0x0: {  	(tag) =	ssettag $0x1  }
0x1: {  	s0 =	srdreg.scid;
	s3 =	rddreg [dreg:$0x0]  }
0x2: {  	s1 =	rddreg [dreg:$0x1];
	s2 =	stileid.u32;
	s23 =	simm.s32 $0x0  }
0x3: {  	s30 =	simm.s32 $0x4;
	s0 =	sand.u32 $0x1, s0;
	s6 =	smul.u32 $0x14000, s2  }
0x4: {  	[smem:$0x7FF] =	sst s23;
	s4 =	ssub.s32 $0x2, s0;
	s9 =	smul.u32 $0x140000, s0  }
0x5: {  	s7 =	sadd.s32 $0xA3C00, s3;
	s29 =	smul.u32 $0x2580, s0;
	s5 =	sshrl.u32 s4, $0x1  }
0x6: {  	s8 =	sadd.s32 $0x4000, s6;
	s10 =	sadd.s32 $0x6000, s6;
	s11 =	sadd.s32 $0x8000, s6  }
0x7: {  	s12 =	sadd.s32 $0xA000, s6;
	s13 =	sadd.s32 $0xC000, s6;
	s17 =	sadd.s32 $0xE000, s6  }
0x8: {  	s18 =	sadd.s32 $0x10000, s6;
	s4 =	ssub.s32 s4, s5;
	s5 =	sor.u32 $0x2000, s6  }
0x9: {  	s14 =	sadd.s32 s6, s9;
	s6 =	sadd.s32 $0x12000, s6;
	s22 =	sadd.s32 s9, s8  }
0xa: {  	s24 =	sadd.s32 s9, s10;
	s16 =	sadd.s32 s9, s11;
	s19 =	sadd.s32 s9, s17  }
0xb: {  	s10 =	sadd.s32 s10, s1;
	s11 =	sadd.s32 s11, s1;
	s14 =	sshrl.u32 s14, $0x3  }
0xc: {  	s15 =	sadd.s32 s9, s5;
	s26 =	sshrl.u32 s16, $0x3;
	s16 =	sadd.s32 s9, s13  }
0xd: {  	s14 =	sadd.s32 s7, s14;
	s21 =	sshrl.u32 s15, $0x3;
	s15 =	sshrl.u32 s24, $0x3  }
0xe: {  	s24 =	smul.u32 $0x50000, s2;
	[dreg:$0x3] =	wrdreg s14;
	s14 =	sadd.s32 s7, s21  }
0xf: {  	s25 =	sadd.s32 s7, s15;
	s15 =	sadd.s32 s9, s12;
	s21 =	sshrl.u32 s19, $0x3  }
0x10: {  	s19 =	sadd.s32 s12, s1;
	[dreg:$0x4] =	wrdreg s14;
	s14 =	sshrl.u32 s22, $0x3  }
0x11: {  	s12 =	simm.s32 $0x2;
	[dreg:$0x6] =	wrdreg s25;
	s14 =	sadd.s32 s7, s14  }
0x12: {  	s22 =	sadd.s32 s9, s18;
	[dreg:$0x5] =	wrdreg s14;
	s14 =	sadd.s32 s7, s26  }
0x13: {  	s9 =	sadd.s32 s9, s6;
	[dreg:$0x7] =	wrdreg s14;
	s14 =	sshrl.u32 s15, $0x3  }
0x14: {  	s25 =	sshrl.u32 s24, $0x2;
	s24 =	sadd.s32 s18, s1;
	s14 =	sadd.s32 s7, s14  }
0x15: {  	s15 =	sshrl.u32 s16, $0x3;
	[dreg:$0x8] =	wrdreg s14;
	s14 =	sadd.s32 s7, s21  }
0x16: {  	s20 =	sadd.s32 s7, s15;
	[dreg:$0xa] =	wrdreg s14;
	s14 =	sshrl.u32 s22, $0x3  }
0x17: {  	s9 =	sshrl.u32 s9, $0x3;
	[dreg:$0x9] =	wrdreg s20;
	s14 =	sadd.s32 s7, s14  }
0x18: {  	s18 =	simm.s32 $0x2600;
	s7 =	sadd.s32 s7, s9;
	[dreg:$0xb] =	wrdreg s14  }
0x19: {  	s26 =	sadd.s32 s25, s1;
	s25 =	sadd.s32 s6, s1;
	[dreg:$0xc] =	wrdreg s7  }
0x1a: {  	s7 =	sadd.s32 s5, s1;
	_ =	strace $0x8000004A;
	[dreg:$0xd] =	wrdreg s26  }
0x1b: {  	s6 =	simm.s32 $0x4800;
	s9 =	sadd.s32 s8, s1;
	[dreg:$0xe] =	wrdreg s7  }
0x1c: {  	s16 =	sadd.s32 $0x53C00, s3;
	s15 =	sadd.s32 $0x7BC00, s3;
	[dreg:$0xf] =	wrdreg s9  }
0x1d: {  	s20 =	smul.u32 $0xFFFFFFF2, s0;
	s21 =	sadd.s32 s13, s1;
	[dreg:$0x10] =	wrdreg s10  }
0x1e: {  	s0 =	simm.s32 $0x5;
	s13 =	simm.s32 $0x3;
	[dreg:$0x11] =	wrdreg s11  }
0x1f: {  	s22 =	sadd.s32 s17, s1;
	s17 =	simm.s32 $0x1380;
	[dreg:$0x12] =	wrdreg s19  }
0x20: {  	s28 =	sadd.s32 $0xF, s20;
	s8 =	simm.s32 $0x6800;
	[dreg:$0x13] =	wrdreg s21  }
0x21: {  	s20 =	simm.s32 $0x2700;
	s14 =	sadd.s32 $0x3C00, s3;
	[dreg:$0x14] =	wrdreg s22  }
0x22: {  	s31 =	smul.u32 s2, s28;
	s3 =	simm.s32 $0x1400;
	[dreg:$0x15] =	wrdreg s24  }
0x23: {  	s5 =	simm.s32 $0x80;
	[dreg:$0x16] =	wrdreg s25;
	s26 =	smax.u32 s4, $0x1  }
0x24: {  	s11 =	simm.s32 $0x2800;
	s4 =	simm.s32 $0x40;
	s7 =	simm.s32 $0x100  }
0x25: {  	s9 =	simm.s32 $0x1;
	s10 =	simm.s32 $0x8800;
	s19 =	simm.s32 $0x2680  }
0x26: {  	v0 =	vimm.f32 $0.0e+00;
	s21 =	simm.s32 $0x2780;
	s22 =	simm.s32 $0x0;
	[dreg:$0x17] =	wrdreg s26  }
.LBB2_1:
0x27: {  	s23 =	sand.u32 $0x7E00, s23;
	s2 =	simm.s32 $0x0  }
0x28: {  	s24 =	sand.u32 $0x70, s2;
	s25 =	sshrl.u32 s23, $0x2  }
0x29: {  	s23 =	simm.s32 $0x40;
	s25 =	sor.u32 s24, s25;
	s24 =	simm.s32 $0x0  }
.LBB2_2:
0x2a: {  	p0 =	sne.s32 s23, $0x7FC0  }
0x2b: {  	[tilespmem:s25+$0x2800] =	vst v0;
	s24 =	sadd.s32 $0x10, s24;
	s25 =	smov.u32 s23;
	s23 =	sadd.s32 $0x40, s23  }
.Ltmp0:
0x2c: {  	(pc) =	sbr.rel @p0 .LBB2_2-.Ltmp0, $4  }
0x2d: {  	_ = 	snop  }
0x2e: {  	s25 =	sand.u32 $0x7E00, s25  }
0x2f: {  	s26 =	sand.u32 $0x70, s24;
	s25 =	sshrl.u32 s25, $0x2  }
0x30: {  	s25 =	sor.u32 s26, s25  }
0x31: {  	[tilespmem:s25+$0x2800] =	vst v0;
	s2 =	rddreg [dreg:$0xd]  }
0x32: {  	[spmem:s2] =	stream.linear.scatter [tilespmem:s11], [sflag:$0x5], $0x2000, $0x38;
	[tilespmem:$0x1E800] =	vst v63  }
0x33: {  	_ =	swait.ge [sflag:s0], $0x2000  }
0x34: {  	[sflag:s0] =	ssyncset.done $0x0  }
0x35: {  	s26 =	rddreg [dreg:$0xe];
	[sflag:s0] =	ssyncadd.s32 $0xFFFFE000  }
0x36: {  	[spmem:s26] =	stream.linear.scatter [tilespmem:s11], [sflag:$0x5], $0x2000, $0x38;
	[tilespmem:$0x1E800] =	vst v63  }
0x37: {  	_ =	swait.ge [sflag:s0], $0x2000  }
0x38: {  	[sflag:s0] =	ssyncset.done $0x0  }
0x39: {  	s23 =	rddreg [dreg:$0xf];
	[sflag:s0] =	ssyncadd.s32 $0xFFFFE000  }
0x3a: {  	[spmem:s23] =	stream.linear.scatter [tilespmem:s11], [sflag:$0x5], $0x2000, $0x38;
	[tilespmem:$0x1E800] =	vst v63  }
0x3b: {  	_ =	swait.ge [sflag:s0], $0x2000  }
0x3c: {  	[sflag:s0] =	ssyncset.done $0x0  }
0x3d: {  	s24 =	rddreg [dreg:$0x10];
	[sflag:s0] =	ssyncadd.s32 $0xFFFFE000  }
0x3e: {  	[spmem:s24] =	stream.linear.scatter [tilespmem:s11], [sflag:$0x5], $0x2000, $0x38;
	[tilespmem:$0x1E800] =	vst v63  }
0x3f: {  	_ =	swait.ge [sflag:s0], $0x2000  }
0x40: {  	[sflag:s0] =	ssyncset.done $0x0  }
0x41: {  	s25 =	rddreg [dreg:$0x11];
	[sflag:s0] =	ssyncadd.s32 $0xFFFFE000  }
0x42: {  	[spmem:s25] =	stream.linear.scatter [tilespmem:s11], [sflag:$0x5], $0x2000, $0x38;
	[tilespmem:$0x1E800] =	vst v63  }
0x43: {  	_ =	swait.ge [sflag:s0], $0x2000  }
0x44: {  	[sflag:s0] =	ssyncset.done $0x0  }
0x45: {  	s26 =	rddreg [dreg:$0x12];
	[sflag:s0] =	ssyncadd.s32 $0xFFFFE000  }
0x46: {  	[spmem:s26] =	stream.linear.scatter [tilespmem:s11], [sflag:$0x5], $0x2000, $0x38;
	[tilespmem:$0x1E800] =	vst v63  }
0x47: {  	_ =	swait.ge [sflag:s0], $0x2000  }
0x48: {  	[sflag:s0] =	ssyncset.done $0x0  }
0x49: {  	s23 =	rddreg [dreg:$0x13];
	[sflag:s0] =	ssyncadd.s32 $0xFFFFE000  }
0x4a: {  	[spmem:s23] =	stream.linear.scatter [tilespmem:s11], [sflag:$0x5], $0x2000, $0x38;
	[tilespmem:$0x1E800] =	vst v63  }
0x4b: {  	_ =	swait.ge [sflag:s0], $0x2000  }
0x4c: {  	[sflag:s0] =	ssyncset.done $0x0  }
0x4d: {  	s24 =	rddreg [dreg:$0x14];
	[sflag:s0] =	ssyncadd.s32 $0xFFFFE000  }
0x4e: {  	[spmem:s24] =	stream.linear.scatter [tilespmem:s11], [sflag:$0x5], $0x2000, $0x38;
	[tilespmem:$0x1E800] =	vst v63  }
0x4f: {  	_ =	swait.ge [sflag:s0], $0x2000  }
0x50: {  	[sflag:s0] =	ssyncset.done $0x0  }
0x51: {  	s25 =	rddreg [dreg:$0x15];
	[sflag:s0] =	ssyncadd.s32 $0xFFFFE000  }
0x52: {  	[spmem:s25] =	stream.linear.scatter [tilespmem:s11], [sflag:$0x5], $0x2000, $0x38;
	[tilespmem:$0x1E800] =	vst v63  }
0x53: {  	_ =	swait.ge [sflag:s0], $0x2000  }
0x54: {  	[sflag:s0] =	ssyncset.done $0x0  }
0x55: {  	s26 =	rddreg [dreg:$0x16];
	[sflag:s0] =	ssyncadd.s32 $0xFFFFE000  }
0x56: {  	[spmem:s26] =	stream.linear.scatter [tilespmem:s11], [sflag:$0x5], $0x2000, $0x38;
	[tilespmem:$0x1E800] =	vst v63  }
0x57: {  	_ =	swait.ge [sflag:s0], $0x2000  }
0x58: {  	[sflag:s0] =	ssyncset.done $0x0  }
0x59: {  	[sflag:s0] =	ssyncadd.s32 $0xFFFFE000  }
0x5a: {  	s23 =	simm.s32 $0x0;
	s24 =	simm.s32 $0x0;
	[bflag:$0x0] =	sbarrier.arrive $0xFFFF  }
.LBB2_4:
0x5b: {  	s25 =	sadd.s32 s31, s24  }
0x5c: {  	s25 =	smul.u32 $0x28, s25;
	_ =	sdelay $0x1  }
0x5d: {  	s25 =	sadd.s32 s29, s25  }
0x5e: {  	s25 =	sshll.u32 s25, $0x4  }
0x5f: {  	s26 =	sadd.s32 s15, s25  }
0x60: {  	[tilespmem:s23], [sflag:$0x5] =	stream.linear.gather [hbm4b:s26+s23], $0x1400, $0x38;
	[tilespmem:$0x1E800] =	vst v63  }
0x61: {  	_ =	swait.ge [sflag:s0], $0x1400  }
0x62: {  	[sflag:s0] =	ssyncset.done $0x0  }
0x63: {  	s25 =	sadd.s32 s16, s25;
	[sflag:s0] =	ssyncadd.s32 $0xFFFFEC00  }
0x64: {  	[tilespmem:s3], [sflag:$0x5] =	stream.linear.gather [hbm4b:s25+s23], $0x1400, $0x38;
	[tilespmem:$0x1E800] =	vst v63  }
0x65: {  	_ =	swait.ge [sflag:s0], $0x1400  }
0x66: {  	[sflag:s0] =	ssyncset.done $0x0  }
0x67: {  	[sflag:s0] =	ssyncadd.s32 $0xFFFFEC00  }
0x68: {  	[tilespmem:s11], [sflag:$0x1] =	stream.indirect.gather [hbm4b:s14+s4], $0x80, s23, s4, $0xb8;
	[tilespmem:$0x1E800] =	vst v63  }
0x69: {  	_ = 	snop  }
0x6a: {  	[tilespmem:s6], [sflag:$0x2] =	stream.indirect.gather [hbm4b:s14+s4], $0x80, s5, s4, $0xb8;
	[tilespmem:$0x1E800] =	vst v63  }
0x6b: {  	_ = 	snop  }
0x6c: {  	[tilespmem:s8], [sflag:$0x3] =	stream.indirect.gather [hbm4b:s14+s4], $0x80, s7, s4, $0xb8;
	[tilespmem:$0x1E800] =	vst v63  }
0x6d: {  	_ =	swait.ge [sflag:s9], $0x2000  }
0x6e: {  	[sflag:s9] =	ssyncset.done $0x0  }
0x6f: {  	s2 =	simm.s32 $0x180;
	[sflag:s9] =	ssyncadd.s32 $0xFFFFE000  }
0x70: {  	[tilespmem:s10], [sflag:$0x4] =	stream.indirect.gather [hbm4b:s14+s4], $0x80, s2, s4, $0xb8;
	[tilespmem:$0x1E800] =	vst v63  }
0x71: {  	s26 =	simm.s32 $0x1400  }
0x72: {  	[spmem:s1] =	stream.indirect.scatter.add.f32 [tilespmem:s11], [sflag:$0x5], $0x80, s26, s4, $0xb8;
	[tilespmem:$0x1E800] =	vst v63  }
0x73: {  	_ =	swait.ge [sflag:s0], $0x2000  }
0x74: {  	[sflag:s0] =	ssyncset.done $0x0  }
0x75: {  	[sflag:s0] =	ssyncadd.s32 $0xFFFFE000  }
0x76: {  	_ =	swait.ge [sflag:s12], $0x2000  }
0x77: {  	[sflag:s12] =	ssyncset.done $0x0  }
0x78: {  	s2 =	simm.s32 $0x200;
	[sflag:s12] =	ssyncadd.s32 $0xFFFFE000  }
0x79: {  	[tilespmem:s11], [sflag:$0x1] =	stream.indirect.gather [hbm4b:s14+s4], $0x80, s2, s4, $0xb8;
	[tilespmem:$0x1E800] =	vst v63  }
0x7a: {  	s26 =	simm.s32 $0x1480  }
0x7b: {  	[spmem:s1] =	stream.indirect.scatter.add.f32 [tilespmem:s6], [sflag:$0x5], $0x80, s26, s4, $0xb8;
	[tilespmem:$0x1E800] =	vst v63  }
0x7c: {  	_ =	swait.ge [sflag:s0], $0x2000  }
0x7d: {  	[sflag:s0] =	ssyncset.done $0x0  }
0x7e: {  	[sflag:s0] =	ssyncadd.s32 $0xFFFFE000  }
0x7f: {  	_ =	swait.ge [sflag:s13], $0x2000  }
0x80: {  	[sflag:s13] =	ssyncset.done $0x0  }
0x81: {  	s2 =	simm.s32 $0x280;
	[sflag:s13] =	ssyncadd.s32 $0xFFFFE000  }
0x82: {  	[tilespmem:s6], [sflag:$0x2] =	stream.indirect.gather [hbm4b:s14+s4], $0x80, s2, s4, $0xb8;
	[tilespmem:$0x1E800] =	vst v63  }
0x83: {  	s26 =	simm.s32 $0x1500  }
0x84: {  	[spmem:s1] =	stream.indirect.scatter.add.f32 [tilespmem:s8], [sflag:$0x5], $0x80, s26, s4, $0xb8;
	[tilespmem:$0x1E800] =	vst v63  }
0x85: {  	_ =	swait.ge [sflag:s0], $0x2000  }
0x86: {  	[sflag:s0] =	ssyncset.done $0x0  }
0x87: {  	[sflag:s0] =	ssyncadd.s32 $0xFFFFE000  }
0x88: {  	_ =	swait.ge [sflag:s30], $0x2000  }
0x89: {  	[sflag:s30] =	ssyncset.done $0x0  }
0x8a: {  	s2 =	simm.s32 $0x300;
	[sflag:s30] =	ssyncadd.s32 $0xFFFFE000  }
0x8b: {  	[tilespmem:s8], [sflag:$0x3] =	stream.indirect.gather [hbm4b:s14+s4], $0x80, s2, s4, $0xb8;
	[tilespmem:$0x1E800] =	vst v63  }
0x8c: {  	s26 =	simm.s32 $0x1580  }
0x8d: {  	[spmem:s1] =	stream.indirect.scatter.add.f32 [tilespmem:s10], [sflag:$0x5], $0x80, s26, s4, $0xb8;
	[tilespmem:$0x1E800] =	vst v63  }
0x8e: {  	_ =	swait.ge [sflag:s0], $0x2000  }
0x8f: {  	s25 =	simm.s32 $0x800;
	[sflag:s0] =	ssyncset.done $0x0  }
.LBB2_5:
0x90: {  	p0 =	sne.s32 s25, $0x4000  }
0x91: {  	[sflag:s0] =	ssyncadd.s32 $0xFFFFE000;
	s26 =	smov.u32 s25;
	s25 =	sadd.s32 $0x800, s25  }
0x92: {  	_ = 	snop  }
0x93: {  	_ =	swait.ge [sflag:s9], $0x2000  }
0x94: {  	s26 =	sshra.s32 s26, $0x2;
	[sflag:s9] =	ssyncset.done $0x0  }
0x95: {  	s2 =	sadd.s32 $0x180, s26;
	[sflag:s9] =	ssyncadd.s32 $0xFFFFE000  }
0x96: {  	[tilespmem:s10], [sflag:$0x4] =	stream.indirect.gather [hbm4b:s14+s4], $0x80, s2, s4, $0xb8;
	[tilespmem:$0x1E800] =	vst v63  }
0x97: {  	s2 =	sadd.s32 $0x1400, s26  }
0x98: {  	[spmem:s1] =	stream.indirect.scatter.add.f32 [tilespmem:s11], [sflag:$0x5], $0x80, s2, s4, $0xb8;
	[tilespmem:$0x1E800] =	vst v63  }
0x99: {  	_ =	swait.ge [sflag:s0], $0x2000  }
0x9a: {  	[sflag:s0] =	ssyncset.done $0x0  }
0x9b: {  	[sflag:s0] =	ssyncadd.s32 $0xFFFFE000  }
0x9c: {  	_ =	swait.ge [sflag:s12], $0x2000  }
0x9d: {  	[sflag:s12] =	ssyncset.done $0x0  }
0x9e: {  	s2 =	sadd.s32 $0x200, s26;
	[sflag:s12] =	ssyncadd.s32 $0xFFFFE000  }
0x9f: {  	[tilespmem:s11], [sflag:$0x1] =	stream.indirect.gather [hbm4b:s14+s4], $0x80, s2, s4, $0xb8;
	[tilespmem:$0x1E800] =	vst v63  }
0xa0: {  	s2 =	sadd.s32 $0x1480, s26  }
0xa1: {  	[spmem:s1] =	stream.indirect.scatter.add.f32 [tilespmem:s6], [sflag:$0x5], $0x80, s2, s4, $0xb8;
	[tilespmem:$0x1E800] =	vst v63  }
0xa2: {  	_ =	swait.ge [sflag:s0], $0x2000  }
0xa3: {  	[sflag:s0] =	ssyncset.done $0x0  }
0xa4: {  	[sflag:s0] =	ssyncadd.s32 $0xFFFFE000  }
0xa5: {  	_ =	swait.ge [sflag:s13], $0x2000  }
0xa6: {  	[sflag:s13] =	ssyncset.done $0x0  }
0xa7: {  	s2 =	sadd.s32 $0x280, s26;
	[sflag:s13] =	ssyncadd.s32 $0xFFFFE000  }
0xa8: {  	[tilespmem:s6], [sflag:$0x2] =	stream.indirect.gather [hbm4b:s14+s4], $0x80, s2, s4, $0xb8;
	[tilespmem:$0x1E800] =	vst v63  }
0xa9: {  	s2 =	sadd.s32 $0x1500, s26  }
0xaa: {  	[spmem:s1] =	stream.indirect.scatter.add.f32 [tilespmem:s8], [sflag:$0x5], $0x80, s2, s4, $0xb8;
	[tilespmem:$0x1E800] =	vst v63  }
0xab: {  	_ =	swait.ge [sflag:s0], $0x2000  }
0xac: {  	[sflag:s0] =	ssyncset.done $0x0  }
0xad: {  	[sflag:s0] =	ssyncadd.s32 $0xFFFFE000  }
0xae: {  	_ =	swait.ge [sflag:s30], $0x2000  }
0xaf: {  	[sflag:s30] =	ssyncset.done $0x0  }
0xb0: {  	s2 =	sadd.s32 $0x300, s26;
	[sflag:s30] =	ssyncadd.s32 $0xFFFFE000  }
0xb1: {  	[tilespmem:s8], [sflag:$0x3] =	stream.indirect.gather [hbm4b:s14+s4], $0x80, s2, s4, $0xb8;
	[tilespmem:$0x1E800] =	vst v63  }
.Ltmp1:
0xb2: {  	_ = 	snop;
	(pc) =	sbr.rel @p0 .LBB2_5-.Ltmp1, $4  }
0xb3: {  	s2 =	sadd.s32 $0x1580, s26  }
0xb4: {  	[spmem:s1] =	stream.indirect.scatter.add.f32 [tilespmem:s10], [sflag:$0x5], $0x80, s2, s4, $0xb8;
	[tilespmem:$0x1E800] =	vst v63  }
0xb5: {  	_ =	swait.ge [sflag:s0], $0x2000  }
0xb6: {  	[sflag:s0] =	ssyncset.done $0x0  }
0xb7: {  	[sflag:s0] =	ssyncadd.s32 $0xFFFFE000  }
0xb8: {  	_ =	swait.ge [sflag:s9], $0x2000  }
0xb9: {  	[sflag:s9] =	ssyncset.done $0x0  }
0xba: {  	[sflag:s9] =	ssyncadd.s32 $0xFFFFE000  }
0xbb: {  	[tilespmem:s10], [sflag:$0x4] =	stream.indirect.gather [hbm4b:s14+s4], $0x80, s17, s4, $0xb8;
	[tilespmem:$0x1E800] =	vst v63  }
0xbc: {  	_ = 	snop  }
0xbd: {  	[spmem:s1] =	stream.indirect.scatter.add.f32 [tilespmem:s11], [sflag:$0x5], $0x80, s18, s4, $0xb8;
	[tilespmem:$0x1E800] =	vst v63  }
0xbe: {  	_ =	swait.ge [sflag:s0], $0x2000  }
0xbf: {  	[sflag:s0] =	ssyncset.done $0x0  }
0xc0: {  	[sflag:s0] =	ssyncadd.s32 $0xFFFFE000  }
0xc1: {  	_ =	swait.ge [sflag:s12], $0x2000  }
0xc2: {  	[sflag:s12] =	ssyncset.done $0x0  }
0xc3: {  	[sflag:s12] =	ssyncadd.s32 $0xFFFFE000  }
0xc4: {  	[spmem:s1] =	stream.indirect.scatter.add.f32 [tilespmem:s6], [sflag:$0x5], $0x80, s19, s4, $0xb8;
	[tilespmem:$0x1E800] =	vst v63  }
0xc5: {  	_ =	swait.ge [sflag:s0], $0x2000  }
0xc6: {  	[sflag:s0] =	ssyncset.done $0x0  }
0xc7: {  	[sflag:s0] =	ssyncadd.s32 $0xFFFFE000  }
0xc8: {  	_ =	swait.ge [sflag:s13], $0x2000  }
0xc9: {  	[sflag:s13] =	ssyncset.done $0x0  }
0xca: {  	[sflag:s13] =	ssyncadd.s32 $0xFFFFE000  }
0xcb: {  	[spmem:s1] =	stream.indirect.scatter.add.f32 [tilespmem:s8], [sflag:$0x5], $0x80, s20, s4, $0xb8;
	[tilespmem:$0x1E800] =	vst v63  }
0xcc: {  	_ =	swait.ge [sflag:s0], $0x2000  }
0xcd: {  	[sflag:s0] =	ssyncset.done $0x0  }
0xce: {  	[sflag:s0] =	ssyncadd.s32 $0xFFFFE000  }
0xcf: {  	s24 =	sadd.s32 $0x1, s24;
	_ =	swait.ge [sflag:s30], $0x2000  }
0xd0: {  	p0 =	sne.s32 s24, s28;
	[sflag:s30] =	ssyncset.done $0x0  }
.Ltmp2:
0xd1: {  	[sflag:s30] =	ssyncadd.s32 $0xFFFFE000;
	(pc) =	sbr.rel @p0 .LBB2_4-.Ltmp2, $4  }
0xd2: {  	[spmem:s1] =	stream.indirect.scatter.add.f32 [tilespmem:s10], [sflag:$0x5], $0x80, s21, s4, $0xb8;
	[tilespmem:$0x1E800] =	vst v63  }
0xd3: {  	_ =	swait.ge [sflag:s0], $0x2000  }
0xd4: {  	[sflag:s0] =	ssyncset.done $0x0  }
0xd5: {  	[sflag:s0] =	ssyncadd.s32 $0xFFFFE000  }
0xd6: {  	[bflag:$0x0] =	sbarrier.arrive $0xFFFF  }
0xd7: {  	s2 =	rddreg [dreg:$0xd]  }
0xd8: {  	[tilespmem:s11], [sflag:$0x5] =	stream.linear.gather [spmem:s2], $0x2000, $0x38;
	[tilespmem:$0x1E800] =	vst v63  }
0xd9: {  	_ =	swait.ge [sflag:s0], $0x2000  }
0xda: {  	[sflag:s0] =	ssyncset.done $0x0  }
0xdb: {  	s23 =	simm.s32 $0x0;
	s25 =	rddreg [dreg:$0x3];
	[sflag:s0] =	ssyncadd.s32 $0xFFFFE000  }
0xdc: {  	[hbm4b:s25+s23] =	stream.linear.scatter [tilespmem:s11], [sflag:$0x5], $0x2000, $0x38;
	[tilespmem:$0x1E800] =	vst v63  }
0xdd: {  	_ =	swait.ge [sflag:s0], $0x2000  }
0xde: {  	[sflag:s0] =	ssyncset.done $0x0  }
0xdf: {  	s26 =	rddreg [dreg:$0xe];
	[sflag:s0] =	ssyncadd.s32 $0xFFFFE000  }
0xe0: {  	[tilespmem:s11], [sflag:$0x5] =	stream.linear.gather [spmem:s26], $0x2000, $0x38;
	[tilespmem:$0x1E800] =	vst v63  }
0xe1: {  	_ =	swait.ge [sflag:s0], $0x2000  }
0xe2: {  	[sflag:s0] =	ssyncset.done $0x0  }
0xe3: {  	s24 =	rddreg [dreg:$0x4];
	[sflag:s0] =	ssyncadd.s32 $0xFFFFE000  }
0xe4: {  	[hbm4b:s24+s23] =	stream.linear.scatter [tilespmem:s11], [sflag:$0x5], $0x2000, $0x38;
	[tilespmem:$0x1E800] =	vst v63  }
0xe5: {  	_ =	swait.ge [sflag:s0], $0x2000  }
0xe6: {  	[sflag:s0] =	ssyncset.done $0x0  }
0xe7: {  	s25 =	rddreg [dreg:$0xf];
	[sflag:s0] =	ssyncadd.s32 $0xFFFFE000  }
0xe8: {  	[tilespmem:s11], [sflag:$0x5] =	stream.linear.gather [spmem:s25], $0x2000, $0x38;
	[tilespmem:$0x1E800] =	vst v63  }
0xe9: {  	_ =	swait.ge [sflag:s0], $0x2000  }
0xea: {  	[sflag:s0] =	ssyncset.done $0x0  }
0xeb: {  	s26 =	rddreg [dreg:$0x5];
	[sflag:s0] =	ssyncadd.s32 $0xFFFFE000  }
0xec: {  	[hbm4b:s26+s23] =	stream.linear.scatter [tilespmem:s11], [sflag:$0x5], $0x2000, $0x38;
	[tilespmem:$0x1E800] =	vst v63  }
0xed: {  	_ =	swait.ge [sflag:s0], $0x2000  }
0xee: {  	[sflag:s0] =	ssyncset.done $0x0  }
0xef: {  	s24 =	rddreg [dreg:$0x10];
	[sflag:s0] =	ssyncadd.s32 $0xFFFFE000  }
0xf0: {  	[tilespmem:s11], [sflag:$0x5] =	stream.linear.gather [spmem:s24], $0x2000, $0x38;
	[tilespmem:$0x1E800] =	vst v63  }
0xf1: {  	_ =	swait.ge [sflag:s0], $0x2000  }
0xf2: {  	[sflag:s0] =	ssyncset.done $0x0  }
0xf3: {  	s25 =	rddreg [dreg:$0x6];
	[sflag:s0] =	ssyncadd.s32 $0xFFFFE000  }
0xf4: {  	[hbm4b:s25+s23] =	stream.linear.scatter [tilespmem:s11], [sflag:$0x5], $0x2000, $0x38;
	[tilespmem:$0x1E800] =	vst v63  }
0xf5: {  	_ =	swait.ge [sflag:s0], $0x2000  }
0xf6: {  	[sflag:s0] =	ssyncset.done $0x0  }
0xf7: {  	s26 =	rddreg [dreg:$0x11];
	[sflag:s0] =	ssyncadd.s32 $0xFFFFE000  }
0xf8: {  	[tilespmem:s11], [sflag:$0x5] =	stream.linear.gather [spmem:s26], $0x2000, $0x38;
	[tilespmem:$0x1E800] =	vst v63  }
0xf9: {  	_ =	swait.ge [sflag:s0], $0x2000  }
0xfa: {  	[sflag:s0] =	ssyncset.done $0x0  }
0xfb: {  	s24 =	rddreg [dreg:$0x7];
	[sflag:s0] =	ssyncadd.s32 $0xFFFFE000  }
0xfc: {  	[hbm4b:s24+s23] =	stream.linear.scatter [tilespmem:s11], [sflag:$0x5], $0x2000, $0x38;
	[tilespmem:$0x1E800] =	vst v63  }
0xfd: {  	_ =	swait.ge [sflag:s0], $0x2000  }
0xfe: {  	[sflag:s0] =	ssyncset.done $0x0  }
0xff: {  	s25 =	rddreg [dreg:$0x12];
	[sflag:s0] =	ssyncadd.s32 $0xFFFFE000  }
0x100: {  	[tilespmem:s11], [sflag:$0x5] =	stream.linear.gather [spmem:s25], $0x2000, $0x38;
	[tilespmem:$0x1E800] =	vst v63  }
0x101: {  	_ =	swait.ge [sflag:s0], $0x2000  }
0x102: {  	[sflag:s0] =	ssyncset.done $0x0  }
0x103: {  	s26 =	rddreg [dreg:$0x8];
	[sflag:s0] =	ssyncadd.s32 $0xFFFFE000  }
0x104: {  	[hbm4b:s26+s23] =	stream.linear.scatter [tilespmem:s11], [sflag:$0x5], $0x2000, $0x38;
	[tilespmem:$0x1E800] =	vst v63  }
0x105: {  	_ =	swait.ge [sflag:s0], $0x2000  }
0x106: {  	[sflag:s0] =	ssyncset.done $0x0  }
0x107: {  	s24 =	rddreg [dreg:$0x13];
	[sflag:s0] =	ssyncadd.s32 $0xFFFFE000  }
0x108: {  	[tilespmem:s11], [sflag:$0x5] =	stream.linear.gather [spmem:s24], $0x2000, $0x38;
	[tilespmem:$0x1E800] =	vst v63  }
0x109: {  	_ =	swait.ge [sflag:s0], $0x2000  }
0x10a: {  	[sflag:s0] =	ssyncset.done $0x0  }
0x10b: {  	s25 =	rddreg [dreg:$0x9];
	[sflag:s0] =	ssyncadd.s32 $0xFFFFE000  }
0x10c: {  	[hbm4b:s25+s23] =	stream.linear.scatter [tilespmem:s11], [sflag:$0x5], $0x2000, $0x38;
	[tilespmem:$0x1E800] =	vst v63  }
0x10d: {  	_ =	swait.ge [sflag:s0], $0x2000  }
0x10e: {  	[sflag:s0] =	ssyncset.done $0x0  }
0x10f: {  	s26 =	rddreg [dreg:$0x14];
	[sflag:s0] =	ssyncadd.s32 $0xFFFFE000  }
0x110: {  	[tilespmem:s11], [sflag:$0x5] =	stream.linear.gather [spmem:s26], $0x2000, $0x38;
	[tilespmem:$0x1E800] =	vst v63  }
0x111: {  	_ =	swait.ge [sflag:s0], $0x2000  }
0x112: {  	[sflag:s0] =	ssyncset.done $0x0  }
0x113: {  	s24 =	rddreg [dreg:$0xa];
	[sflag:s0] =	ssyncadd.s32 $0xFFFFE000  }
0x114: {  	[hbm4b:s24+s23] =	stream.linear.scatter [tilespmem:s11], [sflag:$0x5], $0x2000, $0x38;
	[tilespmem:$0x1E800] =	vst v63  }
0x115: {  	_ =	swait.ge [sflag:s0], $0x2000  }
0x116: {  	[sflag:s0] =	ssyncset.done $0x0  }
0x117: {  	s25 =	rddreg [dreg:$0x15];
	[sflag:s0] =	ssyncadd.s32 $0xFFFFE000  }
0x118: {  	[tilespmem:s11], [sflag:$0x5] =	stream.linear.gather [spmem:s25], $0x2000, $0x38;
	[tilespmem:$0x1E800] =	vst v63  }
0x119: {  	_ =	swait.ge [sflag:s0], $0x2000  }
0x11a: {  	[sflag:s0] =	ssyncset.done $0x0  }
0x11b: {  	s26 =	rddreg [dreg:$0xb];
	[sflag:s0] =	ssyncadd.s32 $0xFFFFE000  }
0x11c: {  	[hbm4b:s26+s23] =	stream.linear.scatter [tilespmem:s11], [sflag:$0x5], $0x2000, $0x38;
	[tilespmem:$0x1E800] =	vst v63  }
0x11d: {  	_ =	swait.ge [sflag:s0], $0x2000  }
0x11e: {  	[sflag:s0] =	ssyncset.done $0x0  }
0x11f: {  	s24 =	rddreg [dreg:$0x16];
	[sflag:s0] =	ssyncadd.s32 $0xFFFFE000  }
0x120: {  	[tilespmem:s11], [sflag:$0x5] =	stream.linear.gather [spmem:s24], $0x2000, $0x38;
	[tilespmem:$0x1E800] =	vst v63  }
0x121: {  	_ =	swait.ge [sflag:s0], $0x2000  }
0x122: {  	[sflag:s0] =	ssyncset.done $0x0  }
0x123: {  	s25 =	rddreg [dreg:$0xc];
	[sflag:s0] =	ssyncadd.s32 $0xFFFFE000  }
0x124: {  	[hbm4b:s25+s23] =	stream.linear.scatter [tilespmem:s11], [sflag:$0x5], $0x2000, $0x38;
	[tilespmem:$0x1E800] =	vst v63  }
0x125: {  	_ =	swait.ge [sflag:s0], $0x2000  }
0x126: {  	s22 =	sadd.s32 $0x1, s22;
	s26 =	rddreg [dreg:$0x17]  }
0x127: {  	p0 =	sne.s32 s22, s26  }
.Ltmp3:
0x128: {  	_ = 	snop;
	(pc) =	sbr.rel @p0 .LBB2_1-.Ltmp3, $3  }
0x129: {  	_ =	sdelay $0x1  }
0x12a: {  	[sflag:s0] =	ssyncset.done $0x0  }
0x12b: {  	[sflag:s0] =	ssyncadd.s32 $0xFFFFE000  }
0x12c: {  	_ =	sfence.sel $0x180000  }
0x12d: {  	[bflag:$0x0] =	sbarrier.arrive $0xFFFF  }
0x12e: {  	_ =	strace $0x9000004A  }
0x12f: {  	s0 =	stileid.u32;
	[bflag:$0x2] =	sbarrier.arrive $0xFFFF  }
0x130: {  	p0 =	sne.s32 s0, $0x0;
	s0 =	rddreg [dreg:$0x2]  }
0x131: {  	s0 =	sadd.s32 @!p0 $0x100000, s0  }
0x132: {  	[sflag:s0] =	ssyncadd.tile.s32 @!p0 $0x1;
	_ =	shalt  }
.Lfunc_end2:
_tile_overlayer_lowered:
.L_overlay_start_2:
0x133: {  	(tag) =	ssettag $0x2  }
0x134: {  	s0 =	rddreg [dreg:$0x0];
	s2 =	stileid.u32  }
0x135: {  	s1 =	rddreg [dreg:$0x1];
	p0 =	sne.s32 s2, $0x0  }
0x136: {  	s3 =	rddreg [dreg:$0x2];
	[bflag:$0x3] =	sbarrier.arrive $0xFFFF;
	s2 =	simm.s32 @!p0 $0x1C05  }
0x137: {  	[timem:s3], [sflag:s2] =	dma.local @!p0 [hbm:s0], s1  }
0x138: {  	s0 =	simm.s32 @!p0 $0x5  }
0x139: {  	_ =	swait.ge @!p0 [sflag:s0], s1  }
0x13a: {  	s1 =	ssub.s32 @!p0 $0x0, s1;
	[sflag:s0] =	ssyncset.done @!p0 $0x0  }
0x13b: {  	[sflag:s0] =	ssyncadd.s32 @!p0 s1  }
0x13c: {  	[bflag:$0x3] =	sbarrier.arrive $0xFFFF  }
0x13d: {  	_ =	shalt  }

// kernel: kernel.14.cloned.1.call-start
scs
__scs_entry_jumppad:
0x0: {  	(pc) =	sbr.rel $0x88, $3  }
0x1: {  	(tag) =	ssettag $0x0;
	lr =	simm.s32 $0x1  }
0x2: {  	[smem:$0x3F99] =	sst lr;
	_ =	strace $0xD0000000  }
0x3: {  	_ = 	snop  }
0x4: {  	_ = 	snop  }
0x5: {  	_ = 	snop  }
0x6: {  	_ = 	snop  }
0x7: {  	_ = 	snop  }
__scs_overlays_trampoline_lowered:
0x8: {  	[smem:$0x3FA8] =	sst s0  }
0x9: {  	[smem:$0x3FA9] =	sst s1  }
0xa: {  	[smem:$0x3FAA] =	sst s2  }
0xb: {  	[smem:$0x3FAB] =	sst s3  }
0xc: {  	[smem:$0x3FAC] =	sst s4  }
0xd: {  	[smem:$0x3FAD] =	sst s5  }
0xe: {  	[smem:$0x3FAE] =	sst s6  }
0xf: {  	[smem:$0x3FAF] =	sst s7  }
0x10: {  	[smem:$0x3FB0] =	sst s8  }
0x11: {  	[smem:$0x3FB1] =	sst s9;
	s0 =	simm.s32 @!p0 $0x0  }
0x12: {  	s1 =	sld [smem:$0x3F97];
	s0 =	simm.s32 @p0 $0x1  }
0x13: {  	[smem:$0x3FB2] =	sst s0;
	s0 =	simm.s32 @!p1 $0x0  }
0x14: {  	s2 =	sld [smem:$0x3F96];
	s0 =	simm.s32 @p1 $0x1  }
0x15: {  	[smem:$0x3FB3] =	sst s0;
	s0 =	simm.s32 @!p2 $0x0  }
0x16: {  	s3 =	sld [smem:$0x3FDB];
	s0 =	simm.s32 @p2 $0x1  }
0x17: {  	s4 =	simm.s32 $0x1BF5;
	[smem:$0x3FB5] =	sst s0  }
0x18: {  	s0 =	sld [smem:$0x3F98];
	_ =	swait.ge [sflag:s4], $0x0  }
0x19: {  	s7 =	sld [smem:$0x3F99]  }
0x1a: {  	s8 =	sadd.s32 $0xFFFFE003, lr  }
0x1b: {  	s9 =	sadd.s32 $0xFFFFFEF7, lr;
	s5 =	simm.s32 $0xFFFFFFFF;
	p2 =	slt.u32 s8, $0xFFFFF086  }
0x1c: {  	p1 =	slt.u32 s9, $0xF7A;
	s5 =	simm.s32 @!p2 $0x0  }
0x1d: {  	s5 =	simm.s32 @p1 $0x1;
	p0 =	seq.s32 s7, s2  }
0x1e: {  	s7 =	smul.u32 @!p0 $0xF7A, s2;
	p2 =	seq.s32 @!p0 s5, $0x0  }
0x1f: {  	s9 =	smul.u32 $0xF7A, s1;
	s8 =	simm.s32 @!p0 $0x1BF5;
	p2 =	por !p2, p0  }
0x20: {  	[sflag:s8] =	ssyncset.s32 @!p0 $0xFFFFF086;
	s6 =	sadd.s32 @!p0 s3, s7;
	s7 =	simm.s32 @!p0 $0x108  }
0x21: {  	s3 =	sadd.s32 s3, s9;
	s6 =	sadd.s32 @!p0 $0x88, s6;
	s7 =	simm.s32 @p2 $0x1082  }
0x22: {  	[simem:s7], [sflag:s8] =	dma.local @!p0 [hbm:s6], $0xF7A  }
0x23: {  	s9 =	sor.u32 $0xD0000000, s2;
	s6 =	simm.s32 $0x108;
	_ =	swait.ge @!p0 [sflag:s8], $0x0  }
0x24: {  	s3 =	sadd.s32 $0x88, s3;
	s6 =	simm.s32 @!p1 $0x1082;
	[sflag:s4] =	ssyncset.s32 $0xFFFFF086  }
0x25: {  	[simem:s6], [sflag:s4] =	dma.local [hbm:s3], $0xF7A  }
0x26: {  	[smem:$0x3F99] =	sst s1;
	(tag) =	ssettag s2;
	_ =	strace s9  }
0x27: {  	s1 =	sld [smem:$0x3FA9]  }
0x28: {  	s2 =	sld [smem:$0x3FAA]  }
0x29: {  	s4 =	sld [smem:$0x3FAC]  }
0x2a: {  	p0 =	seq.s32 s5, $0x0;
	s5 =	sld [smem:$0x3FAD]  }
0x2b: {  	s6 =	sld [smem:$0x3FAE]  }
0x2c: {  	s7 =	sld [smem:$0x3FAF]  }
0x2d: {  	s3 =	simm.s32 $0x108;
	s8 =	sld [smem:$0x3FB0]  }
0x2e: {  	s3 =	simm.s32 @!p0 $0x1082;
	s9 =	sld [smem:$0x3FB1]  }
0x2f: {  	lr =	sadd.s32 s0, s3;
	s0 =	sld [smem:$0x3FA8]  }
0x30: {  	s3 =	sld [smem:$0x3FAB]  }
0x31: {  	[smem:$0x3FB4] =	sst s10  }
0x32: {  	s10 =	sld [smem:$0x3FB2];
	_ =	sdelay $0x3  }
0x33: {  	p0 =	seq.s32 s10, $0x1;
	s10 =	sld [smem:$0x3FB4];
	_ =	sdelay $0x3  }
0x34: {  	[smem:$0x3FB4] =	sst s10  }
0x35: {  	s10 =	sld [smem:$0x3FB3];
	_ =	sdelay $0x3  }
0x36: {  	p1 =	seq.s32 s10, $0x1;
	s10 =	sld [smem:$0x3FB4];
	_ =	sdelay $0x3  }
0x37: {  	[smem:$0x3FB4] =	sst s10  }
0x38: {  	s10 =	sld [smem:$0x3FB5]  }
0x39: {  	_ = 	snop;
	(pc) =	sbr.ind lr, $3  }
0x3a: {  	_ = 	snop  }
0x3b: {  	_ = 	snop  }
0x3c: {  	p2 =	seq.s32 s10, $0x1;
	s10 =	sld [smem:$0x3FB4]  }
0x3d: {  	_ =	shalt  }
0x3e: {  	_ =	shalt  }
0x3f: {  	_ =	shalt  }
0x40: {  	_ =	shalt  }
0x41: {  	_ =	shalt  }
0x42: {  	_ =	shalt  }
0x43: {  	_ =	shalt  }
0x44: {  	_ =	shalt  }
0x45: {  	_ =	shalt  }
0x46: {  	_ =	shalt  }
0x47: {  	_ =	shalt  }
0x48: {  	_ =	shalt  }
0x49: {  	_ =	shalt  }
0x4a: {  	_ =	shalt  }
0x4b: {  	_ =	shalt  }
0x4c: {  	_ =	shalt  }
0x4d: {  	_ =	shalt  }
0x4e: {  	_ =	shalt  }
0x4f: {  	_ =	shalt  }
0x50: {  	_ =	shalt  }
0x51: {  	_ =	shalt  }
0x52: {  	_ =	shalt  }
0x53: {  	_ =	shalt  }
0x54: {  	_ =	shalt  }
0x55: {  	_ =	shalt  }
0x56: {  	_ =	shalt  }
0x57: {  	_ =	shalt  }
0x58: {  	_ =	shalt  }
0x59: {  	_ =	shalt  }
0x5a: {  	_ =	shalt  }
0x5b: {  	_ =	shalt  }
0x5c: {  	_ =	shalt  }
0x5d: {  	_ =	shalt  }
0x5e: {  	_ =	shalt  }
0x5f: {  	_ =	shalt  }
0x60: {  	_ =	shalt  }
0x61: {  	_ =	shalt  }
0x62: {  	_ =	shalt  }
0x63: {  	_ =	shalt  }
0x64: {  	_ =	shalt  }
0x65: {  	_ =	shalt  }
0x66: {  	_ =	shalt  }
0x67: {  	_ =	shalt  }
0x68: {  	_ =	shalt  }
0x69: {  	_ =	shalt  }
0x6a: {  	_ =	shalt  }
0x6b: {  	_ =	shalt  }
0x6c: {  	_ =	shalt  }
0x6d: {  	_ =	shalt  }
0x6e: {  	_ =	shalt  }
0x6f: {  	_ =	shalt  }
0x70: {  	_ =	shalt  }
0x71: {  	_ =	shalt  }
0x72: {  	_ =	shalt  }
0x73: {  	_ =	shalt  }
0x74: {  	_ =	shalt  }
0x75: {  	_ =	shalt  }
0x76: {  	_ =	shalt  }
0x77: {  	_ =	shalt  }
0x78: {  	_ =	shalt  }
0x79: {  	_ =	shalt  }
0x7a: {  	_ =	shalt  }
0x7b: {  	_ =	shalt  }
0x7c: {  	_ =	shalt  }
0x7d: {  	_ =	shalt  }
0x7e: {  	_ =	shalt  }
0x7f: {  	_ =	shalt  }
0x80: {  	_ =	shalt  }
0x81: {  	_ =	shalt  }
0x82: {  	_ =	shalt  }
0x83: {  	_ =	shalt  }
0x84: {  	_ =	shalt  }
0x85: {  	_ =	shalt  }
0x86: {  	_ =	shalt  }
0x87: {  	_ =	shalt  }
.Lfunc_end0:
.L_simem_size_0:
called_computation.2_lowered:
.L_overlay_start_0:
0x88: {  	s2 =	sld [smem:$0x3FD9]  }
0x89: {  	s3 =	sld [smem:$0x3FFE];
	_ =	sdelay $0x1  }
0x8a: {  	s1 =	srdreg.scid  }
0x8b: {  	s0 =	sand.u32 $0x1, s1  }
0x8c: {  	s16 =	sshll.u32 s0, $0xA;
	s2 =	sadd.s32 s3, s2  }
0x8d: {  	s2 =	sadd.s32 s2, s16  }
0x8e: {  	[smem:$0x3FC0] =	sst s2  }
0x8f: {  	_ = 	snop  }
0x90: {  	(tm) =	ssettm $0x1  }
0x91: {  	s17 =	sld [smem:$0x3FFB];
	_ =	sdelay $0x3  }
0x92: {  	_ =	strace s17  }
0x93: {  	s2 =	sld [smem:$0x3FFC];
	_ =	sdelay $0x3  }
0x94: {  	_ =	strace s2  }
0x95: {  	s2 =	sld [smem:$0x3FFD];
	_ =	sdelay $0x3  }
0x96: {  	_ =	strace s2  }
0x97: {  	_ =	strace $0x8FFFFFFF  }
0x98: {  	s18 =	sld [smem:$0x3FDB];
	_ =	sdelay $0x1  }
0x99: {  	s19 =	simm.s32 $_scs_section_size  }
0x9a: {  	s4 =	simm.s32 $_size__tile_overlayer_lowered;
	s5 =	simm.s32 $_tile_overlayer_lowered  }
0x9b: {  	s22 =	simm.s32 $0x1BFF;
	s21 =	sshll.u32 s5, $0x1;
	s2 =	sadd.s32 s19, s18  }
0x9c: {  	s6 =	simm.s32 $0x0;
	s20 =	sshll.u32 s4, $0x1;
	s4 =	sadd.s32 s21, s2  }
0x9d: {  	[timem:s6], [sflag:s22] =	dma.local [hbm:s4], s20  }
0x9e: {  	_ =	swait.ge [sflag:s22], s20  }
0x9f: {  	s3 =	ssub.s32 $0x0, s20;
	[sflag:s22] =	ssyncset.done $0x0  }
0xa0: {  	[sflag:s22] =	ssyncadd.s32 s3;
	_ =	sdelay $0x1  }
0xa1: {  	s23 =	simm.s32 $0x1B8B  }
0xa2: {  	_ =	swait.ge [sflag:s23], $0x1  }
0xa3: {  	[sflag:s23] =	ssyncset.done $0x0  }
0xa4: {  	s25 =	simm.s32 $0x1B8E;
	s24 =	sld [smem:$0x3FFE];
	[sflag:s23] =	ssyncadd.s32 $0xFFFFFFFF  }
0xa5: {  	s26 =	simm.s32 $execute0_lowered;
	[smem:$0x3FD2] =	sst s25  }
0xa6: {  	s4 =	sshll.u32 s26, $0x1;
	_ =	strace $0x8000004C;
	[dreg:$0x1] =	wrdreg $0xFFFFFFFF  }
0xa7: {  	s28 =	simm.s32 $_size_execute0_lowered;
	s2 =	sadd.s32 s2, s4;
	[dreg:$0x0] =	wrdreg $0x0  }
0xa8: {  	s4 =	sshll.u32 s28, $0x1;
	[dreg:$0x2] =	wrdreg s2  }
0xa9: {  	[dreg:$0x3] =	wrdreg s4  }
0xaa: {  	[dreg:$0x4] =	wrdreg $0xC0  }
0xab: {  	_ =	task [dreg:s6], $0x5FFFF  }
0xac: {  	[dreg:$0x1] =	wrdreg $0xFFFFFFFF  }
0xad: {  	[dreg:$0x0] =	wrdreg $0x60  }
0xae: {  	[dreg:$0x2] =	wrdreg s24  }
0xaf: {  	[dreg:$0x3] =	wrdreg $0xA8000  }
0xb0: {  	[dreg:$0x4] =	wrdreg $0x9  }
0xb1: {  	_ =	task.clear_ibuf [dreg:s6], $0x5FFFF;
	_ =	strace $0x9000004C  }
0xb2: {  	s29 =	simm.s32 $0x9;
	_ =	strace $0x8000004E  }
0xb3: {  	_ =	swait.ge [sflag:s29], $0x1  }
0xb4: {  	[sflag:s29] =	ssyncadd.s32 $0xFFFFFFFF  }
0xb5: {  	_ =	strace $0x9000004E  }
0xb6: {  	_ =	sfence  }
0xb7: {  	s30 =	sld [smem:$0x0];
	_ =	sdelay $0x2  }
0xb8: {  	s31 =	sshll.u32 s1, $0xD;
	s1 =	sshrl.u32 s1, $0x2  }
0xb9: {  	s3 =	sand.u32 $0x4000, s31;
	s1 =	sadd.s32 s1, s30  }
0xba: {  	s0 =	sor.u32 s3, s0;
	s1 =	sshll.u32 s1, $0x11  }
0xbb: {  	s0 =	sor.u32 s1, s0  }
0xbc: {  	s0 =	sadd.s32 $0x8F2B, s0  }
0xbd: {  	[sflag:s0] =	ssyncadd.remote.s32 $0x1  }
0xbe: {  	_ =	sfence.sel $0xFFFF  }
0xbf: {  	[dreg:$0x0] =	wrdreg $0xFFFFFFFF;
	(pc) =	sbr.abs _section_cstart, $3  }
0xc0: {  	[dreg:$0x1] =	wrdreg $0xFFFFFFFF  }
0xc1: {  	_ =	task.clear_ibuf [dreg:s6], $0x2FFFF;
	_ =	strace $0x9FFFFFFF  }
0xc2: {  	(tm) =	ssettm $0x7FFFFFFF  }
0xc3: {  	_ =	shalt  }
tec
execute0_lowered:
.L_overlay_start_1:
0x0: {  	(tag) =	ssettag $0x1  }
0x1: {  	s0 =	srdreg.scid;
	s3 =	rddreg [dreg:$0x0]  }
0x2: {  	s1 =	rddreg [dreg:$0x1];
	s2 =	stileid.u32;
	s23 =	simm.s32 $0x0  }
0x3: {  	s30 =	simm.s32 $0x4;
	s0 =	sand.u32 $0x1, s0;
	s6 =	smul.u32 $0x14000, s2  }
0x4: {  	[smem:$0x7FF] =	sst s23;
	s4 =	ssub.s32 $0x2, s0;
	s9 =	smul.u32 $0x140000, s0  }
0x5: {  	s7 =	sadd.s32 $0xA3C00, s3;
	s29 =	smul.u32 $0x2580, s0;
	s5 =	sshrl.u32 s4, $0x1  }
0x6: {  	s8 =	sadd.s32 $0x4000, s6;
	s10 =	sadd.s32 $0x6000, s6;
	s11 =	sadd.s32 $0x8000, s6  }
0x7: {  	s12 =	sadd.s32 $0xA000, s6;
	s13 =	sadd.s32 $0xC000, s6;
	s17 =	sadd.s32 $0xE000, s6  }
0x8: {  	s18 =	sadd.s32 $0x10000, s6;
	s4 =	ssub.s32 s4, s5;
	s5 =	sor.u32 $0x2000, s6  }
0x9: {  	s14 =	sadd.s32 s6, s9;
	s6 =	sadd.s32 $0x12000, s6;
	s22 =	sadd.s32 s9, s8  }
0xa: {  	s24 =	sadd.s32 s9, s10;
	s16 =	sadd.s32 s9, s11;
	s19 =	sadd.s32 s9, s17  }
0xb: {  	s10 =	sadd.s32 s10, s1;
	s11 =	sadd.s32 s11, s1;
	s14 =	sshrl.u32 s14, $0x3  }
0xc: {  	s15 =	sadd.s32 s9, s5;
	s26 =	sshrl.u32 s16, $0x3;
	s16 =	sadd.s32 s9, s13  }
0xd: {  	s14 =	sadd.s32 s7, s14;
	s21 =	sshrl.u32 s15, $0x3;
	s15 =	sshrl.u32 s24, $0x3  }
0xe: {  	s24 =	smul.u32 $0x50000, s2;
	[dreg:$0x3] =	wrdreg s14;
	s14 =	sadd.s32 s7, s21  }
0xf: {  	s25 =	sadd.s32 s7, s15;
	s15 =	sadd.s32 s9, s12;
	s21 =	sshrl.u32 s19, $0x3  }
0x10: {  	s19 =	sadd.s32 s12, s1;
	[dreg:$0x4] =	wrdreg s14;
	s14 =	sshrl.u32 s22, $0x3  }
0x11: {  	s12 =	simm.s32 $0x2;
	[dreg:$0x6] =	wrdreg s25;
	s14 =	sadd.s32 s7, s14  }
0x12: {  	s22 =	sadd.s32 s9, s18;
	[dreg:$0x5] =	wrdreg s14;
	s14 =	sadd.s32 s7, s26  }
0x13: {  	s9 =	sadd.s32 s9, s6;
	[dreg:$0x7] =	wrdreg s14;
	s14 =	sshrl.u32 s15, $0x3  }
0x14: {  	s25 =	sshrl.u32 s24, $0x2;
	s24 =	sadd.s32 s18, s1;
	s14 =	sadd.s32 s7, s14  }
0x15: {  	s15 =	sshrl.u32 s16, $0x3;
	[dreg:$0x8] =	wrdreg s14;
	s14 =	sadd.s32 s7, s21  }
0x16: {  	s20 =	sadd.s32 s7, s15;
	[dreg:$0xa] =	wrdreg s14;
	s14 =	sshrl.u32 s22, $0x3  }
0x17: {  	s9 =	sshrl.u32 s9, $0x3;
	[dreg:$0x9] =	wrdreg s20;
	s14 =	sadd.s32 s7, s14  }
0x18: {  	s18 =	simm.s32 $0x2600;
	s7 =	sadd.s32 s7, s9;
	[dreg:$0xb] =	wrdreg s14  }
0x19: {  	s26 =	sadd.s32 s25, s1;
	s25 =	sadd.s32 s6, s1;
	[dreg:$0xc] =	wrdreg s7  }
0x1a: {  	s7 =	sadd.s32 s5, s1;
	_ =	strace $0x8000004D;
	[dreg:$0xd] =	wrdreg s26  }
0x1b: {  	s6 =	simm.s32 $0x4800;
	s9 =	sadd.s32 s8, s1;
	[dreg:$0xe] =	wrdreg s7  }
0x1c: {  	s16 =	sadd.s32 $0x53C00, s3;
	s15 =	sadd.s32 $0x7BC00, s3;
	[dreg:$0xf] =	wrdreg s9  }
0x1d: {  	s20 =	smul.u32 $0xFFFFFFF2, s0;
	s21 =	sadd.s32 s13, s1;
	[dreg:$0x10] =	wrdreg s10  }
0x1e: {  	s0 =	simm.s32 $0x5;
	s13 =	simm.s32 $0x3;
	[dreg:$0x11] =	wrdreg s11  }
0x1f: {  	s22 =	sadd.s32 s17, s1;
	s17 =	simm.s32 $0x1380;
	[dreg:$0x12] =	wrdreg s19  }
0x20: {  	s28 =	sadd.s32 $0xF, s20;
	s8 =	simm.s32 $0x6800;
	[dreg:$0x13] =	wrdreg s21  }
0x21: {  	s20 =	simm.s32 $0x2700;
	s14 =	sadd.s32 $0x3C00, s3;
	[dreg:$0x14] =	wrdreg s22  }
0x22: {  	s31 =	smul.u32 s2, s28;
	s3 =	simm.s32 $0x1400;
	[dreg:$0x15] =	wrdreg s24  }
0x23: {  	s5 =	simm.s32 $0x80;
	[dreg:$0x16] =	wrdreg s25;
	s26 =	smax.u32 s4, $0x1  }
0x24: {  	s11 =	simm.s32 $0x2800;
	s4 =	simm.s32 $0x40;
	s7 =	simm.s32 $0x100  }
0x25: {  	s9 =	simm.s32 $0x1;
	s10 =	simm.s32 $0x8800;
	s19 =	simm.s32 $0x2680  }
0x26: {  	v0 =	vimm.f32 $0.0e+00;
	s21 =	simm.s32 $0x2780;
	s22 =	simm.s32 $0x0;
	[dreg:$0x17] =	wrdreg s26  }
.LBB2_1:
0x27: {  	s23 =	sand.u32 $0x7E00, s23;
	s2 =	simm.s32 $0x0  }
0x28: {  	s24 =	sand.u32 $0x70, s2;
	s25 =	sshrl.u32 s23, $0x2  }
0x29: {  	s23 =	simm.s32 $0x40;
	s25 =	sor.u32 s24, s25;
	s24 =	simm.s32 $0x0  }
.LBB2_2:
0x2a: {  	p0 =	sne.s32 s23, $0x7FC0  }
0x2b: {  	[tilespmem:s25+$0x2800] =	vst v0;
	s24 =	sadd.s32 $0x10, s24;
	s25 =	smov.u32 s23;
	s23 =	sadd.s32 $0x40, s23  }
.Ltmp0:
0x2c: {  	(pc) =	sbr.rel @p0 .LBB2_2-.Ltmp0, $4  }
0x2d: {  	_ = 	snop  }
0x2e: {  	s25 =	sand.u32 $0x7E00, s25  }
0x2f: {  	s26 =	sand.u32 $0x70, s24;
	s25 =	sshrl.u32 s25, $0x2  }
0x30: {  	s25 =	sor.u32 s26, s25  }
0x31: {  	[tilespmem:s25+$0x2800] =	vst v0;
	s2 =	rddreg [dreg:$0xd]  }
0x32: {  	[spmem:s2] =	stream.linear.scatter [tilespmem:s11], [sflag:$0x5], $0x2000, $0x38;
	[tilespmem:$0x1E800] =	vst v63  }
0x33: {  	_ =	swait.ge [sflag:s0], $0x2000  }
0x34: {  	[sflag:s0] =	ssyncset.done $0x0  }
0x35: {  	s26 =	rddreg [dreg:$0xe];
	[sflag:s0] =	ssyncadd.s32 $0xFFFFE000  }
0x36: {  	[spmem:s26] =	stream.linear.scatter [tilespmem:s11], [sflag:$0x5], $0x2000, $0x38;
	[tilespmem:$0x1E800] =	vst v63  }
0x37: {  	_ =	swait.ge [sflag:s0], $0x2000  }
0x38: {  	[sflag:s0] =	ssyncset.done $0x0  }
0x39: {  	s23 =	rddreg [dreg:$0xf];
	[sflag:s0] =	ssyncadd.s32 $0xFFFFE000  }
0x3a: {  	[spmem:s23] =	stream.linear.scatter [tilespmem:s11], [sflag:$0x5], $0x2000, $0x38;
	[tilespmem:$0x1E800] =	vst v63  }
0x3b: {  	_ =	swait.ge [sflag:s0], $0x2000  }
0x3c: {  	[sflag:s0] =	ssyncset.done $0x0  }
0x3d: {  	s24 =	rddreg [dreg:$0x10];
	[sflag:s0] =	ssyncadd.s32 $0xFFFFE000  }
0x3e: {  	[spmem:s24] =	stream.linear.scatter [tilespmem:s11], [sflag:$0x5], $0x2000, $0x38;
	[tilespmem:$0x1E800] =	vst v63  }
0x3f: {  	_ =	swait.ge [sflag:s0], $0x2000  }
0x40: {  	[sflag:s0] =	ssyncset.done $0x0  }
0x41: {  	s25 =	rddreg [dreg:$0x11];
	[sflag:s0] =	ssyncadd.s32 $0xFFFFE000  }
0x42: {  	[spmem:s25] =	stream.linear.scatter [tilespmem:s11], [sflag:$0x5], $0x2000, $0x38;
	[tilespmem:$0x1E800] =	vst v63  }
0x43: {  	_ =	swait.ge [sflag:s0], $0x2000  }
0x44: {  	[sflag:s0] =	ssyncset.done $0x0  }
0x45: {  	s26 =	rddreg [dreg:$0x12];
	[sflag:s0] =	ssyncadd.s32 $0xFFFFE000  }
0x46: {  	[spmem:s26] =	stream.linear.scatter [tilespmem:s11], [sflag:$0x5], $0x2000, $0x38;
	[tilespmem:$0x1E800] =	vst v63  }
0x47: {  	_ =	swait.ge [sflag:s0], $0x2000  }
0x48: {  	[sflag:s0] =	ssyncset.done $0x0  }
0x49: {  	s23 =	rddreg [dreg:$0x13];
	[sflag:s0] =	ssyncadd.s32 $0xFFFFE000  }
0x4a: {  	[spmem:s23] =	stream.linear.scatter [tilespmem:s11], [sflag:$0x5], $0x2000, $0x38;
	[tilespmem:$0x1E800] =	vst v63  }
0x4b: {  	_ =	swait.ge [sflag:s0], $0x2000  }
0x4c: {  	[sflag:s0] =	ssyncset.done $0x0  }
0x4d: {  	s24 =	rddreg [dreg:$0x14];
	[sflag:s0] =	ssyncadd.s32 $0xFFFFE000  }
0x4e: {  	[spmem:s24] =	stream.linear.scatter [tilespmem:s11], [sflag:$0x5], $0x2000, $0x38;
	[tilespmem:$0x1E800] =	vst v63  }
0x4f: {  	_ =	swait.ge [sflag:s0], $0x2000  }
0x50: {  	[sflag:s0] =	ssyncset.done $0x0  }
0x51: {  	s25 =	rddreg [dreg:$0x15];
	[sflag:s0] =	ssyncadd.s32 $0xFFFFE000  }
0x52: {  	[spmem:s25] =	stream.linear.scatter [tilespmem:s11], [sflag:$0x5], $0x2000, $0x38;
	[tilespmem:$0x1E800] =	vst v63  }
0x53: {  	_ =	swait.ge [sflag:s0], $0x2000  }
0x54: {  	[sflag:s0] =	ssyncset.done $0x0  }
0x55: {  	s26 =	rddreg [dreg:$0x16];
	[sflag:s0] =	ssyncadd.s32 $0xFFFFE000  }
0x56: {  	[spmem:s26] =	stream.linear.scatter [tilespmem:s11], [sflag:$0x5], $0x2000, $0x38;
	[tilespmem:$0x1E800] =	vst v63  }
0x57: {  	_ =	swait.ge [sflag:s0], $0x2000  }
0x58: {  	[sflag:s0] =	ssyncset.done $0x0  }
0x59: {  	[sflag:s0] =	ssyncadd.s32 $0xFFFFE000  }
0x5a: {  	s23 =	simm.s32 $0x0;
	s24 =	simm.s32 $0x0;
	[bflag:$0x0] =	sbarrier.arrive $0xFFFF  }
.LBB2_4:
0x5b: {  	s25 =	sadd.s32 s31, s24  }
0x5c: {  	s25 =	smul.u32 $0x28, s25;
	_ =	sdelay $0x1  }
0x5d: {  	s25 =	sadd.s32 s29, s25  }
0x5e: {  	s25 =	sshll.u32 s25, $0x4  }
0x5f: {  	s26 =	sadd.s32 s15, s25  }
0x60: {  	[tilespmem:s23], [sflag:$0x5] =	stream.linear.gather [hbm4b:s26+s23], $0x1400, $0x38;
	[tilespmem:$0x1E800] =	vst v63  }
0x61: {  	_ =	swait.ge [sflag:s0], $0x1400  }
0x62: {  	[sflag:s0] =	ssyncset.done $0x0  }
0x63: {  	s25 =	sadd.s32 s16, s25;
	[sflag:s0] =	ssyncadd.s32 $0xFFFFEC00  }
0x64: {  	[tilespmem:s3], [sflag:$0x5] =	stream.linear.gather [hbm4b:s25+s23], $0x1400, $0x38;
	[tilespmem:$0x1E800] =	vst v63  }
0x65: {  	_ =	swait.ge [sflag:s0], $0x1400  }
0x66: {  	[sflag:s0] =	ssyncset.done $0x0  }
0x67: {  	[sflag:s0] =	ssyncadd.s32 $0xFFFFEC00  }
0x68: {  	[tilespmem:s11], [sflag:$0x1] =	stream.indirect.gather [hbm4b:s14+s4], $0x80, s23, s4, $0xb8;
	[tilespmem:$0x1E800] =	vst v63  }
0x69: {  	_ = 	snop  }
0x6a: {  	[tilespmem:s6], [sflag:$0x2] =	stream.indirect.gather [hbm4b:s14+s4], $0x80, s5, s4, $0xb8;
	[tilespmem:$0x1E800] =	vst v63  }
0x6b: {  	_ = 	snop  }
0x6c: {  	[tilespmem:s8], [sflag:$0x3] =	stream.indirect.gather [hbm4b:s14+s4], $0x80, s7, s4, $0xb8;
	[tilespmem:$0x1E800] =	vst v63  }
0x6d: {  	_ =	swait.ge [sflag:s9], $0x2000  }
0x6e: {  	[sflag:s9] =	ssyncset.done $0x0  }
0x6f: {  	s2 =	simm.s32 $0x180;
	[sflag:s9] =	ssyncadd.s32 $0xFFFFE000  }
0x70: {  	[tilespmem:s10], [sflag:$0x4] =	stream.indirect.gather [hbm4b:s14+s4], $0x80, s2, s4, $0xb8;
	[tilespmem:$0x1E800] =	vst v63  }
0x71: {  	s26 =	simm.s32 $0x1400  }
0x72: {  	[spmem:s1] =	stream.indirect.scatter.add.f32 [tilespmem:s11], [sflag:$0x5], $0x80, s26, s4, $0xb8;
	[tilespmem:$0x1E800] =	vst v63  }
0x73: {  	_ =	swait.ge [sflag:s0], $0x2000  }
0x74: {  	[sflag:s0] =	ssyncset.done $0x0  }
0x75: {  	[sflag:s0] =	ssyncadd.s32 $0xFFFFE000  }
0x76: {  	_ =	swait.ge [sflag:s12], $0x2000  }
0x77: {  	[sflag:s12] =	ssyncset.done $0x0  }
0x78: {  	s2 =	simm.s32 $0x200;
	[sflag:s12] =	ssyncadd.s32 $0xFFFFE000  }
0x79: {  	[tilespmem:s11], [sflag:$0x1] =	stream.indirect.gather [hbm4b:s14+s4], $0x80, s2, s4, $0xb8;
	[tilespmem:$0x1E800] =	vst v63  }
0x7a: {  	s26 =	simm.s32 $0x1480  }
0x7b: {  	[spmem:s1] =	stream.indirect.scatter.add.f32 [tilespmem:s6], [sflag:$0x5], $0x80, s26, s4, $0xb8;
	[tilespmem:$0x1E800] =	vst v63  }
0x7c: {  	_ =	swait.ge [sflag:s0], $0x2000  }
0x7d: {  	[sflag:s0] =	ssyncset.done $0x0  }
0x7e: {  	[sflag:s0] =	ssyncadd.s32 $0xFFFFE000  }
0x7f: {  	_ =	swait.ge [sflag:s13], $0x2000  }
0x80: {  	[sflag:s13] =	ssyncset.done $0x0  }
0x81: {  	s2 =	simm.s32 $0x280;
	[sflag:s13] =	ssyncadd.s32 $0xFFFFE000  }
0x82: {  	[tilespmem:s6], [sflag:$0x2] =	stream.indirect.gather [hbm4b:s14+s4], $0x80, s2, s4, $0xb8;
	[tilespmem:$0x1E800] =	vst v63  }
0x83: {  	s26 =	simm.s32 $0x1500  }
0x84: {  	[spmem:s1] =	stream.indirect.scatter.add.f32 [tilespmem:s8], [sflag:$0x5], $0x80, s26, s4, $0xb8;
	[tilespmem:$0x1E800] =	vst v63  }
0x85: {  	_ =	swait.ge [sflag:s0], $0x2000  }
0x86: {  	[sflag:s0] =	ssyncset.done $0x0  }
0x87: {  	[sflag:s0] =	ssyncadd.s32 $0xFFFFE000  }
0x88: {  	_ =	swait.ge [sflag:s30], $0x2000  }
0x89: {  	[sflag:s30] =	ssyncset.done $0x0  }
0x8a: {  	s2 =	simm.s32 $0x300;
	[sflag:s30] =	ssyncadd.s32 $0xFFFFE000  }
0x8b: {  	[tilespmem:s8], [sflag:$0x3] =	stream.indirect.gather [hbm4b:s14+s4], $0x80, s2, s4, $0xb8;
	[tilespmem:$0x1E800] =	vst v63  }
0x8c: {  	s26 =	simm.s32 $0x1580  }
0x8d: {  	[spmem:s1] =	stream.indirect.scatter.add.f32 [tilespmem:s10], [sflag:$0x5], $0x80, s26, s4, $0xb8;
	[tilespmem:$0x1E800] =	vst v63  }
0x8e: {  	_ =	swait.ge [sflag:s0], $0x2000  }
0x8f: {  	s25 =	simm.s32 $0x800;
	[sflag:s0] =	ssyncset.done $0x0  }
.LBB2_5:
0x90: {  	p0 =	sne.s32 s25, $0x4000  }
0x91: {  	[sflag:s0] =	ssyncadd.s32 $0xFFFFE000;
	s26 =	smov.u32 s25;
	s25 =	sadd.s32 $0x800, s25  }
0x92: {  	_ = 	snop  }
0x93: {  	_ =	swait.ge [sflag:s9], $0x2000  }
0x94: {  	s26 =	sshra.s32 s26, $0x2;
	[sflag:s9] =	ssyncset.done $0x0  }
0x95: {  	s2 =	sadd.s32 $0x180, s26;
	[sflag:s9] =	ssyncadd.s32 $0xFFFFE000  }
0x96: {  	[tilespmem:s10], [sflag:$0x4] =	stream.indirect.gather [hbm4b:s14+s4], $0x80, s2, s4, $0xb8;
	[tilespmem:$0x1E800] =	vst v63  }
0x97: {  	s2 =	sadd.s32 $0x1400, s26  }
0x98: {  	[spmem:s1] =	stream.indirect.scatter.add.f32 [tilespmem:s11], [sflag:$0x5], $0x80, s2, s4, $0xb8;
	[tilespmem:$0x1E800] =	vst v63  }
0x99: {  	_ =	swait.ge [sflag:s0], $0x2000  }
0x9a: {  	[sflag:s0] =	ssyncset.done $0x0  }
0x9b: {  	[sflag:s0] =	ssyncadd.s32 $0xFFFFE000  }
0x9c: {  	_ =	swait.ge [sflag:s12], $0x2000  }
0x9d: {  	[sflag:s12] =	ssyncset.done $0x0  }
0x9e: {  	s2 =	sadd.s32 $0x200, s26;
	[sflag:s12] =	ssyncadd.s32 $0xFFFFE000  }
0x9f: {  	[tilespmem:s11], [sflag:$0x1] =	stream.indirect.gather [hbm4b:s14+s4], $0x80, s2, s4, $0xb8;
	[tilespmem:$0x1E800] =	vst v63  }
0xa0: {  	s2 =	sadd.s32 $0x1480, s26  }
0xa1: {  	[spmem:s1] =	stream.indirect.scatter.add.f32 [tilespmem:s6], [sflag:$0x5], $0x80, s2, s4, $0xb8;
	[tilespmem:$0x1E800] =	vst v63  }
0xa2: {  	_ =	swait.ge [sflag:s0], $0x2000  }
0xa3: {  	[sflag:s0] =	ssyncset.done $0x0  }
0xa4: {  	[sflag:s0] =	ssyncadd.s32 $0xFFFFE000  }
0xa5: {  	_ =	swait.ge [sflag:s13], $0x2000  }
0xa6: {  	[sflag:s13] =	ssyncset.done $0x0  }
0xa7: {  	s2 =	sadd.s32 $0x280, s26;
	[sflag:s13] =	ssyncadd.s32 $0xFFFFE000  }
0xa8: {  	[tilespmem:s6], [sflag:$0x2] =	stream.indirect.gather [hbm4b:s14+s4], $0x80, s2, s4, $0xb8;
	[tilespmem:$0x1E800] =	vst v63  }
0xa9: {  	s2 =	sadd.s32 $0x1500, s26  }
0xaa: {  	[spmem:s1] =	stream.indirect.scatter.add.f32 [tilespmem:s8], [sflag:$0x5], $0x80, s2, s4, $0xb8;
	[tilespmem:$0x1E800] =	vst v63  }
0xab: {  	_ =	swait.ge [sflag:s0], $0x2000  }
0xac: {  	[sflag:s0] =	ssyncset.done $0x0  }
0xad: {  	[sflag:s0] =	ssyncadd.s32 $0xFFFFE000  }
0xae: {  	_ =	swait.ge [sflag:s30], $0x2000  }
0xaf: {  	[sflag:s30] =	ssyncset.done $0x0  }
0xb0: {  	s2 =	sadd.s32 $0x300, s26;
	[sflag:s30] =	ssyncadd.s32 $0xFFFFE000  }
0xb1: {  	[tilespmem:s8], [sflag:$0x3] =	stream.indirect.gather [hbm4b:s14+s4], $0x80, s2, s4, $0xb8;
	[tilespmem:$0x1E800] =	vst v63  }
.Ltmp1:
0xb2: {  	_ = 	snop;
	(pc) =	sbr.rel @p0 .LBB2_5-.Ltmp1, $4  }
0xb3: {  	s2 =	sadd.s32 $0x1580, s26  }
0xb4: {  	[spmem:s1] =	stream.indirect.scatter.add.f32 [tilespmem:s10], [sflag:$0x5], $0x80, s2, s4, $0xb8;
	[tilespmem:$0x1E800] =	vst v63  }
0xb5: {  	_ =	swait.ge [sflag:s0], $0x2000  }
0xb6: {  	[sflag:s0] =	ssyncset.done $0x0  }
0xb7: {  	[sflag:s0] =	ssyncadd.s32 $0xFFFFE000  }
0xb8: {  	_ =	swait.ge [sflag:s9], $0x2000  }
0xb9: {  	[sflag:s9] =	ssyncset.done $0x0  }
0xba: {  	[sflag:s9] =	ssyncadd.s32 $0xFFFFE000  }
0xbb: {  	[tilespmem:s10], [sflag:$0x4] =	stream.indirect.gather [hbm4b:s14+s4], $0x80, s17, s4, $0xb8;
	[tilespmem:$0x1E800] =	vst v63  }
0xbc: {  	_ = 	snop  }
0xbd: {  	[spmem:s1] =	stream.indirect.scatter.add.f32 [tilespmem:s11], [sflag:$0x5], $0x80, s18, s4, $0xb8;
	[tilespmem:$0x1E800] =	vst v63  }
0xbe: {  	_ =	swait.ge [sflag:s0], $0x2000  }
0xbf: {  	[sflag:s0] =	ssyncset.done $0x0  }
0xc0: {  	[sflag:s0] =	ssyncadd.s32 $0xFFFFE000  }
0xc1: {  	_ =	swait.ge [sflag:s12], $0x2000  }
0xc2: {  	[sflag:s12] =	ssyncset.done $0x0  }
0xc3: {  	[sflag:s12] =	ssyncadd.s32 $0xFFFFE000  }
0xc4: {  	[spmem:s1] =	stream.indirect.scatter.add.f32 [tilespmem:s6], [sflag:$0x5], $0x80, s19, s4, $0xb8;
	[tilespmem:$0x1E800] =	vst v63  }
0xc5: {  	_ =	swait.ge [sflag:s0], $0x2000  }
0xc6: {  	[sflag:s0] =	ssyncset.done $0x0  }
0xc7: {  	[sflag:s0] =	ssyncadd.s32 $0xFFFFE000  }
0xc8: {  	_ =	swait.ge [sflag:s13], $0x2000  }
0xc9: {  	[sflag:s13] =	ssyncset.done $0x0  }
0xca: {  	[sflag:s13] =	ssyncadd.s32 $0xFFFFE000  }
0xcb: {  	[spmem:s1] =	stream.indirect.scatter.add.f32 [tilespmem:s8], [sflag:$0x5], $0x80, s20, s4, $0xb8;
	[tilespmem:$0x1E800] =	vst v63  }
0xcc: {  	_ =	swait.ge [sflag:s0], $0x2000  }
0xcd: {  	[sflag:s0] =	ssyncset.done $0x0  }
0xce: {  	[sflag:s0] =	ssyncadd.s32 $0xFFFFE000  }
0xcf: {  	s24 =	sadd.s32 $0x1, s24;
	_ =	swait.ge [sflag:s30], $0x2000  }
0xd0: {  	p0 =	sne.s32 s24, s28;
	[sflag:s30] =	ssyncset.done $0x0  }
.Ltmp2:
0xd1: {  	[sflag:s30] =	ssyncadd.s32 $0xFFFFE000;
	(pc) =	sbr.rel @p0 .LBB2_4-.Ltmp2, $4  }
0xd2: {  	[spmem:s1] =	stream.indirect.scatter.add.f32 [tilespmem:s10], [sflag:$0x5], $0x80, s21, s4, $0xb8;
	[tilespmem:$0x1E800] =	vst v63  }
0xd3: {  	_ =	swait.ge [sflag:s0], $0x2000  }
0xd4: {  	[sflag:s0] =	ssyncset.done $0x0  }
0xd5: {  	[sflag:s0] =	ssyncadd.s32 $0xFFFFE000  }
0xd6: {  	[bflag:$0x0] =	sbarrier.arrive $0xFFFF  }
0xd7: {  	s2 =	rddreg [dreg:$0xd]  }
0xd8: {  	[tilespmem:s11], [sflag:$0x5] =	stream.linear.gather [spmem:s2], $0x2000, $0x38;
	[tilespmem:$0x1E800] =	vst v63  }
0xd9: {  	_ =	swait.ge [sflag:s0], $0x2000  }
0xda: {  	[sflag:s0] =	ssyncset.done $0x0  }
0xdb: {  	s23 =	simm.s32 $0x0;
	s25 =	rddreg [dreg:$0x3];
	[sflag:s0] =	ssyncadd.s32 $0xFFFFE000  }
0xdc: {  	[hbm4b:s25+s23] =	stream.linear.scatter [tilespmem:s11], [sflag:$0x5], $0x2000, $0x38;
	[tilespmem:$0x1E800] =	vst v63  }
0xdd: {  	_ =	swait.ge [sflag:s0], $0x2000  }
0xde: {  	[sflag:s0] =	ssyncset.done $0x0  }
0xdf: {  	s26 =	rddreg [dreg:$0xe];
	[sflag:s0] =	ssyncadd.s32 $0xFFFFE000  }
0xe0: {  	[tilespmem:s11], [sflag:$0x5] =	stream.linear.gather [spmem:s26], $0x2000, $0x38;
	[tilespmem:$0x1E800] =	vst v63  }
0xe1: {  	_ =	swait.ge [sflag:s0], $0x2000  }
0xe2: {  	[sflag:s0] =	ssyncset.done $0x0  }
0xe3: {  	s24 =	rddreg [dreg:$0x4];
	[sflag:s0] =	ssyncadd.s32 $0xFFFFE000  }
0xe4: {  	[hbm4b:s24+s23] =	stream.linear.scatter [tilespmem:s11], [sflag:$0x5], $0x2000, $0x38;
	[tilespmem:$0x1E800] =	vst v63  }
0xe5: {  	_ =	swait.ge [sflag:s0], $0x2000  }
0xe6: {  	[sflag:s0] =	ssyncset.done $0x0  }
0xe7: {  	s25 =	rddreg [dreg:$0xf];
	[sflag:s0] =	ssyncadd.s32 $0xFFFFE000  }
0xe8: {  	[tilespmem:s11], [sflag:$0x5] =	stream.linear.gather [spmem:s25], $0x2000, $0x38;
	[tilespmem:$0x1E800] =	vst v63  }
0xe9: {  	_ =	swait.ge [sflag:s0], $0x2000  }
0xea: {  	[sflag:s0] =	ssyncset.done $0x0  }
0xeb: {  	s26 =	rddreg [dreg:$0x5];
	[sflag:s0] =	ssyncadd.s32 $0xFFFFE000  }
0xec: {  	[hbm4b:s26+s23] =	stream.linear.scatter [tilespmem:s11], [sflag:$0x5], $0x2000, $0x38;
	[tilespmem:$0x1E800] =	vst v63  }
0xed: {  	_ =	swait.ge [sflag:s0], $0x2000  }
0xee: {  	[sflag:s0] =	ssyncset.done $0x0  }
0xef: {  	s24 =	rddreg [dreg:$0x10];
	[sflag:s0] =	ssyncadd.s32 $0xFFFFE000  }
0xf0: {  	[tilespmem:s11], [sflag:$0x5] =	stream.linear.gather [spmem:s24], $0x2000, $0x38;
	[tilespmem:$0x1E800] =	vst v63  }
0xf1: {  	_ =	swait.ge [sflag:s0], $0x2000  }
0xf2: {  	[sflag:s0] =	ssyncset.done $0x0  }
0xf3: {  	s25 =	rddreg [dreg:$0x6];
	[sflag:s0] =	ssyncadd.s32 $0xFFFFE000  }
0xf4: {  	[hbm4b:s25+s23] =	stream.linear.scatter [tilespmem:s11], [sflag:$0x5], $0x2000, $0x38;
	[tilespmem:$0x1E800] =	vst v63  }
0xf5: {  	_ =	swait.ge [sflag:s0], $0x2000  }
0xf6: {  	[sflag:s0] =	ssyncset.done $0x0  }
0xf7: {  	s26 =	rddreg [dreg:$0x11];
	[sflag:s0] =	ssyncadd.s32 $0xFFFFE000  }
0xf8: {  	[tilespmem:s11], [sflag:$0x5] =	stream.linear.gather [spmem:s26], $0x2000, $0x38;
	[tilespmem:$0x1E800] =	vst v63  }
0xf9: {  	_ =	swait.ge [sflag:s0], $0x2000  }
0xfa: {  	[sflag:s0] =	ssyncset.done $0x0  }
0xfb: {  	s24 =	rddreg [dreg:$0x7];
	[sflag:s0] =	ssyncadd.s32 $0xFFFFE000  }
0xfc: {  	[hbm4b:s24+s23] =	stream.linear.scatter [tilespmem:s11], [sflag:$0x5], $0x2000, $0x38;
	[tilespmem:$0x1E800] =	vst v63  }
0xfd: {  	_ =	swait.ge [sflag:s0], $0x2000  }
0xfe: {  	[sflag:s0] =	ssyncset.done $0x0  }
0xff: {  	s25 =	rddreg [dreg:$0x12];
	[sflag:s0] =	ssyncadd.s32 $0xFFFFE000  }
0x100: {  	[tilespmem:s11], [sflag:$0x5] =	stream.linear.gather [spmem:s25], $0x2000, $0x38;
	[tilespmem:$0x1E800] =	vst v63  }
0x101: {  	_ =	swait.ge [sflag:s0], $0x2000  }
0x102: {  	[sflag:s0] =	ssyncset.done $0x0  }
0x103: {  	s26 =	rddreg [dreg:$0x8];
	[sflag:s0] =	ssyncadd.s32 $0xFFFFE000  }
0x104: {  	[hbm4b:s26+s23] =	stream.linear.scatter [tilespmem:s11], [sflag:$0x5], $0x2000, $0x38;
	[tilespmem:$0x1E800] =	vst v63  }
0x105: {  	_ =	swait.ge [sflag:s0], $0x2000  }
0x106: {  	[sflag:s0] =	ssyncset.done $0x0  }
0x107: {  	s24 =	rddreg [dreg:$0x13];
	[sflag:s0] =	ssyncadd.s32 $0xFFFFE000  }
0x108: {  	[tilespmem:s11], [sflag:$0x5] =	stream.linear.gather [spmem:s24], $0x2000, $0x38;
	[tilespmem:$0x1E800] =	vst v63  }
0x109: {  	_ =	swait.ge [sflag:s0], $0x2000  }
0x10a: {  	[sflag:s0] =	ssyncset.done $0x0  }
0x10b: {  	s25 =	rddreg [dreg:$0x9];
	[sflag:s0] =	ssyncadd.s32 $0xFFFFE000  }
0x10c: {  	[hbm4b:s25+s23] =	stream.linear.scatter [tilespmem:s11], [sflag:$0x5], $0x2000, $0x38;
	[tilespmem:$0x1E800] =	vst v63  }
0x10d: {  	_ =	swait.ge [sflag:s0], $0x2000  }
0x10e: {  	[sflag:s0] =	ssyncset.done $0x0  }
0x10f: {  	s26 =	rddreg [dreg:$0x14];
	[sflag:s0] =	ssyncadd.s32 $0xFFFFE000  }
0x110: {  	[tilespmem:s11], [sflag:$0x5] =	stream.linear.gather [spmem:s26], $0x2000, $0x38;
	[tilespmem:$0x1E800] =	vst v63  }
0x111: {  	_ =	swait.ge [sflag:s0], $0x2000  }
0x112: {  	[sflag:s0] =	ssyncset.done $0x0  }
0x113: {  	s24 =	rddreg [dreg:$0xa];
	[sflag:s0] =	ssyncadd.s32 $0xFFFFE000  }
0x114: {  	[hbm4b:s24+s23] =	stream.linear.scatter [tilespmem:s11], [sflag:$0x5], $0x2000, $0x38;
	[tilespmem:$0x1E800] =	vst v63  }
0x115: {  	_ =	swait.ge [sflag:s0], $0x2000  }
0x116: {  	[sflag:s0] =	ssyncset.done $0x0  }
0x117: {  	s25 =	rddreg [dreg:$0x15];
	[sflag:s0] =	ssyncadd.s32 $0xFFFFE000  }
0x118: {  	[tilespmem:s11], [sflag:$0x5] =	stream.linear.gather [spmem:s25], $0x2000, $0x38;
	[tilespmem:$0x1E800] =	vst v63  }
0x119: {  	_ =	swait.ge [sflag:s0], $0x2000  }
0x11a: {  	[sflag:s0] =	ssyncset.done $0x0  }
0x11b: {  	s26 =	rddreg [dreg:$0xb];
	[sflag:s0] =	ssyncadd.s32 $0xFFFFE000  }
0x11c: {  	[hbm4b:s26+s23] =	stream.linear.scatter [tilespmem:s11], [sflag:$0x5], $0x2000, $0x38;
	[tilespmem:$0x1E800] =	vst v63  }
0x11d: {  	_ =	swait.ge [sflag:s0], $0x2000  }
0x11e: {  	[sflag:s0] =	ssyncset.done $0x0  }
0x11f: {  	s24 =	rddreg [dreg:$0x16];
	[sflag:s0] =	ssyncadd.s32 $0xFFFFE000  }
0x120: {  	[tilespmem:s11], [sflag:$0x5] =	stream.linear.gather [spmem:s24], $0x2000, $0x38;
	[tilespmem:$0x1E800] =	vst v63  }
0x121: {  	_ =	swait.ge [sflag:s0], $0x2000  }
0x122: {  	[sflag:s0] =	ssyncset.done $0x0  }
0x123: {  	s25 =	rddreg [dreg:$0xc];
	[sflag:s0] =	ssyncadd.s32 $0xFFFFE000  }
0x124: {  	[hbm4b:s25+s23] =	stream.linear.scatter [tilespmem:s11], [sflag:$0x5], $0x2000, $0x38;
	[tilespmem:$0x1E800] =	vst v63  }
0x125: {  	_ =	swait.ge [sflag:s0], $0x2000  }
0x126: {  	s22 =	sadd.s32 $0x1, s22;
	s26 =	rddreg [dreg:$0x17]  }
0x127: {  	p0 =	sne.s32 s22, s26  }
.Ltmp3:
0x128: {  	_ = 	snop;
	(pc) =	sbr.rel @p0 .LBB2_1-.Ltmp3, $3  }
0x129: {  	_ =	sdelay $0x1  }
0x12a: {  	[sflag:s0] =	ssyncset.done $0x0  }
0x12b: {  	[sflag:s0] =	ssyncadd.s32 $0xFFFFE000  }
0x12c: {  	_ =	sfence.sel $0x180000  }
0x12d: {  	[bflag:$0x0] =	sbarrier.arrive $0xFFFF  }
0x12e: {  	_ =	strace $0x9000004D  }
0x12f: {  	s0 =	stileid.u32;
	[bflag:$0x2] =	sbarrier.arrive $0xFFFF  }
0x130: {  	p0 =	sne.s32 s0, $0x0;
	s0 =	rddreg [dreg:$0x2]  }
0x131: {  	s0 =	sadd.s32 @!p0 $0x100000, s0  }
0x132: {  	[sflag:s0] =	ssyncadd.tile.s32 @!p0 $0x1;
	_ =	shalt  }
.Lfunc_end2:
_tile_overlayer_lowered:
.L_overlay_start_2:
0x133: {  	(tag) =	ssettag $0x2  }
0x134: {  	s0 =	rddreg [dreg:$0x0];
	s2 =	stileid.u32  }
0x135: {  	s1 =	rddreg [dreg:$0x1];
	p0 =	sne.s32 s2, $0x0  }
0x136: {  	s3 =	rddreg [dreg:$0x2];
	[bflag:$0x3] =	sbarrier.arrive $0xFFFF;
	s2 =	simm.s32 @!p0 $0x1C05  }
0x137: {  	[timem:s3], [sflag:s2] =	dma.local @!p0 [hbm:s0], s1  }
0x138: {  	s0 =	simm.s32 @!p0 $0x5  }
0x139: {  	_ =	swait.ge @!p0 [sflag:s0], s1  }
0x13a: {  	s1 =	ssub.s32 @!p0 $0x0, s1;
	[sflag:s0] =	ssyncset.done @!p0 $0x0  }
0x13b: {  	[sflag:s0] =	ssyncadd.s32 @!p0 s1  }
0x13c: {  	[bflag:$0x3] =	sbarrier.arrive $0xFFFF  }
0x13d: {  	_ =	shalt  }

// kernel: kernel.8.cloned.1.call-start
scs
__scs_entry_jumppad:
0x0: {  	(pc) =	sbr.rel $0x88, $3  }
0x1: {  	(tag) =	ssettag $0x0;
	lr =	simm.s32 $0x1  }
0x2: {  	[smem:$0x3F99] =	sst lr;
	_ =	strace $0xD0000000  }
0x3: {  	_ = 	snop  }
0x4: {  	_ = 	snop  }
0x5: {  	_ = 	snop  }
0x6: {  	_ = 	snop  }
0x7: {  	_ = 	snop  }
__scs_overlays_trampoline_lowered:
0x8: {  	[smem:$0x3FA8] =	sst s0  }
0x9: {  	[smem:$0x3FA9] =	sst s1  }
0xa: {  	[smem:$0x3FAA] =	sst s2  }
0xb: {  	[smem:$0x3FAB] =	sst s3  }
0xc: {  	[smem:$0x3FAC] =	sst s4  }
0xd: {  	[smem:$0x3FAD] =	sst s5  }
0xe: {  	[smem:$0x3FAE] =	sst s6  }
0xf: {  	[smem:$0x3FAF] =	sst s7  }
0x10: {  	[smem:$0x3FB0] =	sst s8  }
0x11: {  	[smem:$0x3FB1] =	sst s9;
	s0 =	simm.s32 @!p0 $0x0  }
0x12: {  	s1 =	sld [smem:$0x3F97];
	s0 =	simm.s32 @p0 $0x1  }
0x13: {  	[smem:$0x3FB2] =	sst s0;
	s0 =	simm.s32 @!p1 $0x0  }
0x14: {  	s2 =	sld [smem:$0x3F96];
	s0 =	simm.s32 @p1 $0x1  }
0x15: {  	[smem:$0x3FB3] =	sst s0;
	s0 =	simm.s32 @!p2 $0x0  }
0x16: {  	s3 =	sld [smem:$0x3FDB];
	s0 =	simm.s32 @p2 $0x1  }
0x17: {  	s4 =	simm.s32 $0x1BF5;
	[smem:$0x3FB5] =	sst s0  }
0x18: {  	s0 =	sld [smem:$0x3F98];
	_ =	swait.ge [sflag:s4], $0x0  }
0x19: {  	s7 =	sld [smem:$0x3F99]  }
0x1a: {  	s8 =	sadd.s32 $0xFFFFE003, lr  }
0x1b: {  	s9 =	sadd.s32 $0xFFFFFEF7, lr;
	s5 =	simm.s32 $0xFFFFFFFF;
	p2 =	slt.u32 s8, $0xFFFFF086  }
0x1c: {  	p1 =	slt.u32 s9, $0xF7A;
	s5 =	simm.s32 @!p2 $0x0  }
0x1d: {  	s5 =	simm.s32 @p1 $0x1;
	p0 =	seq.s32 s7, s2  }
0x1e: {  	s7 =	smul.u32 @!p0 $0xF7A, s2;
	p2 =	seq.s32 @!p0 s5, $0x0  }
0x1f: {  	s9 =	smul.u32 $0xF7A, s1;
	s8 =	simm.s32 @!p0 $0x1BF5;
	p2 =	por !p2, p0  }
0x20: {  	[sflag:s8] =	ssyncset.s32 @!p0 $0xFFFFF086;
	s6 =	sadd.s32 @!p0 s3, s7;
	s7 =	simm.s32 @!p0 $0x108  }
0x21: {  	s3 =	sadd.s32 s3, s9;
	s6 =	sadd.s32 @!p0 $0x88, s6;
	s7 =	simm.s32 @p2 $0x1082  }
0x22: {  	[simem:s7], [sflag:s8] =	dma.local @!p0 [hbm:s6], $0xF7A  }
0x23: {  	s9 =	sor.u32 $0xD0000000, s2;
	s6 =	simm.s32 $0x108;
	_ =	swait.ge @!p0 [sflag:s8], $0x0  }
0x24: {  	s3 =	sadd.s32 $0x88, s3;
	s6 =	simm.s32 @!p1 $0x1082;
	[sflag:s4] =	ssyncset.s32 $0xFFFFF086  }
0x25: {  	[simem:s6], [sflag:s4] =	dma.local [hbm:s3], $0xF7A  }
0x26: {  	[smem:$0x3F99] =	sst s1;
	(tag) =	ssettag s2;
	_ =	strace s9  }
0x27: {  	s1 =	sld [smem:$0x3FA9]  }
0x28: {  	s2 =	sld [smem:$0x3FAA]  }
0x29: {  	s4 =	sld [smem:$0x3FAC]  }
0x2a: {  	p0 =	seq.s32 s5, $0x0;
	s5 =	sld [smem:$0x3FAD]  }
0x2b: {  	s6 =	sld [smem:$0x3FAE]  }
0x2c: {  	s7 =	sld [smem:$0x3FAF]  }
0x2d: {  	s3 =	simm.s32 $0x108;
	s8 =	sld [smem:$0x3FB0]  }
0x2e: {  	s3 =	simm.s32 @!p0 $0x1082;
	s9 =	sld [smem:$0x3FB1]  }
0x2f: {  	lr =	sadd.s32 s0, s3;
	s0 =	sld [smem:$0x3FA8]  }
0x30: {  	s3 =	sld [smem:$0x3FAB]  }
0x31: {  	[smem:$0x3FB4] =	sst s10  }
0x32: {  	s10 =	sld [smem:$0x3FB2];
	_ =	sdelay $0x3  }
0x33: {  	p0 =	seq.s32 s10, $0x1;
	s10 =	sld [smem:$0x3FB4];
	_ =	sdelay $0x3  }
0x34: {  	[smem:$0x3FB4] =	sst s10  }
0x35: {  	s10 =	sld [smem:$0x3FB3];
	_ =	sdelay $0x3  }
0x36: {  	p1 =	seq.s32 s10, $0x1;
	s10 =	sld [smem:$0x3FB4];
	_ =	sdelay $0x3  }
0x37: {  	[smem:$0x3FB4] =	sst s10  }
0x38: {  	s10 =	sld [smem:$0x3FB5]  }
0x39: {  	_ = 	snop;
	(pc) =	sbr.ind lr, $3  }
0x3a: {  	_ = 	snop  }
0x3b: {  	_ = 	snop  }
0x3c: {  	p2 =	seq.s32 s10, $0x1;
	s10 =	sld [smem:$0x3FB4]  }
0x3d: {  	_ =	shalt  }
0x3e: {  	_ =	shalt  }
0x3f: {  	_ =	shalt  }
0x40: {  	_ =	shalt  }
0x41: {  	_ =	shalt  }
0x42: {  	_ =	shalt  }
0x43: {  	_ =	shalt  }
0x44: {  	_ =	shalt  }
0x45: {  	_ =	shalt  }
0x46: {  	_ =	shalt  }
0x47: {  	_ =	shalt  }
0x48: {  	_ =	shalt  }
0x49: {  	_ =	shalt  }
0x4a: {  	_ =	shalt  }
0x4b: {  	_ =	shalt  }
0x4c: {  	_ =	shalt  }
0x4d: {  	_ =	shalt  }
0x4e: {  	_ =	shalt  }
0x4f: {  	_ =	shalt  }
0x50: {  	_ =	shalt  }
0x51: {  	_ =	shalt  }
0x52: {  	_ =	shalt  }
0x53: {  	_ =	shalt  }
0x54: {  	_ =	shalt  }
0x55: {  	_ =	shalt  }
0x56: {  	_ =	shalt  }
0x57: {  	_ =	shalt  }
0x58: {  	_ =	shalt  }
0x59: {  	_ =	shalt  }
0x5a: {  	_ =	shalt  }
0x5b: {  	_ =	shalt  }
0x5c: {  	_ =	shalt  }
0x5d: {  	_ =	shalt  }
0x5e: {  	_ =	shalt  }
0x5f: {  	_ =	shalt  }
0x60: {  	_ =	shalt  }
0x61: {  	_ =	shalt  }
0x62: {  	_ =	shalt  }
0x63: {  	_ =	shalt  }
0x64: {  	_ =	shalt  }
0x65: {  	_ =	shalt  }
0x66: {  	_ =	shalt  }
0x67: {  	_ =	shalt  }
0x68: {  	_ =	shalt  }
0x69: {  	_ =	shalt  }
0x6a: {  	_ =	shalt  }
0x6b: {  	_ =	shalt  }
0x6c: {  	_ =	shalt  }
0x6d: {  	_ =	shalt  }
0x6e: {  	_ =	shalt  }
0x6f: {  	_ =	shalt  }
0x70: {  	_ =	shalt  }
0x71: {  	_ =	shalt  }
0x72: {  	_ =	shalt  }
0x73: {  	_ =	shalt  }
0x74: {  	_ =	shalt  }
0x75: {  	_ =	shalt  }
0x76: {  	_ =	shalt  }
0x77: {  	_ =	shalt  }
0x78: {  	_ =	shalt  }
0x79: {  	_ =	shalt  }
0x7a: {  	_ =	shalt  }
0x7b: {  	_ =	shalt  }
0x7c: {  	_ =	shalt  }
0x7d: {  	_ =	shalt  }
0x7e: {  	_ =	shalt  }
0x7f: {  	_ =	shalt  }
0x80: {  	_ =	shalt  }
0x81: {  	_ =	shalt  }
0x82: {  	_ =	shalt  }
0x83: {  	_ =	shalt  }
0x84: {  	_ =	shalt  }
0x85: {  	_ =	shalt  }
0x86: {  	_ =	shalt  }
0x87: {  	_ =	shalt  }
.Lfunc_end0:
.L_simem_size_0:
called_computation_lowered:
.L_overlay_start_0:
0x88: {  	s2 =	sld [smem:$0x3FD9]  }
0x89: {  	s3 =	sld [smem:$0x3FFE];
	_ =	sdelay $0x1  }
0x8a: {  	s1 =	srdreg.scid  }
0x8b: {  	s0 =	sand.u32 $0x1, s1  }
0x8c: {  	s17 =	sshll.u32 s0, $0xA;
	s2 =	sadd.s32 s3, s2  }
0x8d: {  	s2 =	sadd.s32 s2, s17  }
0x8e: {  	[smem:$0x3FC0] =	sst s2  }
0x8f: {  	_ = 	snop  }
0x90: {  	s2 =	sld [smem:$0x3FD0];
	(tm) =	ssettm $0x1  }
0x91: {  	s18 =	sld [smem:$0x3FFB];
	_ =	sdelay $0x3  }
0x92: {  	_ =	strace s18  }
0x93: {  	s3 =	sld [smem:$0x3FFC];
	_ =	sdelay $0x3  }
0x94: {  	_ =	strace s3  }
0x95: {  	s3 =	sld [smem:$0x3FFD];
	_ =	sdelay $0x3  }
0x96: {  	_ =	strace s3  }
0x97: {  	_ =	strace $0x8FFFFFFF  }
0x98: {  	s19 =	sld [smem:$0x3FDB];
	_ =	sdelay $0x1  }
0x99: {  	s4 =	simm.s32 $_scs_section_size  }
0x9a: {  	s5 =	simm.s32 $_size__tile_overlayer_lowered;
	s6 =	simm.s32 $_tile_overlayer_lowered  }
0x9b: {  	s22 =	simm.s32 $0x1BFF;
	s21 =	sshll.u32 s6, $0x1;
	s3 =	sadd.s32 s4, s19  }
0x9c: {  	s7 =	simm.s32 $0x0;
	s20 =	sshll.u32 s5, $0x1;
	s5 =	sadd.s32 s21, s3  }
0x9d: {  	[timem:s7], [sflag:s22] =	dma.local [hbm:s5], s20  }
0x9e: {  	_ =	swait.ge [sflag:s22], s20  }
0x9f: {  	s4 =	ssub.s32 $0x0, s20;
	[sflag:s22] =	ssyncset.done $0x0  }
0xa0: {  	[sflag:s22] =	ssyncadd.s32 s4;
	_ =	sdelay $0x1  }
0xa1: {  	s23 =	simm.s32 $0x1B8B  }
0xa2: {  	_ =	swait.ge [sflag:s23], $0x1  }
0xa3: {  	[sflag:s23] =	ssyncset.done $0x0  }
0xa4: {  	s25 =	simm.s32 $0x1B8E;
	s24 =	sld [smem:$0x3FFE];
	[sflag:s23] =	ssyncadd.s32 $0xFFFFFFFF  }
0xa5: {  	s26 =	simm.s32 $execute0_lowered;
	[smem:$0x3FD2] =	sst s25  }
0xa6: {  	s5 =	sshll.u32 s26, $0x1;
	_ =	strace $0x80000046;
	[dreg:$0x1] =	wrdreg $0xFFFFFFFF  }
0xa7: {  	s28 =	simm.s32 $_size_execute0_lowered;
	s3 =	sadd.s32 s3, s5;
	[dreg:$0x0] =	wrdreg $0x0  }
0xa8: {  	s5 =	sshll.u32 s28, $0x1;
	[dreg:$0x2] =	wrdreg s3  }
0xa9: {  	[dreg:$0x3] =	wrdreg s5  }
0xaa: {  	[dreg:$0x4] =	wrdreg $0xC0  }
0xab: {  	_ =	task [dreg:s7], $0x5FFFF  }
0xac: {  	[dreg:$0x1] =	wrdreg $0xFFFFFFFF  }
0xad: {  	[dreg:$0x0] =	wrdreg $0x60  }
0xae: {  	[dreg:$0x2] =	wrdreg s2  }
0xaf: {  	[dreg:$0x3] =	wrdreg s24  }
0xb0: {  	[dreg:$0x4] =	wrdreg $0x48000  }
0xb1: {  	[dreg:$0x5] =	wrdreg $0x9  }
0xb2: {  	_ =	task.clear_ibuf [dreg:s7], $0x6FFFF;
	_ =	strace $0x90000046  }
0xb3: {  	s29 =	simm.s32 $0x9;
	_ =	strace $0x80000048  }
0xb4: {  	_ =	swait.ge [sflag:s29], $0x1  }
0xb5: {  	[sflag:s29] =	ssyncadd.s32 $0xFFFFFFFF  }
0xb6: {  	_ =	strace $0x90000048  }
0xb7: {  	_ =	sfence  }
0xb8: {  	s30 =	sld [smem:$0x0];
	_ =	sdelay $0x2  }
0xb9: {  	s31 =	sshll.u32 s1, $0xD;
	s1 =	sshrl.u32 s1, $0x2  }
0xba: {  	s3 =	sand.u32 $0x4000, s31;
	s1 =	sadd.s32 s1, s30  }
0xbb: {  	s0 =	sor.u32 s3, s0;
	s1 =	sshll.u32 s1, $0x11  }
0xbc: {  	s0 =	sor.u32 s1, s0  }
0xbd: {  	s0 =	sadd.s32 $0x8F2B, s0  }
0xbe: {  	[sflag:s0] =	ssyncadd.remote.s32 $0x1  }
0xbf: {  	_ =	sfence.sel $0xFFFF  }
0xc0: {  	[dreg:$0x0] =	wrdreg $0xFFFFFFFF;
	(pc) =	sbr.abs _section_cstart, $3  }
0xc1: {  	[dreg:$0x1] =	wrdreg $0xFFFFFFFF  }
0xc2: {  	_ =	task.clear_ibuf [dreg:s7], $0x2FFFF;
	_ =	strace $0x9FFFFFFF  }
0xc3: {  	(tm) =	ssettm $0x7FFFFFFF  }
tec
execute0_lowered:
.L_overlay_start_1:
0x0: {  	(tag) =	ssettag $0x1  }
0x1: {  	s0 =	rddreg [dreg:$0x0]  }
0x2: {  	s2 =	rddreg [dreg:$0x1]  }
0x3: {  	s1 =	rddreg [dreg:$0x2];
	s3 =	simm.s32 $0x0  }
0x4: {  	s4 =	srdreg.scid;
	s17 =	stileid.u32;
	s18 =	simm.s32 $0x80  }
0x5: {  	s19 =	simm.s32 $0x100;
	s20 =	simm.s32 $0x180;
	s21 =	simm.s32 $0x200  }
0x6: {  	s22 =	simm.s32 $0x280;
	s28 =	simm.s32 $0x500;
	s29 =	simm.s32 $0x580  }
0x7: {  	s30 =	simm.s32 $0x600;
	s31 =	simm.s32 $0x680;
	s5 =	smul.u32 $0x50000, s17  }
0x8: {  	[smem:$0x7FF] =	sst s3;
	s9 =	sand.u32 $0x1, s4;
	s7 =	smul.u32 $0x14000, s17  }
0x9: {  	s2 =	sadd.s32 $0x3C00, s2;
	s24 =	smul.u32 $0xA000, s17;
	s17 =	simm.s32 $0x1  }
0xa: {  	_ =	strace $0x80000047;
	s4 =	ssub.s32 $0x2, s9;
	s11 =	smul.u32 $0x140000, s9  }
0xb: {  	s9 =	smul.u32 $0x5000, s9;
	s6 =	sshrl.u32 s4, $0x1;
	s23 =	sshrl.u32 s5, $0x2  }
0xc: {  	s12 =	sadd.s32 $0x4000, s7;
	s13 =	sadd.s32 $0x8000, s7;
	s14 =	sadd.s32 $0xC000, s7  }
0xd: {  	s15 =	sadd.s32 $0x10000, s7;
	s10 =	ssub.s32 s4, s6;
	s4 =	sadd.s32 s23, s1  }
0xe: {  	s5 =	sadd.s32 s12, s1;
	s6 =	sadd.s32 s13, s1;
	s8 =	sadd.s32 s7, s11  }
0xf: {  	s7 =	sadd.s32 s14, s1;
	s12 =	sadd.s32 s11, s12;
	s13 =	sadd.s32 s11, s13  }
0x10: {  	s26 =	sadd.s32 s11, s14;
	s11 =	sadd.s32 s11, s15;
	s9 =	sadd.s32 s9, s24  }
0x11: {  	s23 =	simm.s32 $0x300;
	s24 =	simm.s32 $0x380;
	s16 =	sshrl.u32 s8, $0x3  }
0x12: {  	s8 =	sadd.s32 s15, s1;
	s12 =	sshrl.u32 s12, $0x3;
	s13 =	sshrl.u32 s13, $0x3  }
0x13: {  	s11 =	sshrl.u32 s11, $0x3;
	s9 =	sshrl.u32 s9, $0x3;
	s14 =	smax.u32 s10, $0x1  }
0x14: {  	s16 =	sadd.s32 s2, s16;
	s12 =	sadd.s32 s2, s12;
	s25 =	sadd.s32 s2, s13  }
0x15: {  	s15 =	sadd.s32 s9, s0;
	s0 =	simm.s32 $0x700;
	[dreg:$0x4] =	wrdreg s16  }
0x16: {  	s9 =	simm.s32 $0x0;
	[dreg:$0x5] =	wrdreg s12;
	s12 =	sshrl.u32 s26, $0x3  }
0x17: {  	[dreg:$0x6] =	wrdreg s25;
	s16 =	simm.s32 $0x800;
	s12 =	sadd.s32 s2, s12  }
0x18: {  	s25 =	simm.s32 $0x400;
	s2 =	sadd.s32 s2, s11;
	[dreg:$0x7] =	wrdreg s12  }
0x19: {  	v0 =	vimm.f32 $0.0e+00;
	v1 =	vimm.f32 $1.000000000e+00;
	s26 =	simm.s32 $0x480;
	[dreg:$0x8] =	wrdreg s2;
	s2 =	simm.s32 $0x780  }
.LBB2_1:
0x1a: {  	s10 =	sand.u32 $0xFE00, s3  }
0x1b: {  	s11 =	sand.u32 $0x70, s3;
	s12 =	sshrl.u32 s10, $0x2  }
0x1c: {  	s10 =	simm.s32 $0x40;
	s12 =	sor.u32 s11, s12;
	s11 =	simm.s32 $0x0  }
.LBB2_2:
0x1d: {  	p0 =	sne.s32 s10, $0xFFC0  }
0x1e: {  	[tilespmem:s12+$0x800] =	vst v0;
	s11 =	sadd.s32 $0x10, s11;
	s12 =	smov.u32 s10;
	s10 =	sadd.s32 $0x40, s10  }
.Ltmp0:
0x1f: {  	(pc) =	sbr.rel @p0 .LBB2_2-.Ltmp0, $4  }
0x20: {  	_ = 	snop  }
0x21: {  	s12 =	sand.u32 $0xFE00, s12  }
0x22: {  	s13 =	sand.u32 $0x70, s11;
	s12 =	sshrl.u32 s12, $0x2  }
0x23: {  	s12 =	sor.u32 s13, s12  }
0x24: {  	[tilespmem:s12+$0x800] =	vst v0  }
0x25: {  	[spmem:s4] =	stream.linear.scatter [tilespmem:s16], [sflag:$0x1], $0x4000, $0x38;
	[tilespmem:$0x18800] =	vst v63  }
0x26: {  	_ =	swait.ge [sflag:s17], $0x4000  }
0x27: {  	[sflag:s17] =	ssyncset.done $0x0  }
0x28: {  	[sflag:s17] =	ssyncadd.s32 $0xFFFFC000  }
0x29: {  	[spmem:s5] =	stream.linear.scatter [tilespmem:s16], [sflag:$0x1], $0x4000, $0x38;
	[tilespmem:$0x18800] =	vst v63  }
0x2a: {  	_ =	swait.ge [sflag:s17], $0x4000  }
0x2b: {  	[sflag:s17] =	ssyncset.done $0x0  }
0x2c: {  	[sflag:s17] =	ssyncadd.s32 $0xFFFFC000  }
0x2d: {  	[spmem:s6] =	stream.linear.scatter [tilespmem:s16], [sflag:$0x1], $0x4000, $0x38;
	[tilespmem:$0x18800] =	vst v63  }
0x2e: {  	_ =	swait.ge [sflag:s17], $0x4000  }
0x2f: {  	[sflag:s17] =	ssyncset.done $0x0  }
0x30: {  	[sflag:s17] =	ssyncadd.s32 $0xFFFFC000  }
0x31: {  	[spmem:s7] =	stream.linear.scatter [tilespmem:s16], [sflag:$0x1], $0x4000, $0x38;
	[tilespmem:$0x18800] =	vst v63  }
0x32: {  	_ =	swait.ge [sflag:s17], $0x4000  }
0x33: {  	[sflag:s17] =	ssyncset.done $0x0  }
0x34: {  	s10 =	simm.s32 $0x0;
	[sflag:s17] =	ssyncadd.s32 $0xFFFFC000  }
0x35: {  	[spmem:s8] =	stream.linear.scatter [tilespmem:s16], [sflag:$0x1], $0x4000, $0x38;
	[tilespmem:$0x18800] =	vst v63  }
0x36: {  	s11 =	sand.u32 $0xFE00, s10;
	_ =	swait.ge [sflag:s17], $0x4000  }
0x37: {  	s12 =	sand.u32 $0x70, s10;
	s13 =	sshrl.u32 s11, $0x2;
	[sflag:s17] =	ssyncset.done $0x0  }
0x38: {  	s11 =	simm.s32 $0x40;
	s12 =	sor.u32 s12, s13;
	[sflag:s17] =	ssyncadd.s32 $0xFFFFC000  }
.LBB2_4:
0x39: {  	p0 =	sne.s32 s11, $0xFFC0  }
0x3a: {  	[tilespmem:s12+$0x800] =	vst v1;
	s10 =	sadd.s32 $0x10, s10;
	s12 =	smov.u32 s11;
	s11 =	sadd.s32 $0x40, s11  }
.Ltmp1:
0x3b: {  	(pc) =	sbr.rel @p0 .LBB2_4-.Ltmp1, $4  }
0x3c: {  	_ = 	snop  }
0x3d: {  	s12 =	sand.u32 $0xFE00, s12  }
0x3e: {  	s13 =	sand.u32 $0x70, s10;
	s12 =	sshrl.u32 s12, $0x2  }
0x3f: {  	s12 =	sor.u32 s13, s12  }
0x40: {  	[tilespmem:s12+$0x800] =	vst v1  }
0x41: {  	s10 =	sadd.s32 $0x0, s15;
	[bflag:$0x0] =	sbarrier.arrive $0xFFFF  }
0x42: {  	[tilespmem:s3], [sflag:$0x1] =	stream.linear.gather [hbm4b:s10+s3], $0x800, $0x38;
	[tilespmem:$0x18800] =	vst v63  }
0x43: {  	_ =	swait.ge [sflag:s17], $0x800  }
0x44: {  	[sflag:s17] =	ssyncset.done $0x0  }
0x45: {  	[sflag:s17] =	ssyncadd.s32 $0xFFFFF800  }
0x46: {  	[spmem:s1] =	stream.indirect.scatter.add.f32 [tilespmem:s16], [sflag:$0x1], $0x80, s3, s18, $0xb8;
	[tilespmem:$0x18800] =	vst v63  }
0x47: {  	_ =	swait.ge [sflag:s17], $0x4000  }
0x48: {  	[sflag:s17] =	ssyncset.done $0x0  }
0x49: {  	[sflag:s17] =	ssyncadd.s32 $0xFFFFC000  }
0x4a: {  	[spmem:s1] =	stream.indirect.scatter.add.f32 [tilespmem:s16], [sflag:$0x1], $0x80, s18, s18, $0xb8;
	[tilespmem:$0x18800] =	vst v63  }
0x4b: {  	_ =	swait.ge [sflag:s17], $0x4000  }
0x4c: {  	[sflag:s17] =	ssyncset.done $0x0  }
0x4d: {  	[sflag:s17] =	ssyncadd.s32 $0xFFFFC000  }
0x4e: {  	[spmem:s1] =	stream.indirect.scatter.add.f32 [tilespmem:s16], [sflag:$0x1], $0x80, s19, s18, $0xb8;
	[tilespmem:$0x18800] =	vst v63  }
0x4f: {  	_ =	swait.ge [sflag:s17], $0x4000  }
0x50: {  	[sflag:s17] =	ssyncset.done $0x0  }
0x51: {  	[sflag:s17] =	ssyncadd.s32 $0xFFFFC000  }
0x52: {  	[spmem:s1] =	stream.indirect.scatter.add.f32 [tilespmem:s16], [sflag:$0x1], $0x80, s20, s18, $0xb8;
	[tilespmem:$0x18800] =	vst v63  }
0x53: {  	_ =	swait.ge [sflag:s17], $0x4000  }
0x54: {  	[sflag:s17] =	ssyncset.done $0x0  }
0x55: {  	[sflag:s17] =	ssyncadd.s32 $0xFFFFC000  }
0x56: {  	[spmem:s1] =	stream.indirect.scatter.add.f32 [tilespmem:s16], [sflag:$0x1], $0x80, s21, s18, $0xb8;
	[tilespmem:$0x18800] =	vst v63  }
0x57: {  	_ =	swait.ge [sflag:s17], $0x4000  }
0x58: {  	[sflag:s17] =	ssyncset.done $0x0  }
0x59: {  	[sflag:s17] =	ssyncadd.s32 $0xFFFFC000  }
0x5a: {  	[spmem:s1] =	stream.indirect.scatter.add.f32 [tilespmem:s16], [sflag:$0x1], $0x80, s22, s18, $0xb8;
	[tilespmem:$0x18800] =	vst v63  }
0x5b: {  	_ =	swait.ge [sflag:s17], $0x4000  }
0x5c: {  	[sflag:s17] =	ssyncset.done $0x0  }
0x5d: {  	[sflag:s17] =	ssyncadd.s32 $0xFFFFC000  }
0x5e: {  	[spmem:s1] =	stream.indirect.scatter.add.f32 [tilespmem:s16], [sflag:$0x1], $0x80, s23, s18, $0xb8;
	[tilespmem:$0x18800] =	vst v63  }
0x5f: {  	_ =	swait.ge [sflag:s17], $0x4000  }
0x60: {  	[sflag:s17] =	ssyncset.done $0x0  }
0x61: {  	[sflag:s17] =	ssyncadd.s32 $0xFFFFC000  }
0x62: {  	[spmem:s1] =	stream.indirect.scatter.add.f32 [tilespmem:s16], [sflag:$0x1], $0x80, s24, s18, $0xb8;
	[tilespmem:$0x18800] =	vst v63  }
0x63: {  	_ =	swait.ge [sflag:s17], $0x4000  }
0x64: {  	[sflag:s17] =	ssyncset.done $0x0  }
0x65: {  	[sflag:s17] =	ssyncadd.s32 $0xFFFFC000  }
0x66: {  	[spmem:s1] =	stream.indirect.scatter.add.f32 [tilespmem:s16], [sflag:$0x1], $0x80, s25, s18, $0xb8;
	[tilespmem:$0x18800] =	vst v63  }
0x67: {  	_ =	swait.ge [sflag:s17], $0x4000  }
0x68: {  	[sflag:s17] =	ssyncset.done $0x0  }
0x69: {  	[sflag:s17] =	ssyncadd.s32 $0xFFFFC000  }
0x6a: {  	[spmem:s1] =	stream.indirect.scatter.add.f32 [tilespmem:s16], [sflag:$0x1], $0x80, s26, s18, $0xb8;
	[tilespmem:$0x18800] =	vst v63  }
0x6b: {  	_ =	swait.ge [sflag:s17], $0x4000  }
0x6c: {  	[sflag:s17] =	ssyncset.done $0x0  }
0x6d: {  	[sflag:s17] =	ssyncadd.s32 $0xFFFFC000  }
0x6e: {  	[spmem:s1] =	stream.indirect.scatter.add.f32 [tilespmem:s16], [sflag:$0x1], $0x80, s28, s18, $0xb8;
	[tilespmem:$0x18800] =	vst v63  }
0x6f: {  	_ =	swait.ge [sflag:s17], $0x4000  }
0x70: {  	[sflag:s17] =	ssyncset.done $0x0  }
0x71: {  	[sflag:s17] =	ssyncadd.s32 $0xFFFFC000  }
0x72: {  	[spmem:s1] =	stream.indirect.scatter.add.f32 [tilespmem:s16], [sflag:$0x1], $0x80, s29, s18, $0xb8;
	[tilespmem:$0x18800] =	vst v63  }
0x73: {  	_ =	swait.ge [sflag:s17], $0x4000  }
0x74: {  	[sflag:s17] =	ssyncset.done $0x0  }
0x75: {  	[sflag:s17] =	ssyncadd.s32 $0xFFFFC000  }
0x76: {  	[spmem:s1] =	stream.indirect.scatter.add.f32 [tilespmem:s16], [sflag:$0x1], $0x80, s30, s18, $0xb8;
	[tilespmem:$0x18800] =	vst v63  }
0x77: {  	_ =	swait.ge [sflag:s17], $0x4000  }
0x78: {  	[sflag:s17] =	ssyncset.done $0x0  }
0x79: {  	[sflag:s17] =	ssyncadd.s32 $0xFFFFC000  }
0x7a: {  	[spmem:s1] =	stream.indirect.scatter.add.f32 [tilespmem:s16], [sflag:$0x1], $0x80, s31, s18, $0xb8;
	[tilespmem:$0x18800] =	vst v63  }
0x7b: {  	_ =	swait.ge [sflag:s17], $0x4000  }
0x7c: {  	[sflag:s17] =	ssyncset.done $0x0  }
0x7d: {  	[sflag:s17] =	ssyncadd.s32 $0xFFFFC000  }
0x7e: {  	[spmem:s1] =	stream.indirect.scatter.add.f32 [tilespmem:s16], [sflag:$0x1], $0x80, s0, s18, $0xb8;
	[tilespmem:$0x18800] =	vst v63  }
0x7f: {  	_ =	swait.ge [sflag:s17], $0x4000  }
0x80: {  	[sflag:s17] =	ssyncset.done $0x0  }
0x81: {  	[sflag:s17] =	ssyncadd.s32 $0xFFFFC000  }
0x82: {  	[spmem:s1] =	stream.indirect.scatter.add.f32 [tilespmem:s16], [sflag:$0x1], $0x80, s2, s18, $0xb8;
	[tilespmem:$0x18800] =	vst v63  }
0x83: {  	_ =	swait.ge [sflag:s17], $0x4000  }
0x84: {  	s11 =	simm.s32 $0x200;
	s10 =	simm.s32 $0x100;
	[sflag:s17] =	ssyncset.done $0x0  }
.LBB2_6:
0x85: {  	s13 =	sadd.s32 s10, s15  }
0x86: {  	[sflag:s17] =	ssyncadd.s32 $0xFFFFC000;
	s10 =	smov.u32 s11;
	s12 =	sadd.s32 $0x100, s11  }
0x87: {  	[tilespmem:s3], [sflag:$0x1] =	stream.linear.gather [hbm4b:s13+s3], $0x800, $0x38;
	[tilespmem:$0x18800] =	vst v63  }
0x88: {  	p0 =	sne.s32 s11, $0x900;
	_ =	swait.ge [sflag:s17], $0x800  }
0x89: {  	[sflag:s17] =	ssyncset.done $0x0  }
0x8a: {  	[sflag:s17] =	ssyncadd.s32 $0xFFFFF800  }
0x8b: {  	[spmem:s1] =	stream.indirect.scatter.add.f32 [tilespmem:s16], [sflag:$0x1], $0x80, s3, s18, $0xb8;
	[tilespmem:$0x18800] =	vst v63  }
0x8c: {  	_ =	swait.ge [sflag:s17], $0x4000  }
0x8d: {  	[sflag:s17] =	ssyncset.done $0x0  }
0x8e: {  	[sflag:s17] =	ssyncadd.s32 $0xFFFFC000  }
0x8f: {  	[spmem:s1] =	stream.indirect.scatter.add.f32 [tilespmem:s16], [sflag:$0x1], $0x80, s18, s18, $0xb8;
	[tilespmem:$0x18800] =	vst v63  }
0x90: {  	_ =	swait.ge [sflag:s17], $0x4000  }
0x91: {  	[sflag:s17] =	ssyncset.done $0x0  }
0x92: {  	[sflag:s17] =	ssyncadd.s32 $0xFFFFC000  }
0x93: {  	[spmem:s1] =	stream.indirect.scatter.add.f32 [tilespmem:s16], [sflag:$0x1], $0x80, s19, s18, $0xb8;
	[tilespmem:$0x18800] =	vst v63  }
0x94: {  	_ =	swait.ge [sflag:s17], $0x4000  }
0x95: {  	[sflag:s17] =	ssyncset.done $0x0  }
0x96: {  	[sflag:s17] =	ssyncadd.s32 $0xFFFFC000  }
0x97: {  	[spmem:s1] =	stream.indirect.scatter.add.f32 [tilespmem:s16], [sflag:$0x1], $0x80, s20, s18, $0xb8;
	[tilespmem:$0x18800] =	vst v63  }
0x98: {  	_ =	swait.ge [sflag:s17], $0x4000  }
0x99: {  	[sflag:s17] =	ssyncset.done $0x0  }
0x9a: {  	[sflag:s17] =	ssyncadd.s32 $0xFFFFC000  }
0x9b: {  	[spmem:s1] =	stream.indirect.scatter.add.f32 [tilespmem:s16], [sflag:$0x1], $0x80, s21, s18, $0xb8;
	[tilespmem:$0x18800] =	vst v63  }
0x9c: {  	_ =	swait.ge [sflag:s17], $0x4000  }
0x9d: {  	[sflag:s17] =	ssyncset.done $0x0  }
0x9e: {  	[sflag:s17] =	ssyncadd.s32 $0xFFFFC000  }
0x9f: {  	[spmem:s1] =	stream.indirect.scatter.add.f32 [tilespmem:s16], [sflag:$0x1], $0x80, s22, s18, $0xb8;
	[tilespmem:$0x18800] =	vst v63  }
0xa0: {  	_ =	swait.ge [sflag:s17], $0x4000  }
0xa1: {  	[sflag:s17] =	ssyncset.done $0x0  }
0xa2: {  	[sflag:s17] =	ssyncadd.s32 $0xFFFFC000  }
0xa3: {  	[spmem:s1] =	stream.indirect.scatter.add.f32 [tilespmem:s16], [sflag:$0x1], $0x80, s23, s18, $0xb8;
	[tilespmem:$0x18800] =	vst v63  }
0xa4: {  	_ =	swait.ge [sflag:s17], $0x4000  }
0xa5: {  	[sflag:s17] =	ssyncset.done $0x0  }
0xa6: {  	[sflag:s17] =	ssyncadd.s32 $0xFFFFC000  }
0xa7: {  	[spmem:s1] =	stream.indirect.scatter.add.f32 [tilespmem:s16], [sflag:$0x1], $0x80, s24, s18, $0xb8;
	[tilespmem:$0x18800] =	vst v63  }
0xa8: {  	_ =	swait.ge [sflag:s17], $0x4000  }
0xa9: {  	[sflag:s17] =	ssyncset.done $0x0  }
0xaa: {  	[sflag:s17] =	ssyncadd.s32 $0xFFFFC000  }
0xab: {  	[spmem:s1] =	stream.indirect.scatter.add.f32 [tilespmem:s16], [sflag:$0x1], $0x80, s25, s18, $0xb8;
	[tilespmem:$0x18800] =	vst v63  }
0xac: {  	_ =	swait.ge [sflag:s17], $0x4000  }
0xad: {  	[sflag:s17] =	ssyncset.done $0x0  }
0xae: {  	[sflag:s17] =	ssyncadd.s32 $0xFFFFC000  }
0xaf: {  	[spmem:s1] =	stream.indirect.scatter.add.f32 [tilespmem:s16], [sflag:$0x1], $0x80, s26, s18, $0xb8;
	[tilespmem:$0x18800] =	vst v63  }
0xb0: {  	_ =	swait.ge [sflag:s17], $0x4000  }
0xb1: {  	[sflag:s17] =	ssyncset.done $0x0  }
0xb2: {  	[sflag:s17] =	ssyncadd.s32 $0xFFFFC000  }
0xb3: {  	[spmem:s1] =	stream.indirect.scatter.add.f32 [tilespmem:s16], [sflag:$0x1], $0x80, s28, s18, $0xb8;
	[tilespmem:$0x18800] =	vst v63  }
0xb4: {  	_ =	swait.ge [sflag:s17], $0x4000  }
0xb5: {  	[sflag:s17] =	ssyncset.done $0x0  }
0xb6: {  	[sflag:s17] =	ssyncadd.s32 $0xFFFFC000  }
0xb7: {  	[spmem:s1] =	stream.indirect.scatter.add.f32 [tilespmem:s16], [sflag:$0x1], $0x80, s29, s18, $0xb8;
	[tilespmem:$0x18800] =	vst v63  }
0xb8: {  	_ =	swait.ge [sflag:s17], $0x4000  }
0xb9: {  	[sflag:s17] =	ssyncset.done $0x0  }
0xba: {  	[sflag:s17] =	ssyncadd.s32 $0xFFFFC000  }
0xbb: {  	[spmem:s1] =	stream.indirect.scatter.add.f32 [tilespmem:s16], [sflag:$0x1], $0x80, s30, s18, $0xb8;
	[tilespmem:$0x18800] =	vst v63  }
0xbc: {  	_ =	swait.ge [sflag:s17], $0x4000  }
0xbd: {  	[sflag:s17] =	ssyncset.done $0x0  }
0xbe: {  	[sflag:s17] =	ssyncadd.s32 $0xFFFFC000  }
0xbf: {  	[spmem:s1] =	stream.indirect.scatter.add.f32 [tilespmem:s16], [sflag:$0x1], $0x80, s31, s18, $0xb8;
	[tilespmem:$0x18800] =	vst v63  }
0xc0: {  	_ =	swait.ge [sflag:s17], $0x4000  }
0xc1: {  	[sflag:s17] =	ssyncset.done $0x0  }
0xc2: {  	[sflag:s17] =	ssyncadd.s32 $0xFFFFC000  }
0xc3: {  	[spmem:s1] =	stream.indirect.scatter.add.f32 [tilespmem:s16], [sflag:$0x1], $0x80, s0, s18, $0xb8;
	[tilespmem:$0x18800] =	vst v63  }
0xc4: {  	_ =	swait.ge [sflag:s17], $0x4000  }
.Ltmp2:
0xc5: {  	[sflag:s17] =	ssyncset.done $0x0;
	(pc) =	sbr.rel @p0 .LBB2_6-.Ltmp2, $4  }
0xc6: {  	[sflag:s17] =	ssyncadd.s32 $0xFFFFC000  }
0xc7: {  	[spmem:s1] =	stream.indirect.scatter.add.f32 [tilespmem:s16], [sflag:$0x1], $0x80, s2, s18, $0xb8;
	[tilespmem:$0x18800] =	vst v63  }
0xc8: {  	_ =	swait.ge [sflag:s17], $0x4000  }
0xc9: {  	s11 =	smov.u32 s12;
	[sflag:s17] =	ssyncset.done $0x0  }
0xca: {  	s10 =	sadd.s32 s10, s15;
	[sflag:s17] =	ssyncadd.s32 $0xFFFFC000  }
0xcb: {  	[tilespmem:s3], [sflag:$0x1] =	stream.linear.gather [hbm4b:s10+s3], $0x800, $0x38;
	[tilespmem:$0x18800] =	vst v63  }
0xcc: {  	_ =	swait.ge [sflag:s17], $0x800  }
0xcd: {  	[sflag:s17] =	ssyncset.done $0x0  }
0xce: {  	[sflag:s17] =	ssyncadd.s32 $0xFFFFF800  }
0xcf: {  	[spmem:s1] =	stream.indirect.scatter.add.f32 [tilespmem:s16], [sflag:$0x1], $0x80, s3, s18, $0xb8;
	[tilespmem:$0x18800] =	vst v63  }
0xd0: {  	_ =	swait.ge [sflag:s17], $0x4000  }
0xd1: {  	[sflag:s17] =	ssyncset.done $0x0  }
0xd2: {  	[sflag:s17] =	ssyncadd.s32 $0xFFFFC000  }
0xd3: {  	[spmem:s1] =	stream.indirect.scatter.add.f32 [tilespmem:s16], [sflag:$0x1], $0x80, s18, s18, $0xb8;
	[tilespmem:$0x18800] =	vst v63  }
0xd4: {  	_ =	swait.ge [sflag:s17], $0x4000  }
0xd5: {  	[sflag:s17] =	ssyncset.done $0x0  }
0xd6: {  	[sflag:s17] =	ssyncadd.s32 $0xFFFFC000  }
0xd7: {  	[spmem:s1] =	stream.indirect.scatter.add.f32 [tilespmem:s16], [sflag:$0x1], $0x80, s19, s18, $0xb8;
	[tilespmem:$0x18800] =	vst v63  }
0xd8: {  	_ =	swait.ge [sflag:s17], $0x4000  }
0xd9: {  	[sflag:s17] =	ssyncset.done $0x0  }
0xda: {  	[sflag:s17] =	ssyncadd.s32 $0xFFFFC000  }
0xdb: {  	[spmem:s1] =	stream.indirect.scatter.add.f32 [tilespmem:s16], [sflag:$0x1], $0x80, s20, s18, $0xb8;
	[tilespmem:$0x18800] =	vst v63  }
0xdc: {  	_ =	swait.ge [sflag:s17], $0x4000  }
0xdd: {  	[sflag:s17] =	ssyncset.done $0x0  }
0xde: {  	[sflag:s17] =	ssyncadd.s32 $0xFFFFC000  }
0xdf: {  	[spmem:s1] =	stream.indirect.scatter.add.f32 [tilespmem:s16], [sflag:$0x1], $0x80, s21, s18, $0xb8;
	[tilespmem:$0x18800] =	vst v63  }
0xe0: {  	_ =	swait.ge [sflag:s17], $0x4000  }
0xe1: {  	[sflag:s17] =	ssyncset.done $0x0  }
0xe2: {  	[sflag:s17] =	ssyncadd.s32 $0xFFFFC000  }
0xe3: {  	[spmem:s1] =	stream.indirect.scatter.add.f32 [tilespmem:s16], [sflag:$0x1], $0x80, s22, s18, $0xb8;
	[tilespmem:$0x18800] =	vst v63  }
0xe4: {  	_ =	swait.ge [sflag:s17], $0x4000  }
0xe5: {  	[sflag:s17] =	ssyncset.done $0x0  }
0xe6: {  	[sflag:s17] =	ssyncadd.s32 $0xFFFFC000  }
0xe7: {  	[spmem:s1] =	stream.indirect.scatter.add.f32 [tilespmem:s16], [sflag:$0x1], $0x80, s23, s18, $0xb8;
	[tilespmem:$0x18800] =	vst v63  }
0xe8: {  	_ =	swait.ge [sflag:s17], $0x4000  }
0xe9: {  	[sflag:s17] =	ssyncset.done $0x0  }
0xea: {  	[sflag:s17] =	ssyncadd.s32 $0xFFFFC000  }
0xeb: {  	[spmem:s1] =	stream.indirect.scatter.add.f32 [tilespmem:s16], [sflag:$0x1], $0x80, s24, s18, $0xb8;
	[tilespmem:$0x18800] =	vst v63  }
0xec: {  	_ =	swait.ge [sflag:s17], $0x4000  }
0xed: {  	[sflag:s17] =	ssyncset.done $0x0  }
0xee: {  	[sflag:s17] =	ssyncadd.s32 $0xFFFFC000  }
0xef: {  	[spmem:s1] =	stream.indirect.scatter.add.f32 [tilespmem:s16], [sflag:$0x1], $0x80, s25, s18, $0xb8;
	[tilespmem:$0x18800] =	vst v63  }
0xf0: {  	_ =	swait.ge [sflag:s17], $0x4000  }
0xf1: {  	[sflag:s17] =	ssyncset.done $0x0  }
0xf2: {  	[sflag:s17] =	ssyncadd.s32 $0xFFFFC000  }
0xf3: {  	[spmem:s1] =	stream.indirect.scatter.add.f32 [tilespmem:s16], [sflag:$0x1], $0x80, s26, s18, $0xb8;
	[tilespmem:$0x18800] =	vst v63  }
0xf4: {  	_ =	swait.ge [sflag:s17], $0x4000  }
0xf5: {  	[sflag:s17] =	ssyncset.done $0x0  }
0xf6: {  	[sflag:s17] =	ssyncadd.s32 $0xFFFFC000  }
0xf7: {  	[spmem:s1] =	stream.indirect.scatter.add.f32 [tilespmem:s16], [sflag:$0x1], $0x80, s28, s18, $0xb8;
	[tilespmem:$0x18800] =	vst v63  }
0xf8: {  	_ =	swait.ge [sflag:s17], $0x4000  }
0xf9: {  	[sflag:s17] =	ssyncset.done $0x0  }
0xfa: {  	[sflag:s17] =	ssyncadd.s32 $0xFFFFC000  }
0xfb: {  	[spmem:s1] =	stream.indirect.scatter.add.f32 [tilespmem:s16], [sflag:$0x1], $0x80, s29, s18, $0xb8;
	[tilespmem:$0x18800] =	vst v63  }
0xfc: {  	_ =	swait.ge [sflag:s17], $0x4000  }
0xfd: {  	[sflag:s17] =	ssyncset.done $0x0  }
0xfe: {  	[sflag:s17] =	ssyncadd.s32 $0xFFFFC000  }
0xff: {  	[spmem:s1] =	stream.indirect.scatter.add.f32 [tilespmem:s16], [sflag:$0x1], $0x80, s30, s18, $0xb8;
	[tilespmem:$0x18800] =	vst v63  }
0x100: {  	_ =	swait.ge [sflag:s17], $0x4000  }
0x101: {  	[sflag:s17] =	ssyncset.done $0x0  }
0x102: {  	[sflag:s17] =	ssyncadd.s32 $0xFFFFC000  }
0x103: {  	[spmem:s1] =	stream.indirect.scatter.add.f32 [tilespmem:s16], [sflag:$0x1], $0x80, s31, s18, $0xb8;
	[tilespmem:$0x18800] =	vst v63  }
0x104: {  	_ =	swait.ge [sflag:s17], $0x4000  }
0x105: {  	[sflag:s17] =	ssyncset.done $0x0  }
0x106: {  	[sflag:s17] =	ssyncadd.s32 $0xFFFFC000  }
0x107: {  	[spmem:s1] =	stream.indirect.scatter.add.f32 [tilespmem:s16], [sflag:$0x1], $0x80, s0, s18, $0xb8;
	[tilespmem:$0x18800] =	vst v63  }
0x108: {  	_ =	swait.ge [sflag:s17], $0x4000  }
0x109: {  	[sflag:s17] =	ssyncset.done $0x0  }
0x10a: {  	[sflag:s17] =	ssyncadd.s32 $0xFFFFC000  }
0x10b: {  	[spmem:s1] =	stream.indirect.scatter.add.f32 [tilespmem:s16], [sflag:$0x1], $0x80, s2, s18, $0xb8;
	[tilespmem:$0x18800] =	vst v63  }
0x10c: {  	_ =	swait.ge [sflag:s17], $0x4000  }
0x10d: {  	[sflag:s17] =	ssyncset.done $0x0  }
0x10e: {  	[sflag:s17] =	ssyncadd.s32 $0xFFFFC000  }
0x10f: {  	[bflag:$0x0] =	sbarrier.arrive $0xFFFF  }
0x110: {  	[tilespmem:s16], [sflag:$0x1] =	stream.linear.gather [spmem:s4], $0x4000, $0x38;
	[tilespmem:$0x18800] =	vst v63  }
0x111: {  	_ =	swait.ge [sflag:s17], $0x4000  }
0x112: {  	[sflag:s17] =	ssyncset.done $0x0  }
0x113: {  	s12 =	rddreg [dreg:$0x4];
	[sflag:s17] =	ssyncadd.s32 $0xFFFFC000  }
0x114: {  	[hbm4b:s12+s3] =	stream.linear.scatter [tilespmem:s16], [sflag:$0x1], $0x4000, $0x38;
	[tilespmem:$0x18800] =	vst v63  }
0x115: {  	_ =	swait.ge [sflag:s17], $0x4000  }
0x116: {  	[sflag:s17] =	ssyncset.done $0x0  }
0x117: {  	[sflag:s17] =	ssyncadd.s32 $0xFFFFC000  }
0x118: {  	[tilespmem:s16], [sflag:$0x1] =	stream.linear.gather [spmem:s5], $0x4000, $0x38;
	[tilespmem:$0x18800] =	vst v63  }
0x119: {  	_ =	swait.ge [sflag:s17], $0x4000  }
0x11a: {  	[sflag:s17] =	ssyncset.done $0x0  }
0x11b: {  	s13 =	rddreg [dreg:$0x5];
	[sflag:s17] =	ssyncadd.s32 $0xFFFFC000  }
0x11c: {  	[hbm4b:s13+s3] =	stream.linear.scatter [tilespmem:s16], [sflag:$0x1], $0x4000, $0x38;
	[tilespmem:$0x18800] =	vst v63  }
0x11d: {  	_ =	swait.ge [sflag:s17], $0x4000  }
0x11e: {  	[sflag:s17] =	ssyncset.done $0x0  }
0x11f: {  	[sflag:s17] =	ssyncadd.s32 $0xFFFFC000  }
0x120: {  	[tilespmem:s16], [sflag:$0x1] =	stream.linear.gather [spmem:s6], $0x4000, $0x38;
	[tilespmem:$0x18800] =	vst v63  }
0x121: {  	_ =	swait.ge [sflag:s17], $0x4000  }
0x122: {  	[sflag:s17] =	ssyncset.done $0x0  }
0x123: {  	s11 =	rddreg [dreg:$0x6];
	[sflag:s17] =	ssyncadd.s32 $0xFFFFC000  }
0x124: {  	[hbm4b:s11+s3] =	stream.linear.scatter [tilespmem:s16], [sflag:$0x1], $0x4000, $0x38;
	[tilespmem:$0x18800] =	vst v63  }
0x125: {  	_ =	swait.ge [sflag:s17], $0x4000  }
0x126: {  	[sflag:s17] =	ssyncset.done $0x0  }
0x127: {  	[sflag:s17] =	ssyncadd.s32 $0xFFFFC000  }
0x128: {  	[tilespmem:s16], [sflag:$0x1] =	stream.linear.gather [spmem:s7], $0x4000, $0x38;
	[tilespmem:$0x18800] =	vst v63  }
0x129: {  	_ =	swait.ge [sflag:s17], $0x4000  }
0x12a: {  	[sflag:s17] =	ssyncset.done $0x0  }
0x12b: {  	s12 =	rddreg [dreg:$0x7];
	[sflag:s17] =	ssyncadd.s32 $0xFFFFC000  }
0x12c: {  	[hbm4b:s12+s3] =	stream.linear.scatter [tilespmem:s16], [sflag:$0x1], $0x4000, $0x38;
	[tilespmem:$0x18800] =	vst v63  }
0x12d: {  	_ =	swait.ge [sflag:s17], $0x4000  }
0x12e: {  	[sflag:s17] =	ssyncset.done $0x0  }
0x12f: {  	[sflag:s17] =	ssyncadd.s32 $0xFFFFC000  }
0x130: {  	[tilespmem:s16], [sflag:$0x1] =	stream.linear.gather [spmem:s8], $0x4000, $0x38;
	[tilespmem:$0x18800] =	vst v63  }
0x131: {  	s9 =	sadd.s32 $0x1, s9;
	_ =	swait.ge [sflag:s17], $0x4000  }
0x132: {  	p0 =	sne.s32 s9, s14;
	[sflag:s17] =	ssyncset.done $0x0  }
.Ltmp3:
0x133: {  	s13 =	rddreg [dreg:$0x8];
	[sflag:s17] =	ssyncadd.s32 $0xFFFFC000;
	(pc) =	sbr.rel @p0 .LBB2_1-.Ltmp3, $4  }
0x134: {  	[hbm4b:s13+s3] =	stream.linear.scatter [tilespmem:s16], [sflag:$0x1], $0x4000, $0x38;
	[tilespmem:$0x18800] =	vst v63  }
0x135: {  	_ =	swait.ge [sflag:s17], $0x4000  }
0x136: {  	[sflag:s17] =	ssyncset.done $0x0  }
0x137: {  	[sflag:s17] =	ssyncadd.s32 $0xFFFFC000  }
0x138: {  	_ =	sfence.sel $0x180000  }
0x139: {  	[bflag:$0x0] =	sbarrier.arrive $0xFFFF  }
0x13a: {  	_ =	strace $0x90000047  }
0x13b: {  	s0 =	stileid.u32;
	[bflag:$0x2] =	sbarrier.arrive $0xFFFF  }
0x13c: {  	p0 =	sne.s32 s0, $0x0;
	s0 =	rddreg [dreg:$0x3]  }
0x13d: {  	s0 =	sadd.s32 @!p0 $0x100000, s0  }
0x13e: {  	[sflag:s0] =	ssyncadd.tile.s32 @!p0 $0x1;
	_ =	shalt  }
.Lfunc_end2:
_tile_overlayer_lowered:
.L_overlay_start_2:
0x13f: {  	(tag) =	ssettag $0x2  }
0x140: {  	s0 =	rddreg [dreg:$0x0];
	s2 =	stileid.u32  }
0x141: {  	s1 =	rddreg [dreg:$0x1];
	p0 =	sne.s32 s2, $0x0  }
0x142: {  	s3 =	rddreg [dreg:$0x2];
	[bflag:$0x3] =	sbarrier.arrive $0xFFFF;
	s2 =	simm.s32 @!p0 $0x1C01  }
0x143: {  	[timem:s3], [sflag:s2] =	dma.local @!p0 [hbm:s0], s1  }
0x144: {  	s0 =	simm.s32 @!p0 $0x1  }
0x145: {  	_ =	swait.ge @!p0 [sflag:s0], s1  }
0x146: {  	s1 =	ssub.s32 @!p0 $0x0, s1;
	[sflag:s0] =	ssyncset.done @!p0 $0x0  }
0x147: {  	[sflag:s0] =	ssyncadd.s32 @!p0 s1  }
0x148: {  	[bflag:$0x3] =	sbarrier.arrive $0xFFFF  }
0x149: {  	_ =	shalt  }

</sc_bundles>
